<compile_context>
chip_gen: v7x
topology: tpu7x:2x2x1
jax: 0.10.2.dev20260603
libtpu: 0.0.44.dev20260713+nightly
codegen_flags: <defaults>
</compile_context>

<pallas_src>
import functools

import jax
import jax.numpy as jnp
from jax import lax
from jax.experimental import pallas as pl
from jax.experimental.pallas import tpu as pltpu
from jax.experimental.pallas import tpu_sc as plsc

BATCH = 16384
DIM = 4
LANES = 16
NUM_WORKERS = 32
B_PER_W = BATCH // NUM_WORKERS
N_VEC = B_PER_W // LANES


def _rsqrt16(x):
    i = lax.bitcast_convert_type(x, jnp.int32)
    y = lax.bitcast_convert_type(jnp.int32(0x5F3759DF) - (i >> 1), jnp.float32)
    for _ in range(3):
        y = y * (jnp.float32(1.5) - jnp.float32(0.5) * x * y * y)
    return y


@functools.cache
def _make_sc_kernel():
    mesh = plsc.VectorSubcoreMesh(core_axis_name="c", subcore_axis_name="s")

    @functools.partial(
        pl.kernel,
        mesh=mesh,
        out_type=jax.ShapeDtypeStruct((BATCH,), jnp.float32),
        compiler_params=pltpu.CompilerParams(
            needs_layout_passes=False, use_tc_tiling_on_sc=False
        ),
        scratch_types=[
            pltpu.VMEM((B_PER_W,), jnp.int32),
            pltpu.VMEM((B_PER_W,), jnp.int32),
            pltpu.VMEM((DIM * B_PER_W,), jnp.float32),
            pltpu.VMEM((DIM * B_PER_W,), jnp.float32),
            pltpu.VMEM((B_PER_W,), jnp.float32),
            pltpu.SemaphoreType.DMA,
        ],
    )
    def sc_kernel(uin_hbm, iin_hbm, utab_hbm, itab_hbm, out_hbm,
                  uidx, iidx, ucomp, icomp, outv, sem):
        wid = lax.axis_index("s") * 2 + lax.axis_index("c")
        base = wid * B_PER_W
        nrows = utab_hbm.shape[0] // DIM

        pltpu.sync_copy(uin_hbm.at[pl.ds(base, B_PER_W)], uidx)
        pltpu.sync_copy(iin_hbm.at[pl.ds(base, B_PER_W)], iidx)

        copies = []
        for d in range(DIM):
            sl = pl.ds(d * B_PER_W, B_PER_W)
            usrc = utab_hbm.at[pl.ds(d * nrows, nrows)]
            isrc = itab_hbm.at[pl.ds(d * nrows, nrows)]
            copies.append(
                pltpu.make_async_copy(usrc.at[uidx], ucomp.at[sl], sem))
            copies.append(
                pltpu.make_async_copy(isrc.at[iidx], icomp.at[sl], sem))
        for cp in copies:
            cp.start()
        for cp in copies:
            cp.wait()

        for c in range(N_VEC):
            ud = [ucomp[pl.ds(d * B_PER_W + c * LANES, LANES)]
                  for d in range(DIM)]
            vd = [icomp[pl.ds(d * B_PER_W + c * LANES, LANES)]
                  for d in range(DIM)]
            dot = ud[0] * vd[0]
            nu = ud[0] * ud[0]
            nv = vd[0] * vd[0]
            for d in range(1, DIM):
                dot = dot + ud[d] * vd[d]
                nu = nu + ud[d] * ud[d]
                nv = nv + vd[d] * vd[d]
            outv[pl.ds(c * LANES, LANES)] = dot * _rsqrt16(nu) * _rsqrt16(nv)

        pltpu.sync_copy(outv, out_hbm.at[pl.ds(base, B_PER_W)])

    return sc_kernel


def kernel(user_input, item_input, user_table, item_table):
    sc = _make_sc_kernel()
    return sc(user_input, item_input,
              user_table.T.reshape(-1), item_table.T.reshape(-1))

# --- scband reference (transcript-rebuilt; emitter-appended) ---
"""Pipeline reference for scband-stub-trainable-model-11373073399896 (READ-ONLY COPY).

The authoritative reference and input builder live on the scoring server;
editing this copy changes nothing except your own understanding.
"""

import jax, jax.numpy as jnp
import numpy as np

NUM_USERS = 1000000
NUM_ITEMS = 1000000
EMBED_DIM = 4
BATCH = 16384


def _normalize(x, eps=1e-12):
    n = jnp.sqrt(jnp.sum(x * x, axis=-1, keepdims=True))
    return x / jnp.maximum(n, eps)


def setup_inputs(seed: int = 0) -> dict:
    key = jax.random.key(seed)
    k1, k2, k3, k4 = jax.random.split(key, 4)
    user_input = jax.random.randint(k1, (BATCH,), 0, NUM_USERS, dtype=jnp.int32)
    item_input = jax.random.randint(k2, (BATCH,), 0, NUM_ITEMS, dtype=jnp.int32)
    user_table = jax.random.normal(k3, (NUM_USERS, EMBED_DIM), dtype=jnp.float32)
    item_table = jax.random.normal(k4, (NUM_ITEMS, EMBED_DIM), dtype=jnp.float32)
    return {
        "user_input": user_input,
        "item_input": item_input,
        "user_table": user_table,
        "item_table": item_table,
    }


def reference(user_input, item_input, user_table, item_table):
    # encode_users: embedding lookup + L2 normalize along last dim
    u = _normalize(jnp.take(user_table, user_input, axis=0))
    # encode_items: embedding lookup + L2 normalize along last dim
    v = _normalize(jnp.take(item_table, item_input, axis=0))
    # score_pairs: elementwise product then sum over embedding dim
    return jnp.sum(u * v, axis=-1)

if __name__ == "__main__":
    import jax
    _d = setup_inputs()
    print(jax.jit(kernel)(*tuple(_d.values())))

</pallas_src>

<mosaic_0001>
#map = affine_map<(d0, d1) -> (0)>
module attributes {stable_mosaic.version = 14 : i64} {
  func.func @sc_kernel(%arg0: i32, %arg1: i32, %arg2: memref<16384xi32, #tpu.memory_space<hbm>>, %arg3: memref<16384xi32, #tpu.memory_space<hbm>>, %arg4: memref<4000000xf32, #tpu.memory_space<hbm>>, %arg5: memref<4000000xf32, #tpu.memory_space<hbm>>, %arg6: memref<16384xf32, #tpu.memory_space<hbm>>, %arg7: memref<512xi32, #tpu.memory_space<vmem>>, %arg8: memref<512xi32, #tpu.memory_space<vmem>>, %arg9: memref<2048xf32, #tpu.memory_space<vmem>>, %arg10: memref<2048xf32, #tpu.memory_space<vmem>>, %arg11: memref<512xf32, #tpu.memory_space<vmem>>, %arg12: memref<!tpu.dma_semaphore, #tpu.memory_space<semaphore_mem>>) attributes {dimension_semantics = [#tpu.dimension_semantics<core_parallel>, #tpu.dimension_semantics<subcore_parallel>], iteration_bounds = array<i64: 2, 16>, scalar_prefetch = 0 : i64, scratch_operands = 6 : i64, tpu.core_type = #tpu.core_type<sc_vector_subcore>, window_params = [{transform_indices = #map}, {transform_indices = #map}, {transform_indices = #map}, {transform_indices = #map}, {transform_indices = #map}]} {
    %mul3A = arith.constant 2 : i32
    %mul3A_0 = arith.muli %arg1, %mul3A : i32
    %add3A = arith.addi %mul3A_0, %arg0 : i32
    %mul3A_1 = arith.constant 512 : i32
    %mul3A_2 = arith.muli %add3A, %mul3A_1 : i32
    "tpu.region"() ({
      %run_scoped3A = tpu.sem_alloc : memref<!tpu.dma_semaphore, #tpu.memory_space<semaphore_mem>>
      %dma_start3A_3644 = tpu.memref_slice %arg2[%mul3A_2] : memref<16384xi32, #tpu.memory_space<hbm>> -> memref<512xi32, #tpu.memory_space<hbm>>
      %dma_start3A_3645 = tpu.memref_slice %arg2[%mul3A_2] : memref<16384xi32, #tpu.memory_space<hbm>> -> memref<512xi32, #tpu.memory_space<hbm>>
      tpu.enqueue_dma source(%dma_start3A_3645 : memref<512xi32, #tpu.memory_space<hbm>>) target(%arg7 : memref<512xi32, #tpu.memory_space<vmem>>) target_semaphore(%run_scoped3A : memref<!tpu.dma_semaphore, #tpu.memory_space<semaphore_mem>>)
      %dma_wait3A_3646 = tpu.memref_slice %arg2[%mul3A_2] : memref<16384xi32, #tpu.memory_space<hbm>> -> memref<512xi32, #tpu.memory_space<hbm>>
      %dma_wait3A_3647 = tpu.memref_slice %arg2[%mul3A_2] : memref<16384xi32, #tpu.memory_space<hbm>> -> memref<512xi32, #tpu.memory_space<hbm>>
      tpu.wait_dma2 semaphore(%run_scoped3A : memref<!tpu.dma_semaphore, #tpu.memory_space<semaphore_mem>>) src(%dma_wait3A_3647 : memref<512xi32, #tpu.memory_space<hbm>>) dst(%arg7 : memref<512xi32, #tpu.memory_space<vmem>>)
      tpu.yield
    }) : () -> ()
    "tpu.region"() ({
      %run_scoped3A = tpu.sem_alloc : memref<!tpu.dma_semaphore, #tpu.memory_space<semaphore_mem>>
      %dma_start3A_3644 = tpu.memref_slice %arg3[%mul3A_2] : memref<16384xi32, #tpu.memory_space<hbm>> -> memref<512xi32, #tpu.memory_space<hbm>>
      %dma_start3A_3645 = tpu.memref_slice %arg3[%mul3A_2] : memref<16384xi32, #tpu.memory_space<hbm>> -> memref<512xi32, #tpu.memory_space<hbm>>
      tpu.enqueue_dma source(%dma_start3A_3645 : memref<512xi32, #tpu.memory_space<hbm>>) target(%arg8 : memref<512xi32, #tpu.memory_space<vmem>>) target_semaphore(%run_scoped3A : memref<!tpu.dma_semaphore, #tpu.memory_space<semaphore_mem>>)
      %dma_wait3A_3646 = tpu.memref_slice %arg3[%mul3A_2] : memref<16384xi32, #tpu.memory_space<hbm>> -> memref<512xi32, #tpu.memory_space<hbm>>
      %dma_wait3A_3647 = tpu.memref_slice %arg3[%mul3A_2] : memref<16384xi32, #tpu.memory_space<hbm>> -> memref<512xi32, #tpu.memory_space<hbm>>
      tpu.wait_dma2 semaphore(%run_scoped3A : memref<!tpu.dma_semaphore, #tpu.memory_space<semaphore_mem>>) src(%dma_wait3A_3647 : memref<512xi32, #tpu.memory_space<hbm>>) dst(%arg8 : memref<512xi32, #tpu.memory_space<vmem>>)
      tpu.yield
    }) : () -> ()
    %dma_start3A = arith.constant 0 : i32
    %dma_start3A_3 = tpu.memref_slice %arg9[%dma_start3A] : memref<2048xf32, #tpu.memory_space<vmem>> -> memref<512xf32, #tpu.memory_space<vmem>>
    %dma_start3A_4 = arith.constant 0 : i32
    %dma_start3A_5 = tpu.memref_slice %arg4[%dma_start3A_4] : memref<4000000xf32, #tpu.memory_space<hbm>> -> memref<1000000xf32, #tpu.memory_space<hbm>>
    %dma_start3A_6 = arith.constant 0 : i32
    %dma_start3A_7 = tpu.memref_slice %dma_start3A_5[%dma_start3A_6] : memref<1000000xf32, #tpu.memory_space<hbm>> -> memref<1000000xf32, #tpu.memory_space<hbm>>
    tpu.enqueue_indirect_dma source(%dma_start3A_7 : memref<1000000xf32, #tpu.memory_space<hbm>>) target(%dma_start3A_3 : memref<512xf32, #tpu.memory_space<vmem>>) offsets(%arg7 : memref<512xi32, #tpu.memory_space<vmem>>) semaphore(%arg12 : memref<!tpu.dma_semaphore, #tpu.memory_space<semaphore_mem>>)
    %dma_start3A_8 = arith.constant 0 : i32
    %dma_start3A_9 = tpu.memref_slice %arg10[%dma_start3A_8] : memref<2048xf32, #tpu.memory_space<vmem>> -> memref<512xf32, #tpu.memory_space<vmem>>
    %dma_start3A_10 = arith.constant 0 : i32
    %dma_start3A_11 = tpu.memref_slice %arg5[%dma_start3A_10] : memref<4000000xf32, #tpu.memory_space<hbm>> -> memref<1000000xf32, #tpu.memory_space<hbm>>
    %dma_start3A_12 = arith.constant 0 : i32
    %dma_start3A_13 = tpu.memref_slice %dma_start3A_11[%dma_start3A_12] : memref<1000000xf32, #tpu.memory_space<hbm>> -> memref<1000000xf32, #tpu.memory_space<hbm>>
    tpu.enqueue_indirect_dma source(%dma_start3A_13 : memref<1000000xf32, #tpu.memory_space<hbm>>) target(%dma_start3A_9 : memref<512xf32, #tpu.memory_space<vmem>>) offsets(%arg8 : memref<512xi32, #tpu.memory_space<vmem>>) semaphore(%arg12 : memref<!tpu.dma_semaphore, #tpu.memory_space<semaphore_mem>>)
    %dma_start3A_14 = arith.constant 512 : i32
    %dma_start3A_15 = tpu.memref_slice %arg9[%dma_start3A_14] : memref<2048xf32, #tpu.memory_space<vmem>> -> memref<512xf32, #tpu.memory_space<vmem>>
    %dma_start3A_16 = arith.constant 1000000 : i32
    %dma_start3A_17 = tpu.memref_slice %arg4[%dma_start3A_16] : memref<4000000xf32, #tpu.memory_space<hbm>> -> memref<1000000xf32, #tpu.memory_space<hbm>>
    %dma_start3A_18 = arith.constant 0 : i32
    %dma_start3A_19 = tpu.memref_slice %dma_start3A_17[%dma_start3A_18] : memref<1000000xf32, #tpu.memory_space<hbm>> -> memref<1000000xf32, #tpu.memory_space<hbm>>
    tpu.enqueue_indirect_dma source(%dma_start3A_19 : memref<1000000xf32, #tpu.memory_space<hbm>>) target(%dma_start3A_15 : memref<512xf32, #tpu.memory_space<vmem>>) offsets(%arg7 : memref<512xi32, #tpu.memory_space<vmem>>) semaphore(%arg12 : memref<!tpu.dma_semaphore, #tpu.memory_space<semaphore_mem>>)
    %dma_start3A_20 = arith.constant 512 : i32
    %dma_start3A_21 = tpu.memref_slice %arg10[%dma_start3A_20] : memref<2048xf32, #tpu.memory_space<vmem>> -> memref<512xf32, #tpu.memory_space<vmem>>
    %dma_start3A_22 = arith.constant 1000000 : i32
    %dma_start3A_23 = tpu.memref_slice %arg5[%dma_start3A_22] : memref<4000000xf32, #tpu.memory_space<hbm>> -> memref<1000000xf32, #tpu.memory_space<hbm>>
    %dma_start3A_24 = arith.constant 0 : i32
    %dma_start3A_25 = tpu.memref_slice %dma_start3A_23[%dma_start3A_24] : memref<1000000xf32, #tpu.memory_space<hbm>> -> memref<1000000xf32, #tpu.memory_space<hbm>>
    tpu.enqueue_indirect_dma source(%dma_start3A_25 : memref<1000000xf32, #tpu.memory_space<hbm>>) target(%dma_start3A_21 : memref<512xf32, #tpu.memory_space<vmem>>) offsets(%arg8 : memref<512xi32, #tpu.memory_space<vmem>>) semaphore(%arg12 : memref<!tpu.dma_semaphore, #tpu.memory_space<semaphore_mem>>)
    %dma_start3A_26 = arith.constant 1024 : i32
    %dma_start3A_27 = tpu.memref_slice %arg9[%dma_start3A_26] : memref<2048xf32, #tpu.memory_space<vmem>> -> memref<512xf32, #tpu.memory_space<vmem>>
    %dma_start3A_28 = arith.constant 2000000 : i32
    %dma_start3A_29 = tpu.memref_slice %arg4[%dma_start3A_28] : memref<4000000xf32, #tpu.memory_space<hbm>> -> memref<1000000xf32, #tpu.memory_space<hbm>>
    %dma_start3A_30 = arith.constant 0 : i32
    %dma_start3A_31 = tpu.memref_slice %dma_start3A_29[%dma_start3A_30] : memref<1000000xf32, #tpu.memory_space<hbm>> -> memref<1000000xf32, #tpu.memory_space<hbm>>
    tpu.enqueue_indirect_dma source(%dma_start3A_31 : memref<1000000xf32, #tpu.memory_space<hbm>>) target(%dma_start3A_27 : memref<512xf32, #tpu.memory_space<vmem>>) offsets(%arg7 : memref<512xi32, #tpu.memory_space<vmem>>) semaphore(%arg12 : memref<!tpu.dma_semaphore, #tpu.memory_space<semaphore_mem>>)
    %dma_start3A_32 = arith.constant 1024 : i32
    %dma_start3A_33 = tpu.memref_slice %arg10[%dma_start3A_32] : memref<2048xf32, #tpu.memory_space<vmem>> -> memref<512xf32, #tpu.memory_space<vmem>>
    %dma_start3A_34 = arith.constant 2000000 : i32
    %dma_start3A_35 = tpu.memref_slice %arg5[%dma_start3A_34] : memref<4000000xf32, #tpu.memory_space<hbm>> -> memref<1000000xf32, #tpu.memory_space<hbm>>
    %dma_start3A_36 = arith.constant 0 : i32
    %dma_start3A_37 = tpu.memref_slice %dma_start3A_35[%dma_start3A_36] : memref<1000000xf32, #tpu.memory_space<hbm>> -> memref<1000000xf32, #tpu.memory_space<hbm>>
    tpu.enqueue_indirect_dma source(%dma_start3A_37 : memref<1000000xf32, #tpu.memory_space<hbm>>) target(%dma_start3A_33 : memref<512xf32, #tpu.memory_space<vmem>>) offsets(%arg8 : memref<512xi32, #tpu.memory_space<vmem>>) semaphore(%arg12 : memref<!tpu.dma_semaphore, #tpu.memory_space<semaphore_mem>>)
    %dma_start3A_38 = arith.constant 1536 : i32
    %dma_start3A_39 = tpu.memref_slice %arg9[%dma_start3A_38] : memref<2048xf32, #tpu.memory_space<vmem>> -> memref<512xf32, #tpu.memory_space<vmem>>
    %dma_start3A_40 = arith.constant 3000000 : i32
    %dma_start3A_41 = tpu.memref_slice %arg4[%dma_start3A_40] : memref<4000000xf32, #tpu.memory_space<hbm>> -> memref<1000000xf32, #tpu.memory_space<hbm>>
    %dma_start3A_42 = arith.constant 0 : i32
    %dma_start3A_43 = tpu.memref_slice %dma_start3A_41[%dma_start3A_42] : memref<1000000xf32, #tpu.memory_space<hbm>> -> memref<1000000xf32, #tpu.memory_space<hbm>>
    tpu.enqueue_indirect_dma source(%dma_start3A_43 : memref<1000000xf32, #tpu.memory_space<hbm>>) target(%dma_start3A_39 : memref<512xf32, #tpu.memory_space<vmem>>) offsets(%arg7 : memref<512xi32, #tpu.memory_space<vmem>>) semaphore(%arg12 : memref<!tpu.dma_semaphore, #tpu.memory_space<semaphore_mem>>)
    %dma_start3A_44 = arith.constant 1536 : i32
    %dma_start3A_45 = tpu.memref_slice %arg10[%dma_start3A_44] : memref<2048xf32, #tpu.memory_space<vmem>> -> memref<512xf32, #tpu.memory_space<vmem>>
    %dma_start3A_46 = arith.constant 3000000 : i32
    %dma_start3A_47 = tpu.memref_slice %arg5[%dma_start3A_46] : memref<4000000xf32, #tpu.memory_space<hbm>> -> memref<1000000xf32, #tpu.memory_space<hbm>>
    %dma_start3A_48 = arith.constant 0 : i32
    %dma_start3A_49 = tpu.memref_slice %dma_start3A_47[%dma_start3A_48] : memref<1000000xf32, #tpu.memory_space<hbm>> -> memref<1000000xf32, #tpu.memory_space<hbm>>
    tpu.enqueue_indirect_dma source(%dma_start3A_49 : memref<1000000xf32, #tpu.memory_space<hbm>>) target(%dma_start3A_45 : memref<512xf32, #tpu.memory_space<vmem>>) offsets(%arg8 : memref<512xi32, #tpu.memory_space<vmem>>) semaphore(%arg12 : memref<!tpu.dma_semaphore, #tpu.memory_space<semaphore_mem>>)
    %dma_wait3A = arith.constant 0 : i32
    %dma_wait3A_50 = tpu.memref_slice %arg9[%dma_wait3A] : memref<2048xf32, #tpu.memory_space<vmem>> -> memref<512xf32, #tpu.memory_space<vmem>>
    %dma_wait3A_51 = arith.constant 0 : i32
    %dma_wait3A_52 = tpu.memref_slice %arg4[%dma_wait3A_51] : memref<4000000xf32, #tpu.memory_space<hbm>> -> memref<1000000xf32, #tpu.memory_space<hbm>>
    %dma_wait3A_53 = arith.constant 0 : i32
    %dma_wait3A_54 = tpu.memref_slice %dma_wait3A_52[%dma_wait3A_53] : memref<1000000xf32, #tpu.memory_space<hbm>> -> memref<1000000xf32, #tpu.memory_space<hbm>>
    tpu.wait_indirect_dma semaphore(%arg12 : memref<!tpu.dma_semaphore, #tpu.memory_space<semaphore_mem>>) src(%dma_wait3A_54 : memref<1000000xf32, #tpu.memory_space<hbm>>) dst(%dma_wait3A_50 : memref<512xf32, #tpu.memory_space<vmem>>)
    %dma_wait3A_55 = arith.constant 0 : i32
    %dma_wait3A_56 = tpu.memref_slice %arg10[%dma_wait3A_55] : memref<2048xf32, #tpu.memory_space<vmem>> -> memref<512xf32, #tpu.memory_space<vmem>>
    %dma_wait3A_57 = arith.constant 0 : i32
    %dma_wait3A_58 = tpu.memref_slice %arg5[%dma_wait3A_57] : memref<4000000xf32, #tpu.memory_space<hbm>> -> memref<1000000xf32, #tpu.memory_space<hbm>>
    %dma_wait3A_59 = arith.constant 0 : i32
    %dma_wait3A_60 = tpu.memref_slice %dma_wait3A_58[%dma_wait3A_59] : memref<1000000xf32, #tpu.memory_space<hbm>> -> memref<1000000xf32, #tpu.memory_space<hbm>>
    tpu.wait_indirect_dma semaphore(%arg12 : memref<!tpu.dma_semaphore, #tpu.memory_space<semaphore_mem>>) src(%dma_wait3A_60 : memref<1000000xf32, #tpu.memory_space<hbm>>) dst(%dma_wait3A_56 : memref<512xf32, #tpu.memory_space<vmem>>)
    %dma_wait3A_61 = arith.constant 512 : i32
    %dma_wait3A_62 = tpu.memref_slice %arg9[%dma_wait3A_61] : memref<2048xf32, #tpu.memory_space<vmem>> -> memref<512xf32, #tpu.memory_space<vmem>>
    %dma_wait3A_63 = arith.constant 1000000 : i32
    %dma_wait3A_64 = tpu.memref_slice %arg4[%dma_wait3A_63] : memref<4000000xf32, #tpu.memory_space<hbm>> -> memref<1000000xf32, #tpu.memory_space<hbm>>
    %dma_wait3A_65 = arith.constant 0 : i32
    %dma_wait3A_66 = tpu.memref_slice %dma_wait3A_64[%dma_wait3A_65] : memref<1000000xf32, #tpu.memory_space<hbm>> -> memref<1000000xf32, #tpu.memory_space<hbm>>
    tpu.wait_indirect_dma semaphore(%arg12 : memref<!tpu.dma_semaphore, #tpu.memory_space<semaphore_mem>>) src(%dma_wait3A_66 : memref<1000000xf32, #tpu.memory_space<hbm>>) dst(%dma_wait3A_62 : memref<512xf32, #tpu.memory_space<vmem>>)
    %dma_wait3A_67 = arith.constant 512 : i32
    %dma_wait3A_68 = tpu.memref_slice %arg10[%dma_wait3A_67] : memref<2048xf32, #tpu.memory_space<vmem>> -> memref<512xf32, #tpu.memory_space<vmem>>
    %dma_wait3A_69 = arith.constant 1000000 : i32
    %dma_wait3A_70 = tpu.memref_slice %arg5[%dma_wait3A_69] : memref<4000000xf32, #tpu.memory_space<hbm>> -> memref<1000000xf32, #tpu.memory_space<hbm>>
    %dma_wait3A_71 = arith.constant 0 : i32
    %dma_wait3A_72 = tpu.memref_slice %dma_wait3A_70[%dma_wait3A_71] : memref<1000000xf32, #tpu.memory_space<hbm>> -> memref<1000000xf32, #tpu.memory_space<hbm>>
    tpu.wait_indirect_dma semaphore(%arg12 : memref<!tpu.dma_semaphore, #tpu.memory_space<semaphore_mem>>) src(%dma_wait3A_72 : memref<1000000xf32, #tpu.memory_space<hbm>>) dst(%dma_wait3A_68 : memref<512xf32, #tpu.memory_space<vmem>>)
    %dma_wait3A_73 = arith.constant 1024 : i32
    %dma_wait3A_74 = tpu.memref_slice %arg9[%dma_wait3A_73] : memref<2048xf32, #tpu.memory_space<vmem>> -> memref<512xf32, #tpu.memory_space<vmem>>
    %dma_wait3A_75 = arith.constant 2000000 : i32
    %dma_wait3A_76 = tpu.memref_slice %arg4[%dma_wait3A_75] : memref<4000000xf32, #tpu.memory_space<hbm>> -> memref<1000000xf32, #tpu.memory_space<hbm>>
    %dma_wait3A_77 = arith.constant 0 : i32
    %dma_wait3A_78 = tpu.memref_slice %dma_wait3A_76[%dma_wait3A_77] : memref<1000000xf32, #tpu.memory_space<hbm>> -> memref<1000000xf32, #tpu.memory_space<hbm>>
    tpu.wait_indirect_dma semaphore(%arg12 : memref<!tpu.dma_semaphore, #tpu.memory_space<semaphore_mem>>) src(%dma_wait3A_78 : memref<1000000xf32, #tpu.memory_space<hbm>>) dst(%dma_wait3A_74 : memref<512xf32, #tpu.memory_space<vmem>>)
    %dma_wait3A_79 = arith.constant 1024 : i32
    %dma_wait3A_80 = tpu.memref_slice %arg10[%dma_wait3A_79] : memref<2048xf32, #tpu.memory_space<vmem>> -> memref<512xf32, #tpu.memory_space<vmem>>
    %dma_wait3A_81 = arith.constant 2000000 : i32
    %dma_wait3A_82 = tpu.memref_slice %arg5[%dma_wait3A_81] : memref<4000000xf32, #tpu.memory_space<hbm>> -> memref<1000000xf32, #tpu.memory_space<hbm>>
    %dma_wait3A_83 = arith.constant 0 : i32
    %dma_wait3A_84 = tpu.memref_slice %dma_wait3A_82[%dma_wait3A_83] : memref<1000000xf32, #tpu.memory_space<hbm>> -> memref<1000000xf32, #tpu.memory_space<hbm>>
    tpu.wait_indirect_dma semaphore(%arg12 : memref<!tpu.dma_semaphore, #tpu.memory_space<semaphore_mem>>) src(%dma_wait3A_84 : memref<1000000xf32, #tpu.memory_space<hbm>>) dst(%dma_wait3A_80 : memref<512xf32, #tpu.memory_space<vmem>>)
    %dma_wait3A_85 = arith.constant 1536 : i32
    %dma_wait3A_86 = tpu.memref_slice %arg9[%dma_wait3A_85] : memref<2048xf32, #tpu.memory_space<vmem>> -> memref<512xf32, #tpu.memory_space<vmem>>
    %dma_wait3A_87 = arith.constant 3000000 : i32
    %dma_wait3A_88 = tpu.memref_slice %arg4[%dma_wait3A_87] : memref<4000000xf32, #tpu.memory_space<hbm>> -> memref<1000000xf32, #tpu.memory_space<hbm>>
    %dma_wait3A_89 = arith.constant 0 : i32
    %dma_wait3A_90 = tpu.memref_slice %dma_wait3A_88[%dma_wait3A_89] : memref<1000000xf32, #tpu.memory_space<hbm>> -> memref<1000000xf32, #tpu.memory_space<hbm>>
    tpu.wait_indirect_dma semaphore(%arg12 : memref<!tpu.dma_semaphore, #tpu.memory_space<semaphore_mem>>) src(%dma_wait3A_90 : memref<1000000xf32, #tpu.memory_space<hbm>>) dst(%dma_wait3A_86 : memref<512xf32, #tpu.memory_space<vmem>>)
    %dma_wait3A_91 = arith.constant 1536 : i32
    %dma_wait3A_92 = tpu.memref_slice %arg10[%dma_wait3A_91] : memref<2048xf32, #tpu.memory_space<vmem>> -> memref<512xf32, #tpu.memory_space<vmem>>
    %dma_wait3A_93 = arith.constant 3000000 : i32
    %dma_wait3A_94 = tpu.memref_slice %arg5[%dma_wait3A_93] : memref<4000000xf32, #tpu.memory_space<hbm>> -> memref<1000000xf32, #tpu.memory_space<hbm>>
    %dma_wait3A_95 = arith.constant 0 : i32
    %dma_wait3A_96 = tpu.memref_slice %dma_wait3A_94[%dma_wait3A_95] : memref<1000000xf32, #tpu.memory_space<hbm>> -> memref<1000000xf32, #tpu.memory_space<hbm>>
    tpu.wait_indirect_dma semaphore(%arg12 : memref<!tpu.dma_semaphore, #tpu.memory_space<semaphore_mem>>) src(%dma_wait3A_96 : memref<1000000xf32, #tpu.memory_space<hbm>>) dst(%dma_wait3A_92 : memref<512xf32, #tpu.memory_space<vmem>>)
    %get3A = arith.constant 0 : index
    %get3A_97 = tpu.vector_load %arg9[%get3A] {strides = array<i32>} : memref<2048xf32, #tpu.memory_space<vmem>>, vector<16xf32>,
    %get3A_98 = arith.constant 512 : index
    %get3A_99 = tpu.vector_load %arg9[%get3A_98] {strides = array<i32>} : memref<2048xf32, #tpu.memory_space<vmem>>, vector<16xf32>,
    %get3A_100 = arith.constant 1024 : index
    %get3A_101 = tpu.vector_load %arg9[%get3A_100] {strides = array<i32>} : memref<2048xf32, #tpu.memory_space<vmem>>, vector<16xf32>,
    %get3A_102 = arith.constant 1536 : index
    %get3A_103 = tpu.vector_load %arg9[%get3A_102] {strides = array<i32>} : memref<2048xf32, #tpu.memory_space<vmem>>, vector<16xf32>,
    %get3A_104 = arith.constant 0 : index
    %get3A_105 = tpu.vector_load %arg10[%get3A_104] {strides = array<i32>} : memref<2048xf32, #tpu.memory_space<vmem>>, vector<16xf32>,
    %get3A_106 = arith.constant 512 : index
    %get3A_107 = tpu.vector_load %arg10[%get3A_106] {strides = array<i32>} : memref<2048xf32, #tpu.memory_space<vmem>>, vector<16xf32>,
    %get3A_108 = arith.constant 1024 : index
    %get3A_109 = tpu.vector_load %arg10[%get3A_108] {strides = array<i32>} : memref<2048xf32, #tpu.memory_space<vmem>>, vector<16xf32>,
    %get3A_110 = arith.constant 1536 : index
    %get3A_111 = tpu.vector_load %arg10[%get3A_110] {strides = array<i32>} : memref<2048xf32, #tpu.memory_space<vmem>>, vector<16xf32>,
    %mul3A_112 = arith.mulf %get3A_97, %get3A_105 : vector<16xf32>
    %mul3A_113 = arith.mulf %get3A_97, %get3A_97 : vector<16xf32>
    %mul3A_114 = arith.mulf %get3A_105, %get3A_105 : vector<16xf32>
    %mul3A_115 = arith.mulf %get3A_99, %get3A_107 : vector<16xf32>
    %add3A_116 = arith.addf %mul3A_112, %mul3A_115 : vector<16xf32>
    %mul3A_117 = arith.mulf %get3A_99, %get3A_99 : vector<16xf32>
    %add3A_118 = arith.addf %mul3A_113, %mul3A_117 : vector<16xf32>
    %mul3A_119 = arith.mulf %get3A_107, %get3A_107 : vector<16xf32>
    %add3A_120 = arith.addf %mul3A_114, %mul3A_119 : vector<16xf32>
    %mul3A_121 = arith.mulf %get3A_101, %get3A_109 : vector<16xf32>
    %add3A_122 = arith.addf %add3A_116, %mul3A_121 : vector<16xf32>
    %mul3A_123 = arith.mulf %get3A_101, %get3A_101 : vector<16xf32>
    %add3A_124 = arith.addf %add3A_118, %mul3A_123 : vector<16xf32>
    %mul3A_125 = arith.mulf %get3A_109, %get3A_109 : vector<16xf32>
    %add3A_126 = arith.addf %add3A_120, %mul3A_125 : vector<16xf32>
    %mul3A_127 = arith.mulf %get3A_103, %get3A_111 : vector<16xf32>
    %add3A_128 = arith.addf %add3A_122, %mul3A_127 : vector<16xf32>
    %mul3A_129 = arith.mulf %get3A_103, %get3A_103 : vector<16xf32>
    %add3A_130 = arith.addf %add3A_124, %mul3A_129 : vector<16xf32>
    %mul3A_131 = arith.mulf %get3A_111, %get3A_111 : vector<16xf32>
    %add3A_132 = arith.addf %add3A_126, %mul3A_131 : vector<16xf32>
    %bitcast_convert_type3A = tpu.bitcast %add3A_130 : vector<16xf32> -> vector<16xi32>
    %shift_right_arithmetic3A = arith.constant 1 : i32
    %shift_right_arithmetic3A_133 = vector.broadcast %shift_right_arithmetic3A : i32 to vector<16xi32>
    %shift_right_arithmetic3A_134 = arith.shrsi %bitcast_convert_type3A, %shift_right_arithmetic3A_133 : vector<16xi32>
    %sub3A = arith.constant 1597463007 : i32
    %sub3A_135 = vector.broadcast %sub3A : i32 to vector<16xi32>
    %sub3A_136 = arith.subi %sub3A_135, %shift_right_arithmetic3A_134 : vector<16xi32>
    %bitcast_convert_type3A_137 = tpu.bitcast %sub3A_136 : vector<16xi32> -> vector<16xf32>
    %mul3A_138 = arith.constant 5.000000e-01 : f32
    %mul3A_139 = vector.broadcast %mul3A_138 : f32 to vector<16xf32>
    %mul3A_140 = arith.mulf %mul3A_139, %add3A_130 : vector<16xf32>
    %mul3A_141 = arith.mulf %mul3A_140, %bitcast_convert_type3A_137 : vector<16xf32>
    %mul3A_142 = arith.mulf %mul3A_141, %bitcast_convert_type3A_137 : vector<16xf32>
    %sub3A_143 = arith.constant 1.500000e+00 : f32
    %sub3A_144 = vector.broadcast %sub3A_143 : f32 to vector<16xf32>
    %sub3A_145 = arith.subf %sub3A_144, %mul3A_142 : vector<16xf32>
    %mul3A_146 = arith.mulf %bitcast_convert_type3A_137, %sub3A_145 : vector<16xf32>
    %mul3A_147 = arith.constant 5.000000e-01 : f32
    %mul3A_148 = vector.broadcast %mul3A_147 : f32 to vector<16xf32>
    %mul3A_149 = arith.mulf %mul3A_148, %add3A_130 : vector<16xf32>
    %mul3A_150 = arith.mulf %mul3A_149, %mul3A_146 : vector<16xf32>
    %mul3A_151 = arith.mulf %mul3A_150, %mul3A_146 : vector<16xf32>
    %sub3A_152 = arith.constant 1.500000e+00 : f32
    %sub3A_153 = vector.broadcast %sub3A_152 : f32 to vector<16xf32>
    %sub3A_154 = arith.subf %sub3A_153, %mul3A_151 : vector<16xf32>
    %mul3A_155 = arith.mulf %mul3A_146, %sub3A_154 : vector<16xf32>
    %mul3A_156 = arith.constant 5.000000e-01 : f32
    %mul3A_157 = vector.broadcast %mul3A_156 : f32 to vector<16xf32>
    %mul3A_158 = arith.mulf %mul3A_157, %add3A_130 : vector<16xf32>
    %mul3A_159 = arith.mulf %mul3A_158, %mul3A_155 : vector<16xf32>
    %mul3A_160 = arith.mulf %mul3A_159, %mul3A_155 : vector<16xf32>
    %sub3A_161 = arith.constant 1.500000e+00 : f32
    %sub3A_162 = vector.broadcast %sub3A_161 : f32 to vector<16xf32>
    %sub3A_163 = arith.subf %sub3A_162, %mul3A_160 : vector<16xf32>
    %mul3A_164 = arith.mulf %mul3A_155, %sub3A_163 : vector<16xf32>
    %mul3A_165 = arith.mulf %add3A_128, %mul3A_164 : vector<16xf32>
    %bitcast_convert_type3A_166 = tpu.bitcast %add3A_132 : vector<16xf32> -> vector<16xi32>
    %shift_right_arithmetic3A_167 = arith.constant 1 : i32
    %shift_right_arithmetic3A_168 = vector.broadcast %shift_right_arithmetic3A_167 : i32 to vector<16xi32>
    %shift_right_arithmetic3A_169 = arith.shrsi %bitcast_convert_type3A_166, %shift_right_arithmetic3A_168 : vector<16xi32>
    %sub3A_170 = arith.constant 1597463007 : i32
    %sub3A_171 = vector.broadcast %sub3A_170 : i32 to vector<16xi32>
    %sub3A_172 = arith.subi %sub3A_171, %shift_right_arithmetic3A_169 : vector<16xi32>
    %bitcast_convert_type3A_173 = tpu.bitcast %sub3A_172 : vector<16xi32> -> vector<16xf32>
    %mul3A_174 = arith.constant 5.000000e-01 : f32
    %mul3A_175 = vector.broadcast %mul3A_174 : f32 to vector<16xf32>
    %mul3A_176 = arith.mulf %mul3A_175, %add3A_132 : vector<16xf32>
    %mul3A_177 = arith.mulf %mul3A_176, %bitcast_convert_type3A_173 : vector<16xf32>
    %mul3A_178 = arith.mulf %mul3A_177, %bitcast_convert_type3A_173 : vector<16xf32>
    %sub3A_179 = arith.constant 1.500000e+00 : f32
    %sub3A_180 = vector.broadcast %sub3A_179 : f32 to vector<16xf32>
    %sub3A_181 = arith.subf %sub3A_180, %mul3A_178 : vector<16xf32>
    %mul3A_182 = arith.mulf %bitcast_convert_type3A_173, %sub3A_181 : vector<16xf32>
    %mul3A_183 = arith.constant 5.000000e-01 : f32
    %mul3A_184 = vector.broadcast %mul3A_183 : f32 to vector<16xf32>
    %mul3A_185 = arith.mulf %mul3A_184, %add3A_132 : vector<16xf32>
    %mul3A_186 = arith.mulf %mul3A_185, %mul3A_182 : vector<16xf32>
    %mul3A_187 = arith.mulf %mul3A_186, %mul3A_182 : vector<16xf32>
    %sub3A_188 = arith.constant 1.500000e+00 : f32
    %sub3A_189 = vector.broadcast %sub3A_188 : f32 to vector<16xf32>
    %sub3A_190 = arith.subf %sub3A_189, %mul3A_187 : vector<16xf32>
    %mul3A_191 = arith.mulf %mul3A_182, %sub3A_190 : vector<16xf32>
    %mul3A_192 = arith.constant 5.000000e-01 : f32
    %mul3A_193 = vector.broadcast %mul3A_192 : f32 to vector<16xf32>
    %mul3A_194 = arith.mulf %mul3A_193, %add3A_132 : vector<16xf32>
    %mul3A_195 = arith.mulf %mul3A_194, %mul3A_191 : vector<16xf32>
    %mul3A_196 = arith.mulf %mul3A_195, %mul3A_191 : vector<16xf32>
    %sub3A_197 = arith.constant 1.500000e+00 : f32
    %sub3A_198 = vector.broadcast %sub3A_197 : f32 to vector<16xf32>
    %sub3A_199 = arith.subf %sub3A_198, %mul3A_196 : vector<16xf32>
    %mul3A_200 = arith.mulf %mul3A_191, %sub3A_199 : vector<16xf32>
    %mul3A_201 = arith.mulf %mul3A_165, %mul3A_200 : vector<16xf32>
    %swap3A = arith.constant 0 : index
    %swap3A_202 = tpu.vector_load %arg11[%swap3A] {strides = array<i32>} : memref<512xf32, #tpu.memory_space<vmem>>, vector<16xf32>,
    tpu.vector_store %arg11[%swap3A], %mul3A_201 {strides = array<i32>} : memref<512xf32, #tpu.memory_space<vmem>>, vector<16xf32>,
    %get3A_203 = arith.constant 16 : index
    %get3A_204 = tpu.vector_load %arg9[%get3A_203] {strides = array<i32>} : memref<2048xf32, #tpu.memory_space<vmem>>, vector<16xf32>,
    %get3A_205 = arith.constant 528 : index
    %get3A_206 = tpu.vector_load %arg9[%get3A_205] {strides = array<i32>} : memref<2048xf32, #tpu.memory_space<vmem>>, vector<16xf32>,
    %get3A_207 = arith.constant 1040 : index
    %get3A_208 = tpu.vector_load %arg9[%get3A_207] {strides = array<i32>} : memref<2048xf32, #tpu.memory_space<vmem>>, vector<16xf32>,
    %get3A_209 = arith.constant 1552 : index
    %get3A_210 = tpu.vector_load %arg9[%get3A_209] {strides = array<i32>} : memref<2048xf32, #tpu.memory_space<vmem>>, vector<16xf32>,
    %get3A_211 = arith.constant 16 : index
    %get3A_212 = tpu.vector_load %arg10[%get3A_211] {strides = array<i32>} : memref<2048xf32, #tpu.memory_space<vmem>>, vector<16xf32>,
    %get3A_213 = arith.constant 528 : index
    %get3A_214 = tpu.vector_load %arg10[%get3A_213] {strides = array<i32>} : memref<2048xf32, #tpu.memory_space<vmem>>, vector<16xf32>,
    %get3A_215 = arith.constant 1040 : index
    %get3A_216 = tpu.vector_load %arg10[%get3A_215] {strides = array<i32>} : memref<2048xf32, #tpu.memory_space<vmem>>, vector<16xf32>,
    %get3A_217 = arith.constant 1552 : index
    %get3A_218 = tpu.vector_load %arg10[%get3A_217] {strides = array<i32>} : memref<2048xf32, #tpu.memory_space<vmem>>, vector<16xf32>,
    %mul3A_219 = arith.mulf %get3A_204, %get3A_212 : vector<16xf32>
    %mul3A_220 = arith.mulf %get3A_204, %get3A_204 : vector<16xf32>
    %mul3A_221 = arith.mulf %get3A_212, %get3A_212 : vector<16xf32>
    %mul3A_222 = arith.mulf %get3A_206, %get3A_214 : vector<16xf32>
    %add3A_223 = arith.addf %mul3A_219, %mul3A_222 : vector<16xf32>
    %mul3A_224 = arith.mulf %get3A_206, %get3A_206 : vector<16xf32>
    %add3A_225 = arith.addf %mul3A_220, %mul3A_224 : vector<16xf32>
    %mul3A_226 = arith.mulf %get3A_214, %get3A_214 : vector<16xf32>
    %add3A_227 = arith.addf %mul3A_221, %mul3A_226 : vector<16xf32>
    %mul3A_228 = arith.mulf %get3A_208, %get3A_216 : vector<16xf32>
    %add3A_229 = arith.addf %add3A_223, %mul3A_228 : vector<16xf32>
    %mul3A_230 = arith.mulf %get3A_208, %get3A_208 : vector<16xf32>
    %add3A_231 = arith.addf %add3A_225, %mul3A_230 : vector<16xf32>
    %mul3A_232 = arith.mulf %get3A_216, %get3A_216 : vector<16xf32>
    %add3A_233 = arith.addf %add3A_227, %mul3A_232 : vector<16xf32>
    %mul3A_234 = arith.mulf %get3A_210, %get3A_218 : vector<16xf32>
    %add3A_235 = arith.addf %add3A_229, %mul3A_234 : vector<16xf32>
    %mul3A_236 = arith.mulf %get3A_210, %get3A_210 : vector<16xf32>
    %add3A_237 = arith.addf %add3A_231, %mul3A_236 : vector<16xf32>
    %mul3A_238 = arith.mulf %get3A_218, %get3A_218 : vector<16xf32>
    %add3A_239 = arith.addf %add3A_233, %mul3A_238 : vector<16xf32>
    %bitcast_convert_type3A_240 = tpu.bitcast %add3A_237 : vector<16xf32> -> vector<16xi32>
    %shift_right_arithmetic3A_241 = arith.constant 1 : i32
    %shift_right_arithmetic3A_242 = vector.broadcast %shift_right_arithmetic3A_241 : i32 to vector<16xi32>
    %shift_right_arithmetic3A_243 = arith.shrsi %bitcast_convert_type3A_240, %shift_right_arithmetic3A_242 : vector<16xi32>
    %sub3A_244 = arith.constant 1597463007 : i32
    %sub3A_245 = vector.broadcast %sub3A_244 : i32 to vector<16xi32>
    %sub3A_246 = arith.subi %sub3A_245, %shift_right_arithmetic3A_243 : vector<16xi32>
    %bitcast_convert_type3A_247 = tpu.bitcast %sub3A_246 : vector<16xi32> -> vector<16xf32>
    %mul3A_248 = arith.constant 5.000000e-01 : f32
    %mul3A_249 = vector.broadcast %mul3A_248 : f32 to vector<16xf32>
    %mul3A_250 = arith.mulf %mul3A_249, %add3A_237 : vector<16xf32>
    %mul3A_251 = arith.mulf %mul3A_250, %bitcast_convert_type3A_247 : vector<16xf32>
    %mul3A_252 = arith.mulf %mul3A_251, %bitcast_convert_type3A_247 : vector<16xf32>
    %sub3A_253 = arith.constant 1.500000e+00 : f32
    %sub3A_254 = vector.broadcast %sub3A_253 : f32 to vector<16xf32>
    %sub3A_255 = arith.subf %sub3A_254, %mul3A_252 : vector<16xf32>
    %mul3A_256 = arith.mulf %bitcast_convert_type3A_247, %sub3A_255 : vector<16xf32>
    %mul3A_257 = arith.constant 5.000000e-01 : f32
    %mul3A_258 = vector.broadcast %mul3A_257 : f32 to vector<16xf32>
    %mul3A_259 = arith.mulf %mul3A_258, %add3A_237 : vector<16xf32>
    %mul3A_260 = arith.mulf %mul3A_259, %mul3A_256 : vector<16xf32>
    %mul3A_261 = arith.mulf %mul3A_260, %mul3A_256 : vector<16xf32>
    %sub3A_262 = arith.constant 1.500000e+00 : f32
    %sub3A_263 = vector.broadcast %sub3A_262 : f32 to vector<16xf32>
    %sub3A_264 = arith.subf %sub3A_263, %mul3A_261 : vector<16xf32>
    %mul3A_265 = arith.mulf %mul3A_256, %sub3A_264 : vector<16xf32>
    %mul3A_266 = arith.constant 5.000000e-01 : f32
    %mul3A_267 = vector.broadcast %mul3A_266 : f32 to vector<16xf32>
    %mul3A_268 = arith.mulf %mul3A_267, %add3A_237 : vector<16xf32>
    %mul3A_269 = arith.mulf %mul3A_268, %mul3A_265 : vector<16xf32>
    %mul3A_270 = arith.mulf %mul3A_269, %mul3A_265 : vector<16xf32>
    %sub3A_271 = arith.constant 1.500000e+00 : f32
    %sub3A_272 = vector.broadcast %sub3A_271 : f32 to vector<16xf32>
    %sub3A_273 = arith.subf %sub3A_272, %mul3A_270 : vector<16xf32>
    %mul3A_274 = arith.mulf %mul3A_265, %sub3A_273 : vector<16xf32>
    %mul3A_275 = arith.mulf %add3A_235, %mul3A_274 : vector<16xf32>
    %bitcast_convert_type3A_276 = tpu.bitcast %add3A_239 : vector<16xf32> -> vector<16xi32>
    %shift_right_arithmetic3A_277 = arith.constant 1 : i32
    %shift_right_arithmetic3A_278 = vector.broadcast %shift_right_arithmetic3A_277 : i32 to vector<16xi32>
    %shift_right_arithmetic3A_279 = arith.shrsi %bitcast_convert_type3A_276, %shift_right_arithmetic3A_278 : vector<16xi32>
    %sub3A_280 = arith.constant 1597463007 : i32
    %sub3A_281 = vector.broadcast %sub3A_280 : i32 to vector<16xi32>
    %sub3A_282 = arith.subi %sub3A_281, %shift_right_arithmetic3A_279 : vector<16xi32>
    %bitcast_convert_type3A_283 = tpu.bitcast %sub3A_282 : vector<16xi32> -> vector<16xf32>
    %mul3A_284 = arith.constant 5.000000e-01 : f32
    %mul3A_285 = vector.broadcast %mul3A_284 : f32 to vector<16xf32>
    %mul3A_286 = arith.mulf %mul3A_285, %add3A_239 : vector<16xf32>
    %mul3A_287 = arith.mulf %mul3A_286, %bitcast_convert_type3A_283 : vector<16xf32>
    %mul3A_288 = arith.mulf %mul3A_287, %bitcast_convert_type3A_283 : vector<16xf32>
    %sub3A_289 = arith.constant 1.500000e+00 : f32
    %sub3A_290 = vector.broadcast %sub3A_289 : f32 to vector<16xf32>
    %sub3A_291 = arith.subf %sub3A_290, %mul3A_288 : vector<16xf32>
    %mul3A_292 = arith.mulf %bitcast_convert_type3A_283, %sub3A_291 : vector<16xf32>
    %mul3A_293 = arith.constant 5.000000e-01 : f32
    %mul3A_294 = vector.broadcast %mul3A_293 : f32 to vector<16xf32>
    %mul3A_295 = arith.mulf %mul3A_294, %add3A_239 : vector<16xf32>
    %mul3A_296 = arith.mulf %mul3A_295, %mul3A_292 : vector<16xf32>
    %mul3A_297 = arith.mulf %mul3A_296, %mul3A_292 : vector<16xf32>
    %sub3A_298 = arith.constant 1.500000e+00 : f32
    %sub3A_299 = vector.broadcast %sub3A_298 : f32 to vector<16xf32>
    %sub3A_300 = arith.subf %sub3A_299, %mul3A_297 : vector<16xf32>
    %mul3A_301 = arith.mulf %mul3A_292, %sub3A_300 : vector<16xf32>
    %mul3A_302 = arith.constant 5.000000e-01 : f32
    %mul3A_303 = vector.broadcast %mul3A_302 : f32 to vector<16xf32>
    %mul3A_304 = arith.mulf %mul3A_303, %add3A_239 : vector<16xf32>
    %mul3A_305 = arith.mulf %mul3A_304, %mul3A_301 : vector<16xf32>
    %mul3A_306 = arith.mulf %mul3A_305, %mul3A_301 : vector<16xf32>
    %sub3A_307 = arith.constant 1.500000e+00 : f32
    %sub3A_308 = vector.broadcast %sub3A_307 : f32 to vector<16xf32>
    %sub3A_309 = arith.subf %sub3A_308, %mul3A_306 : vector<16xf32>
    %mul3A_310 = arith.mulf %mul3A_301, %sub3A_309 : vector<16xf32>
    %mul3A_311 = arith.mulf %mul3A_275, %mul3A_310 : vector<16xf32>
    %swap3A_312 = arith.constant 16 : index
    %swap3A_313 = tpu.vector_load %arg11[%swap3A_312] {strides = array<i32>} : memref<512xf32, #tpu.memory_space<vmem>>, vector<16xf32>,
    tpu.vector_store %arg11[%swap3A_312], %mul3A_311 {strides = array<i32>} : memref<512xf32, #tpu.memory_space<vmem>>, vector<16xf32>,
    %get3A_314 = arith.constant 32 : index
    %get3A_315 = tpu.vector_load %arg9[%get3A_314] {strides = array<i32>} : memref<2048xf32, #tpu.memory_space<vmem>>, vector<16xf32>,
    %get3A_316 = arith.constant 544 : index
    %get3A_317 = tpu.vector_load %arg9[%get3A_316] {strides = array<i32>} : memref<2048xf32, #tpu.memory_space<vmem>>, vector<16xf32>,
    %get3A_318 = arith.constant 1056 : index
    %get3A_319 = tpu.vector_load %arg9[%get3A_318] {strides = array<i32>} : memref<2048xf32, #tpu.memory_space<vmem>>, vector<16xf32>,
    %get3A_320 = arith.constant 1568 : index
    %get3A_321 = tpu.vector_load %arg9[%get3A_320] {strides = array<i32>} : memref<2048xf32, #tpu.memory_space<vmem>>, vector<16xf32>,
    %get3A_322 = arith.constant 32 : index
    %get3A_323 = tpu.vector_load %arg10[%get3A_322] {strides = array<i32>} : memref<2048xf32, #tpu.memory_space<vmem>>, vector<16xf32>,
    %get3A_324 = arith.constant 544 : index
    %get3A_325 = tpu.vector_load %arg10[%get3A_324] {strides = array<i32>} : memref<2048xf32, #tpu.memory_space<vmem>>, vector<16xf32>,
    %get3A_326 = arith.constant 1056 : index
    %get3A_327 = tpu.vector_load %arg10[%get3A_326] {strides = array<i32>} : memref<2048xf32, #tpu.memory_space<vmem>>, vector<16xf32>,
    %get3A_328 = arith.constant 1568 : index
    %get3A_329 = tpu.vector_load %arg10[%get3A_328] {strides = array<i32>} : memref<2048xf32, #tpu.memory_space<vmem>>, vector<16xf32>,
    %mul3A_330 = arith.mulf %get3A_315, %get3A_323 : vector<16xf32>
    %mul3A_331 = arith.mulf %get3A_315, %get3A_315 : vector<16xf32>
    %mul3A_332 = arith.mulf %get3A_323, %get3A_323 : vector<16xf32>
    %mul3A_333 = arith.mulf %get3A_317, %get3A_325 : vector<16xf32>
    %add3A_334 = arith.addf %mul3A_330, %mul3A_333 : vector<16xf32>
    %mul3A_335 = arith.mulf %get3A_317, %get3A_317 : vector<16xf32>
    %add3A_336 = arith.addf %mul3A_331, %mul3A_335 : vector<16xf32>
    %mul3A_337 = arith.mulf %get3A_325, %get3A_325 : vector<16xf32>
    %add3A_338 = arith.addf %mul3A_332, %mul3A_337 : vector<16xf32>
    %mul3A_339 = arith.mulf %get3A_319, %get3A_327 : vector<16xf32>
    %add3A_340 = arith.addf %add3A_334, %mul3A_339 : vector<16xf32>
    %mul3A_341 = arith.mulf %get3A_319, %get3A_319 : vector<16xf32>
    %add3A_342 = arith.addf %add3A_336, %mul3A_341 : vector<16xf32>
    %mul3A_343 = arith.mulf %get3A_327, %get3A_327 : vector<16xf32>
    %add3A_344 = arith.addf %add3A_338, %mul3A_343 : vector<16xf32>
    %mul3A_345 = arith.mulf %get3A_321, %get3A_329 : vector<16xf32>
    %add3A_346 = arith.addf %add3A_340, %mul3A_345 : vector<16xf32>
    %mul3A_347 = arith.mulf %get3A_321, %get3A_321 : vector<16xf32>
    %add3A_348 = arith.addf %add3A_342, %mul3A_347 : vector<16xf32>
    %mul3A_349 = arith.mulf %get3A_329, %get3A_329 : vector<16xf32>
    %add3A_350 = arith.addf %add3A_344, %mul3A_349 : vector<16xf32>
    %bitcast_convert_type3A_351 = tpu.bitcast %add3A_348 : vector<16xf32> -> vector<16xi32>
    %shift_right_arithmetic3A_352 = arith.constant 1 : i32
    %shift_right_arithmetic3A_353 = vector.broadcast %shift_right_arithmetic3A_352 : i32 to vector<16xi32>
    %shift_right_arithmetic3A_354 = arith.shrsi %bitcast_convert_type3A_351, %shift_right_arithmetic3A_353 : vector<16xi32>
    %sub3A_355 = arith.constant 1597463007 : i32
    %sub3A_356 = vector.broadcast %sub3A_355 : i32 to vector<16xi32>
    %sub3A_357 = arith.subi %sub3A_356, %shift_right_arithmetic3A_354 : vector<16xi32>
    %bitcast_convert_type3A_358 = tpu.bitcast %sub3A_357 : vector<16xi32> -> vector<16xf32>
    %mul3A_359 = arith.constant 5.000000e-01 : f32
    %mul3A_360 = vector.broadcast %mul3A_359 : f32 to vector<16xf32>
    %mul3A_361 = arith.mulf %mul3A_360, %add3A_348 : vector<16xf32>
    %mul3A_362 = arith.mulf %mul3A_361, %bitcast_convert_type3A_358 : vector<16xf32>
    %mul3A_363 = arith.mulf %mul3A_362, %bitcast_convert_type3A_358 : vector<16xf32>
    %sub3A_364 = arith.constant 1.500000e+00 : f32
    %sub3A_365 = vector.broadcast %sub3A_364 : f32 to vector<16xf32>
    %sub3A_366 = arith.subf %sub3A_365, %mul3A_363 : vector<16xf32>
    %mul3A_367 = arith.mulf %bitcast_convert_type3A_358, %sub3A_366 : vector<16xf32>
    %mul3A_368 = arith.constant 5.000000e-01 : f32
    %mul3A_369 = vector.broadcast %mul3A_368 : f32 to vector<16xf32>
    %mul3A_370 = arith.mulf %mul3A_369, %add3A_348 : vector<16xf32>
    %mul3A_371 = arith.mulf %mul3A_370, %mul3A_367 : vector<16xf32>
    %mul3A_372 = arith.mulf %mul3A_371, %mul3A_367 : vector<16xf32>
    %sub3A_373 = arith.constant 1.500000e+00 : f32
    %sub3A_374 = vector.broadcast %sub3A_373 : f32 to vector<16xf32>
    %sub3A_375 = arith.subf %sub3A_374, %mul3A_372 : vector<16xf32>
    %mul3A_376 = arith.mulf %mul3A_367, %sub3A_375 : vector<16xf32>
    %mul3A_377 = arith.constant 5.000000e-01 : f32
    %mul3A_378 = vector.broadcast %mul3A_377 : f32 to vector<16xf32>
    %mul3A_379 = arith.mulf %mul3A_378, %add3A_348 : vector<16xf32>
    %mul3A_380 = arith.mulf %mul3A_379, %mul3A_376 : vector<16xf32>
    %mul3A_381 = arith.mulf %mul3A_380, %mul3A_376 : vector<16xf32>
    %sub3A_382 = arith.constant 1.500000e+00 : f32
    %sub3A_383 = vector.broadcast %sub3A_382 : f32 to vector<16xf32>
    %sub3A_384 = arith.subf %sub3A_383, %mul3A_381 : vector<16xf32>
    %mul3A_385 = arith.mulf %mul3A_376, %sub3A_384 : vector<16xf32>
    %mul3A_386 = arith.mulf %add3A_346, %mul3A_385 : vector<16xf32>
    %bitcast_convert_type3A_387 = tpu.bitcast %add3A_350 : vector<16xf32> -> vector<16xi32>
    %shift_right_arithmetic3A_388 = arith.constant 1 : i32
    %shift_right_arithmetic3A_389 = vector.broadcast %shift_right_arithmetic3A_388 : i32 to vector<16xi32>
    %shift_right_arithmetic3A_390 = arith.shrsi %bitcast_convert_type3A_387, %shift_right_arithmetic3A_389 : vector<16xi32>
    %sub3A_391 = arith.constant 1597463007 : i32
    %sub3A_392 = vector.broadcast %sub3A_391 : i32 to vector<16xi32>
    %sub3A_393 = arith.subi %sub3A_392, %shift_right_arithmetic3A_390 : vector<16xi32>
    %bitcast_convert_type3A_394 = tpu.bitcast %sub3A_393 : vector<16xi32> -> vector<16xf32>
    %mul3A_395 = arith.constant 5.000000e-01 : f32
    %mul3A_396 = vector.broadcast %mul3A_395 : f32 to vector<16xf32>
    %mul3A_397 = arith.mulf %mul3A_396, %add3A_350 : vector<16xf32>
    %mul3A_398 = arith.mulf %mul3A_397, %bitcast_convert_type3A_394 : vector<16xf32>
    %mul3A_399 = arith.mulf %mul3A_398, %bitcast_convert_type3A_394 : vector<16xf32>
    %sub3A_400 = arith.constant 1.500000e+00 : f32
    %sub3A_401 = vector.broadcast %sub3A_400 : f32 to vector<16xf32>
    %sub3A_402 = arith.subf %sub3A_401, %mul3A_399 : vector<16xf32>
    %mul3A_403 = arith.mulf %bitcast_convert_type3A_394, %sub3A_402 : vector<16xf32>
    %mul3A_404 = arith.constant 5.000000e-01 : f32
    %mul3A_405 = vector.broadcast %mul3A_404 : f32 to vector<16xf32>
    %mul3A_406 = arith.mulf %mul3A_405, %add3A_350 : vector<16xf32>
    %mul3A_407 = arith.mulf %mul3A_406, %mul3A_403 : vector<16xf32>
    %mul3A_408 = arith.mulf %mul3A_407, %mul3A_403 : vector<16xf32>
    %sub3A_409 = arith.constant 1.500000e+00 : f32
    %sub3A_410 = vector.broadcast %sub3A_409 : f32 to vector<16xf32>
    %sub3A_411 = arith.subf %sub3A_410, %mul3A_408 : vector<16xf32>
    %mul3A_412 = arith.mulf %mul3A_403, %sub3A_411 : vector<16xf32>
    %mul3A_413 = arith.constant 5.000000e-01 : f32
    %mul3A_414 = vector.broadcast %mul3A_413 : f32 to vector<16xf32>
    %mul3A_415 = arith.mulf %mul3A_414, %add3A_350 : vector<16xf32>
    %mul3A_416 = arith.mulf %mul3A_415, %mul3A_412 : vector<16xf32>
    %mul3A_417 = arith.mulf %mul3A_416, %mul3A_412 : vector<16xf32>
    %sub3A_418 = arith.constant 1.500000e+00 : f32
    %sub3A_419 = vector.broadcast %sub3A_418 : f32 to vector<16xf32>
    %sub3A_420 = arith.subf %sub3A_419, %mul3A_417 : vector<16xf32>
    %mul3A_421 = arith.mulf %mul3A_412, %sub3A_420 : vector<16xf32>
    %mul3A_422 = arith.mulf %mul3A_386, %mul3A_421 : vector<16xf32>
    %swap3A_423 = arith.constant 32 : index
    %swap3A_424 = tpu.vector_load %arg11[%swap3A_423] {strides = array<i32>} : memref<512xf32, #tpu.memory_space<vmem>>, vector<16xf32>,
    tpu.vector_store %arg11[%swap3A_423], %mul3A_422 {strides = array<i32>} : memref<512xf32, #tpu.memory_space<vmem>>, vector<16xf32>,
    %get3A_425 = arith.constant 48 : index
    %get3A_426 = tpu.vector_load %arg9[%get3A_425] {strides = array<i32>} : memref<2048xf32, #tpu.memory_space<vmem>>, vector<16xf32>,
    %get3A_427 = arith.constant 560 : index
    %get3A_428 = tpu.vector_load %arg9[%get3A_427] {strides = array<i32>} : memref<2048xf32, #tpu.memory_space<vmem>>, vector<16xf32>,
    %get3A_429 = arith.constant 1072 : index
    %get3A_430 = tpu.vector_load %arg9[%get3A_429] {strides = array<i32>} : memref<2048xf32, #tpu.memory_space<vmem>>, vector<16xf32>,
    %get3A_431 = arith.constant 1584 : index
    %get3A_432 = tpu.vector_load %arg9[%get3A_431] {strides = array<i32>} : memref<2048xf32, #tpu.memory_space<vmem>>, vector<16xf32>,
    %get3A_433 = arith.constant 48 : index
    %get3A_434 = tpu.vector_load %arg10[%get3A_433] {strides = array<i32>} : memref<2048xf32, #tpu.memory_space<vmem>>, vector<16xf32>,
    %get3A_435 = arith.constant 560 : index
    %get3A_436 = tpu.vector_load %arg10[%get3A_435] {strides = array<i32>} : memref<2048xf32, #tpu.memory_space<vmem>>, vector<16xf32>,
    %get3A_437 = arith.constant 1072 : index
    %get3A_438 = tpu.vector_load %arg10[%get3A_437] {strides = array<i32>} : memref<2048xf32, #tpu.memory_space<vmem>>, vector<16xf32>,
    %get3A_439 = arith.constant 1584 : index
    %get3A_440 = tpu.vector_load %arg10[%get3A_439] {strides = array<i32>} : memref<2048xf32, #tpu.memory_space<vmem>>, vector<16xf32>,
    %mul3A_441 = arith.mulf %get3A_426, %get3A_434 : vector<16xf32>
    %mul3A_442 = arith.mulf %get3A_426, %get3A_426 : vector<16xf32>
    %mul3A_443 = arith.mulf %get3A_434, %get3A_434 : vector<16xf32>
    %mul3A_444 = arith.mulf %get3A_428, %get3A_436 : vector<16xf32>
    %add3A_445 = arith.addf %mul3A_441, %mul3A_444 : vector<16xf32>
    %mul3A_446 = arith.mulf %get3A_428, %get3A_428 : vector<16xf32>
    %add3A_447 = arith.addf %mul3A_442, %mul3A_446 : vector<16xf32>
    %mul3A_448 = arith.mulf %get3A_436, %get3A_436 : vector<16xf32>
    %add3A_449 = arith.addf %mul3A_443, %mul3A_448 : vector<16xf32>
    %mul3A_450 = arith.mulf %get3A_430, %get3A_438 : vector<16xf32>
    %add3A_451 = arith.addf %add3A_445, %mul3A_450 : vector<16xf32>
    %mul3A_452 = arith.mulf %get3A_430, %get3A_430 : vector<16xf32>
    %add3A_453 = arith.addf %add3A_447, %mul3A_452 : vector<16xf32>
    %mul3A_454 = arith.mulf %get3A_438, %get3A_438 : vector<16xf32>
    %add3A_455 = arith.addf %add3A_449, %mul3A_454 : vector<16xf32>
    %mul3A_456 = arith.mulf %get3A_432, %get3A_440 : vector<16xf32>
    %add3A_457 = arith.addf %add3A_451, %mul3A_456 : vector<16xf32>
    %mul3A_458 = arith.mulf %get3A_432, %get3A_432 : vector<16xf32>
    %add3A_459 = arith.addf %add3A_453, %mul3A_458 : vector<16xf32>
    %mul3A_460 = arith.mulf %get3A_440, %get3A_440 : vector<16xf32>
    %add3A_461 = arith.addf %add3A_455, %mul3A_460 : vector<16xf32>
    %bitcast_convert_type3A_462 = tpu.bitcast %add3A_459 : vector<16xf32> -> vector<16xi32>
    %shift_right_arithmetic3A_463 = arith.constant 1 : i32
    %shift_right_arithmetic3A_464 = vector.broadcast %shift_right_arithmetic3A_463 : i32 to vector<16xi32>
    %shift_right_arithmetic3A_465 = arith.shrsi %bitcast_convert_type3A_462, %shift_right_arithmetic3A_464 : vector<16xi32>
    %sub3A_466 = arith.constant 1597463007 : i32
    %sub3A_467 = vector.broadcast %sub3A_466 : i32 to vector<16xi32>
    %sub3A_468 = arith.subi %sub3A_467, %shift_right_arithmetic3A_465 : vector<16xi32>
    %bitcast_convert_type3A_469 = tpu.bitcast %sub3A_468 : vector<16xi32> -> vector<16xf32>
    %mul3A_470 = arith.constant 5.000000e-01 : f32
    %mul3A_471 = vector.broadcast %mul3A_470 : f32 to vector<16xf32>
    %mul3A_472 = arith.mulf %mul3A_471, %add3A_459 : vector<16xf32>
    %mul3A_473 = arith.mulf %mul3A_472, %bitcast_convert_type3A_469 : vector<16xf32>
    %mul3A_474 = arith.mulf %mul3A_473, %bitcast_convert_type3A_469 : vector<16xf32>
    %sub3A_475 = arith.constant 1.500000e+00 : f32
    %sub3A_476 = vector.broadcast %sub3A_475 : f32 to vector<16xf32>
    %sub3A_477 = arith.subf %sub3A_476, %mul3A_474 : vector<16xf32>
    %mul3A_478 = arith.mulf %bitcast_convert_type3A_469, %sub3A_477 : vector<16xf32>
    %mul3A_479 = arith.constant 5.000000e-01 : f32
    %mul3A_480 = vector.broadcast %mul3A_479 : f32 to vector<16xf32>
    %mul3A_481 = arith.mulf %mul3A_480, %add3A_459 : vector<16xf32>
    %mul3A_482 = arith.mulf %mul3A_481, %mul3A_478 : vector<16xf32>
    %mul3A_483 = arith.mulf %mul3A_482, %mul3A_478 : vector<16xf32>
    %sub3A_484 = arith.constant 1.500000e+00 : f32
    %sub3A_485 = vector.broadcast %sub3A_484 : f32 to vector<16xf32>
    %sub3A_486 = arith.subf %sub3A_485, %mul3A_483 : vector<16xf32>
    %mul3A_487 = arith.mulf %mul3A_478, %sub3A_486 : vector<16xf32>
    %mul3A_488 = arith.constant 5.000000e-01 : f32
    %mul3A_489 = vector.broadcast %mul3A_488 : f32 to vector<16xf32>
    %mul3A_490 = arith.mulf %mul3A_489, %add3A_459 : vector<16xf32>
    %mul3A_491 = arith.mulf %mul3A_490, %mul3A_487 : vector<16xf32>
    %mul3A_492 = arith.mulf %mul3A_491, %mul3A_487 : vector<16xf32>
    %sub3A_493 = arith.constant 1.500000e+00 : f32
    %sub3A_494 = vector.broadcast %sub3A_493 : f32 to vector<16xf32>
    %sub3A_495 = arith.subf %sub3A_494, %mul3A_492 : vector<16xf32>
    %mul3A_496 = arith.mulf %mul3A_487, %sub3A_495 : vector<16xf32>
    %mul3A_497 = arith.mulf %add3A_457, %mul3A_496 : vector<16xf32>
    %bitcast_convert_type3A_498 = tpu.bitcast %add3A_461 : vector<16xf32> -> vector<16xi32>
    %shift_right_arithmetic3A_499 = arith.constant 1 : i32
    %shift_right_arithmetic3A_500 = vector.broadcast %shift_right_arithmetic3A_499 : i32 to vector<16xi32>
    %shift_right_arithmetic3A_501 = arith.shrsi %bitcast_convert_type3A_498, %shift_right_arithmetic3A_500 : vector<16xi32>
    %sub3A_502 = arith.constant 1597463007 : i32
    %sub3A_503 = vector.broadcast %sub3A_502 : i32 to vector<16xi32>
    %sub3A_504 = arith.subi %sub3A_503, %shift_right_arithmetic3A_501 : vector<16xi32>
    %bitcast_convert_type3A_505 = tpu.bitcast %sub3A_504 : vector<16xi32> -> vector<16xf32>
    %mul3A_506 = arith.constant 5.000000e-01 : f32
    %mul3A_507 = vector.broadcast %mul3A_506 : f32 to vector<16xf32>
    %mul3A_508 = arith.mulf %mul3A_507, %add3A_461 : vector<16xf32>
    %mul3A_509 = arith.mulf %mul3A_508, %bitcast_convert_type3A_505 : vector<16xf32>
    %mul3A_510 = arith.mulf %mul3A_509, %bitcast_convert_type3A_505 : vector<16xf32>
    %sub3A_511 = arith.constant 1.500000e+00 : f32
    %sub3A_512 = vector.broadcast %sub3A_511 : f32 to vector<16xf32>
    %sub3A_513 = arith.subf %sub3A_512, %mul3A_510 : vector<16xf32>
    %mul3A_514 = arith.mulf %bitcast_convert_type3A_505, %sub3A_513 : vector<16xf32>
    %mul3A_515 = arith.constant 5.000000e-01 : f32
    %mul3A_516 = vector.broadcast %mul3A_515 : f32 to vector<16xf32>
    %mul3A_517 = arith.mulf %mul3A_516, %add3A_461 : vector<16xf32>
    %mul3A_518 = arith.mulf %mul3A_517, %mul3A_514 : vector<16xf32>
    %mul3A_519 = arith.mulf %mul3A_518, %mul3A_514 : vector<16xf32>
    %sub3A_520 = arith.constant 1.500000e+00 : f32
    %sub3A_521 = vector.broadcast %sub3A_520 : f32 to vector<16xf32>
    %sub3A_522 = arith.subf %sub3A_521, %mul3A_519 : vector<16xf32>
    %mul3A_523 = arith.mulf %mul3A_514, %sub3A_522 : vector<16xf32>
    %mul3A_524 = arith.constant 5.000000e-01 : f32
    %mul3A_525 = vector.broadcast %mul3A_524 : f32 to vector<16xf32>
    %mul3A_526 = arith.mulf %mul3A_525, %add3A_461 : vector<16xf32>
    %mul3A_527 = arith.mulf %mul3A_526, %mul3A_523 : vector<16xf32>
    %mul3A_528 = arith.mulf %mul3A_527, %mul3A_523 : vector<16xf32>
    %sub3A_529 = arith.constant 1.500000e+00 : f32
    %sub3A_530 = vector.broadcast %sub3A_529 : f32 to vector<16xf32>
    %sub3A_531 = arith.subf %sub3A_530, %mul3A_528 : vector<16xf32>
    %mul3A_532 = arith.mulf %mul3A_523, %sub3A_531 : vector<16xf32>
    %mul3A_533 = arith.mulf %mul3A_497, %mul3A_532 : vector<16xf32>
    %swap3A_534 = arith.constant 48 : index
    %swap3A_535 = tpu.vector_load %arg11[%swap3A_534] {strides = array<i32>} : memref<512xf32, #tpu.memory_space<vmem>>, vector<16xf32>,
    tpu.vector_store %arg11[%swap3A_534], %mul3A_533 {strides = array<i32>} : memref<512xf32, #tpu.memory_space<vmem>>, vector<16xf32>,
    %get3A_536 = arith.constant 64 : index
    %get3A_537 = tpu.vector_load %arg9[%get3A_536] {strides = array<i32>} : memref<2048xf32, #tpu.memory_space<vmem>>, vector<16xf32>,
    %get3A_538 = arith.constant 576 : index
    %get3A_539 = tpu.vector_load %arg9[%get3A_538] {strides = array<i32>} : memref<2048xf32, #tpu.memory_space<vmem>>, vector<16xf32>,
    %get3A_540 = arith.constant 1088 : index
    %get3A_541 = tpu.vector_load %arg9[%get3A_540] {strides = array<i32>} : memref<2048xf32, #tpu.memory_space<vmem>>, vector<16xf32>,
    %get3A_542 = arith.constant 1600 : index
    %get3A_543 = tpu.vector_load %arg9[%get3A_542] {strides = array<i32>} : memref<2048xf32, #tpu.memory_space<vmem>>, vector<16xf32>,
    %get3A_544 = arith.constant 64 : index
    %get3A_545 = tpu.vector_load %arg10[%get3A_544] {strides = array<i32>} : memref<2048xf32, #tpu.memory_space<vmem>>, vector<16xf32>,
    %get3A_546 = arith.constant 576 : index
    %get3A_547 = tpu.vector_load %arg10[%get3A_546] {strides = array<i32>} : memref<2048xf32, #tpu.memory_space<vmem>>, vector<16xf32>,
    %get3A_548 = arith.constant 1088 : index
    %get3A_549 = tpu.vector_load %arg10[%get3A_548] {strides = array<i32>} : memref<2048xf32, #tpu.memory_space<vmem>>, vector<16xf32>,
    %get3A_550 = arith.constant 1600 : index
    %get3A_551 = tpu.vector_load %arg10[%get3A_550] {strides = array<i32>} : memref<2048xf32, #tpu.memory_space<vmem>>, vector<16xf32>,
    %mul3A_552 = arith.mulf %get3A_537, %get3A_545 : vector<16xf32>
    %mul3A_553 = arith.mulf %get3A_537, %get3A_537 : vector<16xf32>
    %mul3A_554 = arith.mulf %get3A_545, %get3A_545 : vector<16xf32>
    %mul3A_555 = arith.mulf %get3A_539, %get3A_547 : vector<16xf32>
    %add3A_556 = arith.addf %mul3A_552, %mul3A_555 : vector<16xf32>
    %mul3A_557 = arith.mulf %get3A_539, %get3A_539 : vector<16xf32>
    %add3A_558 = arith.addf %mul3A_553, %mul3A_557 : vector<16xf32>
    %mul3A_559 = arith.mulf %get3A_547, %get3A_547 : vector<16xf32>
    %add3A_560 = arith.addf %mul3A_554, %mul3A_559 : vector<16xf32>
    %mul3A_561 = arith.mulf %get3A_541, %get3A_549 : vector<16xf32>
    %add3A_562 = arith.addf %add3A_556, %mul3A_561 : vector<16xf32>
    %mul3A_563 = arith.mulf %get3A_541, %get3A_541 : vector<16xf32>
    %add3A_564 = arith.addf %add3A_558, %mul3A_563 : vector<16xf32>
    %mul3A_565 = arith.mulf %get3A_549, %get3A_549 : vector<16xf32>
    %add3A_566 = arith.addf %add3A_560, %mul3A_565 : vector<16xf32>
    %mul3A_567 = arith.mulf %get3A_543, %get3A_551 : vector<16xf32>
    %add3A_568 = arith.addf %add3A_562, %mul3A_567 : vector<16xf32>
    %mul3A_569 = arith.mulf %get3A_543, %get3A_543 : vector<16xf32>
    %add3A_570 = arith.addf %add3A_564, %mul3A_569 : vector<16xf32>
    %mul3A_571 = arith.mulf %get3A_551, %get3A_551 : vector<16xf32>
    %add3A_572 = arith.addf %add3A_566, %mul3A_571 : vector<16xf32>
    %bitcast_convert_type3A_573 = tpu.bitcast %add3A_570 : vector<16xf32> -> vector<16xi32>
    %shift_right_arithmetic3A_574 = arith.constant 1 : i32
    %shift_right_arithmetic3A_575 = vector.broadcast %shift_right_arithmetic3A_574 : i32 to vector<16xi32>
    %shift_right_arithmetic3A_576 = arith.shrsi %bitcast_convert_type3A_573, %shift_right_arithmetic3A_575 : vector<16xi32>
    %sub3A_577 = arith.constant 1597463007 : i32
    %sub3A_578 = vector.broadcast %sub3A_577 : i32 to vector<16xi32>
    %sub3A_579 = arith.subi %sub3A_578, %shift_right_arithmetic3A_576 : vector<16xi32>
    %bitcast_convert_type3A_580 = tpu.bitcast %sub3A_579 : vector<16xi32> -> vector<16xf32>
    %mul3A_581 = arith.constant 5.000000e-01 : f32
    %mul3A_582 = vector.broadcast %mul3A_581 : f32 to vector<16xf32>
    %mul3A_583 = arith.mulf %mul3A_582, %add3A_570 : vector<16xf32>
    %mul3A_584 = arith.mulf %mul3A_583, %bitcast_convert_type3A_580 : vector<16xf32>
    %mul3A_585 = arith.mulf %mul3A_584, %bitcast_convert_type3A_580 : vector<16xf32>
    %sub3A_586 = arith.constant 1.500000e+00 : f32
    %sub3A_587 = vector.broadcast %sub3A_586 : f32 to vector<16xf32>
    %sub3A_588 = arith.subf %sub3A_587, %mul3A_585 : vector<16xf32>
    %mul3A_589 = arith.mulf %bitcast_convert_type3A_580, %sub3A_588 : vector<16xf32>
    %mul3A_590 = arith.constant 5.000000e-01 : f32
    %mul3A_591 = vector.broadcast %mul3A_590 : f32 to vector<16xf32>
    %mul3A_592 = arith.mulf %mul3A_591, %add3A_570 : vector<16xf32>
    %mul3A_593 = arith.mulf %mul3A_592, %mul3A_589 : vector<16xf32>
    %mul3A_594 = arith.mulf %mul3A_593, %mul3A_589 : vector<16xf32>
    %sub3A_595 = arith.constant 1.500000e+00 : f32
    %sub3A_596 = vector.broadcast %sub3A_595 : f32 to vector<16xf32>
    %sub3A_597 = arith.subf %sub3A_596, %mul3A_594 : vector<16xf32>
    %mul3A_598 = arith.mulf %mul3A_589, %sub3A_597 : vector<16xf32>
    %mul3A_599 = arith.constant 5.000000e-01 : f32
    %mul3A_600 = vector.broadcast %mul3A_599 : f32 to vector<16xf32>
    %mul3A_601 = arith.mulf %mul3A_600, %add3A_570 : vector<16xf32>
    %mul3A_602 = arith.mulf %mul3A_601, %mul3A_598 : vector<16xf32>
    %mul3A_603 = arith.mulf %mul3A_602, %mul3A_598 : vector<16xf32>
    %sub3A_604 = arith.constant 1.500000e+00 : f32
    %sub3A_605 = vector.broadcast %sub3A_604 : f32 to vector<16xf32>
    %sub3A_606 = arith.subf %sub3A_605, %mul3A_603 : vector<16xf32>
    %mul3A_607 = arith.mulf %mul3A_598, %sub3A_606 : vector<16xf32>
    %mul3A_608 = arith.mulf %add3A_568, %mul3A_607 : vector<16xf32>
    %bitcast_convert_type3A_609 = tpu.bitcast %add3A_572 : vector<16xf32> -> vector<16xi32>
    %shift_right_arithmetic3A_610 = arith.constant 1 : i32
    %shift_right_arithmetic3A_611 = vector.broadcast %shift_right_arithmetic3A_610 : i32 to vector<16xi32>
    %shift_right_arithmetic3A_612 = arith.shrsi %bitcast_convert_type3A_609, %shift_right_arithmetic3A_611 : vector<16xi32>
    %sub3A_613 = arith.constant 1597463007 : i32
    %sub3A_614 = vector.broadcast %sub3A_613 : i32 to vector<16xi32>
    %sub3A_615 = arith.subi %sub3A_614, %shift_right_arithmetic3A_612 : vector<16xi32>
    %bitcast_convert_type3A_616 = tpu.bitcast %sub3A_615 : vector<16xi32> -> vector<16xf32>
    %mul3A_617 = arith.constant 5.000000e-01 : f32
    %mul3A_618 = vector.broadcast %mul3A_617 : f32 to vector<16xf32>
    %mul3A_619 = arith.mulf %mul3A_618, %add3A_572 : vector<16xf32>
    %mul3A_620 = arith.mulf %mul3A_619, %bitcast_convert_type3A_616 : vector<16xf32>
    %mul3A_621 = arith.mulf %mul3A_620, %bitcast_convert_type3A_616 : vector<16xf32>
    %sub3A_622 = arith.constant 1.500000e+00 : f32
    %sub3A_623 = vector.broadcast %sub3A_622 : f32 to vector<16xf32>
    %sub3A_624 = arith.subf %sub3A_623, %mul3A_621 : vector<16xf32>
    %mul3A_625 = arith.mulf %bitcast_convert_type3A_616, %sub3A_624 : vector<16xf32>
    %mul3A_626 = arith.constant 5.000000e-01 : f32
    %mul3A_627 = vector.broadcast %mul3A_626 : f32 to vector<16xf32>
    %mul3A_628 = arith.mulf %mul3A_627, %add3A_572 : vector<16xf32>
    %mul3A_629 = arith.mulf %mul3A_628, %mul3A_625 : vector<16xf32>
    %mul3A_630 = arith.mulf %mul3A_629, %mul3A_625 : vector<16xf32>
    %sub3A_631 = arith.constant 1.500000e+00 : f32
    %sub3A_632 = vector.broadcast %sub3A_631 : f32 to vector<16xf32>
    %sub3A_633 = arith.subf %sub3A_632, %mul3A_630 : vector<16xf32>
    %mul3A_634 = arith.mulf %mul3A_625, %sub3A_633 : vector<16xf32>
    %mul3A_635 = arith.constant 5.000000e-01 : f32
    %mul3A_636 = vector.broadcast %mul3A_635 : f32 to vector<16xf32>
    %mul3A_637 = arith.mulf %mul3A_636, %add3A_572 : vector<16xf32>
    %mul3A_638 = arith.mulf %mul3A_637, %mul3A_634 : vector<16xf32>
    %mul3A_639 = arith.mulf %mul3A_638, %mul3A_634 : vector<16xf32>
    %sub3A_640 = arith.constant 1.500000e+00 : f32
    %sub3A_641 = vector.broadcast %sub3A_640 : f32 to vector<16xf32>
    %sub3A_642 = arith.subf %sub3A_641, %mul3A_639 : vector<16xf32>
    %mul3A_643 = arith.mulf %mul3A_634, %sub3A_642 : vector<16xf32>
    %mul3A_644 = arith.mulf %mul3A_608, %mul3A_643 : vector<16xf32>
    %swap3A_645 = arith.constant 64 : index
    %swap3A_646 = tpu.vector_load %arg11[%swap3A_645] {strides = array<i32>} : memref<512xf32, #tpu.memory_space<vmem>>, vector<16xf32>,
    tpu.vector_store %arg11[%swap3A_645], %mul3A_644 {strides = array<i32>} : memref<512xf32, #tpu.memory_space<vmem>>, vector<16xf32>,
    %get3A_647 = arith.constant 80 : index
    %get3A_648 = tpu.vector_load %arg9[%get3A_647] {strides = array<i32>} : memref<2048xf32, #tpu.memory_space<vmem>>, vector<16xf32>,
    %get3A_649 = arith.constant 592 : index
    %get3A_650 = tpu.vector_load %arg9[%get3A_649] {strides = array<i32>} : memref<2048xf32, #tpu.memory_space<vmem>>, vector<16xf32>,
    %get3A_651 = arith.constant 1104 : index
    %get3A_652 = tpu.vector_load %arg9[%get3A_651] {strides = array<i32>} : memref<2048xf32, #tpu.memory_space<vmem>>, vector<16xf32>,
    %get3A_653 = arith.constant 1616 : index
    %get3A_654 = tpu.vector_load %arg9[%get3A_653] {strides = array<i32>} : memref<2048xf32, #tpu.memory_space<vmem>>, vector<16xf32>,
    %get3A_655 = arith.constant 80 : index
    %get3A_656 = tpu.vector_load %arg10[%get3A_655] {strides = array<i32>} : memref<2048xf32, #tpu.memory_space<vmem>>, vector<16xf32>,
    %get3A_657 = arith.constant 592 : index
    %get3A_658 = tpu.vector_load %arg10[%get3A_657] {strides = array<i32>} : memref<2048xf32, #tpu.memory_space<vmem>>, vector<16xf32>,
    %get3A_659 = arith.constant 1104 : index
    %get3A_660 = tpu.vector_load %arg10[%get3A_659] {strides = array<i32>} : memref<2048xf32, #tpu.memory_space<vmem>>, vector<16xf32>,
    %get3A_661 = arith.constant 1616 : index
    %get3A_662 = tpu.vector_load %arg10[%get3A_661] {strides = array<i32>} : memref<2048xf32, #tpu.memory_space<vmem>>, vector<16xf32>,
    %mul3A_663 = arith.mulf %get3A_648, %get3A_656 : vector<16xf32>
    %mul3A_664 = arith.mulf %get3A_648, %get3A_648 : vector<16xf32>
    %mul3A_665 = arith.mulf %get3A_656, %get3A_656 : vector<16xf32>
    %mul3A_666 = arith.mulf %get3A_650, %get3A_658 : vector<16xf32>
    %add3A_667 = arith.addf %mul3A_663, %mul3A_666 : vector<16xf32>
    %mul3A_668 = arith.mulf %get3A_650, %get3A_650 : vector<16xf32>
    %add3A_669 = arith.addf %mul3A_664, %mul3A_668 : vector<16xf32>
    %mul3A_670 = arith.mulf %get3A_658, %get3A_658 : vector<16xf32>
    %add3A_671 = arith.addf %mul3A_665, %mul3A_670 : vector<16xf32>
    %mul3A_672 = arith.mulf %get3A_652, %get3A_660 : vector<16xf32>
    %add3A_673 = arith.addf %add3A_667, %mul3A_672 : vector<16xf32>
    %mul3A_674 = arith.mulf %get3A_652, %get3A_652 : vector<16xf32>
    %add3A_675 = arith.addf %add3A_669, %mul3A_674 : vector<16xf32>
    %mul3A_676 = arith.mulf %get3A_660, %get3A_660 : vector<16xf32>
    %add3A_677 = arith.addf %add3A_671, %mul3A_676 : vector<16xf32>
    %mul3A_678 = arith.mulf %get3A_654, %get3A_662 : vector<16xf32>
    %add3A_679 = arith.addf %add3A_673, %mul3A_678 : vector<16xf32>
    %mul3A_680 = arith.mulf %get3A_654, %get3A_654 : vector<16xf32>
    %add3A_681 = arith.addf %add3A_675, %mul3A_680 : vector<16xf32>
    %mul3A_682 = arith.mulf %get3A_662, %get3A_662 : vector<16xf32>
    %add3A_683 = arith.addf %add3A_677, %mul3A_682 : vector<16xf32>
    %bitcast_convert_type3A_684 = tpu.bitcast %add3A_681 : vector<16xf32> -> vector<16xi32>
    %shift_right_arithmetic3A_685 = arith.constant 1 : i32
    %shift_right_arithmetic3A_686 = vector.broadcast %shift_right_arithmetic3A_685 : i32 to vector<16xi32>
    %shift_right_arithmetic3A_687 = arith.shrsi %bitcast_convert_type3A_684, %shift_right_arithmetic3A_686 : vector<16xi32>
    %sub3A_688 = arith.constant 1597463007 : i32
    %sub3A_689 = vector.broadcast %sub3A_688 : i32 to vector<16xi32>
    %sub3A_690 = arith.subi %sub3A_689, %shift_right_arithmetic3A_687 : vector<16xi32>
    %bitcast_convert_type3A_691 = tpu.bitcast %sub3A_690 : vector<16xi32> -> vector<16xf32>
    %mul3A_692 = arith.constant 5.000000e-01 : f32
    %mul3A_693 = vector.broadcast %mul3A_692 : f32 to vector<16xf32>
    %mul3A_694 = arith.mulf %mul3A_693, %add3A_681 : vector<16xf32>
    %mul3A_695 = arith.mulf %mul3A_694, %bitcast_convert_type3A_691 : vector<16xf32>
    %mul3A_696 = arith.mulf %mul3A_695, %bitcast_convert_type3A_691 : vector<16xf32>
    %sub3A_697 = arith.constant 1.500000e+00 : f32
    %sub3A_698 = vector.broadcast %sub3A_697 : f32 to vector<16xf32>
    %sub3A_699 = arith.subf %sub3A_698, %mul3A_696 : vector<16xf32>
    %mul3A_700 = arith.mulf %bitcast_convert_type3A_691, %sub3A_699 : vector<16xf32>
    %mul3A_701 = arith.constant 5.000000e-01 : f32
    %mul3A_702 = vector.broadcast %mul3A_701 : f32 to vector<16xf32>
    %mul3A_703 = arith.mulf %mul3A_702, %add3A_681 : vector<16xf32>
    %mul3A_704 = arith.mulf %mul3A_703, %mul3A_700 : vector<16xf32>
    %mul3A_705 = arith.mulf %mul3A_704, %mul3A_700 : vector<16xf32>
    %sub3A_706 = arith.constant 1.500000e+00 : f32
    %sub3A_707 = vector.broadcast %sub3A_706 : f32 to vector<16xf32>
    %sub3A_708 = arith.subf %sub3A_707, %mul3A_705 : vector<16xf32>
    %mul3A_709 = arith.mulf %mul3A_700, %sub3A_708 : vector<16xf32>
    %mul3A_710 = arith.constant 5.000000e-01 : f32
    %mul3A_711 = vector.broadcast %mul3A_710 : f32 to vector<16xf32>
    %mul3A_712 = arith.mulf %mul3A_711, %add3A_681 : vector<16xf32>
    %mul3A_713 = arith.mulf %mul3A_712, %mul3A_709 : vector<16xf32>
    %mul3A_714 = arith.mulf %mul3A_713, %mul3A_709 : vector<16xf32>
    %sub3A_715 = arith.constant 1.500000e+00 : f32
    %sub3A_716 = vector.broadcast %sub3A_715 : f32 to vector<16xf32>
    %sub3A_717 = arith.subf %sub3A_716, %mul3A_714 : vector<16xf32>
    %mul3A_718 = arith.mulf %mul3A_709, %sub3A_717 : vector<16xf32>
    %mul3A_719 = arith.mulf %add3A_679, %mul3A_718 : vector<16xf32>
    %bitcast_convert_type3A_720 = tpu.bitcast %add3A_683 : vector<16xf32> -> vector<16xi32>
    %shift_right_arithmetic3A_721 = arith.constant 1 : i32
    %shift_right_arithmetic3A_722 = vector.broadcast %shift_right_arithmetic3A_721 : i32 to vector<16xi32>
    %shift_right_arithmetic3A_723 = arith.shrsi %bitcast_convert_type3A_720, %shift_right_arithmetic3A_722 : vector<16xi32>
    %sub3A_724 = arith.constant 1597463007 : i32
    %sub3A_725 = vector.broadcast %sub3A_724 : i32 to vector<16xi32>
    %sub3A_726 = arith.subi %sub3A_725, %shift_right_arithmetic3A_723 : vector<16xi32>
    %bitcast_convert_type3A_727 = tpu.bitcast %sub3A_726 : vector<16xi32> -> vector<16xf32>
    %mul3A_728 = arith.constant 5.000000e-01 : f32
    %mul3A_729 = vector.broadcast %mul3A_728 : f32 to vector<16xf32>
    %mul3A_730 = arith.mulf %mul3A_729, %add3A_683 : vector<16xf32>
    %mul3A_731 = arith.mulf %mul3A_730, %bitcast_convert_type3A_727 : vector<16xf32>
    %mul3A_732 = arith.mulf %mul3A_731, %bitcast_convert_type3A_727 : vector<16xf32>
    %sub3A_733 = arith.constant 1.500000e+00 : f32
    %sub3A_734 = vector.broadcast %sub3A_733 : f32 to vector<16xf32>
    %sub3A_735 = arith.subf %sub3A_734, %mul3A_732 : vector<16xf32>
    %mul3A_736 = arith.mulf %bitcast_convert_type3A_727, %sub3A_735 : vector<16xf32>
    %mul3A_737 = arith.constant 5.000000e-01 : f32
    %mul3A_738 = vector.broadcast %mul3A_737 : f32 to vector<16xf32>
    %mul3A_739 = arith.mulf %mul3A_738, %add3A_683 : vector<16xf32>
    %mul3A_740 = arith.mulf %mul3A_739, %mul3A_736 : vector<16xf32>
    %mul3A_741 = arith.mulf %mul3A_740, %mul3A_736 : vector<16xf32>
    %sub3A_742 = arith.constant 1.500000e+00 : f32
    %sub3A_743 = vector.broadcast %sub3A_742 : f32 to vector<16xf32>
    %sub3A_744 = arith.subf %sub3A_743, %mul3A_741 : vector<16xf32>
    %mul3A_745 = arith.mulf %mul3A_736, %sub3A_744 : vector<16xf32>
    %mul3A_746 = arith.constant 5.000000e-01 : f32
    %mul3A_747 = vector.broadcast %mul3A_746 : f32 to vector<16xf32>
    %mul3A_748 = arith.mulf %mul3A_747, %add3A_683 : vector<16xf32>
    %mul3A_749 = arith.mulf %mul3A_748, %mul3A_745 : vector<16xf32>
    %mul3A_750 = arith.mulf %mul3A_749, %mul3A_745 : vector<16xf32>
    %sub3A_751 = arith.constant 1.500000e+00 : f32
    %sub3A_752 = vector.broadcast %sub3A_751 : f32 to vector<16xf32>
    %sub3A_753 = arith.subf %sub3A_752, %mul3A_750 : vector<16xf32>
    %mul3A_754 = arith.mulf %mul3A_745, %sub3A_753 : vector<16xf32>
    %mul3A_755 = arith.mulf %mul3A_719, %mul3A_754 : vector<16xf32>
    %swap3A_756 = arith.constant 80 : index
    %swap3A_757 = tpu.vector_load %arg11[%swap3A_756] {strides = array<i32>} : memref<512xf32, #tpu.memory_space<vmem>>, vector<16xf32>,
    tpu.vector_store %arg11[%swap3A_756], %mul3A_755 {strides = array<i32>} : memref<512xf32, #tpu.memory_space<vmem>>, vector<16xf32>,
    %get3A_758 = arith.constant 96 : index
    %get3A_759 = tpu.vector_load %arg9[%get3A_758] {strides = array<i32>} : memref<2048xf32, #tpu.memory_space<vmem>>, vector<16xf32>,
    %get3A_760 = arith.constant 608 : index
    %get3A_761 = tpu.vector_load %arg9[%get3A_760] {strides = array<i32>} : memref<2048xf32, #tpu.memory_space<vmem>>, vector<16xf32>,
    %get3A_762 = arith.constant 1120 : index
    %get3A_763 = tpu.vector_load %arg9[%get3A_762] {strides = array<i32>} : memref<2048xf32, #tpu.memory_space<vmem>>, vector<16xf32>,
    %get3A_764 = arith.constant 1632 : index
    %get3A_765 = tpu.vector_load %arg9[%get3A_764] {strides = array<i32>} : memref<2048xf32, #tpu.memory_space<vmem>>, vector<16xf32>,
    %get3A_766 = arith.constant 96 : index
    %get3A_767 = tpu.vector_load %arg10[%get3A_766] {strides = array<i32>} : memref<2048xf32, #tpu.memory_space<vmem>>, vector<16xf32>,
    %get3A_768 = arith.constant 608 : index
    %get3A_769 = tpu.vector_load %arg10[%get3A_768] {strides = array<i32>} : memref<2048xf32, #tpu.memory_space<vmem>>, vector<16xf32>,
    %get3A_770 = arith.constant 1120 : index
    %get3A_771 = tpu.vector_load %arg10[%get3A_770] {strides = array<i32>} : memref<2048xf32, #tpu.memory_space<vmem>>, vector<16xf32>,
    %get3A_772 = arith.constant 1632 : index
    %get3A_773 = tpu.vector_load %arg10[%get3A_772] {strides = array<i32>} : memref<2048xf32, #tpu.memory_space<vmem>>, vector<16xf32>,
    %mul3A_774 = arith.mulf %get3A_759, %get3A_767 : vector<16xf32>
    %mul3A_775 = arith.mulf %get3A_759, %get3A_759 : vector<16xf32>
    %mul3A_776 = arith.mulf %get3A_767, %get3A_767 : vector<16xf32>
    %mul3A_777 = arith.mulf %get3A_761, %get3A_769 : vector<16xf32>
    %add3A_778 = arith.addf %mul3A_774, %mul3A_777 : vector<16xf32>
    %mul3A_779 = arith.mulf %get3A_761, %get3A_761 : vector<16xf32>
    %add3A_780 = arith.addf %mul3A_775, %mul3A_779 : vector<16xf32>
    %mul3A_781 = arith.mulf %get3A_769, %get3A_769 : vector<16xf32>
    %add3A_782 = arith.addf %mul3A_776, %mul3A_781 : vector<16xf32>
    %mul3A_783 = arith.mulf %get3A_763, %get3A_771 : vector<16xf32>
    %add3A_784 = arith.addf %add3A_778, %mul3A_783 : vector<16xf32>
    %mul3A_785 = arith.mulf %get3A_763, %get3A_763 : vector<16xf32>
    %add3A_786 = arith.addf %add3A_780, %mul3A_785 : vector<16xf32>
    %mul3A_787 = arith.mulf %get3A_771, %get3A_771 : vector<16xf32>
    %add3A_788 = arith.addf %add3A_782, %mul3A_787 : vector<16xf32>
    %mul3A_789 = arith.mulf %get3A_765, %get3A_773 : vector<16xf32>
    %add3A_790 = arith.addf %add3A_784, %mul3A_789 : vector<16xf32>
    %mul3A_791 = arith.mulf %get3A_765, %get3A_765 : vector<16xf32>
    %add3A_792 = arith.addf %add3A_786, %mul3A_791 : vector<16xf32>
    %mul3A_793 = arith.mulf %get3A_773, %get3A_773 : vector<16xf32>
    %add3A_794 = arith.addf %add3A_788, %mul3A_793 : vector<16xf32>
    %bitcast_convert_type3A_795 = tpu.bitcast %add3A_792 : vector<16xf32> -> vector<16xi32>
    %shift_right_arithmetic3A_796 = arith.constant 1 : i32
    %shift_right_arithmetic3A_797 = vector.broadcast %shift_right_arithmetic3A_796 : i32 to vector<16xi32>
    %shift_right_arithmetic3A_798 = arith.shrsi %bitcast_convert_type3A_795, %shift_right_arithmetic3A_797 : vector<16xi32>
    %sub3A_799 = arith.constant 1597463007 : i32
    %sub3A_800 = vector.broadcast %sub3A_799 : i32 to vector<16xi32>
    %sub3A_801 = arith.subi %sub3A_800, %shift_right_arithmetic3A_798 : vector<16xi32>
    %bitcast_convert_type3A_802 = tpu.bitcast %sub3A_801 : vector<16xi32> -> vector<16xf32>
    %mul3A_803 = arith.constant 5.000000e-01 : f32
    %mul3A_804 = vector.broadcast %mul3A_803 : f32 to vector<16xf32>
    %mul3A_805 = arith.mulf %mul3A_804, %add3A_792 : vector<16xf32>
    %mul3A_806 = arith.mulf %mul3A_805, %bitcast_convert_type3A_802 : vector<16xf32>
    %mul3A_807 = arith.mulf %mul3A_806, %bitcast_convert_type3A_802 : vector<16xf32>
    %sub3A_808 = arith.constant 1.500000e+00 : f32
    %sub3A_809 = vector.broadcast %sub3A_808 : f32 to vector<16xf32>
    %sub3A_810 = arith.subf %sub3A_809, %mul3A_807 : vector<16xf32>
    %mul3A_811 = arith.mulf %bitcast_convert_type3A_802, %sub3A_810 : vector<16xf32>
    %mul3A_812 = arith.constant 5.000000e-01 : f32
    %mul3A_813 = vector.broadcast %mul3A_812 : f32 to vector<16xf32>
    %mul3A_814 = arith.mulf %mul3A_813, %add3A_792 : vector<16xf32>
    %mul3A_815 = arith.mulf %mul3A_814, %mul3A_811 : vector<16xf32>
    %mul3A_816 = arith.mulf %mul3A_815, %mul3A_811 : vector<16xf32>
    %sub3A_817 = arith.constant 1.500000e+00 : f32
    %sub3A_818 = vector.broadcast %sub3A_817 : f32 to vector<16xf32>
    %sub3A_819 = arith.subf %sub3A_818, %mul3A_816 : vector<16xf32>
    %mul3A_820 = arith.mulf %mul3A_811, %sub3A_819 : vector<16xf32>
    %mul3A_821 = arith.constant 5.000000e-01 : f32
    %mul3A_822 = vector.broadcast %mul3A_821 : f32 to vector<16xf32>
    %mul3A_823 = arith.mulf %mul3A_822, %add3A_792 : vector<16xf32>
    %mul3A_824 = arith.mulf %mul3A_823, %mul3A_820 : vector<16xf32>
    %mul3A_825 = arith.mulf %mul3A_824, %mul3A_820 : vector<16xf32>
    %sub3A_826 = arith.constant 1.500000e+00 : f32
    %sub3A_827 = vector.broadcast %sub3A_826 : f32 to vector<16xf32>
    %sub3A_828 = arith.subf %sub3A_827, %mul3A_825 : vector<16xf32>
    %mul3A_829 = arith.mulf %mul3A_820, %sub3A_828 : vector<16xf32>
    %mul3A_830 = arith.mulf %add3A_790, %mul3A_829 : vector<16xf32>
    %bitcast_convert_type3A_831 = tpu.bitcast %add3A_794 : vector<16xf32> -> vector<16xi32>
    %shift_right_arithmetic3A_832 = arith.constant 1 : i32
    %shift_right_arithmetic3A_833 = vector.broadcast %shift_right_arithmetic3A_832 : i32 to vector<16xi32>
    %shift_right_arithmetic3A_834 = arith.shrsi %bitcast_convert_type3A_831, %shift_right_arithmetic3A_833 : vector<16xi32>
    %sub3A_835 = arith.constant 1597463007 : i32
    %sub3A_836 = vector.broadcast %sub3A_835 : i32 to vector<16xi32>
    %sub3A_837 = arith.subi %sub3A_836, %shift_right_arithmetic3A_834 : vector<16xi32>
    %bitcast_convert_type3A_838 = tpu.bitcast %sub3A_837 : vector<16xi32> -> vector<16xf32>
    %mul3A_839 = arith.constant 5.000000e-01 : f32
    %mul3A_840 = vector.broadcast %mul3A_839 : f32 to vector<16xf32>
    %mul3A_841 = arith.mulf %mul3A_840, %add3A_794 : vector<16xf32>
    %mul3A_842 = arith.mulf %mul3A_841, %bitcast_convert_type3A_838 : vector<16xf32>
    %mul3A_843 = arith.mulf %mul3A_842, %bitcast_convert_type3A_838 : vector<16xf32>
    %sub3A_844 = arith.constant 1.500000e+00 : f32
    %sub3A_845 = vector.broadcast %sub3A_844 : f32 to vector<16xf32>
    %sub3A_846 = arith.subf %sub3A_845, %mul3A_843 : vector<16xf32>
    %mul3A_847 = arith.mulf %bitcast_convert_type3A_838, %sub3A_846 : vector<16xf32>
    %mul3A_848 = arith.constant 5.000000e-01 : f32
    %mul3A_849 = vector.broadcast %mul3A_848 : f32 to vector<16xf32>
    %mul3A_850 = arith.mulf %mul3A_849, %add3A_794 : vector<16xf32>
    %mul3A_851 = arith.mulf %mul3A_850, %mul3A_847 : vector<16xf32>
    %mul3A_852 = arith.mulf %mul3A_851, %mul3A_847 : vector<16xf32>
    %sub3A_853 = arith.constant 1.500000e+00 : f32
    %sub3A_854 = vector.broadcast %sub3A_853 : f32 to vector<16xf32>
    %sub3A_855 = arith.subf %sub3A_854, %mul3A_852 : vector<16xf32>
    %mul3A_856 = arith.mulf %mul3A_847, %sub3A_855 : vector<16xf32>
    %mul3A_857 = arith.constant 5.000000e-01 : f32
    %mul3A_858 = vector.broadcast %mul3A_857 : f32 to vector<16xf32>
    %mul3A_859 = arith.mulf %mul3A_858, %add3A_794 : vector<16xf32>
    %mul3A_860 = arith.mulf %mul3A_859, %mul3A_856 : vector<16xf32>
    %mul3A_861 = arith.mulf %mul3A_860, %mul3A_856 : vector<16xf32>
    %sub3A_862 = arith.constant 1.500000e+00 : f32
    %sub3A_863 = vector.broadcast %sub3A_862 : f32 to vector<16xf32>
    %sub3A_864 = arith.subf %sub3A_863, %mul3A_861 : vector<16xf32>
    %mul3A_865 = arith.mulf %mul3A_856, %sub3A_864 : vector<16xf32>
    %mul3A_866 = arith.mulf %mul3A_830, %mul3A_865 : vector<16xf32>
    %swap3A_867 = arith.constant 96 : index
    %swap3A_868 = tpu.vector_load %arg11[%swap3A_867] {strides = array<i32>} : memref<512xf32, #tpu.memory_space<vmem>>, vector<16xf32>,
    tpu.vector_store %arg11[%swap3A_867], %mul3A_866 {strides = array<i32>} : memref<512xf32, #tpu.memory_space<vmem>>, vector<16xf32>,
    %get3A_869 = arith.constant 112 : index
    %get3A_870 = tpu.vector_load %arg9[%get3A_869] {strides = array<i32>} : memref<2048xf32, #tpu.memory_space<vmem>>, vector<16xf32>,
    %get3A_871 = arith.constant 624 : index
    %get3A_872 = tpu.vector_load %arg9[%get3A_871] {strides = array<i32>} : memref<2048xf32, #tpu.memory_space<vmem>>, vector<16xf32>,
    %get3A_873 = arith.constant 1136 : index
    %get3A_874 = tpu.vector_load %arg9[%get3A_873] {strides = array<i32>} : memref<2048xf32, #tpu.memory_space<vmem>>, vector<16xf32>,
    %get3A_875 = arith.constant 1648 : index
    %get3A_876 = tpu.vector_load %arg9[%get3A_875] {strides = array<i32>} : memref<2048xf32, #tpu.memory_space<vmem>>, vector<16xf32>,
    %get3A_877 = arith.constant 112 : index
    %get3A_878 = tpu.vector_load %arg10[%get3A_877] {strides = array<i32>} : memref<2048xf32, #tpu.memory_space<vmem>>, vector<16xf32>,
    %get3A_879 = arith.constant 624 : index
    %get3A_880 = tpu.vector_load %arg10[%get3A_879] {strides = array<i32>} : memref<2048xf32, #tpu.memory_space<vmem>>, vector<16xf32>,
    %get3A_881 = arith.constant 1136 : index
    %get3A_882 = tpu.vector_load %arg10[%get3A_881] {strides = array<i32>} : memref<2048xf32, #tpu.memory_space<vmem>>, vector<16xf32>,
    %get3A_883 = arith.constant 1648 : index
    %get3A_884 = tpu.vector_load %arg10[%get3A_883] {strides = array<i32>} : memref<2048xf32, #tpu.memory_space<vmem>>, vector<16xf32>,
    %mul3A_885 = arith.mulf %get3A_870, %get3A_878 : vector<16xf32>
    %mul3A_886 = arith.mulf %get3A_870, %get3A_870 : vector<16xf32>
    %mul3A_887 = arith.mulf %get3A_878, %get3A_878 : vector<16xf32>
    %mul3A_888 = arith.mulf %get3A_872, %get3A_880 : vector<16xf32>
    %add3A_889 = arith.addf %mul3A_885, %mul3A_888 : vector<16xf32>
    %mul3A_890 = arith.mulf %get3A_872, %get3A_872 : vector<16xf32>
    %add3A_891 = arith.addf %mul3A_886, %mul3A_890 : vector<16xf32>
    %mul3A_892 = arith.mulf %get3A_880, %get3A_880 : vector<16xf32>
    %add3A_893 = arith.addf %mul3A_887, %mul3A_892 : vector<16xf32>
    %mul3A_894 = arith.mulf %get3A_874, %get3A_882 : vector<16xf32>
    %add3A_895 = arith.addf %add3A_889, %mul3A_894 : vector<16xf32>
    %mul3A_896 = arith.mulf %get3A_874, %get3A_874 : vector<16xf32>
    %add3A_897 = arith.addf %add3A_891, %mul3A_896 : vector<16xf32>
    %mul3A_898 = arith.mulf %get3A_882, %get3A_882 : vector<16xf32>
    %add3A_899 = arith.addf %add3A_893, %mul3A_898 : vector<16xf32>
    %mul3A_900 = arith.mulf %get3A_876, %get3A_884 : vector<16xf32>
    %add3A_901 = arith.addf %add3A_895, %mul3A_900 : vector<16xf32>
    %mul3A_902 = arith.mulf %get3A_876, %get3A_876 : vector<16xf32>
    %add3A_903 = arith.addf %add3A_897, %mul3A_902 : vector<16xf32>
    %mul3A_904 = arith.mulf %get3A_884, %get3A_884 : vector<16xf32>
    %add3A_905 = arith.addf %add3A_899, %mul3A_904 : vector<16xf32>
    %bitcast_convert_type3A_906 = tpu.bitcast %add3A_903 : vector<16xf32> -> vector<16xi32>
    %shift_right_arithmetic3A_907 = arith.constant 1 : i32
    %shift_right_arithmetic3A_908 = vector.broadcast %shift_right_arithmetic3A_907 : i32 to vector<16xi32>
    %shift_right_arithmetic3A_909 = arith.shrsi %bitcast_convert_type3A_906, %shift_right_arithmetic3A_908 : vector<16xi32>
    %sub3A_910 = arith.constant 1597463007 : i32
    %sub3A_911 = vector.broadcast %sub3A_910 : i32 to vector<16xi32>
    %sub3A_912 = arith.subi %sub3A_911, %shift_right_arithmetic3A_909 : vector<16xi32>
    %bitcast_convert_type3A_913 = tpu.bitcast %sub3A_912 : vector<16xi32> -> vector<16xf32>
    %mul3A_914 = arith.constant 5.000000e-01 : f32
    %mul3A_915 = vector.broadcast %mul3A_914 : f32 to vector<16xf32>
    %mul3A_916 = arith.mulf %mul3A_915, %add3A_903 : vector<16xf32>
    %mul3A_917 = arith.mulf %mul3A_916, %bitcast_convert_type3A_913 : vector<16xf32>
    %mul3A_918 = arith.mulf %mul3A_917, %bitcast_convert_type3A_913 : vector<16xf32>
    %sub3A_919 = arith.constant 1.500000e+00 : f32
    %sub3A_920 = vector.broadcast %sub3A_919 : f32 to vector<16xf32>
    %sub3A_921 = arith.subf %sub3A_920, %mul3A_918 : vector<16xf32>
    %mul3A_922 = arith.mulf %bitcast_convert_type3A_913, %sub3A_921 : vector<16xf32>
    %mul3A_923 = arith.constant 5.000000e-01 : f32
    %mul3A_924 = vector.broadcast %mul3A_923 : f32 to vector<16xf32>
    %mul3A_925 = arith.mulf %mul3A_924, %add3A_903 : vector<16xf32>
    %mul3A_926 = arith.mulf %mul3A_925, %mul3A_922 : vector<16xf32>
    %mul3A_927 = arith.mulf %mul3A_926, %mul3A_922 : vector<16xf32>
    %sub3A_928 = arith.constant 1.500000e+00 : f32
    %sub3A_929 = vector.broadcast %sub3A_928 : f32 to vector<16xf32>
    %sub3A_930 = arith.subf %sub3A_929, %mul3A_927 : vector<16xf32>
    %mul3A_931 = arith.mulf %mul3A_922, %sub3A_930 : vector<16xf32>
    %mul3A_932 = arith.constant 5.000000e-01 : f32
    %mul3A_933 = vector.broadcast %mul3A_932 : f32 to vector<16xf32>
    %mul3A_934 = arith.mulf %mul3A_933, %add3A_903 : vector<16xf32>
    %mul3A_935 = arith.mulf %mul3A_934, %mul3A_931 : vector<16xf32>
    %mul3A_936 = arith.mulf %mul3A_935, %mul3A_931 : vector<16xf32>
    %sub3A_937 = arith.constant 1.500000e+00 : f32
    %sub3A_938 = vector.broadcast %sub3A_937 : f32 to vector<16xf32>
    %sub3A_939 = arith.subf %sub3A_938, %mul3A_936 : vector<16xf32>
    %mul3A_940 = arith.mulf %mul3A_931, %sub3A_939 : vector<16xf32>
    %mul3A_941 = arith.mulf %add3A_901, %mul3A_940 : vector<16xf32>
    %bitcast_convert_type3A_942 = tpu.bitcast %add3A_905 : vector<16xf32> -> vector<16xi32>
    %shift_right_arithmetic3A_943 = arith.constant 1 : i32
    %shift_right_arithmetic3A_944 = vector.broadcast %shift_right_arithmetic3A_943 : i32 to vector<16xi32>
    %shift_right_arithmetic3A_945 = arith.shrsi %bitcast_convert_type3A_942, %shift_right_arithmetic3A_944 : vector<16xi32>
    %sub3A_946 = arith.constant 1597463007 : i32
    %sub3A_947 = vector.broadcast %sub3A_946 : i32 to vector<16xi32>
    %sub3A_948 = arith.subi %sub3A_947, %shift_right_arithmetic3A_945 : vector<16xi32>
    %bitcast_convert_type3A_949 = tpu.bitcast %sub3A_948 : vector<16xi32> -> vector<16xf32>
    %mul3A_950 = arith.constant 5.000000e-01 : f32
    %mul3A_951 = vector.broadcast %mul3A_950 : f32 to vector<16xf32>
    %mul3A_952 = arith.mulf %mul3A_951, %add3A_905 : vector<16xf32>
    %mul3A_953 = arith.mulf %mul3A_952, %bitcast_convert_type3A_949 : vector<16xf32>
    %mul3A_954 = arith.mulf %mul3A_953, %bitcast_convert_type3A_949 : vector<16xf32>
    %sub3A_955 = arith.constant 1.500000e+00 : f32
    %sub3A_956 = vector.broadcast %sub3A_955 : f32 to vector<16xf32>
    %sub3A_957 = arith.subf %sub3A_956, %mul3A_954 : vector<16xf32>
    %mul3A_958 = arith.mulf %bitcast_convert_type3A_949, %sub3A_957 : vector<16xf32>
    %mul3A_959 = arith.constant 5.000000e-01 : f32
    %mul3A_960 = vector.broadcast %mul3A_959 : f32 to vector<16xf32>
    %mul3A_961 = arith.mulf %mul3A_960, %add3A_905 : vector<16xf32>
    %mul3A_962 = arith.mulf %mul3A_961, %mul3A_958 : vector<16xf32>
    %mul3A_963 = arith.mulf %mul3A_962, %mul3A_958 : vector<16xf32>
    %sub3A_964 = arith.constant 1.500000e+00 : f32
    %sub3A_965 = vector.broadcast %sub3A_964 : f32 to vector<16xf32>
    %sub3A_966 = arith.subf %sub3A_965, %mul3A_963 : vector<16xf32>
    %mul3A_967 = arith.mulf %mul3A_958, %sub3A_966 : vector<16xf32>
    %mul3A_968 = arith.constant 5.000000e-01 : f32
    %mul3A_969 = vector.broadcast %mul3A_968 : f32 to vector<16xf32>
    %mul3A_970 = arith.mulf %mul3A_969, %add3A_905 : vector<16xf32>
    %mul3A_971 = arith.mulf %mul3A_970, %mul3A_967 : vector<16xf32>
    %mul3A_972 = arith.mulf %mul3A_971, %mul3A_967 : vector<16xf32>
    %sub3A_973 = arith.constant 1.500000e+00 : f32
    %sub3A_974 = vector.broadcast %sub3A_973 : f32 to vector<16xf32>
    %sub3A_975 = arith.subf %sub3A_974, %mul3A_972 : vector<16xf32>
    %mul3A_976 = arith.mulf %mul3A_967, %sub3A_975 : vector<16xf32>
    %mul3A_977 = arith.mulf %mul3A_941, %mul3A_976 : vector<16xf32>
    %swap3A_978 = arith.constant 112 : index
    %swap3A_979 = tpu.vector_load %arg11[%swap3A_978] {strides = array<i32>} : memref<512xf32, #tpu.memory_space<vmem>>, vector<16xf32>,
    tpu.vector_store %arg11[%swap3A_978], %mul3A_977 {strides = array<i32>} : memref<512xf32, #tpu.memory_space<vmem>>, vector<16xf32>,
    %get3A_980 = arith.constant 128 : index
    %get3A_981 = tpu.vector_load %arg9[%get3A_980] {strides = array<i32>} : memref<2048xf32, #tpu.memory_space<vmem>>, vector<16xf32>,
    %get3A_982 = arith.constant 640 : index
    %get3A_983 = tpu.vector_load %arg9[%get3A_982] {strides = array<i32>} : memref<2048xf32, #tpu.memory_space<vmem>>, vector<16xf32>,
    %get3A_984 = arith.constant 1152 : index
    %get3A_985 = tpu.vector_load %arg9[%get3A_984] {strides = array<i32>} : memref<2048xf32, #tpu.memory_space<vmem>>, vector<16xf32>,
    %get3A_986 = arith.constant 1664 : index
    %get3A_987 = tpu.vector_load %arg9[%get3A_986] {strides = array<i32>} : memref<2048xf32, #tpu.memory_space<vmem>>, vector<16xf32>,
    %get3A_988 = arith.constant 128 : index
    %get3A_989 = tpu.vector_load %arg10[%get3A_988] {strides = array<i32>} : memref<2048xf32, #tpu.memory_space<vmem>>, vector<16xf32>,
    %get3A_990 = arith.constant 640 : index
    %get3A_991 = tpu.vector_load %arg10[%get3A_990] {strides = array<i32>} : memref<2048xf32, #tpu.memory_space<vmem>>, vector<16xf32>,
    %get3A_992 = arith.constant 1152 : index
    %get3A_993 = tpu.vector_load %arg10[%get3A_992] {strides = array<i32>} : memref<2048xf32, #tpu.memory_space<vmem>>, vector<16xf32>,
    %get3A_994 = arith.constant 1664 : index
    %get3A_995 = tpu.vector_load %arg10[%get3A_994] {strides = array<i32>} : memref<2048xf32, #tpu.memory_space<vmem>>, vector<16xf32>,
    %mul3A_996 = arith.mulf %get3A_981, %get3A_989 : vector<16xf32>
    %mul3A_997 = arith.mulf %get3A_981, %get3A_981 : vector<16xf32>
    %mul3A_998 = arith.mulf %get3A_989, %get3A_989 : vector<16xf32>
    %mul3A_999 = arith.mulf %get3A_983, %get3A_991 : vector<16xf32>
    %add3A_1000 = arith.addf %mul3A_996, %mul3A_999 : vector<16xf32>
    %mul3A_1001 = arith.mulf %get3A_983, %get3A_983 : vector<16xf32>
    %add3A_1002 = arith.addf %mul3A_997, %mul3A_1001 : vector<16xf32>
    %mul3A_1003 = arith.mulf %get3A_991, %get3A_991 : vector<16xf32>
    %add3A_1004 = arith.addf %mul3A_998, %mul3A_1003 : vector<16xf32>
    %mul3A_1005 = arith.mulf %get3A_985, %get3A_993 : vector<16xf32>
    %add3A_1006 = arith.addf %add3A_1000, %mul3A_1005 : vector<16xf32>
    %mul3A_1007 = arith.mulf %get3A_985, %get3A_985 : vector<16xf32>
    %add3A_1008 = arith.addf %add3A_1002, %mul3A_1007 : vector<16xf32>
    %mul3A_1009 = arith.mulf %get3A_993, %get3A_993 : vector<16xf32>
    %add3A_1010 = arith.addf %add3A_1004, %mul3A_1009 : vector<16xf32>
    %mul3A_1011 = arith.mulf %get3A_987, %get3A_995 : vector<16xf32>
    %add3A_1012 = arith.addf %add3A_1006, %mul3A_1011 : vector<16xf32>
    %mul3A_1013 = arith.mulf %get3A_987, %get3A_987 : vector<16xf32>
    %add3A_1014 = arith.addf %add3A_1008, %mul3A_1013 : vector<16xf32>
    %mul3A_1015 = arith.mulf %get3A_995, %get3A_995 : vector<16xf32>
    %add3A_1016 = arith.addf %add3A_1010, %mul3A_1015 : vector<16xf32>
    %bitcast_convert_type3A_1017 = tpu.bitcast %add3A_1014 : vector<16xf32> -> vector<16xi32>
    %shift_right_arithmetic3A_1018 = arith.constant 1 : i32
    %shift_right_arithmetic3A_1019 = vector.broadcast %shift_right_arithmetic3A_1018 : i32 to vector<16xi32>
    %shift_right_arithmetic3A_1020 = arith.shrsi %bitcast_convert_type3A_1017, %shift_right_arithmetic3A_1019 : vector<16xi32>
    %sub3A_1021 = arith.constant 1597463007 : i32
    %sub3A_1022 = vector.broadcast %sub3A_1021 : i32 to vector<16xi32>
    %sub3A_1023 = arith.subi %sub3A_1022, %shift_right_arithmetic3A_1020 : vector<16xi32>
    %bitcast_convert_type3A_1024 = tpu.bitcast %sub3A_1023 : vector<16xi32> -> vector<16xf32>
    %mul3A_1025 = arith.constant 5.000000e-01 : f32
    %mul3A_1026 = vector.broadcast %mul3A_1025 : f32 to vector<16xf32>
    %mul3A_1027 = arith.mulf %mul3A_1026, %add3A_1014 : vector<16xf32>
    %mul3A_1028 = arith.mulf %mul3A_1027, %bitcast_convert_type3A_1024 : vector<16xf32>
    %mul3A_1029 = arith.mulf %mul3A_1028, %bitcast_convert_type3A_1024 : vector<16xf32>
    %sub3A_1030 = arith.constant 1.500000e+00 : f32
    %sub3A_1031 = vector.broadcast %sub3A_1030 : f32 to vector<16xf32>
    %sub3A_1032 = arith.subf %sub3A_1031, %mul3A_1029 : vector<16xf32>
    %mul3A_1033 = arith.mulf %bitcast_convert_type3A_1024, %sub3A_1032 : vector<16xf32>
    %mul3A_1034 = arith.constant 5.000000e-01 : f32
    %mul3A_1035 = vector.broadcast %mul3A_1034 : f32 to vector<16xf32>
    %mul3A_1036 = arith.mulf %mul3A_1035, %add3A_1014 : vector<16xf32>
    %mul3A_1037 = arith.mulf %mul3A_1036, %mul3A_1033 : vector<16xf32>
    %mul3A_1038 = arith.mulf %mul3A_1037, %mul3A_1033 : vector<16xf32>
    %sub3A_1039 = arith.constant 1.500000e+00 : f32
    %sub3A_1040 = vector.broadcast %sub3A_1039 : f32 to vector<16xf32>
    %sub3A_1041 = arith.subf %sub3A_1040, %mul3A_1038 : vector<16xf32>
    %mul3A_1042 = arith.mulf %mul3A_1033, %sub3A_1041 : vector<16xf32>
    %mul3A_1043 = arith.constant 5.000000e-01 : f32
    %mul3A_1044 = vector.broadcast %mul3A_1043 : f32 to vector<16xf32>
    %mul3A_1045 = arith.mulf %mul3A_1044, %add3A_1014 : vector<16xf32>
    %mul3A_1046 = arith.mulf %mul3A_1045, %mul3A_1042 : vector<16xf32>
    %mul3A_1047 = arith.mulf %mul3A_1046, %mul3A_1042 : vector<16xf32>
    %sub3A_1048 = arith.constant 1.500000e+00 : f32
    %sub3A_1049 = vector.broadcast %sub3A_1048 : f32 to vector<16xf32>
    %sub3A_1050 = arith.subf %sub3A_1049, %mul3A_1047 : vector<16xf32>
    %mul3A_1051 = arith.mulf %mul3A_1042, %sub3A_1050 : vector<16xf32>
    %mul3A_1052 = arith.mulf %add3A_1012, %mul3A_1051 : vector<16xf32>
    %bitcast_convert_type3A_1053 = tpu.bitcast %add3A_1016 : vector<16xf32> -> vector<16xi32>
    %shift_right_arithmetic3A_1054 = arith.constant 1 : i32
    %shift_right_arithmetic3A_1055 = vector.broadcast %shift_right_arithmetic3A_1054 : i32 to vector<16xi32>
    %shift_right_arithmetic3A_1056 = arith.shrsi %bitcast_convert_type3A_1053, %shift_right_arithmetic3A_1055 : vector<16xi32>
    %sub3A_1057 = arith.constant 1597463007 : i32
    %sub3A_1058 = vector.broadcast %sub3A_1057 : i32 to vector<16xi32>
    %sub3A_1059 = arith.subi %sub3A_1058, %shift_right_arithmetic3A_1056 : vector<16xi32>
    %bitcast_convert_type3A_1060 = tpu.bitcast %sub3A_1059 : vector<16xi32> -> vector<16xf32>
    %mul3A_1061 = arith.constant 5.000000e-01 : f32
    %mul3A_1062 = vector.broadcast %mul3A_1061 : f32 to vector<16xf32>
    %mul3A_1063 = arith.mulf %mul3A_1062, %add3A_1016 : vector<16xf32>
    %mul3A_1064 = arith.mulf %mul3A_1063, %bitcast_convert_type3A_1060 : vector<16xf32>
    %mul3A_1065 = arith.mulf %mul3A_1064, %bitcast_convert_type3A_1060 : vector<16xf32>
    %sub3A_1066 = arith.constant 1.500000e+00 : f32
    %sub3A_1067 = vector.broadcast %sub3A_1066 : f32 to vector<16xf32>
    %sub3A_1068 = arith.subf %sub3A_1067, %mul3A_1065 : vector<16xf32>
    %mul3A_1069 = arith.mulf %bitcast_convert_type3A_1060, %sub3A_1068 : vector<16xf32>
    %mul3A_1070 = arith.constant 5.000000e-01 : f32
    %mul3A_1071 = vector.broadcast %mul3A_1070 : f32 to vector<16xf32>
    %mul3A_1072 = arith.mulf %mul3A_1071, %add3A_1016 : vector<16xf32>
    %mul3A_1073 = arith.mulf %mul3A_1072, %mul3A_1069 : vector<16xf32>
    %mul3A_1074 = arith.mulf %mul3A_1073, %mul3A_1069 : vector<16xf32>
    %sub3A_1075 = arith.constant 1.500000e+00 : f32
    %sub3A_1076 = vector.broadcast %sub3A_1075 : f32 to vector<16xf32>
    %sub3A_1077 = arith.subf %sub3A_1076, %mul3A_1074 : vector<16xf32>
    %mul3A_1078 = arith.mulf %mul3A_1069, %sub3A_1077 : vector<16xf32>
    %mul3A_1079 = arith.constant 5.000000e-01 : f32
    %mul3A_1080 = vector.broadcast %mul3A_1079 : f32 to vector<16xf32>
    %mul3A_1081 = arith.mulf %mul3A_1080, %add3A_1016 : vector<16xf32>
    %mul3A_1082 = arith.mulf %mul3A_1081, %mul3A_1078 : vector<16xf32>
    %mul3A_1083 = arith.mulf %mul3A_1082, %mul3A_1078 : vector<16xf32>
    %sub3A_1084 = arith.constant 1.500000e+00 : f32
    %sub3A_1085 = vector.broadcast %sub3A_1084 : f32 to vector<16xf32>
    %sub3A_1086 = arith.subf %sub3A_1085, %mul3A_1083 : vector<16xf32>
    %mul3A_1087 = arith.mulf %mul3A_1078, %sub3A_1086 : vector<16xf32>
    %mul3A_1088 = arith.mulf %mul3A_1052, %mul3A_1087 : vector<16xf32>
    %swap3A_1089 = arith.constant 128 : index
    %swap3A_1090 = tpu.vector_load %arg11[%swap3A_1089] {strides = array<i32>} : memref<512xf32, #tpu.memory_space<vmem>>, vector<16xf32>,
    tpu.vector_store %arg11[%swap3A_1089], %mul3A_1088 {strides = array<i32>} : memref<512xf32, #tpu.memory_space<vmem>>, vector<16xf32>,
    %get3A_1091 = arith.constant 144 : index
    %get3A_1092 = tpu.vector_load %arg9[%get3A_1091] {strides = array<i32>} : memref<2048xf32, #tpu.memory_space<vmem>>, vector<16xf32>,
    %get3A_1093 = arith.constant 656 : index
    %get3A_1094 = tpu.vector_load %arg9[%get3A_1093] {strides = array<i32>} : memref<2048xf32, #tpu.memory_space<vmem>>, vector<16xf32>,
    %get3A_1095 = arith.constant 1168 : index
    %get3A_1096 = tpu.vector_load %arg9[%get3A_1095] {strides = array<i32>} : memref<2048xf32, #tpu.memory_space<vmem>>, vector<16xf32>,
    %get3A_1097 = arith.constant 1680 : index
    %get3A_1098 = tpu.vector_load %arg9[%get3A_1097] {strides = array<i32>} : memref<2048xf32, #tpu.memory_space<vmem>>, vector<16xf32>,
    %get3A_1099 = arith.constant 144 : index
    %get3A_1100 = tpu.vector_load %arg10[%get3A_1099] {strides = array<i32>} : memref<2048xf32, #tpu.memory_space<vmem>>, vector<16xf32>,
    %get3A_1101 = arith.constant 656 : index
    %get3A_1102 = tpu.vector_load %arg10[%get3A_1101] {strides = array<i32>} : memref<2048xf32, #tpu.memory_space<vmem>>, vector<16xf32>,
    %get3A_1103 = arith.constant 1168 : index
    %get3A_1104 = tpu.vector_load %arg10[%get3A_1103] {strides = array<i32>} : memref<2048xf32, #tpu.memory_space<vmem>>, vector<16xf32>,
    %get3A_1105 = arith.constant 1680 : index
    %get3A_1106 = tpu.vector_load %arg10[%get3A_1105] {strides = array<i32>} : memref<2048xf32, #tpu.memory_space<vmem>>, vector<16xf32>,
    %mul3A_1107 = arith.mulf %get3A_1092, %get3A_1100 : vector<16xf32>
    %mul3A_1108 = arith.mulf %get3A_1092, %get3A_1092 : vector<16xf32>
    %mul3A_1109 = arith.mulf %get3A_1100, %get3A_1100 : vector<16xf32>
    %mul3A_1110 = arith.mulf %get3A_1094, %get3A_1102 : vector<16xf32>
    %add3A_1111 = arith.addf %mul3A_1107, %mul3A_1110 : vector<16xf32>
    %mul3A_1112 = arith.mulf %get3A_1094, %get3A_1094 : vector<16xf32>
    %add3A_1113 = arith.addf %mul3A_1108, %mul3A_1112 : vector<16xf32>
    %mul3A_1114 = arith.mulf %get3A_1102, %get3A_1102 : vector<16xf32>
    %add3A_1115 = arith.addf %mul3A_1109, %mul3A_1114 : vector<16xf32>
    %mul3A_1116 = arith.mulf %get3A_1096, %get3A_1104 : vector<16xf32>
    %add3A_1117 = arith.addf %add3A_1111, %mul3A_1116 : vector<16xf32>
    %mul3A_1118 = arith.mulf %get3A_1096, %get3A_1096 : vector<16xf32>
    %add3A_1119 = arith.addf %add3A_1113, %mul3A_1118 : vector<16xf32>
    %mul3A_1120 = arith.mulf %get3A_1104, %get3A_1104 : vector<16xf32>
    %add3A_1121 = arith.addf %add3A_1115, %mul3A_1120 : vector<16xf32>
    %mul3A_1122 = arith.mulf %get3A_1098, %get3A_1106 : vector<16xf32>
    %add3A_1123 = arith.addf %add3A_1117, %mul3A_1122 : vector<16xf32>
    %mul3A_1124 = arith.mulf %get3A_1098, %get3A_1098 : vector<16xf32>
    %add3A_1125 = arith.addf %add3A_1119, %mul3A_1124 : vector<16xf32>
    %mul3A_1126 = arith.mulf %get3A_1106, %get3A_1106 : vector<16xf32>
    %add3A_1127 = arith.addf %add3A_1121, %mul3A_1126 : vector<16xf32>
    %bitcast_convert_type3A_1128 = tpu.bitcast %add3A_1125 : vector<16xf32> -> vector<16xi32>
    %shift_right_arithmetic3A_1129 = arith.constant 1 : i32
    %shift_right_arithmetic3A_1130 = vector.broadcast %shift_right_arithmetic3A_1129 : i32 to vector<16xi32>
    %shift_right_arithmetic3A_1131 = arith.shrsi %bitcast_convert_type3A_1128, %shift_right_arithmetic3A_1130 : vector<16xi32>
    %sub3A_1132 = arith.constant 1597463007 : i32
    %sub3A_1133 = vector.broadcast %sub3A_1132 : i32 to vector<16xi32>
    %sub3A_1134 = arith.subi %sub3A_1133, %shift_right_arithmetic3A_1131 : vector<16xi32>
    %bitcast_convert_type3A_1135 = tpu.bitcast %sub3A_1134 : vector<16xi32> -> vector<16xf32>
    %mul3A_1136 = arith.constant 5.000000e-01 : f32
    %mul3A_1137 = vector.broadcast %mul3A_1136 : f32 to vector<16xf32>
    %mul3A_1138 = arith.mulf %mul3A_1137, %add3A_1125 : vector<16xf32>
    %mul3A_1139 = arith.mulf %mul3A_1138, %bitcast_convert_type3A_1135 : vector<16xf32>
    %mul3A_1140 = arith.mulf %mul3A_1139, %bitcast_convert_type3A_1135 : vector<16xf32>
    %sub3A_1141 = arith.constant 1.500000e+00 : f32
    %sub3A_1142 = vector.broadcast %sub3A_1141 : f32 to vector<16xf32>
    %sub3A_1143 = arith.subf %sub3A_1142, %mul3A_1140 : vector<16xf32>
    %mul3A_1144 = arith.mulf %bitcast_convert_type3A_1135, %sub3A_1143 : vector<16xf32>
    %mul3A_1145 = arith.constant 5.000000e-01 : f32
    %mul3A_1146 = vector.broadcast %mul3A_1145 : f32 to vector<16xf32>
    %mul3A_1147 = arith.mulf %mul3A_1146, %add3A_1125 : vector<16xf32>
    %mul3A_1148 = arith.mulf %mul3A_1147, %mul3A_1144 : vector<16xf32>
    %mul3A_1149 = arith.mulf %mul3A_1148, %mul3A_1144 : vector<16xf32>
    %sub3A_1150 = arith.constant 1.500000e+00 : f32
    %sub3A_1151 = vector.broadcast %sub3A_1150 : f32 to vector<16xf32>
    %sub3A_1152 = arith.subf %sub3A_1151, %mul3A_1149 : vector<16xf32>
    %mul3A_1153 = arith.mulf %mul3A_1144, %sub3A_1152 : vector<16xf32>
    %mul3A_1154 = arith.constant 5.000000e-01 : f32
    %mul3A_1155 = vector.broadcast %mul3A_1154 : f32 to vector<16xf32>
    %mul3A_1156 = arith.mulf %mul3A_1155, %add3A_1125 : vector<16xf32>
    %mul3A_1157 = arith.mulf %mul3A_1156, %mul3A_1153 : vector<16xf32>
    %mul3A_1158 = arith.mulf %mul3A_1157, %mul3A_1153 : vector<16xf32>
    %sub3A_1159 = arith.constant 1.500000e+00 : f32
    %sub3A_1160 = vector.broadcast %sub3A_1159 : f32 to vector<16xf32>
    %sub3A_1161 = arith.subf %sub3A_1160, %mul3A_1158 : vector<16xf32>
    %mul3A_1162 = arith.mulf %mul3A_1153, %sub3A_1161 : vector<16xf32>
    %mul3A_1163 = arith.mulf %add3A_1123, %mul3A_1162 : vector<16xf32>
    %bitcast_convert_type3A_1164 = tpu.bitcast %add3A_1127 : vector<16xf32> -> vector<16xi32>
    %shift_right_arithmetic3A_1165 = arith.constant 1 : i32
    %shift_right_arithmetic3A_1166 = vector.broadcast %shift_right_arithmetic3A_1165 : i32 to vector<16xi32>
    %shift_right_arithmetic3A_1167 = arith.shrsi %bitcast_convert_type3A_1164, %shift_right_arithmetic3A_1166 : vector<16xi32>
    %sub3A_1168 = arith.constant 1597463007 : i32
    %sub3A_1169 = vector.broadcast %sub3A_1168 : i32 to vector<16xi32>
    %sub3A_1170 = arith.subi %sub3A_1169, %shift_right_arithmetic3A_1167 : vector<16xi32>
    %bitcast_convert_type3A_1171 = tpu.bitcast %sub3A_1170 : vector<16xi32> -> vector<16xf32>
    %mul3A_1172 = arith.constant 5.000000e-01 : f32
    %mul3A_1173 = vector.broadcast %mul3A_1172 : f32 to vector<16xf32>
    %mul3A_1174 = arith.mulf %mul3A_1173, %add3A_1127 : vector<16xf32>
    %mul3A_1175 = arith.mulf %mul3A_1174, %bitcast_convert_type3A_1171 : vector<16xf32>
    %mul3A_1176 = arith.mulf %mul3A_1175, %bitcast_convert_type3A_1171 : vector<16xf32>
    %sub3A_1177 = arith.constant 1.500000e+00 : f32
    %sub3A_1178 = vector.broadcast %sub3A_1177 : f32 to vector<16xf32>
    %sub3A_1179 = arith.subf %sub3A_1178, %mul3A_1176 : vector<16xf32>
    %mul3A_1180 = arith.mulf %bitcast_convert_type3A_1171, %sub3A_1179 : vector<16xf32>
    %mul3A_1181 = arith.constant 5.000000e-01 : f32
    %mul3A_1182 = vector.broadcast %mul3A_1181 : f32 to vector<16xf32>
    %mul3A_1183 = arith.mulf %mul3A_1182, %add3A_1127 : vector<16xf32>
    %mul3A_1184 = arith.mulf %mul3A_1183, %mul3A_1180 : vector<16xf32>
    %mul3A_1185 = arith.mulf %mul3A_1184, %mul3A_1180 : vector<16xf32>
    %sub3A_1186 = arith.constant 1.500000e+00 : f32
    %sub3A_1187 = vector.broadcast %sub3A_1186 : f32 to vector<16xf32>
    %sub3A_1188 = arith.subf %sub3A_1187, %mul3A_1185 : vector<16xf32>
    %mul3A_1189 = arith.mulf %mul3A_1180, %sub3A_1188 : vector<16xf32>
    %mul3A_1190 = arith.constant 5.000000e-01 : f32
    %mul3A_1191 = vector.broadcast %mul3A_1190 : f32 to vector<16xf32>
    %mul3A_1192 = arith.mulf %mul3A_1191, %add3A_1127 : vector<16xf32>
    %mul3A_1193 = arith.mulf %mul3A_1192, %mul3A_1189 : vector<16xf32>
    %mul3A_1194 = arith.mulf %mul3A_1193, %mul3A_1189 : vector<16xf32>
    %sub3A_1195 = arith.constant 1.500000e+00 : f32
    %sub3A_1196 = vector.broadcast %sub3A_1195 : f32 to vector<16xf32>
    %sub3A_1197 = arith.subf %sub3A_1196, %mul3A_1194 : vector<16xf32>
    %mul3A_1198 = arith.mulf %mul3A_1189, %sub3A_1197 : vector<16xf32>
    %mul3A_1199 = arith.mulf %mul3A_1163, %mul3A_1198 : vector<16xf32>
    %swap3A_1200 = arith.constant 144 : index
    %swap3A_1201 = tpu.vector_load %arg11[%swap3A_1200] {strides = array<i32>} : memref<512xf32, #tpu.memory_space<vmem>>, vector<16xf32>,
    tpu.vector_store %arg11[%swap3A_1200], %mul3A_1199 {strides = array<i32>} : memref<512xf32, #tpu.memory_space<vmem>>, vector<16xf32>,
    %get3A_1202 = arith.constant 160 : index
    %get3A_1203 = tpu.vector_load %arg9[%get3A_1202] {strides = array<i32>} : memref<2048xf32, #tpu.memory_space<vmem>>, vector<16xf32>,
    %get3A_1204 = arith.constant 672 : index
    %get3A_1205 = tpu.vector_load %arg9[%get3A_1204] {strides = array<i32>} : memref<2048xf32, #tpu.memory_space<vmem>>, vector<16xf32>,
    %get3A_1206 = arith.constant 1184 : index
    %get3A_1207 = tpu.vector_load %arg9[%get3A_1206] {strides = array<i32>} : memref<2048xf32, #tpu.memory_space<vmem>>, vector<16xf32>,
    %get3A_1208 = arith.constant 1696 : index
    %get3A_1209 = tpu.vector_load %arg9[%get3A_1208] {strides = array<i32>} : memref<2048xf32, #tpu.memory_space<vmem>>, vector<16xf32>,
    %get3A_1210 = arith.constant 160 : index
    %get3A_1211 = tpu.vector_load %arg10[%get3A_1210] {strides = array<i32>} : memref<2048xf32, #tpu.memory_space<vmem>>, vector<16xf32>,
    %get3A_1212 = arith.constant 672 : index
    %get3A_1213 = tpu.vector_load %arg10[%get3A_1212] {strides = array<i32>} : memref<2048xf32, #tpu.memory_space<vmem>>, vector<16xf32>,
    %get3A_1214 = arith.constant 1184 : index
    %get3A_1215 = tpu.vector_load %arg10[%get3A_1214] {strides = array<i32>} : memref<2048xf32, #tpu.memory_space<vmem>>, vector<16xf32>,
    %get3A_1216 = arith.constant 1696 : index
    %get3A_1217 = tpu.vector_load %arg10[%get3A_1216] {strides = array<i32>} : memref<2048xf32, #tpu.memory_space<vmem>>, vector<16xf32>,
    %mul3A_1218 = arith.mulf %get3A_1203, %get3A_1211 : vector<16xf32>
    %mul3A_1219 = arith.mulf %get3A_1203, %get3A_1203 : vector<16xf32>
    %mul3A_1220 = arith.mulf %get3A_1211, %get3A_1211 : vector<16xf32>
    %mul3A_1221 = arith.mulf %get3A_1205, %get3A_1213 : vector<16xf32>
    %add3A_1222 = arith.addf %mul3A_1218, %mul3A_1221 : vector<16xf32>
    %mul3A_1223 = arith.mulf %get3A_1205, %get3A_1205 : vector<16xf32>
    %add3A_1224 = arith.addf %mul3A_1219, %mul3A_1223 : vector<16xf32>
    %mul3A_1225 = arith.mulf %get3A_1213, %get3A_1213 : vector<16xf32>
    %add3A_1226 = arith.addf %mul3A_1220, %mul3A_1225 : vector<16xf32>
    %mul3A_1227 = arith.mulf %get3A_1207, %get3A_1215 : vector<16xf32>
    %add3A_1228 = arith.addf %add3A_1222, %mul3A_1227 : vector<16xf32>
    %mul3A_1229 = arith.mulf %get3A_1207, %get3A_1207 : vector<16xf32>
    %add3A_1230 = arith.addf %add3A_1224, %mul3A_1229 : vector<16xf32>
    %mul3A_1231 = arith.mulf %get3A_1215, %get3A_1215 : vector<16xf32>
    %add3A_1232 = arith.addf %add3A_1226, %mul3A_1231 : vector<16xf32>
    %mul3A_1233 = arith.mulf %get3A_1209, %get3A_1217 : vector<16xf32>
    %add3A_1234 = arith.addf %add3A_1228, %mul3A_1233 : vector<16xf32>
    %mul3A_1235 = arith.mulf %get3A_1209, %get3A_1209 : vector<16xf32>
    %add3A_1236 = arith.addf %add3A_1230, %mul3A_1235 : vector<16xf32>
    %mul3A_1237 = arith.mulf %get3A_1217, %get3A_1217 : vector<16xf32>
    %add3A_1238 = arith.addf %add3A_1232, %mul3A_1237 : vector<16xf32>
    %bitcast_convert_type3A_1239 = tpu.bitcast %add3A_1236 : vector<16xf32> -> vector<16xi32>
    %shift_right_arithmetic3A_1240 = arith.constant 1 : i32
    %shift_right_arithmetic3A_1241 = vector.broadcast %shift_right_arithmetic3A_1240 : i32 to vector<16xi32>
    %shift_right_arithmetic3A_1242 = arith.shrsi %bitcast_convert_type3A_1239, %shift_right_arithmetic3A_1241 : vector<16xi32>
    %sub3A_1243 = arith.constant 1597463007 : i32
    %sub3A_1244 = vector.broadcast %sub3A_1243 : i32 to vector<16xi32>
    %sub3A_1245 = arith.subi %sub3A_1244, %shift_right_arithmetic3A_1242 : vector<16xi32>
    %bitcast_convert_type3A_1246 = tpu.bitcast %sub3A_1245 : vector<16xi32> -> vector<16xf32>
    %mul3A_1247 = arith.constant 5.000000e-01 : f32
    %mul3A_1248 = vector.broadcast %mul3A_1247 : f32 to vector<16xf32>
    %mul3A_1249 = arith.mulf %mul3A_1248, %add3A_1236 : vector<16xf32>
    %mul3A_1250 = arith.mulf %mul3A_1249, %bitcast_convert_type3A_1246 : vector<16xf32>
    %mul3A_1251 = arith.mulf %mul3A_1250, %bitcast_convert_type3A_1246 : vector<16xf32>
    %sub3A_1252 = arith.constant 1.500000e+00 : f32
    %sub3A_1253 = vector.broadcast %sub3A_1252 : f32 to vector<16xf32>
    %sub3A_1254 = arith.subf %sub3A_1253, %mul3A_1251 : vector<16xf32>
    %mul3A_1255 = arith.mulf %bitcast_convert_type3A_1246, %sub3A_1254 : vector<16xf32>
    %mul3A_1256 = arith.constant 5.000000e-01 : f32
    %mul3A_1257 = vector.broadcast %mul3A_1256 : f32 to vector<16xf32>
    %mul3A_1258 = arith.mulf %mul3A_1257, %add3A_1236 : vector<16xf32>
    %mul3A_1259 = arith.mulf %mul3A_1258, %mul3A_1255 : vector<16xf32>
    %mul3A_1260 = arith.mulf %mul3A_1259, %mul3A_1255 : vector<16xf32>
    %sub3A_1261 = arith.constant 1.500000e+00 : f32
    %sub3A_1262 = vector.broadcast %sub3A_1261 : f32 to vector<16xf32>
    %sub3A_1263 = arith.subf %sub3A_1262, %mul3A_1260 : vector<16xf32>
    %mul3A_1264 = arith.mulf %mul3A_1255, %sub3A_1263 : vector<16xf32>
    %mul3A_1265 = arith.constant 5.000000e-01 : f32
    %mul3A_1266 = vector.broadcast %mul3A_1265 : f32 to vector<16xf32>
    %mul3A_1267 = arith.mulf %mul3A_1266, %add3A_1236 : vector<16xf32>
    %mul3A_1268 = arith.mulf %mul3A_1267, %mul3A_1264 : vector<16xf32>
    %mul3A_1269 = arith.mulf %mul3A_1268, %mul3A_1264 : vector<16xf32>
    %sub3A_1270 = arith.constant 1.500000e+00 : f32
    %sub3A_1271 = vector.broadcast %sub3A_1270 : f32 to vector<16xf32>
    %sub3A_1272 = arith.subf %sub3A_1271, %mul3A_1269 : vector<16xf32>
    %mul3A_1273 = arith.mulf %mul3A_1264, %sub3A_1272 : vector<16xf32>
    %mul3A_1274 = arith.mulf %add3A_1234, %mul3A_1273 : vector<16xf32>
    %bitcast_convert_type3A_1275 = tpu.bitcast %add3A_1238 : vector<16xf32> -> vector<16xi32>
    %shift_right_arithmetic3A_1276 = arith.constant 1 : i32
    %shift_right_arithmetic3A_1277 = vector.broadcast %shift_right_arithmetic3A_1276 : i32 to vector<16xi32>
    %shift_right_arithmetic3A_1278 = arith.shrsi %bitcast_convert_type3A_1275, %shift_right_arithmetic3A_1277 : vector<16xi32>
    %sub3A_1279 = arith.constant 1597463007 : i32
    %sub3A_1280 = vector.broadcast %sub3A_1279 : i32 to vector<16xi32>
    %sub3A_1281 = arith.subi %sub3A_1280, %shift_right_arithmetic3A_1278 : vector<16xi32>
    %bitcast_convert_type3A_1282 = tpu.bitcast %sub3A_1281 : vector<16xi32> -> vector<16xf32>
    %mul3A_1283 = arith.constant 5.000000e-01 : f32
    %mul3A_1284 = vector.broadcast %mul3A_1283 : f32 to vector<16xf32>
    %mul3A_1285 = arith.mulf %mul3A_1284, %add3A_1238 : vector<16xf32>
    %mul3A_1286 = arith.mulf %mul3A_1285, %bitcast_convert_type3A_1282 : vector<16xf32>
    %mul3A_1287 = arith.mulf %mul3A_1286, %bitcast_convert_type3A_1282 : vector<16xf32>
    %sub3A_1288 = arith.constant 1.500000e+00 : f32
    %sub3A_1289 = vector.broadcast %sub3A_1288 : f32 to vector<16xf32>
    %sub3A_1290 = arith.subf %sub3A_1289, %mul3A_1287 : vector<16xf32>
    %mul3A_1291 = arith.mulf %bitcast_convert_type3A_1282, %sub3A_1290 : vector<16xf32>
    %mul3A_1292 = arith.constant 5.000000e-01 : f32
    %mul3A_1293 = vector.broadcast %mul3A_1292 : f32 to vector<16xf32>
    %mul3A_1294 = arith.mulf %mul3A_1293, %add3A_1238 : vector<16xf32>
    %mul3A_1295 = arith.mulf %mul3A_1294, %mul3A_1291 : vector<16xf32>
    %mul3A_1296 = arith.mulf %mul3A_1295, %mul3A_1291 : vector<16xf32>
    %sub3A_1297 = arith.constant 1.500000e+00 : f32
    %sub3A_1298 = vector.broadcast %sub3A_1297 : f32 to vector<16xf32>
    %sub3A_1299 = arith.subf %sub3A_1298, %mul3A_1296 : vector<16xf32>
    %mul3A_1300 = arith.mulf %mul3A_1291, %sub3A_1299 : vector<16xf32>
    %mul3A_1301 = arith.constant 5.000000e-01 : f32
    %mul3A_1302 = vector.broadcast %mul3A_1301 : f32 to vector<16xf32>
    %mul3A_1303 = arith.mulf %mul3A_1302, %add3A_1238 : vector<16xf32>
    %mul3A_1304 = arith.mulf %mul3A_1303, %mul3A_1300 : vector<16xf32>
    %mul3A_1305 = arith.mulf %mul3A_1304, %mul3A_1300 : vector<16xf32>
    %sub3A_1306 = arith.constant 1.500000e+00 : f32
    %sub3A_1307 = vector.broadcast %sub3A_1306 : f32 to vector<16xf32>
    %sub3A_1308 = arith.subf %sub3A_1307, %mul3A_1305 : vector<16xf32>
    %mul3A_1309 = arith.mulf %mul3A_1300, %sub3A_1308 : vector<16xf32>
    %mul3A_1310 = arith.mulf %mul3A_1274, %mul3A_1309 : vector<16xf32>
    %swap3A_1311 = arith.constant 160 : index
    %swap3A_1312 = tpu.vector_load %arg11[%swap3A_1311] {strides = array<i32>} : memref<512xf32, #tpu.memory_space<vmem>>, vector<16xf32>,
    tpu.vector_store %arg11[%swap3A_1311], %mul3A_1310 {strides = array<i32>} : memref<512xf32, #tpu.memory_space<vmem>>, vector<16xf32>,
    %get3A_1313 = arith.constant 176 : index
    %get3A_1314 = tpu.vector_load %arg9[%get3A_1313] {strides = array<i32>} : memref<2048xf32, #tpu.memory_space<vmem>>, vector<16xf32>,
    %get3A_1315 = arith.constant 688 : index
    %get3A_1316 = tpu.vector_load %arg9[%get3A_1315] {strides = array<i32>} : memref<2048xf32, #tpu.memory_space<vmem>>, vector<16xf32>,
    %get3A_1317 = arith.constant 1200 : index
    %get3A_1318 = tpu.vector_load %arg9[%get3A_1317] {strides = array<i32>} : memref<2048xf32, #tpu.memory_space<vmem>>, vector<16xf32>,
    %get3A_1319 = arith.constant 1712 : index
    %get3A_1320 = tpu.vector_load %arg9[%get3A_1319] {strides = array<i32>} : memref<2048xf32, #tpu.memory_space<vmem>>, vector<16xf32>,
    %get3A_1321 = arith.constant 176 : index
    %get3A_1322 = tpu.vector_load %arg10[%get3A_1321] {strides = array<i32>} : memref<2048xf32, #tpu.memory_space<vmem>>, vector<16xf32>,
    %get3A_1323 = arith.constant 688 : index
    %get3A_1324 = tpu.vector_load %arg10[%get3A_1323] {strides = array<i32>} : memref<2048xf32, #tpu.memory_space<vmem>>, vector<16xf32>,
    %get3A_1325 = arith.constant 1200 : index
    %get3A_1326 = tpu.vector_load %arg10[%get3A_1325] {strides = array<i32>} : memref<2048xf32, #tpu.memory_space<vmem>>, vector<16xf32>,
    %get3A_1327 = arith.constant 1712 : index
    %get3A_1328 = tpu.vector_load %arg10[%get3A_1327] {strides = array<i32>} : memref<2048xf32, #tpu.memory_space<vmem>>, vector<16xf32>,
    %mul3A_1329 = arith.mulf %get3A_1314, %get3A_1322 : vector<16xf32>
    %mul3A_1330 = arith.mulf %get3A_1314, %get3A_1314 : vector<16xf32>
    %mul3A_1331 = arith.mulf %get3A_1322, %get3A_1322 : vector<16xf32>
    %mul3A_1332 = arith.mulf %get3A_1316, %get3A_1324 : vector<16xf32>
    %add3A_1333 = arith.addf %mul3A_1329, %mul3A_1332 : vector<16xf32>
    %mul3A_1334 = arith.mulf %get3A_1316, %get3A_1316 : vector<16xf32>
    %add3A_1335 = arith.addf %mul3A_1330, %mul3A_1334 : vector<16xf32>
    %mul3A_1336 = arith.mulf %get3A_1324, %get3A_1324 : vector<16xf32>
    %add3A_1337 = arith.addf %mul3A_1331, %mul3A_1336 : vector<16xf32>
    %mul3A_1338 = arith.mulf %get3A_1318, %get3A_1326 : vector<16xf32>
    %add3A_1339 = arith.addf %add3A_1333, %mul3A_1338 : vector<16xf32>
    %mul3A_1340 = arith.mulf %get3A_1318, %get3A_1318 : vector<16xf32>
    %add3A_1341 = arith.addf %add3A_1335, %mul3A_1340 : vector<16xf32>
    %mul3A_1342 = arith.mulf %get3A_1326, %get3A_1326 : vector<16xf32>
    %add3A_1343 = arith.addf %add3A_1337, %mul3A_1342 : vector<16xf32>
    %mul3A_1344 = arith.mulf %get3A_1320, %get3A_1328 : vector<16xf32>
    %add3A_1345 = arith.addf %add3A_1339, %mul3A_1344 : vector<16xf32>
    %mul3A_1346 = arith.mulf %get3A_1320, %get3A_1320 : vector<16xf32>
    %add3A_1347 = arith.addf %add3A_1341, %mul3A_1346 : vector<16xf32>
    %mul3A_1348 = arith.mulf %get3A_1328, %get3A_1328 : vector<16xf32>
    %add3A_1349 = arith.addf %add3A_1343, %mul3A_1348 : vector<16xf32>
    %bitcast_convert_type3A_1350 = tpu.bitcast %add3A_1347 : vector<16xf32> -> vector<16xi32>
    %shift_right_arithmetic3A_1351 = arith.constant 1 : i32
    %shift_right_arithmetic3A_1352 = vector.broadcast %shift_right_arithmetic3A_1351 : i32 to vector<16xi32>
    %shift_right_arithmetic3A_1353 = arith.shrsi %bitcast_convert_type3A_1350, %shift_right_arithmetic3A_1352 : vector<16xi32>
    %sub3A_1354 = arith.constant 1597463007 : i32
    %sub3A_1355 = vector.broadcast %sub3A_1354 : i32 to vector<16xi32>
    %sub3A_1356 = arith.subi %sub3A_1355, %shift_right_arithmetic3A_1353 : vector<16xi32>
    %bitcast_convert_type3A_1357 = tpu.bitcast %sub3A_1356 : vector<16xi32> -> vector<16xf32>
    %mul3A_1358 = arith.constant 5.000000e-01 : f32
    %mul3A_1359 = vector.broadcast %mul3A_1358 : f32 to vector<16xf32>
    %mul3A_1360 = arith.mulf %mul3A_1359, %add3A_1347 : vector<16xf32>
    %mul3A_1361 = arith.mulf %mul3A_1360, %bitcast_convert_type3A_1357 : vector<16xf32>
    %mul3A_1362 = arith.mulf %mul3A_1361, %bitcast_convert_type3A_1357 : vector<16xf32>
    %sub3A_1363 = arith.constant 1.500000e+00 : f32
    %sub3A_1364 = vector.broadcast %sub3A_1363 : f32 to vector<16xf32>
    %sub3A_1365 = arith.subf %sub3A_1364, %mul3A_1362 : vector<16xf32>
    %mul3A_1366 = arith.mulf %bitcast_convert_type3A_1357, %sub3A_1365 : vector<16xf32>
    %mul3A_1367 = arith.constant 5.000000e-01 : f32
    %mul3A_1368 = vector.broadcast %mul3A_1367 : f32 to vector<16xf32>
    %mul3A_1369 = arith.mulf %mul3A_1368, %add3A_1347 : vector<16xf32>
    %mul3A_1370 = arith.mulf %mul3A_1369, %mul3A_1366 : vector<16xf32>
    %mul3A_1371 = arith.mulf %mul3A_1370, %mul3A_1366 : vector<16xf32>
    %sub3A_1372 = arith.constant 1.500000e+00 : f32
    %sub3A_1373 = vector.broadcast %sub3A_1372 : f32 to vector<16xf32>
    %sub3A_1374 = arith.subf %sub3A_1373, %mul3A_1371 : vector<16xf32>
    %mul3A_1375 = arith.mulf %mul3A_1366, %sub3A_1374 : vector<16xf32>
    %mul3A_1376 = arith.constant 5.000000e-01 : f32
    %mul3A_1377 = vector.broadcast %mul3A_1376 : f32 to vector<16xf32>
    %mul3A_1378 = arith.mulf %mul3A_1377, %add3A_1347 : vector<16xf32>
    %mul3A_1379 = arith.mulf %mul3A_1378, %mul3A_1375 : vector<16xf32>
    %mul3A_1380 = arith.mulf %mul3A_1379, %mul3A_1375 : vector<16xf32>
    %sub3A_1381 = arith.constant 1.500000e+00 : f32
    %sub3A_1382 = vector.broadcast %sub3A_1381 : f32 to vector<16xf32>
    %sub3A_1383 = arith.subf %sub3A_1382, %mul3A_1380 : vector<16xf32>
    %mul3A_1384 = arith.mulf %mul3A_1375, %sub3A_1383 : vector<16xf32>
    %mul3A_1385 = arith.mulf %add3A_1345, %mul3A_1384 : vector<16xf32>
    %bitcast_convert_type3A_1386 = tpu.bitcast %add3A_1349 : vector<16xf32> -> vector<16xi32>
    %shift_right_arithmetic3A_1387 = arith.constant 1 : i32
    %shift_right_arithmetic3A_1388 = vector.broadcast %shift_right_arithmetic3A_1387 : i32 to vector<16xi32>
    %shift_right_arithmetic3A_1389 = arith.shrsi %bitcast_convert_type3A_1386, %shift_right_arithmetic3A_1388 : vector<16xi32>
    %sub3A_1390 = arith.constant 1597463007 : i32
    %sub3A_1391 = vector.broadcast %sub3A_1390 : i32 to vector<16xi32>
    %sub3A_1392 = arith.subi %sub3A_1391, %shift_right_arithmetic3A_1389 : vector<16xi32>
    %bitcast_convert_type3A_1393 = tpu.bitcast %sub3A_1392 : vector<16xi32> -> vector<16xf32>
    %mul3A_1394 = arith.constant 5.000000e-01 : f32
    %mul3A_1395 = vector.broadcast %mul3A_1394 : f32 to vector<16xf32>
    %mul3A_1396 = arith.mulf %mul3A_1395, %add3A_1349 : vector<16xf32>
    %mul3A_1397 = arith.mulf %mul3A_1396, %bitcast_convert_type3A_1393 : vector<16xf32>
    %mul3A_1398 = arith.mulf %mul3A_1397, %bitcast_convert_type3A_1393 : vector<16xf32>
    %sub3A_1399 = arith.constant 1.500000e+00 : f32
    %sub3A_1400 = vector.broadcast %sub3A_1399 : f32 to vector<16xf32>
    %sub3A_1401 = arith.subf %sub3A_1400, %mul3A_1398 : vector<16xf32>
    %mul3A_1402 = arith.mulf %bitcast_convert_type3A_1393, %sub3A_1401 : vector<16xf32>
    %mul3A_1403 = arith.constant 5.000000e-01 : f32
    %mul3A_1404 = vector.broadcast %mul3A_1403 : f32 to vector<16xf32>
    %mul3A_1405 = arith.mulf %mul3A_1404, %add3A_1349 : vector<16xf32>
    %mul3A_1406 = arith.mulf %mul3A_1405, %mul3A_1402 : vector<16xf32>
    %mul3A_1407 = arith.mulf %mul3A_1406, %mul3A_1402 : vector<16xf32>
    %sub3A_1408 = arith.constant 1.500000e+00 : f32
    %sub3A_1409 = vector.broadcast %sub3A_1408 : f32 to vector<16xf32>
    %sub3A_1410 = arith.subf %sub3A_1409, %mul3A_1407 : vector<16xf32>
    %mul3A_1411 = arith.mulf %mul3A_1402, %sub3A_1410 : vector<16xf32>
    %mul3A_1412 = arith.constant 5.000000e-01 : f32
    %mul3A_1413 = vector.broadcast %mul3A_1412 : f32 to vector<16xf32>
    %mul3A_1414 = arith.mulf %mul3A_1413, %add3A_1349 : vector<16xf32>
    %mul3A_1415 = arith.mulf %mul3A_1414, %mul3A_1411 : vector<16xf32>
    %mul3A_1416 = arith.mulf %mul3A_1415, %mul3A_1411 : vector<16xf32>
    %sub3A_1417 = arith.constant 1.500000e+00 : f32
    %sub3A_1418 = vector.broadcast %sub3A_1417 : f32 to vector<16xf32>
    %sub3A_1419 = arith.subf %sub3A_1418, %mul3A_1416 : vector<16xf32>
    %mul3A_1420 = arith.mulf %mul3A_1411, %sub3A_1419 : vector<16xf32>
    %mul3A_1421 = arith.mulf %mul3A_1385, %mul3A_1420 : vector<16xf32>
    %swap3A_1422 = arith.constant 176 : index
    %swap3A_1423 = tpu.vector_load %arg11[%swap3A_1422] {strides = array<i32>} : memref<512xf32, #tpu.memory_space<vmem>>, vector<16xf32>,
    tpu.vector_store %arg11[%swap3A_1422], %mul3A_1421 {strides = array<i32>} : memref<512xf32, #tpu.memory_space<vmem>>, vector<16xf32>,
    %get3A_1424 = arith.constant 192 : index
    %get3A_1425 = tpu.vector_load %arg9[%get3A_1424] {strides = array<i32>} : memref<2048xf32, #tpu.memory_space<vmem>>, vector<16xf32>,
    %get3A_1426 = arith.constant 704 : index
    %get3A_1427 = tpu.vector_load %arg9[%get3A_1426] {strides = array<i32>} : memref<2048xf32, #tpu.memory_space<vmem>>, vector<16xf32>,
    %get3A_1428 = arith.constant 1216 : index
    %get3A_1429 = tpu.vector_load %arg9[%get3A_1428] {strides = array<i32>} : memref<2048xf32, #tpu.memory_space<vmem>>, vector<16xf32>,
    %get3A_1430 = arith.constant 1728 : index
    %get3A_1431 = tpu.vector_load %arg9[%get3A_1430] {strides = array<i32>} : memref<2048xf32, #tpu.memory_space<vmem>>, vector<16xf32>,
    %get3A_1432 = arith.constant 192 : index
    %get3A_1433 = tpu.vector_load %arg10[%get3A_1432] {strides = array<i32>} : memref<2048xf32, #tpu.memory_space<vmem>>, vector<16xf32>,
    %get3A_1434 = arith.constant 704 : index
    %get3A_1435 = tpu.vector_load %arg10[%get3A_1434] {strides = array<i32>} : memref<2048xf32, #tpu.memory_space<vmem>>, vector<16xf32>,
    %get3A_1436 = arith.constant 1216 : index
    %get3A_1437 = tpu.vector_load %arg10[%get3A_1436] {strides = array<i32>} : memref<2048xf32, #tpu.memory_space<vmem>>, vector<16xf32>,
    %get3A_1438 = arith.constant 1728 : index
    %get3A_1439 = tpu.vector_load %arg10[%get3A_1438] {strides = array<i32>} : memref<2048xf32, #tpu.memory_space<vmem>>, vector<16xf32>,
    %mul3A_1440 = arith.mulf %get3A_1425, %get3A_1433 : vector<16xf32>
    %mul3A_1441 = arith.mulf %get3A_1425, %get3A_1425 : vector<16xf32>
    %mul3A_1442 = arith.mulf %get3A_1433, %get3A_1433 : vector<16xf32>
    %mul3A_1443 = arith.mulf %get3A_1427, %get3A_1435 : vector<16xf32>
    %add3A_1444 = arith.addf %mul3A_1440, %mul3A_1443 : vector<16xf32>
    %mul3A_1445 = arith.mulf %get3A_1427, %get3A_1427 : vector<16xf32>
    %add3A_1446 = arith.addf %mul3A_1441, %mul3A_1445 : vector<16xf32>
    %mul3A_1447 = arith.mulf %get3A_1435, %get3A_1435 : vector<16xf32>
    %add3A_1448 = arith.addf %mul3A_1442, %mul3A_1447 : vector<16xf32>
    %mul3A_1449 = arith.mulf %get3A_1429, %get3A_1437 : vector<16xf32>
    %add3A_1450 = arith.addf %add3A_1444, %mul3A_1449 : vector<16xf32>
    %mul3A_1451 = arith.mulf %get3A_1429, %get3A_1429 : vector<16xf32>
    %add3A_1452 = arith.addf %add3A_1446, %mul3A_1451 : vector<16xf32>
    %mul3A_1453 = arith.mulf %get3A_1437, %get3A_1437 : vector<16xf32>
    %add3A_1454 = arith.addf %add3A_1448, %mul3A_1453 : vector<16xf32>
    %mul3A_1455 = arith.mulf %get3A_1431, %get3A_1439 : vector<16xf32>
    %add3A_1456 = arith.addf %add3A_1450, %mul3A_1455 : vector<16xf32>
    %mul3A_1457 = arith.mulf %get3A_1431, %get3A_1431 : vector<16xf32>
    %add3A_1458 = arith.addf %add3A_1452, %mul3A_1457 : vector<16xf32>
    %mul3A_1459 = arith.mulf %get3A_1439, %get3A_1439 : vector<16xf32>
    %add3A_1460 = arith.addf %add3A_1454, %mul3A_1459 : vector<16xf32>
    %bitcast_convert_type3A_1461 = tpu.bitcast %add3A_1458 : vector<16xf32> -> vector<16xi32>
    %shift_right_arithmetic3A_1462 = arith.constant 1 : i32
    %shift_right_arithmetic3A_1463 = vector.broadcast %shift_right_arithmetic3A_1462 : i32 to vector<16xi32>
    %shift_right_arithmetic3A_1464 = arith.shrsi %bitcast_convert_type3A_1461, %shift_right_arithmetic3A_1463 : vector<16xi32>
    %sub3A_1465 = arith.constant 1597463007 : i32
    %sub3A_1466 = vector.broadcast %sub3A_1465 : i32 to vector<16xi32>
    %sub3A_1467 = arith.subi %sub3A_1466, %shift_right_arithmetic3A_1464 : vector<16xi32>
    %bitcast_convert_type3A_1468 = tpu.bitcast %sub3A_1467 : vector<16xi32> -> vector<16xf32>
    %mul3A_1469 = arith.constant 5.000000e-01 : f32
    %mul3A_1470 = vector.broadcast %mul3A_1469 : f32 to vector<16xf32>
    %mul3A_1471 = arith.mulf %mul3A_1470, %add3A_1458 : vector<16xf32>
    %mul3A_1472 = arith.mulf %mul3A_1471, %bitcast_convert_type3A_1468 : vector<16xf32>
    %mul3A_1473 = arith.mulf %mul3A_1472, %bitcast_convert_type3A_1468 : vector<16xf32>
    %sub3A_1474 = arith.constant 1.500000e+00 : f32
    %sub3A_1475 = vector.broadcast %sub3A_1474 : f32 to vector<16xf32>
    %sub3A_1476 = arith.subf %sub3A_1475, %mul3A_1473 : vector<16xf32>
    %mul3A_1477 = arith.mulf %bitcast_convert_type3A_1468, %sub3A_1476 : vector<16xf32>
    %mul3A_1478 = arith.constant 5.000000e-01 : f32
    %mul3A_1479 = vector.broadcast %mul3A_1478 : f32 to vector<16xf32>
    %mul3A_1480 = arith.mulf %mul3A_1479, %add3A_1458 : vector<16xf32>
    %mul3A_1481 = arith.mulf %mul3A_1480, %mul3A_1477 : vector<16xf32>
    %mul3A_1482 = arith.mulf %mul3A_1481, %mul3A_1477 : vector<16xf32>
    %sub3A_1483 = arith.constant 1.500000e+00 : f32
    %sub3A_1484 = vector.broadcast %sub3A_1483 : f32 to vector<16xf32>
    %sub3A_1485 = arith.subf %sub3A_1484, %mul3A_1482 : vector<16xf32>
    %mul3A_1486 = arith.mulf %mul3A_1477, %sub3A_1485 : vector<16xf32>
    %mul3A_1487 = arith.constant 5.000000e-01 : f32
    %mul3A_1488 = vector.broadcast %mul3A_1487 : f32 to vector<16xf32>
    %mul3A_1489 = arith.mulf %mul3A_1488, %add3A_1458 : vector<16xf32>
    %mul3A_1490 = arith.mulf %mul3A_1489, %mul3A_1486 : vector<16xf32>
    %mul3A_1491 = arith.mulf %mul3A_1490, %mul3A_1486 : vector<16xf32>
    %sub3A_1492 = arith.constant 1.500000e+00 : f32
    %sub3A_1493 = vector.broadcast %sub3A_1492 : f32 to vector<16xf32>
    %sub3A_1494 = arith.subf %sub3A_1493, %mul3A_1491 : vector<16xf32>
    %mul3A_1495 = arith.mulf %mul3A_1486, %sub3A_1494 : vector<16xf32>
    %mul3A_1496 = arith.mulf %add3A_1456, %mul3A_1495 : vector<16xf32>
    %bitcast_convert_type3A_1497 = tpu.bitcast %add3A_1460 : vector<16xf32> -> vector<16xi32>
    %shift_right_arithmetic3A_1498 = arith.constant 1 : i32
    %shift_right_arithmetic3A_1499 = vector.broadcast %shift_right_arithmetic3A_1498 : i32 to vector<16xi32>
    %shift_right_arithmetic3A_1500 = arith.shrsi %bitcast_convert_type3A_1497, %shift_right_arithmetic3A_1499 : vector<16xi32>
    %sub3A_1501 = arith.constant 1597463007 : i32
    %sub3A_1502 = vector.broadcast %sub3A_1501 : i32 to vector<16xi32>
    %sub3A_1503 = arith.subi %sub3A_1502, %shift_right_arithmetic3A_1500 : vector<16xi32>
    %bitcast_convert_type3A_1504 = tpu.bitcast %sub3A_1503 : vector<16xi32> -> vector<16xf32>
    %mul3A_1505 = arith.constant 5.000000e-01 : f32
    %mul3A_1506 = vector.broadcast %mul3A_1505 : f32 to vector<16xf32>
    %mul3A_1507 = arith.mulf %mul3A_1506, %add3A_1460 : vector<16xf32>
    %mul3A_1508 = arith.mulf %mul3A_1507, %bitcast_convert_type3A_1504 : vector<16xf32>
    %mul3A_1509 = arith.mulf %mul3A_1508, %bitcast_convert_type3A_1504 : vector<16xf32>
    %sub3A_1510 = arith.constant 1.500000e+00 : f32
    %sub3A_1511 = vector.broadcast %sub3A_1510 : f32 to vector<16xf32>
    %sub3A_1512 = arith.subf %sub3A_1511, %mul3A_1509 : vector<16xf32>
    %mul3A_1513 = arith.mulf %bitcast_convert_type3A_1504, %sub3A_1512 : vector<16xf32>
    %mul3A_1514 = arith.constant 5.000000e-01 : f32
    %mul3A_1515 = vector.broadcast %mul3A_1514 : f32 to vector<16xf32>
    %mul3A_1516 = arith.mulf %mul3A_1515, %add3A_1460 : vector<16xf32>
    %mul3A_1517 = arith.mulf %mul3A_1516, %mul3A_1513 : vector<16xf32>
    %mul3A_1518 = arith.mulf %mul3A_1517, %mul3A_1513 : vector<16xf32>
    %sub3A_1519 = arith.constant 1.500000e+00 : f32
    %sub3A_1520 = vector.broadcast %sub3A_1519 : f32 to vector<16xf32>
    %sub3A_1521 = arith.subf %sub3A_1520, %mul3A_1518 : vector<16xf32>
    %mul3A_1522 = arith.mulf %mul3A_1513, %sub3A_1521 : vector<16xf32>
    %mul3A_1523 = arith.constant 5.000000e-01 : f32
    %mul3A_1524 = vector.broadcast %mul3A_1523 : f32 to vector<16xf32>
    %mul3A_1525 = arith.mulf %mul3A_1524, %add3A_1460 : vector<16xf32>
    %mul3A_1526 = arith.mulf %mul3A_1525, %mul3A_1522 : vector<16xf32>
    %mul3A_1527 = arith.mulf %mul3A_1526, %mul3A_1522 : vector<16xf32>
    %sub3A_1528 = arith.constant 1.500000e+00 : f32
    %sub3A_1529 = vector.broadcast %sub3A_1528 : f32 to vector<16xf32>
    %sub3A_1530 = arith.subf %sub3A_1529, %mul3A_1527 : vector<16xf32>
    %mul3A_1531 = arith.mulf %mul3A_1522, %sub3A_1530 : vector<16xf32>
    %mul3A_1532 = arith.mulf %mul3A_1496, %mul3A_1531 : vector<16xf32>
    %swap3A_1533 = arith.constant 192 : index
    %swap3A_1534 = tpu.vector_load %arg11[%swap3A_1533] {strides = array<i32>} : memref<512xf32, #tpu.memory_space<vmem>>, vector<16xf32>,
    tpu.vector_store %arg11[%swap3A_1533], %mul3A_1532 {strides = array<i32>} : memref<512xf32, #tpu.memory_space<vmem>>, vector<16xf32>,
    %get3A_1535 = arith.constant 208 : index
    %get3A_1536 = tpu.vector_load %arg9[%get3A_1535] {strides = array<i32>} : memref<2048xf32, #tpu.memory_space<vmem>>, vector<16xf32>,
    %get3A_1537 = arith.constant 720 : index
    %get3A_1538 = tpu.vector_load %arg9[%get3A_1537] {strides = array<i32>} : memref<2048xf32, #tpu.memory_space<vmem>>, vector<16xf32>,
    %get3A_1539 = arith.constant 1232 : index
    %get3A_1540 = tpu.vector_load %arg9[%get3A_1539] {strides = array<i32>} : memref<2048xf32, #tpu.memory_space<vmem>>, vector<16xf32>,
    %get3A_1541 = arith.constant 1744 : index
    %get3A_1542 = tpu.vector_load %arg9[%get3A_1541] {strides = array<i32>} : memref<2048xf32, #tpu.memory_space<vmem>>, vector<16xf32>,
    %get3A_1543 = arith.constant 208 : index
    %get3A_1544 = tpu.vector_load %arg10[%get3A_1543] {strides = array<i32>} : memref<2048xf32, #tpu.memory_space<vmem>>, vector<16xf32>,
    %get3A_1545 = arith.constant 720 : index
    %get3A_1546 = tpu.vector_load %arg10[%get3A_1545] {strides = array<i32>} : memref<2048xf32, #tpu.memory_space<vmem>>, vector<16xf32>,
    %get3A_1547 = arith.constant 1232 : index
    %get3A_1548 = tpu.vector_load %arg10[%get3A_1547] {strides = array<i32>} : memref<2048xf32, #tpu.memory_space<vmem>>, vector<16xf32>,
    %get3A_1549 = arith.constant 1744 : index
    %get3A_1550 = tpu.vector_load %arg10[%get3A_1549] {strides = array<i32>} : memref<2048xf32, #tpu.memory_space<vmem>>, vector<16xf32>,
    %mul3A_1551 = arith.mulf %get3A_1536, %get3A_1544 : vector<16xf32>
    %mul3A_1552 = arith.mulf %get3A_1536, %get3A_1536 : vector<16xf32>
    %mul3A_1553 = arith.mulf %get3A_1544, %get3A_1544 : vector<16xf32>
    %mul3A_1554 = arith.mulf %get3A_1538, %get3A_1546 : vector<16xf32>
    %add3A_1555 = arith.addf %mul3A_1551, %mul3A_1554 : vector<16xf32>
    %mul3A_1556 = arith.mulf %get3A_1538, %get3A_1538 : vector<16xf32>
    %add3A_1557 = arith.addf %mul3A_1552, %mul3A_1556 : vector<16xf32>
    %mul3A_1558 = arith.mulf %get3A_1546, %get3A_1546 : vector<16xf32>
    %add3A_1559 = arith.addf %mul3A_1553, %mul3A_1558 : vector<16xf32>
    %mul3A_1560 = arith.mulf %get3A_1540, %get3A_1548 : vector<16xf32>
    %add3A_1561 = arith.addf %add3A_1555, %mul3A_1560 : vector<16xf32>
    %mul3A_1562 = arith.mulf %get3A_1540, %get3A_1540 : vector<16xf32>
    %add3A_1563 = arith.addf %add3A_1557, %mul3A_1562 : vector<16xf32>
    %mul3A_1564 = arith.mulf %get3A_1548, %get3A_1548 : vector<16xf32>
    %add3A_1565 = arith.addf %add3A_1559, %mul3A_1564 : vector<16xf32>
    %mul3A_1566 = arith.mulf %get3A_1542, %get3A_1550 : vector<16xf32>
    %add3A_1567 = arith.addf %add3A_1561, %mul3A_1566 : vector<16xf32>
    %mul3A_1568 = arith.mulf %get3A_1542, %get3A_1542 : vector<16xf32>
    %add3A_1569 = arith.addf %add3A_1563, %mul3A_1568 : vector<16xf32>
    %mul3A_1570 = arith.mulf %get3A_1550, %get3A_1550 : vector<16xf32>
    %add3A_1571 = arith.addf %add3A_1565, %mul3A_1570 : vector<16xf32>
    %bitcast_convert_type3A_1572 = tpu.bitcast %add3A_1569 : vector<16xf32> -> vector<16xi32>
    %shift_right_arithmetic3A_1573 = arith.constant 1 : i32
    %shift_right_arithmetic3A_1574 = vector.broadcast %shift_right_arithmetic3A_1573 : i32 to vector<16xi32>
    %shift_right_arithmetic3A_1575 = arith.shrsi %bitcast_convert_type3A_1572, %shift_right_arithmetic3A_1574 : vector<16xi32>
    %sub3A_1576 = arith.constant 1597463007 : i32
    %sub3A_1577 = vector.broadcast %sub3A_1576 : i32 to vector<16xi32>
    %sub3A_1578 = arith.subi %sub3A_1577, %shift_right_arithmetic3A_1575 : vector<16xi32>
    %bitcast_convert_type3A_1579 = tpu.bitcast %sub3A_1578 : vector<16xi32> -> vector<16xf32>
    %mul3A_1580 = arith.constant 5.000000e-01 : f32
    %mul3A_1581 = vector.broadcast %mul3A_1580 : f32 to vector<16xf32>
    %mul3A_1582 = arith.mulf %mul3A_1581, %add3A_1569 : vector<16xf32>
    %mul3A_1583 = arith.mulf %mul3A_1582, %bitcast_convert_type3A_1579 : vector<16xf32>
    %mul3A_1584 = arith.mulf %mul3A_1583, %bitcast_convert_type3A_1579 : vector<16xf32>
    %sub3A_1585 = arith.constant 1.500000e+00 : f32
    %sub3A_1586 = vector.broadcast %sub3A_1585 : f32 to vector<16xf32>
    %sub3A_1587 = arith.subf %sub3A_1586, %mul3A_1584 : vector<16xf32>
    %mul3A_1588 = arith.mulf %bitcast_convert_type3A_1579, %sub3A_1587 : vector<16xf32>
    %mul3A_1589 = arith.constant 5.000000e-01 : f32
    %mul3A_1590 = vector.broadcast %mul3A_1589 : f32 to vector<16xf32>
    %mul3A_1591 = arith.mulf %mul3A_1590, %add3A_1569 : vector<16xf32>
    %mul3A_1592 = arith.mulf %mul3A_1591, %mul3A_1588 : vector<16xf32>
    %mul3A_1593 = arith.mulf %mul3A_1592, %mul3A_1588 : vector<16xf32>
    %sub3A_1594 = arith.constant 1.500000e+00 : f32
    %sub3A_1595 = vector.broadcast %sub3A_1594 : f32 to vector<16xf32>
    %sub3A_1596 = arith.subf %sub3A_1595, %mul3A_1593 : vector<16xf32>
    %mul3A_1597 = arith.mulf %mul3A_1588, %sub3A_1596 : vector<16xf32>
    %mul3A_1598 = arith.constant 5.000000e-01 : f32
    %mul3A_1599 = vector.broadcast %mul3A_1598 : f32 to vector<16xf32>
    %mul3A_1600 = arith.mulf %mul3A_1599, %add3A_1569 : vector<16xf32>
    %mul3A_1601 = arith.mulf %mul3A_1600, %mul3A_1597 : vector<16xf32>
    %mul3A_1602 = arith.mulf %mul3A_1601, %mul3A_1597 : vector<16xf32>
    %sub3A_1603 = arith.constant 1.500000e+00 : f32
    %sub3A_1604 = vector.broadcast %sub3A_1603 : f32 to vector<16xf32>
    %sub3A_1605 = arith.subf %sub3A_1604, %mul3A_1602 : vector<16xf32>
    %mul3A_1606 = arith.mulf %mul3A_1597, %sub3A_1605 : vector<16xf32>
    %mul3A_1607 = arith.mulf %add3A_1567, %mul3A_1606 : vector<16xf32>
    %bitcast_convert_type3A_1608 = tpu.bitcast %add3A_1571 : vector<16xf32> -> vector<16xi32>
    %shift_right_arithmetic3A_1609 = arith.constant 1 : i32
    %shift_right_arithmetic3A_1610 = vector.broadcast %shift_right_arithmetic3A_1609 : i32 to vector<16xi32>
    %shift_right_arithmetic3A_1611 = arith.shrsi %bitcast_convert_type3A_1608, %shift_right_arithmetic3A_1610 : vector<16xi32>
    %sub3A_1612 = arith.constant 1597463007 : i32
    %sub3A_1613 = vector.broadcast %sub3A_1612 : i32 to vector<16xi32>
    %sub3A_1614 = arith.subi %sub3A_1613, %shift_right_arithmetic3A_1611 : vector<16xi32>
    %bitcast_convert_type3A_1615 = tpu.bitcast %sub3A_1614 : vector<16xi32> -> vector<16xf32>
    %mul3A_1616 = arith.constant 5.000000e-01 : f32
    %mul3A_1617 = vector.broadcast %mul3A_1616 : f32 to vector<16xf32>
    %mul3A_1618 = arith.mulf %mul3A_1617, %add3A_1571 : vector<16xf32>
    %mul3A_1619 = arith.mulf %mul3A_1618, %bitcast_convert_type3A_1615 : vector<16xf32>
    %mul3A_1620 = arith.mulf %mul3A_1619, %bitcast_convert_type3A_1615 : vector<16xf32>
    %sub3A_1621 = arith.constant 1.500000e+00 : f32
    %sub3A_1622 = vector.broadcast %sub3A_1621 : f32 to vector<16xf32>
    %sub3A_1623 = arith.subf %sub3A_1622, %mul3A_1620 : vector<16xf32>
    %mul3A_1624 = arith.mulf %bitcast_convert_type3A_1615, %sub3A_1623 : vector<16xf32>
    %mul3A_1625 = arith.constant 5.000000e-01 : f32
    %mul3A_1626 = vector.broadcast %mul3A_1625 : f32 to vector<16xf32>
    %mul3A_1627 = arith.mulf %mul3A_1626, %add3A_1571 : vector<16xf32>
    %mul3A_1628 = arith.mulf %mul3A_1627, %mul3A_1624 : vector<16xf32>
    %mul3A_1629 = arith.mulf %mul3A_1628, %mul3A_1624 : vector<16xf32>
    %sub3A_1630 = arith.constant 1.500000e+00 : f32
    %sub3A_1631 = vector.broadcast %sub3A_1630 : f32 to vector<16xf32>
    %sub3A_1632 = arith.subf %sub3A_1631, %mul3A_1629 : vector<16xf32>
    %mul3A_1633 = arith.mulf %mul3A_1624, %sub3A_1632 : vector<16xf32>
    %mul3A_1634 = arith.constant 5.000000e-01 : f32
    %mul3A_1635 = vector.broadcast %mul3A_1634 : f32 to vector<16xf32>
    %mul3A_1636 = arith.mulf %mul3A_1635, %add3A_1571 : vector<16xf32>
    %mul3A_1637 = arith.mulf %mul3A_1636, %mul3A_1633 : vector<16xf32>
    %mul3A_1638 = arith.mulf %mul3A_1637, %mul3A_1633 : vector<16xf32>
    %sub3A_1639 = arith.constant 1.500000e+00 : f32
    %sub3A_1640 = vector.broadcast %sub3A_1639 : f32 to vector<16xf32>
    %sub3A_1641 = arith.subf %sub3A_1640, %mul3A_1638 : vector<16xf32>
    %mul3A_1642 = arith.mulf %mul3A_1633, %sub3A_1641 : vector<16xf32>
    %mul3A_1643 = arith.mulf %mul3A_1607, %mul3A_1642 : vector<16xf32>
    %swap3A_1644 = arith.constant 208 : index
    %swap3A_1645 = tpu.vector_load %arg11[%swap3A_1644] {strides = array<i32>} : memref<512xf32, #tpu.memory_space<vmem>>, vector<16xf32>,
    tpu.vector_store %arg11[%swap3A_1644], %mul3A_1643 {strides = array<i32>} : memref<512xf32, #tpu.memory_space<vmem>>, vector<16xf32>,
    %get3A_1646 = arith.constant 224 : index
    %get3A_1647 = tpu.vector_load %arg9[%get3A_1646] {strides = array<i32>} : memref<2048xf32, #tpu.memory_space<vmem>>, vector<16xf32>,
    %get3A_1648 = arith.constant 736 : index
    %get3A_1649 = tpu.vector_load %arg9[%get3A_1648] {strides = array<i32>} : memref<2048xf32, #tpu.memory_space<vmem>>, vector<16xf32>,
    %get3A_1650 = arith.constant 1248 : index
    %get3A_1651 = tpu.vector_load %arg9[%get3A_1650] {strides = array<i32>} : memref<2048xf32, #tpu.memory_space<vmem>>, vector<16xf32>,
    %get3A_1652 = arith.constant 1760 : index
    %get3A_1653 = tpu.vector_load %arg9[%get3A_1652] {strides = array<i32>} : memref<2048xf32, #tpu.memory_space<vmem>>, vector<16xf32>,
    %get3A_1654 = arith.constant 224 : index
    %get3A_1655 = tpu.vector_load %arg10[%get3A_1654] {strides = array<i32>} : memref<2048xf32, #tpu.memory_space<vmem>>, vector<16xf32>,
    %get3A_1656 = arith.constant 736 : index
    %get3A_1657 = tpu.vector_load %arg10[%get3A_1656] {strides = array<i32>} : memref<2048xf32, #tpu.memory_space<vmem>>, vector<16xf32>,
    %get3A_1658 = arith.constant 1248 : index
    %get3A_1659 = tpu.vector_load %arg10[%get3A_1658] {strides = array<i32>} : memref<2048xf32, #tpu.memory_space<vmem>>, vector<16xf32>,
    %get3A_1660 = arith.constant 1760 : index
    %get3A_1661 = tpu.vector_load %arg10[%get3A_1660] {strides = array<i32>} : memref<2048xf32, #tpu.memory_space<vmem>>, vector<16xf32>,
    %mul3A_1662 = arith.mulf %get3A_1647, %get3A_1655 : vector<16xf32>
    %mul3A_1663 = arith.mulf %get3A_1647, %get3A_1647 : vector<16xf32>
    %mul3A_1664 = arith.mulf %get3A_1655, %get3A_1655 : vector<16xf32>
    %mul3A_1665 = arith.mulf %get3A_1649, %get3A_1657 : vector<16xf32>
    %add3A_1666 = arith.addf %mul3A_1662, %mul3A_1665 : vector<16xf32>
    %mul3A_1667 = arith.mulf %get3A_1649, %get3A_1649 : vector<16xf32>
    %add3A_1668 = arith.addf %mul3A_1663, %mul3A_1667 : vector<16xf32>
    %mul3A_1669 = arith.mulf %get3A_1657, %get3A_1657 : vector<16xf32>
    %add3A_1670 = arith.addf %mul3A_1664, %mul3A_1669 : vector<16xf32>
    %mul3A_1671 = arith.mulf %get3A_1651, %get3A_1659 : vector<16xf32>
    %add3A_1672 = arith.addf %add3A_1666, %mul3A_1671 : vector<16xf32>
    %mul3A_1673 = arith.mulf %get3A_1651, %get3A_1651 : vector<16xf32>
    %add3A_1674 = arith.addf %add3A_1668, %mul3A_1673 : vector<16xf32>
    %mul3A_1675 = arith.mulf %get3A_1659, %get3A_1659 : vector<16xf32>
    %add3A_1676 = arith.addf %add3A_1670, %mul3A_1675 : vector<16xf32>
    %mul3A_1677 = arith.mulf %get3A_1653, %get3A_1661 : vector<16xf32>
    %add3A_1678 = arith.addf %add3A_1672, %mul3A_1677 : vector<16xf32>
    %mul3A_1679 = arith.mulf %get3A_1653, %get3A_1653 : vector<16xf32>
    %add3A_1680 = arith.addf %add3A_1674, %mul3A_1679 : vector<16xf32>
    %mul3A_1681 = arith.mulf %get3A_1661, %get3A_1661 : vector<16xf32>
    %add3A_1682 = arith.addf %add3A_1676, %mul3A_1681 : vector<16xf32>
    %bitcast_convert_type3A_1683 = tpu.bitcast %add3A_1680 : vector<16xf32> -> vector<16xi32>
    %shift_right_arithmetic3A_1684 = arith.constant 1 : i32
    %shift_right_arithmetic3A_1685 = vector.broadcast %shift_right_arithmetic3A_1684 : i32 to vector<16xi32>
    %shift_right_arithmetic3A_1686 = arith.shrsi %bitcast_convert_type3A_1683, %shift_right_arithmetic3A_1685 : vector<16xi32>
    %sub3A_1687 = arith.constant 1597463007 : i32
    %sub3A_1688 = vector.broadcast %sub3A_1687 : i32 to vector<16xi32>
    %sub3A_1689 = arith.subi %sub3A_1688, %shift_right_arithmetic3A_1686 : vector<16xi32>
    %bitcast_convert_type3A_1690 = tpu.bitcast %sub3A_1689 : vector<16xi32> -> vector<16xf32>
    %mul3A_1691 = arith.constant 5.000000e-01 : f32
    %mul3A_1692 = vector.broadcast %mul3A_1691 : f32 to vector<16xf32>
    %mul3A_1693 = arith.mulf %mul3A_1692, %add3A_1680 : vector<16xf32>
    %mul3A_1694 = arith.mulf %mul3A_1693, %bitcast_convert_type3A_1690 : vector<16xf32>
    %mul3A_1695 = arith.mulf %mul3A_1694, %bitcast_convert_type3A_1690 : vector<16xf32>
    %sub3A_1696 = arith.constant 1.500000e+00 : f32
    %sub3A_1697 = vector.broadcast %sub3A_1696 : f32 to vector<16xf32>
    %sub3A_1698 = arith.subf %sub3A_1697, %mul3A_1695 : vector<16xf32>
    %mul3A_1699 = arith.mulf %bitcast_convert_type3A_1690, %sub3A_1698 : vector<16xf32>
    %mul3A_1700 = arith.constant 5.000000e-01 : f32
    %mul3A_1701 = vector.broadcast %mul3A_1700 : f32 to vector<16xf32>
    %mul3A_1702 = arith.mulf %mul3A_1701, %add3A_1680 : vector<16xf32>
    %mul3A_1703 = arith.mulf %mul3A_1702, %mul3A_1699 : vector<16xf32>
    %mul3A_1704 = arith.mulf %mul3A_1703, %mul3A_1699 : vector<16xf32>
    %sub3A_1705 = arith.constant 1.500000e+00 : f32
    %sub3A_1706 = vector.broadcast %sub3A_1705 : f32 to vector<16xf32>
    %sub3A_1707 = arith.subf %sub3A_1706, %mul3A_1704 : vector<16xf32>
    %mul3A_1708 = arith.mulf %mul3A_1699, %sub3A_1707 : vector<16xf32>
    %mul3A_1709 = arith.constant 5.000000e-01 : f32
    %mul3A_1710 = vector.broadcast %mul3A_1709 : f32 to vector<16xf32>
    %mul3A_1711 = arith.mulf %mul3A_1710, %add3A_1680 : vector<16xf32>
    %mul3A_1712 = arith.mulf %mul3A_1711, %mul3A_1708 : vector<16xf32>
    %mul3A_1713 = arith.mulf %mul3A_1712, %mul3A_1708 : vector<16xf32>
    %sub3A_1714 = arith.constant 1.500000e+00 : f32
    %sub3A_1715 = vector.broadcast %sub3A_1714 : f32 to vector<16xf32>
    %sub3A_1716 = arith.subf %sub3A_1715, %mul3A_1713 : vector<16xf32>
    %mul3A_1717 = arith.mulf %mul3A_1708, %sub3A_1716 : vector<16xf32>
    %mul3A_1718 = arith.mulf %add3A_1678, %mul3A_1717 : vector<16xf32>
    %bitcast_convert_type3A_1719 = tpu.bitcast %add3A_1682 : vector<16xf32> -> vector<16xi32>
    %shift_right_arithmetic3A_1720 = arith.constant 1 : i32
    %shift_right_arithmetic3A_1721 = vector.broadcast %shift_right_arithmetic3A_1720 : i32 to vector<16xi32>
    %shift_right_arithmetic3A_1722 = arith.shrsi %bitcast_convert_type3A_1719, %shift_right_arithmetic3A_1721 : vector<16xi32>
    %sub3A_1723 = arith.constant 1597463007 : i32
    %sub3A_1724 = vector.broadcast %sub3A_1723 : i32 to vector<16xi32>
    %sub3A_1725 = arith.subi %sub3A_1724, %shift_right_arithmetic3A_1722 : vector<16xi32>
    %bitcast_convert_type3A_1726 = tpu.bitcast %sub3A_1725 : vector<16xi32> -> vector<16xf32>
    %mul3A_1727 = arith.constant 5.000000e-01 : f32
    %mul3A_1728 = vector.broadcast %mul3A_1727 : f32 to vector<16xf32>
    %mul3A_1729 = arith.mulf %mul3A_1728, %add3A_1682 : vector<16xf32>
    %mul3A_1730 = arith.mulf %mul3A_1729, %bitcast_convert_type3A_1726 : vector<16xf32>
    %mul3A_1731 = arith.mulf %mul3A_1730, %bitcast_convert_type3A_1726 : vector<16xf32>
    %sub3A_1732 = arith.constant 1.500000e+00 : f32
    %sub3A_1733 = vector.broadcast %sub3A_1732 : f32 to vector<16xf32>
    %sub3A_1734 = arith.subf %sub3A_1733, %mul3A_1731 : vector<16xf32>
    %mul3A_1735 = arith.mulf %bitcast_convert_type3A_1726, %sub3A_1734 : vector<16xf32>
    %mul3A_1736 = arith.constant 5.000000e-01 : f32
    %mul3A_1737 = vector.broadcast %mul3A_1736 : f32 to vector<16xf32>
    %mul3A_1738 = arith.mulf %mul3A_1737, %add3A_1682 : vector<16xf32>
    %mul3A_1739 = arith.mulf %mul3A_1738, %mul3A_1735 : vector<16xf32>
    %mul3A_1740 = arith.mulf %mul3A_1739, %mul3A_1735 : vector<16xf32>
    %sub3A_1741 = arith.constant 1.500000e+00 : f32
    %sub3A_1742 = vector.broadcast %sub3A_1741 : f32 to vector<16xf32>
    %sub3A_1743 = arith.subf %sub3A_1742, %mul3A_1740 : vector<16xf32>
    %mul3A_1744 = arith.mulf %mul3A_1735, %sub3A_1743 : vector<16xf32>
    %mul3A_1745 = arith.constant 5.000000e-01 : f32
    %mul3A_1746 = vector.broadcast %mul3A_1745 : f32 to vector<16xf32>
    %mul3A_1747 = arith.mulf %mul3A_1746, %add3A_1682 : vector<16xf32>
    %mul3A_1748 = arith.mulf %mul3A_1747, %mul3A_1744 : vector<16xf32>
    %mul3A_1749 = arith.mulf %mul3A_1748, %mul3A_1744 : vector<16xf32>
    %sub3A_1750 = arith.constant 1.500000e+00 : f32
    %sub3A_1751 = vector.broadcast %sub3A_1750 : f32 to vector<16xf32>
    %sub3A_1752 = arith.subf %sub3A_1751, %mul3A_1749 : vector<16xf32>
    %mul3A_1753 = arith.mulf %mul3A_1744, %sub3A_1752 : vector<16xf32>
    %mul3A_1754 = arith.mulf %mul3A_1718, %mul3A_1753 : vector<16xf32>
    %swap3A_1755 = arith.constant 224 : index
    %swap3A_1756 = tpu.vector_load %arg11[%swap3A_1755] {strides = array<i32>} : memref<512xf32, #tpu.memory_space<vmem>>, vector<16xf32>,
    tpu.vector_store %arg11[%swap3A_1755], %mul3A_1754 {strides = array<i32>} : memref<512xf32, #tpu.memory_space<vmem>>, vector<16xf32>,
    %get3A_1757 = arith.constant 240 : index
    %get3A_1758 = tpu.vector_load %arg9[%get3A_1757] {strides = array<i32>} : memref<2048xf32, #tpu.memory_space<vmem>>, vector<16xf32>,
    %get3A_1759 = arith.constant 752 : index
    %get3A_1760 = tpu.vector_load %arg9[%get3A_1759] {strides = array<i32>} : memref<2048xf32, #tpu.memory_space<vmem>>, vector<16xf32>,
    %get3A_1761 = arith.constant 1264 : index
    %get3A_1762 = tpu.vector_load %arg9[%get3A_1761] {strides = array<i32>} : memref<2048xf32, #tpu.memory_space<vmem>>, vector<16xf32>,
    %get3A_1763 = arith.constant 1776 : index
    %get3A_1764 = tpu.vector_load %arg9[%get3A_1763] {strides = array<i32>} : memref<2048xf32, #tpu.memory_space<vmem>>, vector<16xf32>,
    %get3A_1765 = arith.constant 240 : index
    %get3A_1766 = tpu.vector_load %arg10[%get3A_1765] {strides = array<i32>} : memref<2048xf32, #tpu.memory_space<vmem>>, vector<16xf32>,
    %get3A_1767 = arith.constant 752 : index
    %get3A_1768 = tpu.vector_load %arg10[%get3A_1767] {strides = array<i32>} : memref<2048xf32, #tpu.memory_space<vmem>>, vector<16xf32>,
    %get3A_1769 = arith.constant 1264 : index
    %get3A_1770 = tpu.vector_load %arg10[%get3A_1769] {strides = array<i32>} : memref<2048xf32, #tpu.memory_space<vmem>>, vector<16xf32>,
    %get3A_1771 = arith.constant 1776 : index
    %get3A_1772 = tpu.vector_load %arg10[%get3A_1771] {strides = array<i32>} : memref<2048xf32, #tpu.memory_space<vmem>>, vector<16xf32>,
    %mul3A_1773 = arith.mulf %get3A_1758, %get3A_1766 : vector<16xf32>
    %mul3A_1774 = arith.mulf %get3A_1758, %get3A_1758 : vector<16xf32>
    %mul3A_1775 = arith.mulf %get3A_1766, %get3A_1766 : vector<16xf32>
    %mul3A_1776 = arith.mulf %get3A_1760, %get3A_1768 : vector<16xf32>
    %add3A_1777 = arith.addf %mul3A_1773, %mul3A_1776 : vector<16xf32>
    %mul3A_1778 = arith.mulf %get3A_1760, %get3A_1760 : vector<16xf32>
    %add3A_1779 = arith.addf %mul3A_1774, %mul3A_1778 : vector<16xf32>
    %mul3A_1780 = arith.mulf %get3A_1768, %get3A_1768 : vector<16xf32>
    %add3A_1781 = arith.addf %mul3A_1775, %mul3A_1780 : vector<16xf32>
    %mul3A_1782 = arith.mulf %get3A_1762, %get3A_1770 : vector<16xf32>
    %add3A_1783 = arith.addf %add3A_1777, %mul3A_1782 : vector<16xf32>
    %mul3A_1784 = arith.mulf %get3A_1762, %get3A_1762 : vector<16xf32>
    %add3A_1785 = arith.addf %add3A_1779, %mul3A_1784 : vector<16xf32>
    %mul3A_1786 = arith.mulf %get3A_1770, %get3A_1770 : vector<16xf32>
    %add3A_1787 = arith.addf %add3A_1781, %mul3A_1786 : vector<16xf32>
    %mul3A_1788 = arith.mulf %get3A_1764, %get3A_1772 : vector<16xf32>
    %add3A_1789 = arith.addf %add3A_1783, %mul3A_1788 : vector<16xf32>
    %mul3A_1790 = arith.mulf %get3A_1764, %get3A_1764 : vector<16xf32>
    %add3A_1791 = arith.addf %add3A_1785, %mul3A_1790 : vector<16xf32>
    %mul3A_1792 = arith.mulf %get3A_1772, %get3A_1772 : vector<16xf32>
    %add3A_1793 = arith.addf %add3A_1787, %mul3A_1792 : vector<16xf32>
    %bitcast_convert_type3A_1794 = tpu.bitcast %add3A_1791 : vector<16xf32> -> vector<16xi32>
    %shift_right_arithmetic3A_1795 = arith.constant 1 : i32
    %shift_right_arithmetic3A_1796 = vector.broadcast %shift_right_arithmetic3A_1795 : i32 to vector<16xi32>
    %shift_right_arithmetic3A_1797 = arith.shrsi %bitcast_convert_type3A_1794, %shift_right_arithmetic3A_1796 : vector<16xi32>
    %sub3A_1798 = arith.constant 1597463007 : i32
    %sub3A_1799 = vector.broadcast %sub3A_1798 : i32 to vector<16xi32>
    %sub3A_1800 = arith.subi %sub3A_1799, %shift_right_arithmetic3A_1797 : vector<16xi32>
    %bitcast_convert_type3A_1801 = tpu.bitcast %sub3A_1800 : vector<16xi32> -> vector<16xf32>
    %mul3A_1802 = arith.constant 5.000000e-01 : f32
    %mul3A_1803 = vector.broadcast %mul3A_1802 : f32 to vector<16xf32>
    %mul3A_1804 = arith.mulf %mul3A_1803, %add3A_1791 : vector<16xf32>
    %mul3A_1805 = arith.mulf %mul3A_1804, %bitcast_convert_type3A_1801 : vector<16xf32>
    %mul3A_1806 = arith.mulf %mul3A_1805, %bitcast_convert_type3A_1801 : vector<16xf32>
    %sub3A_1807 = arith.constant 1.500000e+00 : f32
    %sub3A_1808 = vector.broadcast %sub3A_1807 : f32 to vector<16xf32>
    %sub3A_1809 = arith.subf %sub3A_1808, %mul3A_1806 : vector<16xf32>
    %mul3A_1810 = arith.mulf %bitcast_convert_type3A_1801, %sub3A_1809 : vector<16xf32>
    %mul3A_1811 = arith.constant 5.000000e-01 : f32
    %mul3A_1812 = vector.broadcast %mul3A_1811 : f32 to vector<16xf32>
    %mul3A_1813 = arith.mulf %mul3A_1812, %add3A_1791 : vector<16xf32>
    %mul3A_1814 = arith.mulf %mul3A_1813, %mul3A_1810 : vector<16xf32>
    %mul3A_1815 = arith.mulf %mul3A_1814, %mul3A_1810 : vector<16xf32>
    %sub3A_1816 = arith.constant 1.500000e+00 : f32
    %sub3A_1817 = vector.broadcast %sub3A_1816 : f32 to vector<16xf32>
    %sub3A_1818 = arith.subf %sub3A_1817, %mul3A_1815 : vector<16xf32>
    %mul3A_1819 = arith.mulf %mul3A_1810, %sub3A_1818 : vector<16xf32>
    %mul3A_1820 = arith.constant 5.000000e-01 : f32
    %mul3A_1821 = vector.broadcast %mul3A_1820 : f32 to vector<16xf32>
    %mul3A_1822 = arith.mulf %mul3A_1821, %add3A_1791 : vector<16xf32>
    %mul3A_1823 = arith.mulf %mul3A_1822, %mul3A_1819 : vector<16xf32>
    %mul3A_1824 = arith.mulf %mul3A_1823, %mul3A_1819 : vector<16xf32>
    %sub3A_1825 = arith.constant 1.500000e+00 : f32
    %sub3A_1826 = vector.broadcast %sub3A_1825 : f32 to vector<16xf32>
    %sub3A_1827 = arith.subf %sub3A_1826, %mul3A_1824 : vector<16xf32>
    %mul3A_1828 = arith.mulf %mul3A_1819, %sub3A_1827 : vector<16xf32>
    %mul3A_1829 = arith.mulf %add3A_1789, %mul3A_1828 : vector<16xf32>
    %bitcast_convert_type3A_1830 = tpu.bitcast %add3A_1793 : vector<16xf32> -> vector<16xi32>
    %shift_right_arithmetic3A_1831 = arith.constant 1 : i32
    %shift_right_arithmetic3A_1832 = vector.broadcast %shift_right_arithmetic3A_1831 : i32 to vector<16xi32>
    %shift_right_arithmetic3A_1833 = arith.shrsi %bitcast_convert_type3A_1830, %shift_right_arithmetic3A_1832 : vector<16xi32>
    %sub3A_1834 = arith.constant 1597463007 : i32
    %sub3A_1835 = vector.broadcast %sub3A_1834 : i32 to vector<16xi32>
    %sub3A_1836 = arith.subi %sub3A_1835, %shift_right_arithmetic3A_1833 : vector<16xi32>
    %bitcast_convert_type3A_1837 = tpu.bitcast %sub3A_1836 : vector<16xi32> -> vector<16xf32>
    %mul3A_1838 = arith.constant 5.000000e-01 : f32
    %mul3A_1839 = vector.broadcast %mul3A_1838 : f32 to vector<16xf32>
    %mul3A_1840 = arith.mulf %mul3A_1839, %add3A_1793 : vector<16xf32>
    %mul3A_1841 = arith.mulf %mul3A_1840, %bitcast_convert_type3A_1837 : vector<16xf32>
    %mul3A_1842 = arith.mulf %mul3A_1841, %bitcast_convert_type3A_1837 : vector<16xf32>
    %sub3A_1843 = arith.constant 1.500000e+00 : f32
    %sub3A_1844 = vector.broadcast %sub3A_1843 : f32 to vector<16xf32>
    %sub3A_1845 = arith.subf %sub3A_1844, %mul3A_1842 : vector<16xf32>
    %mul3A_1846 = arith.mulf %bitcast_convert_type3A_1837, %sub3A_1845 : vector<16xf32>
    %mul3A_1847 = arith.constant 5.000000e-01 : f32
    %mul3A_1848 = vector.broadcast %mul3A_1847 : f32 to vector<16xf32>
    %mul3A_1849 = arith.mulf %mul3A_1848, %add3A_1793 : vector<16xf32>
    %mul3A_1850 = arith.mulf %mul3A_1849, %mul3A_1846 : vector<16xf32>
    %mul3A_1851 = arith.mulf %mul3A_1850, %mul3A_1846 : vector<16xf32>
    %sub3A_1852 = arith.constant 1.500000e+00 : f32
    %sub3A_1853 = vector.broadcast %sub3A_1852 : f32 to vector<16xf32>
    %sub3A_1854 = arith.subf %sub3A_1853, %mul3A_1851 : vector<16xf32>
    %mul3A_1855 = arith.mulf %mul3A_1846, %sub3A_1854 : vector<16xf32>
    %mul3A_1856 = arith.constant 5.000000e-01 : f32
    %mul3A_1857 = vector.broadcast %mul3A_1856 : f32 to vector<16xf32>
    %mul3A_1858 = arith.mulf %mul3A_1857, %add3A_1793 : vector<16xf32>
    %mul3A_1859 = arith.mulf %mul3A_1858, %mul3A_1855 : vector<16xf32>
    %mul3A_1860 = arith.mulf %mul3A_1859, %mul3A_1855 : vector<16xf32>
    %sub3A_1861 = arith.constant 1.500000e+00 : f32
    %sub3A_1862 = vector.broadcast %sub3A_1861 : f32 to vector<16xf32>
    %sub3A_1863 = arith.subf %sub3A_1862, %mul3A_1860 : vector<16xf32>
    %mul3A_1864 = arith.mulf %mul3A_1855, %sub3A_1863 : vector<16xf32>
    %mul3A_1865 = arith.mulf %mul3A_1829, %mul3A_1864 : vector<16xf32>
    %swap3A_1866 = arith.constant 240 : index
    %swap3A_1867 = tpu.vector_load %arg11[%swap3A_1866] {strides = array<i32>} : memref<512xf32, #tpu.memory_space<vmem>>, vector<16xf32>,
    tpu.vector_store %arg11[%swap3A_1866], %mul3A_1865 {strides = array<i32>} : memref<512xf32, #tpu.memory_space<vmem>>, vector<16xf32>,
    %get3A_1868 = arith.constant 256 : index
    %get3A_1869 = tpu.vector_load %arg9[%get3A_1868] {strides = array<i32>} : memref<2048xf32, #tpu.memory_space<vmem>>, vector<16xf32>,
    %get3A_1870 = arith.constant 768 : index
    %get3A_1871 = tpu.vector_load %arg9[%get3A_1870] {strides = array<i32>} : memref<2048xf32, #tpu.memory_space<vmem>>, vector<16xf32>,
    %get3A_1872 = arith.constant 1280 : index
    %get3A_1873 = tpu.vector_load %arg9[%get3A_1872] {strides = array<i32>} : memref<2048xf32, #tpu.memory_space<vmem>>, vector<16xf32>,
    %get3A_1874 = arith.constant 1792 : index
    %get3A_1875 = tpu.vector_load %arg9[%get3A_1874] {strides = array<i32>} : memref<2048xf32, #tpu.memory_space<vmem>>, vector<16xf32>,
    %get3A_1876 = arith.constant 256 : index
    %get3A_1877 = tpu.vector_load %arg10[%get3A_1876] {strides = array<i32>} : memref<2048xf32, #tpu.memory_space<vmem>>, vector<16xf32>,
    %get3A_1878 = arith.constant 768 : index
    %get3A_1879 = tpu.vector_load %arg10[%get3A_1878] {strides = array<i32>} : memref<2048xf32, #tpu.memory_space<vmem>>, vector<16xf32>,
    %get3A_1880 = arith.constant 1280 : index
    %get3A_1881 = tpu.vector_load %arg10[%get3A_1880] {strides = array<i32>} : memref<2048xf32, #tpu.memory_space<vmem>>, vector<16xf32>,
    %get3A_1882 = arith.constant 1792 : index
    %get3A_1883 = tpu.vector_load %arg10[%get3A_1882] {strides = array<i32>} : memref<2048xf32, #tpu.memory_space<vmem>>, vector<16xf32>,
    %mul3A_1884 = arith.mulf %get3A_1869, %get3A_1877 : vector<16xf32>
    %mul3A_1885 = arith.mulf %get3A_1869, %get3A_1869 : vector<16xf32>
    %mul3A_1886 = arith.mulf %get3A_1877, %get3A_1877 : vector<16xf32>
    %mul3A_1887 = arith.mulf %get3A_1871, %get3A_1879 : vector<16xf32>
    %add3A_1888 = arith.addf %mul3A_1884, %mul3A_1887 : vector<16xf32>
    %mul3A_1889 = arith.mulf %get3A_1871, %get3A_1871 : vector<16xf32>
    %add3A_1890 = arith.addf %mul3A_1885, %mul3A_1889 : vector<16xf32>
    %mul3A_1891 = arith.mulf %get3A_1879, %get3A_1879 : vector<16xf32>
    %add3A_1892 = arith.addf %mul3A_1886, %mul3A_1891 : vector<16xf32>
    %mul3A_1893 = arith.mulf %get3A_1873, %get3A_1881 : vector<16xf32>
    %add3A_1894 = arith.addf %add3A_1888, %mul3A_1893 : vector<16xf32>
    %mul3A_1895 = arith.mulf %get3A_1873, %get3A_1873 : vector<16xf32>
    %add3A_1896 = arith.addf %add3A_1890, %mul3A_1895 : vector<16xf32>
    %mul3A_1897 = arith.mulf %get3A_1881, %get3A_1881 : vector<16xf32>
    %add3A_1898 = arith.addf %add3A_1892, %mul3A_1897 : vector<16xf32>
    %mul3A_1899 = arith.mulf %get3A_1875, %get3A_1883 : vector<16xf32>
    %add3A_1900 = arith.addf %add3A_1894, %mul3A_1899 : vector<16xf32>
    %mul3A_1901 = arith.mulf %get3A_1875, %get3A_1875 : vector<16xf32>
    %add3A_1902 = arith.addf %add3A_1896, %mul3A_1901 : vector<16xf32>
    %mul3A_1903 = arith.mulf %get3A_1883, %get3A_1883 : vector<16xf32>
    %add3A_1904 = arith.addf %add3A_1898, %mul3A_1903 : vector<16xf32>
    %bitcast_convert_type3A_1905 = tpu.bitcast %add3A_1902 : vector<16xf32> -> vector<16xi32>
    %shift_right_arithmetic3A_1906 = arith.constant 1 : i32
    %shift_right_arithmetic3A_1907 = vector.broadcast %shift_right_arithmetic3A_1906 : i32 to vector<16xi32>
    %shift_right_arithmetic3A_1908 = arith.shrsi %bitcast_convert_type3A_1905, %shift_right_arithmetic3A_1907 : vector<16xi32>
    %sub3A_1909 = arith.constant 1597463007 : i32
    %sub3A_1910 = vector.broadcast %sub3A_1909 : i32 to vector<16xi32>
    %sub3A_1911 = arith.subi %sub3A_1910, %shift_right_arithmetic3A_1908 : vector<16xi32>
    %bitcast_convert_type3A_1912 = tpu.bitcast %sub3A_1911 : vector<16xi32> -> vector<16xf32>
    %mul3A_1913 = arith.constant 5.000000e-01 : f32
    %mul3A_1914 = vector.broadcast %mul3A_1913 : f32 to vector<16xf32>
    %mul3A_1915 = arith.mulf %mul3A_1914, %add3A_1902 : vector<16xf32>
    %mul3A_1916 = arith.mulf %mul3A_1915, %bitcast_convert_type3A_1912 : vector<16xf32>
    %mul3A_1917 = arith.mulf %mul3A_1916, %bitcast_convert_type3A_1912 : vector<16xf32>
    %sub3A_1918 = arith.constant 1.500000e+00 : f32
    %sub3A_1919 = vector.broadcast %sub3A_1918 : f32 to vector<16xf32>
    %sub3A_1920 = arith.subf %sub3A_1919, %mul3A_1917 : vector<16xf32>
    %mul3A_1921 = arith.mulf %bitcast_convert_type3A_1912, %sub3A_1920 : vector<16xf32>
    %mul3A_1922 = arith.constant 5.000000e-01 : f32
    %mul3A_1923 = vector.broadcast %mul3A_1922 : f32 to vector<16xf32>
    %mul3A_1924 = arith.mulf %mul3A_1923, %add3A_1902 : vector<16xf32>
    %mul3A_1925 = arith.mulf %mul3A_1924, %mul3A_1921 : vector<16xf32>
    %mul3A_1926 = arith.mulf %mul3A_1925, %mul3A_1921 : vector<16xf32>
    %sub3A_1927 = arith.constant 1.500000e+00 : f32
    %sub3A_1928 = vector.broadcast %sub3A_1927 : f32 to vector<16xf32>
    %sub3A_1929 = arith.subf %sub3A_1928, %mul3A_1926 : vector<16xf32>
    %mul3A_1930 = arith.mulf %mul3A_1921, %sub3A_1929 : vector<16xf32>
    %mul3A_1931 = arith.constant 5.000000e-01 : f32
    %mul3A_1932 = vector.broadcast %mul3A_1931 : f32 to vector<16xf32>
    %mul3A_1933 = arith.mulf %mul3A_1932, %add3A_1902 : vector<16xf32>
    %mul3A_1934 = arith.mulf %mul3A_1933, %mul3A_1930 : vector<16xf32>
    %mul3A_1935 = arith.mulf %mul3A_1934, %mul3A_1930 : vector<16xf32>
    %sub3A_1936 = arith.constant 1.500000e+00 : f32
    %sub3A_1937 = vector.broadcast %sub3A_1936 : f32 to vector<16xf32>
    %sub3A_1938 = arith.subf %sub3A_1937, %mul3A_1935 : vector<16xf32>
    %mul3A_1939 = arith.mulf %mul3A_1930, %sub3A_1938 : vector<16xf32>
    %mul3A_1940 = arith.mulf %add3A_1900, %mul3A_1939 : vector<16xf32>
    %bitcast_convert_type3A_1941 = tpu.bitcast %add3A_1904 : vector<16xf32> -> vector<16xi32>
    %shift_right_arithmetic3A_1942 = arith.constant 1 : i32
    %shift_right_arithmetic3A_1943 = vector.broadcast %shift_right_arithmetic3A_1942 : i32 to vector<16xi32>
    %shift_right_arithmetic3A_1944 = arith.shrsi %bitcast_convert_type3A_1941, %shift_right_arithmetic3A_1943 : vector<16xi32>
    %sub3A_1945 = arith.constant 1597463007 : i32
    %sub3A_1946 = vector.broadcast %sub3A_1945 : i32 to vector<16xi32>
    %sub3A_1947 = arith.subi %sub3A_1946, %shift_right_arithmetic3A_1944 : vector<16xi32>
    %bitcast_convert_type3A_1948 = tpu.bitcast %sub3A_1947 : vector<16xi32> -> vector<16xf32>
    %mul3A_1949 = arith.constant 5.000000e-01 : f32
    %mul3A_1950 = vector.broadcast %mul3A_1949 : f32 to vector<16xf32>
    %mul3A_1951 = arith.mulf %mul3A_1950, %add3A_1904 : vector<16xf32>
    %mul3A_1952 = arith.mulf %mul3A_1951, %bitcast_convert_type3A_1948 : vector<16xf32>
    %mul3A_1953 = arith.mulf %mul3A_1952, %bitcast_convert_type3A_1948 : vector<16xf32>
    %sub3A_1954 = arith.constant 1.500000e+00 : f32
    %sub3A_1955 = vector.broadcast %sub3A_1954 : f32 to vector<16xf32>
    %sub3A_1956 = arith.subf %sub3A_1955, %mul3A_1953 : vector<16xf32>
    %mul3A_1957 = arith.mulf %bitcast_convert_type3A_1948, %sub3A_1956 : vector<16xf32>
    %mul3A_1958 = arith.constant 5.000000e-01 : f32
    %mul3A_1959 = vector.broadcast %mul3A_1958 : f32 to vector<16xf32>
    %mul3A_1960 = arith.mulf %mul3A_1959, %add3A_1904 : vector<16xf32>
    %mul3A_1961 = arith.mulf %mul3A_1960, %mul3A_1957 : vector<16xf32>
    %mul3A_1962 = arith.mulf %mul3A_1961, %mul3A_1957 : vector<16xf32>
    %sub3A_1963 = arith.constant 1.500000e+00 : f32
    %sub3A_1964 = vector.broadcast %sub3A_1963 : f32 to vector<16xf32>
    %sub3A_1965 = arith.subf %sub3A_1964, %mul3A_1962 : vector<16xf32>
    %mul3A_1966 = arith.mulf %mul3A_1957, %sub3A_1965 : vector<16xf32>
    %mul3A_1967 = arith.constant 5.000000e-01 : f32
    %mul3A_1968 = vector.broadcast %mul3A_1967 : f32 to vector<16xf32>
    %mul3A_1969 = arith.mulf %mul3A_1968, %add3A_1904 : vector<16xf32>
    %mul3A_1970 = arith.mulf %mul3A_1969, %mul3A_1966 : vector<16xf32>
    %mul3A_1971 = arith.mulf %mul3A_1970, %mul3A_1966 : vector<16xf32>
    %sub3A_1972 = arith.constant 1.500000e+00 : f32
    %sub3A_1973 = vector.broadcast %sub3A_1972 : f32 to vector<16xf32>
    %sub3A_1974 = arith.subf %sub3A_1973, %mul3A_1971 : vector<16xf32>
    %mul3A_1975 = arith.mulf %mul3A_1966, %sub3A_1974 : vector<16xf32>
    %mul3A_1976 = arith.mulf %mul3A_1940, %mul3A_1975 : vector<16xf32>
    %swap3A_1977 = arith.constant 256 : index
    %swap3A_1978 = tpu.vector_load %arg11[%swap3A_1977] {strides = array<i32>} : memref<512xf32, #tpu.memory_space<vmem>>, vector<16xf32>,
    tpu.vector_store %arg11[%swap3A_1977], %mul3A_1976 {strides = array<i32>} : memref<512xf32, #tpu.memory_space<vmem>>, vector<16xf32>,
    %get3A_1979 = arith.constant 272 : index
    %get3A_1980 = tpu.vector_load %arg9[%get3A_1979] {strides = array<i32>} : memref<2048xf32, #tpu.memory_space<vmem>>, vector<16xf32>,
    %get3A_1981 = arith.constant 784 : index
    %get3A_1982 = tpu.vector_load %arg9[%get3A_1981] {strides = array<i32>} : memref<2048xf32, #tpu.memory_space<vmem>>, vector<16xf32>,
    %get3A_1983 = arith.constant 1296 : index
    %get3A_1984 = tpu.vector_load %arg9[%get3A_1983] {strides = array<i32>} : memref<2048xf32, #tpu.memory_space<vmem>>, vector<16xf32>,
    %get3A_1985 = arith.constant 1808 : index
    %get3A_1986 = tpu.vector_load %arg9[%get3A_1985] {strides = array<i32>} : memref<2048xf32, #tpu.memory_space<vmem>>, vector<16xf32>,
    %get3A_1987 = arith.constant 272 : index
    %get3A_1988 = tpu.vector_load %arg10[%get3A_1987] {strides = array<i32>} : memref<2048xf32, #tpu.memory_space<vmem>>, vector<16xf32>,
    %get3A_1989 = arith.constant 784 : index
    %get3A_1990 = tpu.vector_load %arg10[%get3A_1989] {strides = array<i32>} : memref<2048xf32, #tpu.memory_space<vmem>>, vector<16xf32>,
    %get3A_1991 = arith.constant 1296 : index
    %get3A_1992 = tpu.vector_load %arg10[%get3A_1991] {strides = array<i32>} : memref<2048xf32, #tpu.memory_space<vmem>>, vector<16xf32>,
    %get3A_1993 = arith.constant 1808 : index
    %get3A_1994 = tpu.vector_load %arg10[%get3A_1993] {strides = array<i32>} : memref<2048xf32, #tpu.memory_space<vmem>>, vector<16xf32>,
    %mul3A_1995 = arith.mulf %get3A_1980, %get3A_1988 : vector<16xf32>
    %mul3A_1996 = arith.mulf %get3A_1980, %get3A_1980 : vector<16xf32>
    %mul3A_1997 = arith.mulf %get3A_1988, %get3A_1988 : vector<16xf32>
    %mul3A_1998 = arith.mulf %get3A_1982, %get3A_1990 : vector<16xf32>
    %add3A_1999 = arith.addf %mul3A_1995, %mul3A_1998 : vector<16xf32>
    %mul3A_2000 = arith.mulf %get3A_1982, %get3A_1982 : vector<16xf32>
    %add3A_2001 = arith.addf %mul3A_1996, %mul3A_2000 : vector<16xf32>
    %mul3A_2002 = arith.mulf %get3A_1990, %get3A_1990 : vector<16xf32>
    %add3A_2003 = arith.addf %mul3A_1997, %mul3A_2002 : vector<16xf32>
    %mul3A_2004 = arith.mulf %get3A_1984, %get3A_1992 : vector<16xf32>
    %add3A_2005 = arith.addf %add3A_1999, %mul3A_2004 : vector<16xf32>
    %mul3A_2006 = arith.mulf %get3A_1984, %get3A_1984 : vector<16xf32>
    %add3A_2007 = arith.addf %add3A_2001, %mul3A_2006 : vector<16xf32>
    %mul3A_2008 = arith.mulf %get3A_1992, %get3A_1992 : vector<16xf32>
    %add3A_2009 = arith.addf %add3A_2003, %mul3A_2008 : vector<16xf32>
    %mul3A_2010 = arith.mulf %get3A_1986, %get3A_1994 : vector<16xf32>
    %add3A_2011 = arith.addf %add3A_2005, %mul3A_2010 : vector<16xf32>
    %mul3A_2012 = arith.mulf %get3A_1986, %get3A_1986 : vector<16xf32>
    %add3A_2013 = arith.addf %add3A_2007, %mul3A_2012 : vector<16xf32>
    %mul3A_2014 = arith.mulf %get3A_1994, %get3A_1994 : vector<16xf32>
    %add3A_2015 = arith.addf %add3A_2009, %mul3A_2014 : vector<16xf32>
    %bitcast_convert_type3A_2016 = tpu.bitcast %add3A_2013 : vector<16xf32> -> vector<16xi32>
    %shift_right_arithmetic3A_2017 = arith.constant 1 : i32
    %shift_right_arithmetic3A_2018 = vector.broadcast %shift_right_arithmetic3A_2017 : i32 to vector<16xi32>
    %shift_right_arithmetic3A_2019 = arith.shrsi %bitcast_convert_type3A_2016, %shift_right_arithmetic3A_2018 : vector<16xi32>
    %sub3A_2020 = arith.constant 1597463007 : i32
    %sub3A_2021 = vector.broadcast %sub3A_2020 : i32 to vector<16xi32>
    %sub3A_2022 = arith.subi %sub3A_2021, %shift_right_arithmetic3A_2019 : vector<16xi32>
    %bitcast_convert_type3A_2023 = tpu.bitcast %sub3A_2022 : vector<16xi32> -> vector<16xf32>
    %mul3A_2024 = arith.constant 5.000000e-01 : f32
    %mul3A_2025 = vector.broadcast %mul3A_2024 : f32 to vector<16xf32>
    %mul3A_2026 = arith.mulf %mul3A_2025, %add3A_2013 : vector<16xf32>
    %mul3A_2027 = arith.mulf %mul3A_2026, %bitcast_convert_type3A_2023 : vector<16xf32>
    %mul3A_2028 = arith.mulf %mul3A_2027, %bitcast_convert_type3A_2023 : vector<16xf32>
    %sub3A_2029 = arith.constant 1.500000e+00 : f32
    %sub3A_2030 = vector.broadcast %sub3A_2029 : f32 to vector<16xf32>
    %sub3A_2031 = arith.subf %sub3A_2030, %mul3A_2028 : vector<16xf32>
    %mul3A_2032 = arith.mulf %bitcast_convert_type3A_2023, %sub3A_2031 : vector<16xf32>
    %mul3A_2033 = arith.constant 5.000000e-01 : f32
    %mul3A_2034 = vector.broadcast %mul3A_2033 : f32 to vector<16xf32>
    %mul3A_2035 = arith.mulf %mul3A_2034, %add3A_2013 : vector<16xf32>
    %mul3A_2036 = arith.mulf %mul3A_2035, %mul3A_2032 : vector<16xf32>
    %mul3A_2037 = arith.mulf %mul3A_2036, %mul3A_2032 : vector<16xf32>
    %sub3A_2038 = arith.constant 1.500000e+00 : f32
    %sub3A_2039 = vector.broadcast %sub3A_2038 : f32 to vector<16xf32>
    %sub3A_2040 = arith.subf %sub3A_2039, %mul3A_2037 : vector<16xf32>
    %mul3A_2041 = arith.mulf %mul3A_2032, %sub3A_2040 : vector<16xf32>
    %mul3A_2042 = arith.constant 5.000000e-01 : f32
    %mul3A_2043 = vector.broadcast %mul3A_2042 : f32 to vector<16xf32>
    %mul3A_2044 = arith.mulf %mul3A_2043, %add3A_2013 : vector<16xf32>
    %mul3A_2045 = arith.mulf %mul3A_2044, %mul3A_2041 : vector<16xf32>
    %mul3A_2046 = arith.mulf %mul3A_2045, %mul3A_2041 : vector<16xf32>
    %sub3A_2047 = arith.constant 1.500000e+00 : f32
    %sub3A_2048 = vector.broadcast %sub3A_2047 : f32 to vector<16xf32>
    %sub3A_2049 = arith.subf %sub3A_2048, %mul3A_2046 : vector<16xf32>
    %mul3A_2050 = arith.mulf %mul3A_2041, %sub3A_2049 : vector<16xf32>
    %mul3A_2051 = arith.mulf %add3A_2011, %mul3A_2050 : vector<16xf32>
    %bitcast_convert_type3A_2052 = tpu.bitcast %add3A_2015 : vector<16xf32> -> vector<16xi32>
    %shift_right_arithmetic3A_2053 = arith.constant 1 : i32
    %shift_right_arithmetic3A_2054 = vector.broadcast %shift_right_arithmetic3A_2053 : i32 to vector<16xi32>
    %shift_right_arithmetic3A_2055 = arith.shrsi %bitcast_convert_type3A_2052, %shift_right_arithmetic3A_2054 : vector<16xi32>
    %sub3A_2056 = arith.constant 1597463007 : i32
    %sub3A_2057 = vector.broadcast %sub3A_2056 : i32 to vector<16xi32>
    %sub3A_2058 = arith.subi %sub3A_2057, %shift_right_arithmetic3A_2055 : vector<16xi32>
    %bitcast_convert_type3A_2059 = tpu.bitcast %sub3A_2058 : vector<16xi32> -> vector<16xf32>
    %mul3A_2060 = arith.constant 5.000000e-01 : f32
    %mul3A_2061 = vector.broadcast %mul3A_2060 : f32 to vector<16xf32>
    %mul3A_2062 = arith.mulf %mul3A_2061, %add3A_2015 : vector<16xf32>
    %mul3A_2063 = arith.mulf %mul3A_2062, %bitcast_convert_type3A_2059 : vector<16xf32>
    %mul3A_2064 = arith.mulf %mul3A_2063, %bitcast_convert_type3A_2059 : vector<16xf32>
    %sub3A_2065 = arith.constant 1.500000e+00 : f32
    %sub3A_2066 = vector.broadcast %sub3A_2065 : f32 to vector<16xf32>
    %sub3A_2067 = arith.subf %sub3A_2066, %mul3A_2064 : vector<16xf32>
    %mul3A_2068 = arith.mulf %bitcast_convert_type3A_2059, %sub3A_2067 : vector<16xf32>
    %mul3A_2069 = arith.constant 5.000000e-01 : f32
    %mul3A_2070 = vector.broadcast %mul3A_2069 : f32 to vector<16xf32>
    %mul3A_2071 = arith.mulf %mul3A_2070, %add3A_2015 : vector<16xf32>
    %mul3A_2072 = arith.mulf %mul3A_2071, %mul3A_2068 : vector<16xf32>
    %mul3A_2073 = arith.mulf %mul3A_2072, %mul3A_2068 : vector<16xf32>
    %sub3A_2074 = arith.constant 1.500000e+00 : f32
    %sub3A_2075 = vector.broadcast %sub3A_2074 : f32 to vector<16xf32>
    %sub3A_2076 = arith.subf %sub3A_2075, %mul3A_2073 : vector<16xf32>
    %mul3A_2077 = arith.mulf %mul3A_2068, %sub3A_2076 : vector<16xf32>
    %mul3A_2078 = arith.constant 5.000000e-01 : f32
    %mul3A_2079 = vector.broadcast %mul3A_2078 : f32 to vector<16xf32>
    %mul3A_2080 = arith.mulf %mul3A_2079, %add3A_2015 : vector<16xf32>
    %mul3A_2081 = arith.mulf %mul3A_2080, %mul3A_2077 : vector<16xf32>
    %mul3A_2082 = arith.mulf %mul3A_2081, %mul3A_2077 : vector<16xf32>
    %sub3A_2083 = arith.constant 1.500000e+00 : f32
    %sub3A_2084 = vector.broadcast %sub3A_2083 : f32 to vector<16xf32>
    %sub3A_2085 = arith.subf %sub3A_2084, %mul3A_2082 : vector<16xf32>
    %mul3A_2086 = arith.mulf %mul3A_2077, %sub3A_2085 : vector<16xf32>
    %mul3A_2087 = arith.mulf %mul3A_2051, %mul3A_2086 : vector<16xf32>
    %swap3A_2088 = arith.constant 272 : index
    %swap3A_2089 = tpu.vector_load %arg11[%swap3A_2088] {strides = array<i32>} : memref<512xf32, #tpu.memory_space<vmem>>, vector<16xf32>,
    tpu.vector_store %arg11[%swap3A_2088], %mul3A_2087 {strides = array<i32>} : memref<512xf32, #tpu.memory_space<vmem>>, vector<16xf32>,
    %get3A_2090 = arith.constant 288 : index
    %get3A_2091 = tpu.vector_load %arg9[%get3A_2090] {strides = array<i32>} : memref<2048xf32, #tpu.memory_space<vmem>>, vector<16xf32>,
    %get3A_2092 = arith.constant 800 : index
    %get3A_2093 = tpu.vector_load %arg9[%get3A_2092] {strides = array<i32>} : memref<2048xf32, #tpu.memory_space<vmem>>, vector<16xf32>,
    %get3A_2094 = arith.constant 1312 : index
    %get3A_2095 = tpu.vector_load %arg9[%get3A_2094] {strides = array<i32>} : memref<2048xf32, #tpu.memory_space<vmem>>, vector<16xf32>,
    %get3A_2096 = arith.constant 1824 : index
    %get3A_2097 = tpu.vector_load %arg9[%get3A_2096] {strides = array<i32>} : memref<2048xf32, #tpu.memory_space<vmem>>, vector<16xf32>,
    %get3A_2098 = arith.constant 288 : index
    %get3A_2099 = tpu.vector_load %arg10[%get3A_2098] {strides = array<i32>} : memref<2048xf32, #tpu.memory_space<vmem>>, vector<16xf32>,
    %get3A_2100 = arith.constant 800 : index
    %get3A_2101 = tpu.vector_load %arg10[%get3A_2100] {strides = array<i32>} : memref<2048xf32, #tpu.memory_space<vmem>>, vector<16xf32>,
    %get3A_2102 = arith.constant 1312 : index
    %get3A_2103 = tpu.vector_load %arg10[%get3A_2102] {strides = array<i32>} : memref<2048xf32, #tpu.memory_space<vmem>>, vector<16xf32>,
    %get3A_2104 = arith.constant 1824 : index
    %get3A_2105 = tpu.vector_load %arg10[%get3A_2104] {strides = array<i32>} : memref<2048xf32, #tpu.memory_space<vmem>>, vector<16xf32>,
    %mul3A_2106 = arith.mulf %get3A_2091, %get3A_2099 : vector<16xf32>
    %mul3A_2107 = arith.mulf %get3A_2091, %get3A_2091 : vector<16xf32>
    %mul3A_2108 = arith.mulf %get3A_2099, %get3A_2099 : vector<16xf32>
    %mul3A_2109 = arith.mulf %get3A_2093, %get3A_2101 : vector<16xf32>
    %add3A_2110 = arith.addf %mul3A_2106, %mul3A_2109 : vector<16xf32>
    %mul3A_2111 = arith.mulf %get3A_2093, %get3A_2093 : vector<16xf32>
    %add3A_2112 = arith.addf %mul3A_2107, %mul3A_2111 : vector<16xf32>
    %mul3A_2113 = arith.mulf %get3A_2101, %get3A_2101 : vector<16xf32>
    %add3A_2114 = arith.addf %mul3A_2108, %mul3A_2113 : vector<16xf32>
    %mul3A_2115 = arith.mulf %get3A_2095, %get3A_2103 : vector<16xf32>
    %add3A_2116 = arith.addf %add3A_2110, %mul3A_2115 : vector<16xf32>
    %mul3A_2117 = arith.mulf %get3A_2095, %get3A_2095 : vector<16xf32>
    %add3A_2118 = arith.addf %add3A_2112, %mul3A_2117 : vector<16xf32>
    %mul3A_2119 = arith.mulf %get3A_2103, %get3A_2103 : vector<16xf32>
    %add3A_2120 = arith.addf %add3A_2114, %mul3A_2119 : vector<16xf32>
    %mul3A_2121 = arith.mulf %get3A_2097, %get3A_2105 : vector<16xf32>
    %add3A_2122 = arith.addf %add3A_2116, %mul3A_2121 : vector<16xf32>
    %mul3A_2123 = arith.mulf %get3A_2097, %get3A_2097 : vector<16xf32>
    %add3A_2124 = arith.addf %add3A_2118, %mul3A_2123 : vector<16xf32>
    %mul3A_2125 = arith.mulf %get3A_2105, %get3A_2105 : vector<16xf32>
    %add3A_2126 = arith.addf %add3A_2120, %mul3A_2125 : vector<16xf32>
    %bitcast_convert_type3A_2127 = tpu.bitcast %add3A_2124 : vector<16xf32> -> vector<16xi32>
    %shift_right_arithmetic3A_2128 = arith.constant 1 : i32
    %shift_right_arithmetic3A_2129 = vector.broadcast %shift_right_arithmetic3A_2128 : i32 to vector<16xi32>
    %shift_right_arithmetic3A_2130 = arith.shrsi %bitcast_convert_type3A_2127, %shift_right_arithmetic3A_2129 : vector<16xi32>
    %sub3A_2131 = arith.constant 1597463007 : i32
    %sub3A_2132 = vector.broadcast %sub3A_2131 : i32 to vector<16xi32>
    %sub3A_2133 = arith.subi %sub3A_2132, %shift_right_arithmetic3A_2130 : vector<16xi32>
    %bitcast_convert_type3A_2134 = tpu.bitcast %sub3A_2133 : vector<16xi32> -> vector<16xf32>
    %mul3A_2135 = arith.constant 5.000000e-01 : f32
    %mul3A_2136 = vector.broadcast %mul3A_2135 : f32 to vector<16xf32>
    %mul3A_2137 = arith.mulf %mul3A_2136, %add3A_2124 : vector<16xf32>
    %mul3A_2138 = arith.mulf %mul3A_2137, %bitcast_convert_type3A_2134 : vector<16xf32>
    %mul3A_2139 = arith.mulf %mul3A_2138, %bitcast_convert_type3A_2134 : vector<16xf32>
    %sub3A_2140 = arith.constant 1.500000e+00 : f32
    %sub3A_2141 = vector.broadcast %sub3A_2140 : f32 to vector<16xf32>
    %sub3A_2142 = arith.subf %sub3A_2141, %mul3A_2139 : vector<16xf32>
    %mul3A_2143 = arith.mulf %bitcast_convert_type3A_2134, %sub3A_2142 : vector<16xf32>
    %mul3A_2144 = arith.constant 5.000000e-01 : f32
    %mul3A_2145 = vector.broadcast %mul3A_2144 : f32 to vector<16xf32>
    %mul3A_2146 = arith.mulf %mul3A_2145, %add3A_2124 : vector<16xf32>
    %mul3A_2147 = arith.mulf %mul3A_2146, %mul3A_2143 : vector<16xf32>
    %mul3A_2148 = arith.mulf %mul3A_2147, %mul3A_2143 : vector<16xf32>
    %sub3A_2149 = arith.constant 1.500000e+00 : f32
    %sub3A_2150 = vector.broadcast %sub3A_2149 : f32 to vector<16xf32>
    %sub3A_2151 = arith.subf %sub3A_2150, %mul3A_2148 : vector<16xf32>
    %mul3A_2152 = arith.mulf %mul3A_2143, %sub3A_2151 : vector<16xf32>
    %mul3A_2153 = arith.constant 5.000000e-01 : f32
    %mul3A_2154 = vector.broadcast %mul3A_2153 : f32 to vector<16xf32>
    %mul3A_2155 = arith.mulf %mul3A_2154, %add3A_2124 : vector<16xf32>
    %mul3A_2156 = arith.mulf %mul3A_2155, %mul3A_2152 : vector<16xf32>
    %mul3A_2157 = arith.mulf %mul3A_2156, %mul3A_2152 : vector<16xf32>
    %sub3A_2158 = arith.constant 1.500000e+00 : f32
    %sub3A_2159 = vector.broadcast %sub3A_2158 : f32 to vector<16xf32>
    %sub3A_2160 = arith.subf %sub3A_2159, %mul3A_2157 : vector<16xf32>
    %mul3A_2161 = arith.mulf %mul3A_2152, %sub3A_2160 : vector<16xf32>
    %mul3A_2162 = arith.mulf %add3A_2122, %mul3A_2161 : vector<16xf32>
    %bitcast_convert_type3A_2163 = tpu.bitcast %add3A_2126 : vector<16xf32> -> vector<16xi32>
    %shift_right_arithmetic3A_2164 = arith.constant 1 : i32
    %shift_right_arithmetic3A_2165 = vector.broadcast %shift_right_arithmetic3A_2164 : i32 to vector<16xi32>
    %shift_right_arithmetic3A_2166 = arith.shrsi %bitcast_convert_type3A_2163, %shift_right_arithmetic3A_2165 : vector<16xi32>
    %sub3A_2167 = arith.constant 1597463007 : i32
    %sub3A_2168 = vector.broadcast %sub3A_2167 : i32 to vector<16xi32>
    %sub3A_2169 = arith.subi %sub3A_2168, %shift_right_arithmetic3A_2166 : vector<16xi32>
    %bitcast_convert_type3A_2170 = tpu.bitcast %sub3A_2169 : vector<16xi32> -> vector<16xf32>
    %mul3A_2171 = arith.constant 5.000000e-01 : f32
    %mul3A_2172 = vector.broadcast %mul3A_2171 : f32 to vector<16xf32>
    %mul3A_2173 = arith.mulf %mul3A_2172, %add3A_2126 : vector<16xf32>
    %mul3A_2174 = arith.mulf %mul3A_2173, %bitcast_convert_type3A_2170 : vector<16xf32>
    %mul3A_2175 = arith.mulf %mul3A_2174, %bitcast_convert_type3A_2170 : vector<16xf32>
    %sub3A_2176 = arith.constant 1.500000e+00 : f32
    %sub3A_2177 = vector.broadcast %sub3A_2176 : f32 to vector<16xf32>
    %sub3A_2178 = arith.subf %sub3A_2177, %mul3A_2175 : vector<16xf32>
    %mul3A_2179 = arith.mulf %bitcast_convert_type3A_2170, %sub3A_2178 : vector<16xf32>
    %mul3A_2180 = arith.constant 5.000000e-01 : f32
    %mul3A_2181 = vector.broadcast %mul3A_2180 : f32 to vector<16xf32>
    %mul3A_2182 = arith.mulf %mul3A_2181, %add3A_2126 : vector<16xf32>
    %mul3A_2183 = arith.mulf %mul3A_2182, %mul3A_2179 : vector<16xf32>
    %mul3A_2184 = arith.mulf %mul3A_2183, %mul3A_2179 : vector<16xf32>
    %sub3A_2185 = arith.constant 1.500000e+00 : f32
    %sub3A_2186 = vector.broadcast %sub3A_2185 : f32 to vector<16xf32>
    %sub3A_2187 = arith.subf %sub3A_2186, %mul3A_2184 : vector<16xf32>
    %mul3A_2188 = arith.mulf %mul3A_2179, %sub3A_2187 : vector<16xf32>
    %mul3A_2189 = arith.constant 5.000000e-01 : f32
    %mul3A_2190 = vector.broadcast %mul3A_2189 : f32 to vector<16xf32>
    %mul3A_2191 = arith.mulf %mul3A_2190, %add3A_2126 : vector<16xf32>
    %mul3A_2192 = arith.mulf %mul3A_2191, %mul3A_2188 : vector<16xf32>
    %mul3A_2193 = arith.mulf %mul3A_2192, %mul3A_2188 : vector<16xf32>
    %sub3A_2194 = arith.constant 1.500000e+00 : f32
    %sub3A_2195 = vector.broadcast %sub3A_2194 : f32 to vector<16xf32>
    %sub3A_2196 = arith.subf %sub3A_2195, %mul3A_2193 : vector<16xf32>
    %mul3A_2197 = arith.mulf %mul3A_2188, %sub3A_2196 : vector<16xf32>
    %mul3A_2198 = arith.mulf %mul3A_2162, %mul3A_2197 : vector<16xf32>
    %swap3A_2199 = arith.constant 288 : index
    %swap3A_2200 = tpu.vector_load %arg11[%swap3A_2199] {strides = array<i32>} : memref<512xf32, #tpu.memory_space<vmem>>, vector<16xf32>,
    tpu.vector_store %arg11[%swap3A_2199], %mul3A_2198 {strides = array<i32>} : memref<512xf32, #tpu.memory_space<vmem>>, vector<16xf32>,
    %get3A_2201 = arith.constant 304 : index
    %get3A_2202 = tpu.vector_load %arg9[%get3A_2201] {strides = array<i32>} : memref<2048xf32, #tpu.memory_space<vmem>>, vector<16xf32>,
    %get3A_2203 = arith.constant 816 : index
    %get3A_2204 = tpu.vector_load %arg9[%get3A_2203] {strides = array<i32>} : memref<2048xf32, #tpu.memory_space<vmem>>, vector<16xf32>,
    %get3A_2205 = arith.constant 1328 : index
    %get3A_2206 = tpu.vector_load %arg9[%get3A_2205] {strides = array<i32>} : memref<2048xf32, #tpu.memory_space<vmem>>, vector<16xf32>,
    %get3A_2207 = arith.constant 1840 : index
    %get3A_2208 = tpu.vector_load %arg9[%get3A_2207] {strides = array<i32>} : memref<2048xf32, #tpu.memory_space<vmem>>, vector<16xf32>,
    %get3A_2209 = arith.constant 304 : index
    %get3A_2210 = tpu.vector_load %arg10[%get3A_2209] {strides = array<i32>} : memref<2048xf32, #tpu.memory_space<vmem>>, vector<16xf32>,
    %get3A_2211 = arith.constant 816 : index
    %get3A_2212 = tpu.vector_load %arg10[%get3A_2211] {strides = array<i32>} : memref<2048xf32, #tpu.memory_space<vmem>>, vector<16xf32>,
    %get3A_2213 = arith.constant 1328 : index
    %get3A_2214 = tpu.vector_load %arg10[%get3A_2213] {strides = array<i32>} : memref<2048xf32, #tpu.memory_space<vmem>>, vector<16xf32>,
    %get3A_2215 = arith.constant 1840 : index
    %get3A_2216 = tpu.vector_load %arg10[%get3A_2215] {strides = array<i32>} : memref<2048xf32, #tpu.memory_space<vmem>>, vector<16xf32>,
    %mul3A_2217 = arith.mulf %get3A_2202, %get3A_2210 : vector<16xf32>
    %mul3A_2218 = arith.mulf %get3A_2202, %get3A_2202 : vector<16xf32>
    %mul3A_2219 = arith.mulf %get3A_2210, %get3A_2210 : vector<16xf32>
    %mul3A_2220 = arith.mulf %get3A_2204, %get3A_2212 : vector<16xf32>
    %add3A_2221 = arith.addf %mul3A_2217, %mul3A_2220 : vector<16xf32>
    %mul3A_2222 = arith.mulf %get3A_2204, %get3A_2204 : vector<16xf32>
    %add3A_2223 = arith.addf %mul3A_2218, %mul3A_2222 : vector<16xf32>
    %mul3A_2224 = arith.mulf %get3A_2212, %get3A_2212 : vector<16xf32>
    %add3A_2225 = arith.addf %mul3A_2219, %mul3A_2224 : vector<16xf32>
    %mul3A_2226 = arith.mulf %get3A_2206, %get3A_2214 : vector<16xf32>
    %add3A_2227 = arith.addf %add3A_2221, %mul3A_2226 : vector<16xf32>
    %mul3A_2228 = arith.mulf %get3A_2206, %get3A_2206 : vector<16xf32>
    %add3A_2229 = arith.addf %add3A_2223, %mul3A_2228 : vector<16xf32>
    %mul3A_2230 = arith.mulf %get3A_2214, %get3A_2214 : vector<16xf32>
    %add3A_2231 = arith.addf %add3A_2225, %mul3A_2230 : vector<16xf32>
    %mul3A_2232 = arith.mulf %get3A_2208, %get3A_2216 : vector<16xf32>
    %add3A_2233 = arith.addf %add3A_2227, %mul3A_2232 : vector<16xf32>
    %mul3A_2234 = arith.mulf %get3A_2208, %get3A_2208 : vector<16xf32>
    %add3A_2235 = arith.addf %add3A_2229, %mul3A_2234 : vector<16xf32>
    %mul3A_2236 = arith.mulf %get3A_2216, %get3A_2216 : vector<16xf32>
    %add3A_2237 = arith.addf %add3A_2231, %mul3A_2236 : vector<16xf32>
    %bitcast_convert_type3A_2238 = tpu.bitcast %add3A_2235 : vector<16xf32> -> vector<16xi32>
    %shift_right_arithmetic3A_2239 = arith.constant 1 : i32
    %shift_right_arithmetic3A_2240 = vector.broadcast %shift_right_arithmetic3A_2239 : i32 to vector<16xi32>
    %shift_right_arithmetic3A_2241 = arith.shrsi %bitcast_convert_type3A_2238, %shift_right_arithmetic3A_2240 : vector<16xi32>
    %sub3A_2242 = arith.constant 1597463007 : i32
    %sub3A_2243 = vector.broadcast %sub3A_2242 : i32 to vector<16xi32>
    %sub3A_2244 = arith.subi %sub3A_2243, %shift_right_arithmetic3A_2241 : vector<16xi32>
    %bitcast_convert_type3A_2245 = tpu.bitcast %sub3A_2244 : vector<16xi32> -> vector<16xf32>
    %mul3A_2246 = arith.constant 5.000000e-01 : f32
    %mul3A_2247 = vector.broadcast %mul3A_2246 : f32 to vector<16xf32>
    %mul3A_2248 = arith.mulf %mul3A_2247, %add3A_2235 : vector<16xf32>
    %mul3A_2249 = arith.mulf %mul3A_2248, %bitcast_convert_type3A_2245 : vector<16xf32>
    %mul3A_2250 = arith.mulf %mul3A_2249, %bitcast_convert_type3A_2245 : vector<16xf32>
    %sub3A_2251 = arith.constant 1.500000e+00 : f32
    %sub3A_2252 = vector.broadcast %sub3A_2251 : f32 to vector<16xf32>
    %sub3A_2253 = arith.subf %sub3A_2252, %mul3A_2250 : vector<16xf32>
    %mul3A_2254 = arith.mulf %bitcast_convert_type3A_2245, %sub3A_2253 : vector<16xf32>
    %mul3A_2255 = arith.constant 5.000000e-01 : f32
    %mul3A_2256 = vector.broadcast %mul3A_2255 : f32 to vector<16xf32>
    %mul3A_2257 = arith.mulf %mul3A_2256, %add3A_2235 : vector<16xf32>
    %mul3A_2258 = arith.mulf %mul3A_2257, %mul3A_2254 : vector<16xf32>
    %mul3A_2259 = arith.mulf %mul3A_2258, %mul3A_2254 : vector<16xf32>
    %sub3A_2260 = arith.constant 1.500000e+00 : f32
    %sub3A_2261 = vector.broadcast %sub3A_2260 : f32 to vector<16xf32>
    %sub3A_2262 = arith.subf %sub3A_2261, %mul3A_2259 : vector<16xf32>
    %mul3A_2263 = arith.mulf %mul3A_2254, %sub3A_2262 : vector<16xf32>
    %mul3A_2264 = arith.constant 5.000000e-01 : f32
    %mul3A_2265 = vector.broadcast %mul3A_2264 : f32 to vector<16xf32>
    %mul3A_2266 = arith.mulf %mul3A_2265, %add3A_2235 : vector<16xf32>
    %mul3A_2267 = arith.mulf %mul3A_2266, %mul3A_2263 : vector<16xf32>
    %mul3A_2268 = arith.mulf %mul3A_2267, %mul3A_2263 : vector<16xf32>
    %sub3A_2269 = arith.constant 1.500000e+00 : f32
    %sub3A_2270 = vector.broadcast %sub3A_2269 : f32 to vector<16xf32>
    %sub3A_2271 = arith.subf %sub3A_2270, %mul3A_2268 : vector<16xf32>
    %mul3A_2272 = arith.mulf %mul3A_2263, %sub3A_2271 : vector<16xf32>
    %mul3A_2273 = arith.mulf %add3A_2233, %mul3A_2272 : vector<16xf32>
    %bitcast_convert_type3A_2274 = tpu.bitcast %add3A_2237 : vector<16xf32> -> vector<16xi32>
    %shift_right_arithmetic3A_2275 = arith.constant 1 : i32
    %shift_right_arithmetic3A_2276 = vector.broadcast %shift_right_arithmetic3A_2275 : i32 to vector<16xi32>
    %shift_right_arithmetic3A_2277 = arith.shrsi %bitcast_convert_type3A_2274, %shift_right_arithmetic3A_2276 : vector<16xi32>
    %sub3A_2278 = arith.constant 1597463007 : i32
    %sub3A_2279 = vector.broadcast %sub3A_2278 : i32 to vector<16xi32>
    %sub3A_2280 = arith.subi %sub3A_2279, %shift_right_arithmetic3A_2277 : vector<16xi32>
    %bitcast_convert_type3A_2281 = tpu.bitcast %sub3A_2280 : vector<16xi32> -> vector<16xf32>
    %mul3A_2282 = arith.constant 5.000000e-01 : f32
    %mul3A_2283 = vector.broadcast %mul3A_2282 : f32 to vector<16xf32>
    %mul3A_2284 = arith.mulf %mul3A_2283, %add3A_2237 : vector<16xf32>
    %mul3A_2285 = arith.mulf %mul3A_2284, %bitcast_convert_type3A_2281 : vector<16xf32>
    %mul3A_2286 = arith.mulf %mul3A_2285, %bitcast_convert_type3A_2281 : vector<16xf32>
    %sub3A_2287 = arith.constant 1.500000e+00 : f32
    %sub3A_2288 = vector.broadcast %sub3A_2287 : f32 to vector<16xf32>
    %sub3A_2289 = arith.subf %sub3A_2288, %mul3A_2286 : vector<16xf32>
    %mul3A_2290 = arith.mulf %bitcast_convert_type3A_2281, %sub3A_2289 : vector<16xf32>
    %mul3A_2291 = arith.constant 5.000000e-01 : f32
    %mul3A_2292 = vector.broadcast %mul3A_2291 : f32 to vector<16xf32>
    %mul3A_2293 = arith.mulf %mul3A_2292, %add3A_2237 : vector<16xf32>
    %mul3A_2294 = arith.mulf %mul3A_2293, %mul3A_2290 : vector<16xf32>
    %mul3A_2295 = arith.mulf %mul3A_2294, %mul3A_2290 : vector<16xf32>
    %sub3A_2296 = arith.constant 1.500000e+00 : f32
    %sub3A_2297 = vector.broadcast %sub3A_2296 : f32 to vector<16xf32>
    %sub3A_2298 = arith.subf %sub3A_2297, %mul3A_2295 : vector<16xf32>
    %mul3A_2299 = arith.mulf %mul3A_2290, %sub3A_2298 : vector<16xf32>
    %mul3A_2300 = arith.constant 5.000000e-01 : f32
    %mul3A_2301 = vector.broadcast %mul3A_2300 : f32 to vector<16xf32>
    %mul3A_2302 = arith.mulf %mul3A_2301, %add3A_2237 : vector<16xf32>
    %mul3A_2303 = arith.mulf %mul3A_2302, %mul3A_2299 : vector<16xf32>
    %mul3A_2304 = arith.mulf %mul3A_2303, %mul3A_2299 : vector<16xf32>
    %sub3A_2305 = arith.constant 1.500000e+00 : f32
    %sub3A_2306 = vector.broadcast %sub3A_2305 : f32 to vector<16xf32>
    %sub3A_2307 = arith.subf %sub3A_2306, %mul3A_2304 : vector<16xf32>
    %mul3A_2308 = arith.mulf %mul3A_2299, %sub3A_2307 : vector<16xf32>
    %mul3A_2309 = arith.mulf %mul3A_2273, %mul3A_2308 : vector<16xf32>
    %swap3A_2310 = arith.constant 304 : index
    %swap3A_2311 = tpu.vector_load %arg11[%swap3A_2310] {strides = array<i32>} : memref<512xf32, #tpu.memory_space<vmem>>, vector<16xf32>,
    tpu.vector_store %arg11[%swap3A_2310], %mul3A_2309 {strides = array<i32>} : memref<512xf32, #tpu.memory_space<vmem>>, vector<16xf32>,
    %get3A_2312 = arith.constant 320 : index
    %get3A_2313 = tpu.vector_load %arg9[%get3A_2312] {strides = array<i32>} : memref<2048xf32, #tpu.memory_space<vmem>>, vector<16xf32>,
    %get3A_2314 = arith.constant 832 : index
    %get3A_2315 = tpu.vector_load %arg9[%get3A_2314] {strides = array<i32>} : memref<2048xf32, #tpu.memory_space<vmem>>, vector<16xf32>,
    %get3A_2316 = arith.constant 1344 : index
    %get3A_2317 = tpu.vector_load %arg9[%get3A_2316] {strides = array<i32>} : memref<2048xf32, #tpu.memory_space<vmem>>, vector<16xf32>,
    %get3A_2318 = arith.constant 1856 : index
    %get3A_2319 = tpu.vector_load %arg9[%get3A_2318] {strides = array<i32>} : memref<2048xf32, #tpu.memory_space<vmem>>, vector<16xf32>,
    %get3A_2320 = arith.constant 320 : index
    %get3A_2321 = tpu.vector_load %arg10[%get3A_2320] {strides = array<i32>} : memref<2048xf32, #tpu.memory_space<vmem>>, vector<16xf32>,
    %get3A_2322 = arith.constant 832 : index
    %get3A_2323 = tpu.vector_load %arg10[%get3A_2322] {strides = array<i32>} : memref<2048xf32, #tpu.memory_space<vmem>>, vector<16xf32>,
    %get3A_2324 = arith.constant 1344 : index
    %get3A_2325 = tpu.vector_load %arg10[%get3A_2324] {strides = array<i32>} : memref<2048xf32, #tpu.memory_space<vmem>>, vector<16xf32>,
    %get3A_2326 = arith.constant 1856 : index
    %get3A_2327 = tpu.vector_load %arg10[%get3A_2326] {strides = array<i32>} : memref<2048xf32, #tpu.memory_space<vmem>>, vector<16xf32>,
    %mul3A_2328 = arith.mulf %get3A_2313, %get3A_2321 : vector<16xf32>
    %mul3A_2329 = arith.mulf %get3A_2313, %get3A_2313 : vector<16xf32>
    %mul3A_2330 = arith.mulf %get3A_2321, %get3A_2321 : vector<16xf32>
    %mul3A_2331 = arith.mulf %get3A_2315, %get3A_2323 : vector<16xf32>
    %add3A_2332 = arith.addf %mul3A_2328, %mul3A_2331 : vector<16xf32>
    %mul3A_2333 = arith.mulf %get3A_2315, %get3A_2315 : vector<16xf32>
    %add3A_2334 = arith.addf %mul3A_2329, %mul3A_2333 : vector<16xf32>
    %mul3A_2335 = arith.mulf %get3A_2323, %get3A_2323 : vector<16xf32>
    %add3A_2336 = arith.addf %mul3A_2330, %mul3A_2335 : vector<16xf32>
    %mul3A_2337 = arith.mulf %get3A_2317, %get3A_2325 : vector<16xf32>
    %add3A_2338 = arith.addf %add3A_2332, %mul3A_2337 : vector<16xf32>
    %mul3A_2339 = arith.mulf %get3A_2317, %get3A_2317 : vector<16xf32>
    %add3A_2340 = arith.addf %add3A_2334, %mul3A_2339 : vector<16xf32>
    %mul3A_2341 = arith.mulf %get3A_2325, %get3A_2325 : vector<16xf32>
    %add3A_2342 = arith.addf %add3A_2336, %mul3A_2341 : vector<16xf32>
    %mul3A_2343 = arith.mulf %get3A_2319, %get3A_2327 : vector<16xf32>
    %add3A_2344 = arith.addf %add3A_2338, %mul3A_2343 : vector<16xf32>
    %mul3A_2345 = arith.mulf %get3A_2319, %get3A_2319 : vector<16xf32>
    %add3A_2346 = arith.addf %add3A_2340, %mul3A_2345 : vector<16xf32>
    %mul3A_2347 = arith.mulf %get3A_2327, %get3A_2327 : vector<16xf32>
    %add3A_2348 = arith.addf %add3A_2342, %mul3A_2347 : vector<16xf32>
    %bitcast_convert_type3A_2349 = tpu.bitcast %add3A_2346 : vector<16xf32> -> vector<16xi32>
    %shift_right_arithmetic3A_2350 = arith.constant 1 : i32
    %shift_right_arithmetic3A_2351 = vector.broadcast %shift_right_arithmetic3A_2350 : i32 to vector<16xi32>
    %shift_right_arithmetic3A_2352 = arith.shrsi %bitcast_convert_type3A_2349, %shift_right_arithmetic3A_2351 : vector<16xi32>
    %sub3A_2353 = arith.constant 1597463007 : i32
    %sub3A_2354 = vector.broadcast %sub3A_2353 : i32 to vector<16xi32>
    %sub3A_2355 = arith.subi %sub3A_2354, %shift_right_arithmetic3A_2352 : vector<16xi32>
    %bitcast_convert_type3A_2356 = tpu.bitcast %sub3A_2355 : vector<16xi32> -> vector<16xf32>
    %mul3A_2357 = arith.constant 5.000000e-01 : f32
    %mul3A_2358 = vector.broadcast %mul3A_2357 : f32 to vector<16xf32>
    %mul3A_2359 = arith.mulf %mul3A_2358, %add3A_2346 : vector<16xf32>
    %mul3A_2360 = arith.mulf %mul3A_2359, %bitcast_convert_type3A_2356 : vector<16xf32>
    %mul3A_2361 = arith.mulf %mul3A_2360, %bitcast_convert_type3A_2356 : vector<16xf32>
    %sub3A_2362 = arith.constant 1.500000e+00 : f32
    %sub3A_2363 = vector.broadcast %sub3A_2362 : f32 to vector<16xf32>
    %sub3A_2364 = arith.subf %sub3A_2363, %mul3A_2361 : vector<16xf32>
    %mul3A_2365 = arith.mulf %bitcast_convert_type3A_2356, %sub3A_2364 : vector<16xf32>
    %mul3A_2366 = arith.constant 5.000000e-01 : f32
    %mul3A_2367 = vector.broadcast %mul3A_2366 : f32 to vector<16xf32>
    %mul3A_2368 = arith.mulf %mul3A_2367, %add3A_2346 : vector<16xf32>
    %mul3A_2369 = arith.mulf %mul3A_2368, %mul3A_2365 : vector<16xf32>
    %mul3A_2370 = arith.mulf %mul3A_2369, %mul3A_2365 : vector<16xf32>
    %sub3A_2371 = arith.constant 1.500000e+00 : f32
    %sub3A_2372 = vector.broadcast %sub3A_2371 : f32 to vector<16xf32>
    %sub3A_2373 = arith.subf %sub3A_2372, %mul3A_2370 : vector<16xf32>
    %mul3A_2374 = arith.mulf %mul3A_2365, %sub3A_2373 : vector<16xf32>
    %mul3A_2375 = arith.constant 5.000000e-01 : f32
    %mul3A_2376 = vector.broadcast %mul3A_2375 : f32 to vector<16xf32>
    %mul3A_2377 = arith.mulf %mul3A_2376, %add3A_2346 : vector<16xf32>
    %mul3A_2378 = arith.mulf %mul3A_2377, %mul3A_2374 : vector<16xf32>
    %mul3A_2379 = arith.mulf %mul3A_2378, %mul3A_2374 : vector<16xf32>
    %sub3A_2380 = arith.constant 1.500000e+00 : f32
    %sub3A_2381 = vector.broadcast %sub3A_2380 : f32 to vector<16xf32>
    %sub3A_2382 = arith.subf %sub3A_2381, %mul3A_2379 : vector<16xf32>
    %mul3A_2383 = arith.mulf %mul3A_2374, %sub3A_2382 : vector<16xf32>
    %mul3A_2384 = arith.mulf %add3A_2344, %mul3A_2383 : vector<16xf32>
    %bitcast_convert_type3A_2385 = tpu.bitcast %add3A_2348 : vector<16xf32> -> vector<16xi32>
    %shift_right_arithmetic3A_2386 = arith.constant 1 : i32
    %shift_right_arithmetic3A_2387 = vector.broadcast %shift_right_arithmetic3A_2386 : i32 to vector<16xi32>
    %shift_right_arithmetic3A_2388 = arith.shrsi %bitcast_convert_type3A_2385, %shift_right_arithmetic3A_2387 : vector<16xi32>
    %sub3A_2389 = arith.constant 1597463007 : i32
    %sub3A_2390 = vector.broadcast %sub3A_2389 : i32 to vector<16xi32>
    %sub3A_2391 = arith.subi %sub3A_2390, %shift_right_arithmetic3A_2388 : vector<16xi32>
    %bitcast_convert_type3A_2392 = tpu.bitcast %sub3A_2391 : vector<16xi32> -> vector<16xf32>
    %mul3A_2393 = arith.constant 5.000000e-01 : f32
    %mul3A_2394 = vector.broadcast %mul3A_2393 : f32 to vector<16xf32>
    %mul3A_2395 = arith.mulf %mul3A_2394, %add3A_2348 : vector<16xf32>
    %mul3A_2396 = arith.mulf %mul3A_2395, %bitcast_convert_type3A_2392 : vector<16xf32>
    %mul3A_2397 = arith.mulf %mul3A_2396, %bitcast_convert_type3A_2392 : vector<16xf32>
    %sub3A_2398 = arith.constant 1.500000e+00 : f32
    %sub3A_2399 = vector.broadcast %sub3A_2398 : f32 to vector<16xf32>
    %sub3A_2400 = arith.subf %sub3A_2399, %mul3A_2397 : vector<16xf32>
    %mul3A_2401 = arith.mulf %bitcast_convert_type3A_2392, %sub3A_2400 : vector<16xf32>
    %mul3A_2402 = arith.constant 5.000000e-01 : f32
    %mul3A_2403 = vector.broadcast %mul3A_2402 : f32 to vector<16xf32>
    %mul3A_2404 = arith.mulf %mul3A_2403, %add3A_2348 : vector<16xf32>
    %mul3A_2405 = arith.mulf %mul3A_2404, %mul3A_2401 : vector<16xf32>
    %mul3A_2406 = arith.mulf %mul3A_2405, %mul3A_2401 : vector<16xf32>
    %sub3A_2407 = arith.constant 1.500000e+00 : f32
    %sub3A_2408 = vector.broadcast %sub3A_2407 : f32 to vector<16xf32>
    %sub3A_2409 = arith.subf %sub3A_2408, %mul3A_2406 : vector<16xf32>
    %mul3A_2410 = arith.mulf %mul3A_2401, %sub3A_2409 : vector<16xf32>
    %mul3A_2411 = arith.constant 5.000000e-01 : f32
    %mul3A_2412 = vector.broadcast %mul3A_2411 : f32 to vector<16xf32>
    %mul3A_2413 = arith.mulf %mul3A_2412, %add3A_2348 : vector<16xf32>
    %mul3A_2414 = arith.mulf %mul3A_2413, %mul3A_2410 : vector<16xf32>
    %mul3A_2415 = arith.mulf %mul3A_2414, %mul3A_2410 : vector<16xf32>
    %sub3A_2416 = arith.constant 1.500000e+00 : f32
    %sub3A_2417 = vector.broadcast %sub3A_2416 : f32 to vector<16xf32>
    %sub3A_2418 = arith.subf %sub3A_2417, %mul3A_2415 : vector<16xf32>
    %mul3A_2419 = arith.mulf %mul3A_2410, %sub3A_2418 : vector<16xf32>
    %mul3A_2420 = arith.mulf %mul3A_2384, %mul3A_2419 : vector<16xf32>
    %swap3A_2421 = arith.constant 320 : index
    %swap3A_2422 = tpu.vector_load %arg11[%swap3A_2421] {strides = array<i32>} : memref<512xf32, #tpu.memory_space<vmem>>, vector<16xf32>,
    tpu.vector_store %arg11[%swap3A_2421], %mul3A_2420 {strides = array<i32>} : memref<512xf32, #tpu.memory_space<vmem>>, vector<16xf32>,
    %get3A_2423 = arith.constant 336 : index
    %get3A_2424 = tpu.vector_load %arg9[%get3A_2423] {strides = array<i32>} : memref<2048xf32, #tpu.memory_space<vmem>>, vector<16xf32>,
    %get3A_2425 = arith.constant 848 : index
    %get3A_2426 = tpu.vector_load %arg9[%get3A_2425] {strides = array<i32>} : memref<2048xf32, #tpu.memory_space<vmem>>, vector<16xf32>,
    %get3A_2427 = arith.constant 1360 : index
    %get3A_2428 = tpu.vector_load %arg9[%get3A_2427] {strides = array<i32>} : memref<2048xf32, #tpu.memory_space<vmem>>, vector<16xf32>,
    %get3A_2429 = arith.constant 1872 : index
    %get3A_2430 = tpu.vector_load %arg9[%get3A_2429] {strides = array<i32>} : memref<2048xf32, #tpu.memory_space<vmem>>, vector<16xf32>,
    %get3A_2431 = arith.constant 336 : index
    %get3A_2432 = tpu.vector_load %arg10[%get3A_2431] {strides = array<i32>} : memref<2048xf32, #tpu.memory_space<vmem>>, vector<16xf32>,
    %get3A_2433 = arith.constant 848 : index
    %get3A_2434 = tpu.vector_load %arg10[%get3A_2433] {strides = array<i32>} : memref<2048xf32, #tpu.memory_space<vmem>>, vector<16xf32>,
    %get3A_2435 = arith.constant 1360 : index
    %get3A_2436 = tpu.vector_load %arg10[%get3A_2435] {strides = array<i32>} : memref<2048xf32, #tpu.memory_space<vmem>>, vector<16xf32>,
    %get3A_2437 = arith.constant 1872 : index
    %get3A_2438 = tpu.vector_load %arg10[%get3A_2437] {strides = array<i32>} : memref<2048xf32, #tpu.memory_space<vmem>>, vector<16xf32>,
    %mul3A_2439 = arith.mulf %get3A_2424, %get3A_2432 : vector<16xf32>
    %mul3A_2440 = arith.mulf %get3A_2424, %get3A_2424 : vector<16xf32>
    %mul3A_2441 = arith.mulf %get3A_2432, %get3A_2432 : vector<16xf32>
    %mul3A_2442 = arith.mulf %get3A_2426, %get3A_2434 : vector<16xf32>
    %add3A_2443 = arith.addf %mul3A_2439, %mul3A_2442 : vector<16xf32>
    %mul3A_2444 = arith.mulf %get3A_2426, %get3A_2426 : vector<16xf32>
    %add3A_2445 = arith.addf %mul3A_2440, %mul3A_2444 : vector<16xf32>
    %mul3A_2446 = arith.mulf %get3A_2434, %get3A_2434 : vector<16xf32>
    %add3A_2447 = arith.addf %mul3A_2441, %mul3A_2446 : vector<16xf32>
    %mul3A_2448 = arith.mulf %get3A_2428, %get3A_2436 : vector<16xf32>
    %add3A_2449 = arith.addf %add3A_2443, %mul3A_2448 : vector<16xf32>
    %mul3A_2450 = arith.mulf %get3A_2428, %get3A_2428 : vector<16xf32>
    %add3A_2451 = arith.addf %add3A_2445, %mul3A_2450 : vector<16xf32>
    %mul3A_2452 = arith.mulf %get3A_2436, %get3A_2436 : vector<16xf32>
    %add3A_2453 = arith.addf %add3A_2447, %mul3A_2452 : vector<16xf32>
    %mul3A_2454 = arith.mulf %get3A_2430, %get3A_2438 : vector<16xf32>
    %add3A_2455 = arith.addf %add3A_2449, %mul3A_2454 : vector<16xf32>
    %mul3A_2456 = arith.mulf %get3A_2430, %get3A_2430 : vector<16xf32>
    %add3A_2457 = arith.addf %add3A_2451, %mul3A_2456 : vector<16xf32>
    %mul3A_2458 = arith.mulf %get3A_2438, %get3A_2438 : vector<16xf32>
    %add3A_2459 = arith.addf %add3A_2453, %mul3A_2458 : vector<16xf32>
    %bitcast_convert_type3A_2460 = tpu.bitcast %add3A_2457 : vector<16xf32> -> vector<16xi32>
    %shift_right_arithmetic3A_2461 = arith.constant 1 : i32
    %shift_right_arithmetic3A_2462 = vector.broadcast %shift_right_arithmetic3A_2461 : i32 to vector<16xi32>
    %shift_right_arithmetic3A_2463 = arith.shrsi %bitcast_convert_type3A_2460, %shift_right_arithmetic3A_2462 : vector<16xi32>
    %sub3A_2464 = arith.constant 1597463007 : i32
    %sub3A_2465 = vector.broadcast %sub3A_2464 : i32 to vector<16xi32>
    %sub3A_2466 = arith.subi %sub3A_2465, %shift_right_arithmetic3A_2463 : vector<16xi32>
    %bitcast_convert_type3A_2467 = tpu.bitcast %sub3A_2466 : vector<16xi32> -> vector<16xf32>
    %mul3A_2468 = arith.constant 5.000000e-01 : f32
    %mul3A_2469 = vector.broadcast %mul3A_2468 : f32 to vector<16xf32>
    %mul3A_2470 = arith.mulf %mul3A_2469, %add3A_2457 : vector<16xf32>
    %mul3A_2471 = arith.mulf %mul3A_2470, %bitcast_convert_type3A_2467 : vector<16xf32>
    %mul3A_2472 = arith.mulf %mul3A_2471, %bitcast_convert_type3A_2467 : vector<16xf32>
    %sub3A_2473 = arith.constant 1.500000e+00 : f32
    %sub3A_2474 = vector.broadcast %sub3A_2473 : f32 to vector<16xf32>
    %sub3A_2475 = arith.subf %sub3A_2474, %mul3A_2472 : vector<16xf32>
    %mul3A_2476 = arith.mulf %bitcast_convert_type3A_2467, %sub3A_2475 : vector<16xf32>
    %mul3A_2477 = arith.constant 5.000000e-01 : f32
    %mul3A_2478 = vector.broadcast %mul3A_2477 : f32 to vector<16xf32>
    %mul3A_2479 = arith.mulf %mul3A_2478, %add3A_2457 : vector<16xf32>
    %mul3A_2480 = arith.mulf %mul3A_2479, %mul3A_2476 : vector<16xf32>
    %mul3A_2481 = arith.mulf %mul3A_2480, %mul3A_2476 : vector<16xf32>
    %sub3A_2482 = arith.constant 1.500000e+00 : f32
    %sub3A_2483 = vector.broadcast %sub3A_2482 : f32 to vector<16xf32>
    %sub3A_2484 = arith.subf %sub3A_2483, %mul3A_2481 : vector<16xf32>
    %mul3A_2485 = arith.mulf %mul3A_2476, %sub3A_2484 : vector<16xf32>
    %mul3A_2486 = arith.constant 5.000000e-01 : f32
    %mul3A_2487 = vector.broadcast %mul3A_2486 : f32 to vector<16xf32>
    %mul3A_2488 = arith.mulf %mul3A_2487, %add3A_2457 : vector<16xf32>
    %mul3A_2489 = arith.mulf %mul3A_2488, %mul3A_2485 : vector<16xf32>
    %mul3A_2490 = arith.mulf %mul3A_2489, %mul3A_2485 : vector<16xf32>
    %sub3A_2491 = arith.constant 1.500000e+00 : f32
    %sub3A_2492 = vector.broadcast %sub3A_2491 : f32 to vector<16xf32>
    %sub3A_2493 = arith.subf %sub3A_2492, %mul3A_2490 : vector<16xf32>
    %mul3A_2494 = arith.mulf %mul3A_2485, %sub3A_2493 : vector<16xf32>
    %mul3A_2495 = arith.mulf %add3A_2455, %mul3A_2494 : vector<16xf32>
    %bitcast_convert_type3A_2496 = tpu.bitcast %add3A_2459 : vector<16xf32> -> vector<16xi32>
    %shift_right_arithmetic3A_2497 = arith.constant 1 : i32
    %shift_right_arithmetic3A_2498 = vector.broadcast %shift_right_arithmetic3A_2497 : i32 to vector<16xi32>
    %shift_right_arithmetic3A_2499 = arith.shrsi %bitcast_convert_type3A_2496, %shift_right_arithmetic3A_2498 : vector<16xi32>
    %sub3A_2500 = arith.constant 1597463007 : i32
    %sub3A_2501 = vector.broadcast %sub3A_2500 : i32 to vector<16xi32>
    %sub3A_2502 = arith.subi %sub3A_2501, %shift_right_arithmetic3A_2499 : vector<16xi32>
    %bitcast_convert_type3A_2503 = tpu.bitcast %sub3A_2502 : vector<16xi32> -> vector<16xf32>
    %mul3A_2504 = arith.constant 5.000000e-01 : f32
    %mul3A_2505 = vector.broadcast %mul3A_2504 : f32 to vector<16xf32>
    %mul3A_2506 = arith.mulf %mul3A_2505, %add3A_2459 : vector<16xf32>
    %mul3A_2507 = arith.mulf %mul3A_2506, %bitcast_convert_type3A_2503 : vector<16xf32>
    %mul3A_2508 = arith.mulf %mul3A_2507, %bitcast_convert_type3A_2503 : vector<16xf32>
    %sub3A_2509 = arith.constant 1.500000e+00 : f32
    %sub3A_2510 = vector.broadcast %sub3A_2509 : f32 to vector<16xf32>
    %sub3A_2511 = arith.subf %sub3A_2510, %mul3A_2508 : vector<16xf32>
    %mul3A_2512 = arith.mulf %bitcast_convert_type3A_2503, %sub3A_2511 : vector<16xf32>
    %mul3A_2513 = arith.constant 5.000000e-01 : f32
    %mul3A_2514 = vector.broadcast %mul3A_2513 : f32 to vector<16xf32>
    %mul3A_2515 = arith.mulf %mul3A_2514, %add3A_2459 : vector<16xf32>
    %mul3A_2516 = arith.mulf %mul3A_2515, %mul3A_2512 : vector<16xf32>
    %mul3A_2517 = arith.mulf %mul3A_2516, %mul3A_2512 : vector<16xf32>
    %sub3A_2518 = arith.constant 1.500000e+00 : f32
    %sub3A_2519 = vector.broadcast %sub3A_2518 : f32 to vector<16xf32>
    %sub3A_2520 = arith.subf %sub3A_2519, %mul3A_2517 : vector<16xf32>
    %mul3A_2521 = arith.mulf %mul3A_2512, %sub3A_2520 : vector<16xf32>
    %mul3A_2522 = arith.constant 5.000000e-01 : f32
    %mul3A_2523 = vector.broadcast %mul3A_2522 : f32 to vector<16xf32>
    %mul3A_2524 = arith.mulf %mul3A_2523, %add3A_2459 : vector<16xf32>
    %mul3A_2525 = arith.mulf %mul3A_2524, %mul3A_2521 : vector<16xf32>
    %mul3A_2526 = arith.mulf %mul3A_2525, %mul3A_2521 : vector<16xf32>
    %sub3A_2527 = arith.constant 1.500000e+00 : f32
    %sub3A_2528 = vector.broadcast %sub3A_2527 : f32 to vector<16xf32>
    %sub3A_2529 = arith.subf %sub3A_2528, %mul3A_2526 : vector<16xf32>
    %mul3A_2530 = arith.mulf %mul3A_2521, %sub3A_2529 : vector<16xf32>
    %mul3A_2531 = arith.mulf %mul3A_2495, %mul3A_2530 : vector<16xf32>
    %swap3A_2532 = arith.constant 336 : index
    %swap3A_2533 = tpu.vector_load %arg11[%swap3A_2532] {strides = array<i32>} : memref<512xf32, #tpu.memory_space<vmem>>, vector<16xf32>,
    tpu.vector_store %arg11[%swap3A_2532], %mul3A_2531 {strides = array<i32>} : memref<512xf32, #tpu.memory_space<vmem>>, vector<16xf32>,
    %get3A_2534 = arith.constant 352 : index
    %get3A_2535 = tpu.vector_load %arg9[%get3A_2534] {strides = array<i32>} : memref<2048xf32, #tpu.memory_space<vmem>>, vector<16xf32>,
    %get3A_2536 = arith.constant 864 : index
    %get3A_2537 = tpu.vector_load %arg9[%get3A_2536] {strides = array<i32>} : memref<2048xf32, #tpu.memory_space<vmem>>, vector<16xf32>,
    %get3A_2538 = arith.constant 1376 : index
    %get3A_2539 = tpu.vector_load %arg9[%get3A_2538] {strides = array<i32>} : memref<2048xf32, #tpu.memory_space<vmem>>, vector<16xf32>,
    %get3A_2540 = arith.constant 1888 : index
    %get3A_2541 = tpu.vector_load %arg9[%get3A_2540] {strides = array<i32>} : memref<2048xf32, #tpu.memory_space<vmem>>, vector<16xf32>,
    %get3A_2542 = arith.constant 352 : index
    %get3A_2543 = tpu.vector_load %arg10[%get3A_2542] {strides = array<i32>} : memref<2048xf32, #tpu.memory_space<vmem>>, vector<16xf32>,
    %get3A_2544 = arith.constant 864 : index
    %get3A_2545 = tpu.vector_load %arg10[%get3A_2544] {strides = array<i32>} : memref<2048xf32, #tpu.memory_space<vmem>>, vector<16xf32>,
    %get3A_2546 = arith.constant 1376 : index
    %get3A_2547 = tpu.vector_load %arg10[%get3A_2546] {strides = array<i32>} : memref<2048xf32, #tpu.memory_space<vmem>>, vector<16xf32>,
    %get3A_2548 = arith.constant 1888 : index
    %get3A_2549 = tpu.vector_load %arg10[%get3A_2548] {strides = array<i32>} : memref<2048xf32, #tpu.memory_space<vmem>>, vector<16xf32>,
    %mul3A_2550 = arith.mulf %get3A_2535, %get3A_2543 : vector<16xf32>
    %mul3A_2551 = arith.mulf %get3A_2535, %get3A_2535 : vector<16xf32>
    %mul3A_2552 = arith.mulf %get3A_2543, %get3A_2543 : vector<16xf32>
    %mul3A_2553 = arith.mulf %get3A_2537, %get3A_2545 : vector<16xf32>
    %add3A_2554 = arith.addf %mul3A_2550, %mul3A_2553 : vector<16xf32>
    %mul3A_2555 = arith.mulf %get3A_2537, %get3A_2537 : vector<16xf32>
    %add3A_2556 = arith.addf %mul3A_2551, %mul3A_2555 : vector<16xf32>
    %mul3A_2557 = arith.mulf %get3A_2545, %get3A_2545 : vector<16xf32>
    %add3A_2558 = arith.addf %mul3A_2552, %mul3A_2557 : vector<16xf32>
    %mul3A_2559 = arith.mulf %get3A_2539, %get3A_2547 : vector<16xf32>
    %add3A_2560 = arith.addf %add3A_2554, %mul3A_2559 : vector<16xf32>
    %mul3A_2561 = arith.mulf %get3A_2539, %get3A_2539 : vector<16xf32>
    %add3A_2562 = arith.addf %add3A_2556, %mul3A_2561 : vector<16xf32>
    %mul3A_2563 = arith.mulf %get3A_2547, %get3A_2547 : vector<16xf32>
    %add3A_2564 = arith.addf %add3A_2558, %mul3A_2563 : vector<16xf32>
    %mul3A_2565 = arith.mulf %get3A_2541, %get3A_2549 : vector<16xf32>
    %add3A_2566 = arith.addf %add3A_2560, %mul3A_2565 : vector<16xf32>
    %mul3A_2567 = arith.mulf %get3A_2541, %get3A_2541 : vector<16xf32>
    %add3A_2568 = arith.addf %add3A_2562, %mul3A_2567 : vector<16xf32>
    %mul3A_2569 = arith.mulf %get3A_2549, %get3A_2549 : vector<16xf32>
    %add3A_2570 = arith.addf %add3A_2564, %mul3A_2569 : vector<16xf32>
    %bitcast_convert_type3A_2571 = tpu.bitcast %add3A_2568 : vector<16xf32> -> vector<16xi32>
    %shift_right_arithmetic3A_2572 = arith.constant 1 : i32
    %shift_right_arithmetic3A_2573 = vector.broadcast %shift_right_arithmetic3A_2572 : i32 to vector<16xi32>
    %shift_right_arithmetic3A_2574 = arith.shrsi %bitcast_convert_type3A_2571, %shift_right_arithmetic3A_2573 : vector<16xi32>
    %sub3A_2575 = arith.constant 1597463007 : i32
    %sub3A_2576 = vector.broadcast %sub3A_2575 : i32 to vector<16xi32>
    %sub3A_2577 = arith.subi %sub3A_2576, %shift_right_arithmetic3A_2574 : vector<16xi32>
    %bitcast_convert_type3A_2578 = tpu.bitcast %sub3A_2577 : vector<16xi32> -> vector<16xf32>
    %mul3A_2579 = arith.constant 5.000000e-01 : f32
    %mul3A_2580 = vector.broadcast %mul3A_2579 : f32 to vector<16xf32>
    %mul3A_2581 = arith.mulf %mul3A_2580, %add3A_2568 : vector<16xf32>
    %mul3A_2582 = arith.mulf %mul3A_2581, %bitcast_convert_type3A_2578 : vector<16xf32>
    %mul3A_2583 = arith.mulf %mul3A_2582, %bitcast_convert_type3A_2578 : vector<16xf32>
    %sub3A_2584 = arith.constant 1.500000e+00 : f32
    %sub3A_2585 = vector.broadcast %sub3A_2584 : f32 to vector<16xf32>
    %sub3A_2586 = arith.subf %sub3A_2585, %mul3A_2583 : vector<16xf32>
    %mul3A_2587 = arith.mulf %bitcast_convert_type3A_2578, %sub3A_2586 : vector<16xf32>
    %mul3A_2588 = arith.constant 5.000000e-01 : f32
    %mul3A_2589 = vector.broadcast %mul3A_2588 : f32 to vector<16xf32>
    %mul3A_2590 = arith.mulf %mul3A_2589, %add3A_2568 : vector<16xf32>
    %mul3A_2591 = arith.mulf %mul3A_2590, %mul3A_2587 : vector<16xf32>
    %mul3A_2592 = arith.mulf %mul3A_2591, %mul3A_2587 : vector<16xf32>
    %sub3A_2593 = arith.constant 1.500000e+00 : f32
    %sub3A_2594 = vector.broadcast %sub3A_2593 : f32 to vector<16xf32>
    %sub3A_2595 = arith.subf %sub3A_2594, %mul3A_2592 : vector<16xf32>
    %mul3A_2596 = arith.mulf %mul3A_2587, %sub3A_2595 : vector<16xf32>
    %mul3A_2597 = arith.constant 5.000000e-01 : f32
    %mul3A_2598 = vector.broadcast %mul3A_2597 : f32 to vector<16xf32>
    %mul3A_2599 = arith.mulf %mul3A_2598, %add3A_2568 : vector<16xf32>
    %mul3A_2600 = arith.mulf %mul3A_2599, %mul3A_2596 : vector<16xf32>
    %mul3A_2601 = arith.mulf %mul3A_2600, %mul3A_2596 : vector<16xf32>
    %sub3A_2602 = arith.constant 1.500000e+00 : f32
    %sub3A_2603 = vector.broadcast %sub3A_2602 : f32 to vector<16xf32>
    %sub3A_2604 = arith.subf %sub3A_2603, %mul3A_2601 : vector<16xf32>
    %mul3A_2605 = arith.mulf %mul3A_2596, %sub3A_2604 : vector<16xf32>
    %mul3A_2606 = arith.mulf %add3A_2566, %mul3A_2605 : vector<16xf32>
    %bitcast_convert_type3A_2607 = tpu.bitcast %add3A_2570 : vector<16xf32> -> vector<16xi32>
    %shift_right_arithmetic3A_2608 = arith.constant 1 : i32
    %shift_right_arithmetic3A_2609 = vector.broadcast %shift_right_arithmetic3A_2608 : i32 to vector<16xi32>
    %shift_right_arithmetic3A_2610 = arith.shrsi %bitcast_convert_type3A_2607, %shift_right_arithmetic3A_2609 : vector<16xi32>
    %sub3A_2611 = arith.constant 1597463007 : i32
    %sub3A_2612 = vector.broadcast %sub3A_2611 : i32 to vector<16xi32>
    %sub3A_2613 = arith.subi %sub3A_2612, %shift_right_arithmetic3A_2610 : vector<16xi32>
    %bitcast_convert_type3A_2614 = tpu.bitcast %sub3A_2613 : vector<16xi32> -> vector<16xf32>
    %mul3A_2615 = arith.constant 5.000000e-01 : f32
    %mul3A_2616 = vector.broadcast %mul3A_2615 : f32 to vector<16xf32>
    %mul3A_2617 = arith.mulf %mul3A_2616, %add3A_2570 : vector<16xf32>
    %mul3A_2618 = arith.mulf %mul3A_2617, %bitcast_convert_type3A_2614 : vector<16xf32>
    %mul3A_2619 = arith.mulf %mul3A_2618, %bitcast_convert_type3A_2614 : vector<16xf32>
    %sub3A_2620 = arith.constant 1.500000e+00 : f32
    %sub3A_2621 = vector.broadcast %sub3A_2620 : f32 to vector<16xf32>
    %sub3A_2622 = arith.subf %sub3A_2621, %mul3A_2619 : vector<16xf32>
    %mul3A_2623 = arith.mulf %bitcast_convert_type3A_2614, %sub3A_2622 : vector<16xf32>
    %mul3A_2624 = arith.constant 5.000000e-01 : f32
    %mul3A_2625 = vector.broadcast %mul3A_2624 : f32 to vector<16xf32>
    %mul3A_2626 = arith.mulf %mul3A_2625, %add3A_2570 : vector<16xf32>
    %mul3A_2627 = arith.mulf %mul3A_2626, %mul3A_2623 : vector<16xf32>
    %mul3A_2628 = arith.mulf %mul3A_2627, %mul3A_2623 : vector<16xf32>
    %sub3A_2629 = arith.constant 1.500000e+00 : f32
    %sub3A_2630 = vector.broadcast %sub3A_2629 : f32 to vector<16xf32>
    %sub3A_2631 = arith.subf %sub3A_2630, %mul3A_2628 : vector<16xf32>
    %mul3A_2632 = arith.mulf %mul3A_2623, %sub3A_2631 : vector<16xf32>
    %mul3A_2633 = arith.constant 5.000000e-01 : f32
    %mul3A_2634 = vector.broadcast %mul3A_2633 : f32 to vector<16xf32>
    %mul3A_2635 = arith.mulf %mul3A_2634, %add3A_2570 : vector<16xf32>
    %mul3A_2636 = arith.mulf %mul3A_2635, %mul3A_2632 : vector<16xf32>
    %mul3A_2637 = arith.mulf %mul3A_2636, %mul3A_2632 : vector<16xf32>
    %sub3A_2638 = arith.constant 1.500000e+00 : f32
    %sub3A_2639 = vector.broadcast %sub3A_2638 : f32 to vector<16xf32>
    %sub3A_2640 = arith.subf %sub3A_2639, %mul3A_2637 : vector<16xf32>
    %mul3A_2641 = arith.mulf %mul3A_2632, %sub3A_2640 : vector<16xf32>
    %mul3A_2642 = arith.mulf %mul3A_2606, %mul3A_2641 : vector<16xf32>
    %swap3A_2643 = arith.constant 352 : index
    %swap3A_2644 = tpu.vector_load %arg11[%swap3A_2643] {strides = array<i32>} : memref<512xf32, #tpu.memory_space<vmem>>, vector<16xf32>,
    tpu.vector_store %arg11[%swap3A_2643], %mul3A_2642 {strides = array<i32>} : memref<512xf32, #tpu.memory_space<vmem>>, vector<16xf32>,
    %get3A_2645 = arith.constant 368 : index
    %get3A_2646 = tpu.vector_load %arg9[%get3A_2645] {strides = array<i32>} : memref<2048xf32, #tpu.memory_space<vmem>>, vector<16xf32>,
    %get3A_2647 = arith.constant 880 : index
    %get3A_2648 = tpu.vector_load %arg9[%get3A_2647] {strides = array<i32>} : memref<2048xf32, #tpu.memory_space<vmem>>, vector<16xf32>,
    %get3A_2649 = arith.constant 1392 : index
    %get3A_2650 = tpu.vector_load %arg9[%get3A_2649] {strides = array<i32>} : memref<2048xf32, #tpu.memory_space<vmem>>, vector<16xf32>,
    %get3A_2651 = arith.constant 1904 : index
    %get3A_2652 = tpu.vector_load %arg9[%get3A_2651] {strides = array<i32>} : memref<2048xf32, #tpu.memory_space<vmem>>, vector<16xf32>,
    %get3A_2653 = arith.constant 368 : index
    %get3A_2654 = tpu.vector_load %arg10[%get3A_2653] {strides = array<i32>} : memref<2048xf32, #tpu.memory_space<vmem>>, vector<16xf32>,
    %get3A_2655 = arith.constant 880 : index
    %get3A_2656 = tpu.vector_load %arg10[%get3A_2655] {strides = array<i32>} : memref<2048xf32, #tpu.memory_space<vmem>>, vector<16xf32>,
    %get3A_2657 = arith.constant 1392 : index
    %get3A_2658 = tpu.vector_load %arg10[%get3A_2657] {strides = array<i32>} : memref<2048xf32, #tpu.memory_space<vmem>>, vector<16xf32>,
    %get3A_2659 = arith.constant 1904 : index
    %get3A_2660 = tpu.vector_load %arg10[%get3A_2659] {strides = array<i32>} : memref<2048xf32, #tpu.memory_space<vmem>>, vector<16xf32>,
    %mul3A_2661 = arith.mulf %get3A_2646, %get3A_2654 : vector<16xf32>
    %mul3A_2662 = arith.mulf %get3A_2646, %get3A_2646 : vector<16xf32>
    %mul3A_2663 = arith.mulf %get3A_2654, %get3A_2654 : vector<16xf32>
    %mul3A_2664 = arith.mulf %get3A_2648, %get3A_2656 : vector<16xf32>
    %add3A_2665 = arith.addf %mul3A_2661, %mul3A_2664 : vector<16xf32>
    %mul3A_2666 = arith.mulf %get3A_2648, %get3A_2648 : vector<16xf32>
    %add3A_2667 = arith.addf %mul3A_2662, %mul3A_2666 : vector<16xf32>
    %mul3A_2668 = arith.mulf %get3A_2656, %get3A_2656 : vector<16xf32>
    %add3A_2669 = arith.addf %mul3A_2663, %mul3A_2668 : vector<16xf32>
    %mul3A_2670 = arith.mulf %get3A_2650, %get3A_2658 : vector<16xf32>
    %add3A_2671 = arith.addf %add3A_2665, %mul3A_2670 : vector<16xf32>
    %mul3A_2672 = arith.mulf %get3A_2650, %get3A_2650 : vector<16xf32>
    %add3A_2673 = arith.addf %add3A_2667, %mul3A_2672 : vector<16xf32>
    %mul3A_2674 = arith.mulf %get3A_2658, %get3A_2658 : vector<16xf32>
    %add3A_2675 = arith.addf %add3A_2669, %mul3A_2674 : vector<16xf32>
    %mul3A_2676 = arith.mulf %get3A_2652, %get3A_2660 : vector<16xf32>
    %add3A_2677 = arith.addf %add3A_2671, %mul3A_2676 : vector<16xf32>
    %mul3A_2678 = arith.mulf %get3A_2652, %get3A_2652 : vector<16xf32>
    %add3A_2679 = arith.addf %add3A_2673, %mul3A_2678 : vector<16xf32>
    %mul3A_2680 = arith.mulf %get3A_2660, %get3A_2660 : vector<16xf32>
    %add3A_2681 = arith.addf %add3A_2675, %mul3A_2680 : vector<16xf32>
    %bitcast_convert_type3A_2682 = tpu.bitcast %add3A_2679 : vector<16xf32> -> vector<16xi32>
    %shift_right_arithmetic3A_2683 = arith.constant 1 : i32
    %shift_right_arithmetic3A_2684 = vector.broadcast %shift_right_arithmetic3A_2683 : i32 to vector<16xi32>
    %shift_right_arithmetic3A_2685 = arith.shrsi %bitcast_convert_type3A_2682, %shift_right_arithmetic3A_2684 : vector<16xi32>
    %sub3A_2686 = arith.constant 1597463007 : i32
    %sub3A_2687 = vector.broadcast %sub3A_2686 : i32 to vector<16xi32>
    %sub3A_2688 = arith.subi %sub3A_2687, %shift_right_arithmetic3A_2685 : vector<16xi32>
    %bitcast_convert_type3A_2689 = tpu.bitcast %sub3A_2688 : vector<16xi32> -> vector<16xf32>
    %mul3A_2690 = arith.constant 5.000000e-01 : f32
    %mul3A_2691 = vector.broadcast %mul3A_2690 : f32 to vector<16xf32>
    %mul3A_2692 = arith.mulf %mul3A_2691, %add3A_2679 : vector<16xf32>
    %mul3A_2693 = arith.mulf %mul3A_2692, %bitcast_convert_type3A_2689 : vector<16xf32>
    %mul3A_2694 = arith.mulf %mul3A_2693, %bitcast_convert_type3A_2689 : vector<16xf32>
    %sub3A_2695 = arith.constant 1.500000e+00 : f32
    %sub3A_2696 = vector.broadcast %sub3A_2695 : f32 to vector<16xf32>
    %sub3A_2697 = arith.subf %sub3A_2696, %mul3A_2694 : vector<16xf32>
    %mul3A_2698 = arith.mulf %bitcast_convert_type3A_2689, %sub3A_2697 : vector<16xf32>
    %mul3A_2699 = arith.constant 5.000000e-01 : f32
    %mul3A_2700 = vector.broadcast %mul3A_2699 : f32 to vector<16xf32>
    %mul3A_2701 = arith.mulf %mul3A_2700, %add3A_2679 : vector<16xf32>
    %mul3A_2702 = arith.mulf %mul3A_2701, %mul3A_2698 : vector<16xf32>
    %mul3A_2703 = arith.mulf %mul3A_2702, %mul3A_2698 : vector<16xf32>
    %sub3A_2704 = arith.constant 1.500000e+00 : f32
    %sub3A_2705 = vector.broadcast %sub3A_2704 : f32 to vector<16xf32>
    %sub3A_2706 = arith.subf %sub3A_2705, %mul3A_2703 : vector<16xf32>
    %mul3A_2707 = arith.mulf %mul3A_2698, %sub3A_2706 : vector<16xf32>
    %mul3A_2708 = arith.constant 5.000000e-01 : f32
    %mul3A_2709 = vector.broadcast %mul3A_2708 : f32 to vector<16xf32>
    %mul3A_2710 = arith.mulf %mul3A_2709, %add3A_2679 : vector<16xf32>
    %mul3A_2711 = arith.mulf %mul3A_2710, %mul3A_2707 : vector<16xf32>
    %mul3A_2712 = arith.mulf %mul3A_2711, %mul3A_2707 : vector<16xf32>
    %sub3A_2713 = arith.constant 1.500000e+00 : f32
    %sub3A_2714 = vector.broadcast %sub3A_2713 : f32 to vector<16xf32>
    %sub3A_2715 = arith.subf %sub3A_2714, %mul3A_2712 : vector<16xf32>
    %mul3A_2716 = arith.mulf %mul3A_2707, %sub3A_2715 : vector<16xf32>
    %mul3A_2717 = arith.mulf %add3A_2677, %mul3A_2716 : vector<16xf32>
    %bitcast_convert_type3A_2718 = tpu.bitcast %add3A_2681 : vector<16xf32> -> vector<16xi32>
    %shift_right_arithmetic3A_2719 = arith.constant 1 : i32
    %shift_right_arithmetic3A_2720 = vector.broadcast %shift_right_arithmetic3A_2719 : i32 to vector<16xi32>
    %shift_right_arithmetic3A_2721 = arith.shrsi %bitcast_convert_type3A_2718, %shift_right_arithmetic3A_2720 : vector<16xi32>
    %sub3A_2722 = arith.constant 1597463007 : i32
    %sub3A_2723 = vector.broadcast %sub3A_2722 : i32 to vector<16xi32>
    %sub3A_2724 = arith.subi %sub3A_2723, %shift_right_arithmetic3A_2721 : vector<16xi32>
    %bitcast_convert_type3A_2725 = tpu.bitcast %sub3A_2724 : vector<16xi32> -> vector<16xf32>
    %mul3A_2726 = arith.constant 5.000000e-01 : f32
    %mul3A_2727 = vector.broadcast %mul3A_2726 : f32 to vector<16xf32>
    %mul3A_2728 = arith.mulf %mul3A_2727, %add3A_2681 : vector<16xf32>
    %mul3A_2729 = arith.mulf %mul3A_2728, %bitcast_convert_type3A_2725 : vector<16xf32>
    %mul3A_2730 = arith.mulf %mul3A_2729, %bitcast_convert_type3A_2725 : vector<16xf32>
    %sub3A_2731 = arith.constant 1.500000e+00 : f32
    %sub3A_2732 = vector.broadcast %sub3A_2731 : f32 to vector<16xf32>
    %sub3A_2733 = arith.subf %sub3A_2732, %mul3A_2730 : vector<16xf32>
    %mul3A_2734 = arith.mulf %bitcast_convert_type3A_2725, %sub3A_2733 : vector<16xf32>
    %mul3A_2735 = arith.constant 5.000000e-01 : f32
    %mul3A_2736 = vector.broadcast %mul3A_2735 : f32 to vector<16xf32>
    %mul3A_2737 = arith.mulf %mul3A_2736, %add3A_2681 : vector<16xf32>
    %mul3A_2738 = arith.mulf %mul3A_2737, %mul3A_2734 : vector<16xf32>
    %mul3A_2739 = arith.mulf %mul3A_2738, %mul3A_2734 : vector<16xf32>
    %sub3A_2740 = arith.constant 1.500000e+00 : f32
    %sub3A_2741 = vector.broadcast %sub3A_2740 : f32 to vector<16xf32>
    %sub3A_2742 = arith.subf %sub3A_2741, %mul3A_2739 : vector<16xf32>
    %mul3A_2743 = arith.mulf %mul3A_2734, %sub3A_2742 : vector<16xf32>
    %mul3A_2744 = arith.constant 5.000000e-01 : f32
    %mul3A_2745 = vector.broadcast %mul3A_2744 : f32 to vector<16xf32>
    %mul3A_2746 = arith.mulf %mul3A_2745, %add3A_2681 : vector<16xf32>
    %mul3A_2747 = arith.mulf %mul3A_2746, %mul3A_2743 : vector<16xf32>
    %mul3A_2748 = arith.mulf %mul3A_2747, %mul3A_2743 : vector<16xf32>
    %sub3A_2749 = arith.constant 1.500000e+00 : f32
    %sub3A_2750 = vector.broadcast %sub3A_2749 : f32 to vector<16xf32>
    %sub3A_2751 = arith.subf %sub3A_2750, %mul3A_2748 : vector<16xf32>
    %mul3A_2752 = arith.mulf %mul3A_2743, %sub3A_2751 : vector<16xf32>
    %mul3A_2753 = arith.mulf %mul3A_2717, %mul3A_2752 : vector<16xf32>
    %swap3A_2754 = arith.constant 368 : index
    %swap3A_2755 = tpu.vector_load %arg11[%swap3A_2754] {strides = array<i32>} : memref<512xf32, #tpu.memory_space<vmem>>, vector<16xf32>,
    tpu.vector_store %arg11[%swap3A_2754], %mul3A_2753 {strides = array<i32>} : memref<512xf32, #tpu.memory_space<vmem>>, vector<16xf32>,
    %get3A_2756 = arith.constant 384 : index
    %get3A_2757 = tpu.vector_load %arg9[%get3A_2756] {strides = array<i32>} : memref<2048xf32, #tpu.memory_space<vmem>>, vector<16xf32>,
    %get3A_2758 = arith.constant 896 : index
    %get3A_2759 = tpu.vector_load %arg9[%get3A_2758] {strides = array<i32>} : memref<2048xf32, #tpu.memory_space<vmem>>, vector<16xf32>,
    %get3A_2760 = arith.constant 1408 : index
    %get3A_2761 = tpu.vector_load %arg9[%get3A_2760] {strides = array<i32>} : memref<2048xf32, #tpu.memory_space<vmem>>, vector<16xf32>,
    %get3A_2762 = arith.constant 1920 : index
    %get3A_2763 = tpu.vector_load %arg9[%get3A_2762] {strides = array<i32>} : memref<2048xf32, #tpu.memory_space<vmem>>, vector<16xf32>,
    %get3A_2764 = arith.constant 384 : index
    %get3A_2765 = tpu.vector_load %arg10[%get3A_2764] {strides = array<i32>} : memref<2048xf32, #tpu.memory_space<vmem>>, vector<16xf32>,
    %get3A_2766 = arith.constant 896 : index
    %get3A_2767 = tpu.vector_load %arg10[%get3A_2766] {strides = array<i32>} : memref<2048xf32, #tpu.memory_space<vmem>>, vector<16xf32>,
    %get3A_2768 = arith.constant 1408 : index
    %get3A_2769 = tpu.vector_load %arg10[%get3A_2768] {strides = array<i32>} : memref<2048xf32, #tpu.memory_space<vmem>>, vector<16xf32>,
    %get3A_2770 = arith.constant 1920 : index
    %get3A_2771 = tpu.vector_load %arg10[%get3A_2770] {strides = array<i32>} : memref<2048xf32, #tpu.memory_space<vmem>>, vector<16xf32>,
    %mul3A_2772 = arith.mulf %get3A_2757, %get3A_2765 : vector<16xf32>
    %mul3A_2773 = arith.mulf %get3A_2757, %get3A_2757 : vector<16xf32>
    %mul3A_2774 = arith.mulf %get3A_2765, %get3A_2765 : vector<16xf32>
    %mul3A_2775 = arith.mulf %get3A_2759, %get3A_2767 : vector<16xf32>
    %add3A_2776 = arith.addf %mul3A_2772, %mul3A_2775 : vector<16xf32>
    %mul3A_2777 = arith.mulf %get3A_2759, %get3A_2759 : vector<16xf32>
    %add3A_2778 = arith.addf %mul3A_2773, %mul3A_2777 : vector<16xf32>
    %mul3A_2779 = arith.mulf %get3A_2767, %get3A_2767 : vector<16xf32>
    %add3A_2780 = arith.addf %mul3A_2774, %mul3A_2779 : vector<16xf32>
    %mul3A_2781 = arith.mulf %get3A_2761, %get3A_2769 : vector<16xf32>
    %add3A_2782 = arith.addf %add3A_2776, %mul3A_2781 : vector<16xf32>
    %mul3A_2783 = arith.mulf %get3A_2761, %get3A_2761 : vector<16xf32>
    %add3A_2784 = arith.addf %add3A_2778, %mul3A_2783 : vector<16xf32>
    %mul3A_2785 = arith.mulf %get3A_2769, %get3A_2769 : vector<16xf32>
    %add3A_2786 = arith.addf %add3A_2780, %mul3A_2785 : vector<16xf32>
    %mul3A_2787 = arith.mulf %get3A_2763, %get3A_2771 : vector<16xf32>
    %add3A_2788 = arith.addf %add3A_2782, %mul3A_2787 : vector<16xf32>
    %mul3A_2789 = arith.mulf %get3A_2763, %get3A_2763 : vector<16xf32>
    %add3A_2790 = arith.addf %add3A_2784, %mul3A_2789 : vector<16xf32>
    %mul3A_2791 = arith.mulf %get3A_2771, %get3A_2771 : vector<16xf32>
    %add3A_2792 = arith.addf %add3A_2786, %mul3A_2791 : vector<16xf32>
    %bitcast_convert_type3A_2793 = tpu.bitcast %add3A_2790 : vector<16xf32> -> vector<16xi32>
    %shift_right_arithmetic3A_2794 = arith.constant 1 : i32
    %shift_right_arithmetic3A_2795 = vector.broadcast %shift_right_arithmetic3A_2794 : i32 to vector<16xi32>
    %shift_right_arithmetic3A_2796 = arith.shrsi %bitcast_convert_type3A_2793, %shift_right_arithmetic3A_2795 : vector<16xi32>
    %sub3A_2797 = arith.constant 1597463007 : i32
    %sub3A_2798 = vector.broadcast %sub3A_2797 : i32 to vector<16xi32>
    %sub3A_2799 = arith.subi %sub3A_2798, %shift_right_arithmetic3A_2796 : vector<16xi32>
    %bitcast_convert_type3A_2800 = tpu.bitcast %sub3A_2799 : vector<16xi32> -> vector<16xf32>
    %mul3A_2801 = arith.constant 5.000000e-01 : f32
    %mul3A_2802 = vector.broadcast %mul3A_2801 : f32 to vector<16xf32>
    %mul3A_2803 = arith.mulf %mul3A_2802, %add3A_2790 : vector<16xf32>
    %mul3A_2804 = arith.mulf %mul3A_2803, %bitcast_convert_type3A_2800 : vector<16xf32>
    %mul3A_2805 = arith.mulf %mul3A_2804, %bitcast_convert_type3A_2800 : vector<16xf32>
    %sub3A_2806 = arith.constant 1.500000e+00 : f32
    %sub3A_2807 = vector.broadcast %sub3A_2806 : f32 to vector<16xf32>
    %sub3A_2808 = arith.subf %sub3A_2807, %mul3A_2805 : vector<16xf32>
    %mul3A_2809 = arith.mulf %bitcast_convert_type3A_2800, %sub3A_2808 : vector<16xf32>
    %mul3A_2810 = arith.constant 5.000000e-01 : f32
    %mul3A_2811 = vector.broadcast %mul3A_2810 : f32 to vector<16xf32>
    %mul3A_2812 = arith.mulf %mul3A_2811, %add3A_2790 : vector<16xf32>
    %mul3A_2813 = arith.mulf %mul3A_2812, %mul3A_2809 : vector<16xf32>
    %mul3A_2814 = arith.mulf %mul3A_2813, %mul3A_2809 : vector<16xf32>
    %sub3A_2815 = arith.constant 1.500000e+00 : f32
    %sub3A_2816 = vector.broadcast %sub3A_2815 : f32 to vector<16xf32>
    %sub3A_2817 = arith.subf %sub3A_2816, %mul3A_2814 : vector<16xf32>
    %mul3A_2818 = arith.mulf %mul3A_2809, %sub3A_2817 : vector<16xf32>
    %mul3A_2819 = arith.constant 5.000000e-01 : f32
    %mul3A_2820 = vector.broadcast %mul3A_2819 : f32 to vector<16xf32>
    %mul3A_2821 = arith.mulf %mul3A_2820, %add3A_2790 : vector<16xf32>
    %mul3A_2822 = arith.mulf %mul3A_2821, %mul3A_2818 : vector<16xf32>
    %mul3A_2823 = arith.mulf %mul3A_2822, %mul3A_2818 : vector<16xf32>
    %sub3A_2824 = arith.constant 1.500000e+00 : f32
    %sub3A_2825 = vector.broadcast %sub3A_2824 : f32 to vector<16xf32>
    %sub3A_2826 = arith.subf %sub3A_2825, %mul3A_2823 : vector<16xf32>
    %mul3A_2827 = arith.mulf %mul3A_2818, %sub3A_2826 : vector<16xf32>
    %mul3A_2828 = arith.mulf %add3A_2788, %mul3A_2827 : vector<16xf32>
    %bitcast_convert_type3A_2829 = tpu.bitcast %add3A_2792 : vector<16xf32> -> vector<16xi32>
    %shift_right_arithmetic3A_2830 = arith.constant 1 : i32
    %shift_right_arithmetic3A_2831 = vector.broadcast %shift_right_arithmetic3A_2830 : i32 to vector<16xi32>
    %shift_right_arithmetic3A_2832 = arith.shrsi %bitcast_convert_type3A_2829, %shift_right_arithmetic3A_2831 : vector<16xi32>
    %sub3A_2833 = arith.constant 1597463007 : i32
    %sub3A_2834 = vector.broadcast %sub3A_2833 : i32 to vector<16xi32>
    %sub3A_2835 = arith.subi %sub3A_2834, %shift_right_arithmetic3A_2832 : vector<16xi32>
    %bitcast_convert_type3A_2836 = tpu.bitcast %sub3A_2835 : vector<16xi32> -> vector<16xf32>
    %mul3A_2837 = arith.constant 5.000000e-01 : f32
    %mul3A_2838 = vector.broadcast %mul3A_2837 : f32 to vector<16xf32>
    %mul3A_2839 = arith.mulf %mul3A_2838, %add3A_2792 : vector<16xf32>
    %mul3A_2840 = arith.mulf %mul3A_2839, %bitcast_convert_type3A_2836 : vector<16xf32>
    %mul3A_2841 = arith.mulf %mul3A_2840, %bitcast_convert_type3A_2836 : vector<16xf32>
    %sub3A_2842 = arith.constant 1.500000e+00 : f32
    %sub3A_2843 = vector.broadcast %sub3A_2842 : f32 to vector<16xf32>
    %sub3A_2844 = arith.subf %sub3A_2843, %mul3A_2841 : vector<16xf32>
    %mul3A_2845 = arith.mulf %bitcast_convert_type3A_2836, %sub3A_2844 : vector<16xf32>
    %mul3A_2846 = arith.constant 5.000000e-01 : f32
    %mul3A_2847 = vector.broadcast %mul3A_2846 : f32 to vector<16xf32>
    %mul3A_2848 = arith.mulf %mul3A_2847, %add3A_2792 : vector<16xf32>
    %mul3A_2849 = arith.mulf %mul3A_2848, %mul3A_2845 : vector<16xf32>
    %mul3A_2850 = arith.mulf %mul3A_2849, %mul3A_2845 : vector<16xf32>
    %sub3A_2851 = arith.constant 1.500000e+00 : f32
    %sub3A_2852 = vector.broadcast %sub3A_2851 : f32 to vector<16xf32>
    %sub3A_2853 = arith.subf %sub3A_2852, %mul3A_2850 : vector<16xf32>
    %mul3A_2854 = arith.mulf %mul3A_2845, %sub3A_2853 : vector<16xf32>
    %mul3A_2855 = arith.constant 5.000000e-01 : f32
    %mul3A_2856 = vector.broadcast %mul3A_2855 : f32 to vector<16xf32>
    %mul3A_2857 = arith.mulf %mul3A_2856, %add3A_2792 : vector<16xf32>
    %mul3A_2858 = arith.mulf %mul3A_2857, %mul3A_2854 : vector<16xf32>
    %mul3A_2859 = arith.mulf %mul3A_2858, %mul3A_2854 : vector<16xf32>
    %sub3A_2860 = arith.constant 1.500000e+00 : f32
    %sub3A_2861 = vector.broadcast %sub3A_2860 : f32 to vector<16xf32>
    %sub3A_2862 = arith.subf %sub3A_2861, %mul3A_2859 : vector<16xf32>
    %mul3A_2863 = arith.mulf %mul3A_2854, %sub3A_2862 : vector<16xf32>
    %mul3A_2864 = arith.mulf %mul3A_2828, %mul3A_2863 : vector<16xf32>
    %swap3A_2865 = arith.constant 384 : index
    %swap3A_2866 = tpu.vector_load %arg11[%swap3A_2865] {strides = array<i32>} : memref<512xf32, #tpu.memory_space<vmem>>, vector<16xf32>,
    tpu.vector_store %arg11[%swap3A_2865], %mul3A_2864 {strides = array<i32>} : memref<512xf32, #tpu.memory_space<vmem>>, vector<16xf32>,
    %get3A_2867 = arith.constant 400 : index
    %get3A_2868 = tpu.vector_load %arg9[%get3A_2867] {strides = array<i32>} : memref<2048xf32, #tpu.memory_space<vmem>>, vector<16xf32>,
    %get3A_2869 = arith.constant 912 : index
    %get3A_2870 = tpu.vector_load %arg9[%get3A_2869] {strides = array<i32>} : memref<2048xf32, #tpu.memory_space<vmem>>, vector<16xf32>,
    %get3A_2871 = arith.constant 1424 : index
    %get3A_2872 = tpu.vector_load %arg9[%get3A_2871] {strides = array<i32>} : memref<2048xf32, #tpu.memory_space<vmem>>, vector<16xf32>,
    %get3A_2873 = arith.constant 1936 : index
    %get3A_2874 = tpu.vector_load %arg9[%get3A_2873] {strides = array<i32>} : memref<2048xf32, #tpu.memory_space<vmem>>, vector<16xf32>,
    %get3A_2875 = arith.constant 400 : index
    %get3A_2876 = tpu.vector_load %arg10[%get3A_2875] {strides = array<i32>} : memref<2048xf32, #tpu.memory_space<vmem>>, vector<16xf32>,
    %get3A_2877 = arith.constant 912 : index
    %get3A_2878 = tpu.vector_load %arg10[%get3A_2877] {strides = array<i32>} : memref<2048xf32, #tpu.memory_space<vmem>>, vector<16xf32>,
    %get3A_2879 = arith.constant 1424 : index
    %get3A_2880 = tpu.vector_load %arg10[%get3A_2879] {strides = array<i32>} : memref<2048xf32, #tpu.memory_space<vmem>>, vector<16xf32>,
    %get3A_2881 = arith.constant 1936 : index
    %get3A_2882 = tpu.vector_load %arg10[%get3A_2881] {strides = array<i32>} : memref<2048xf32, #tpu.memory_space<vmem>>, vector<16xf32>,
    %mul3A_2883 = arith.mulf %get3A_2868, %get3A_2876 : vector<16xf32>
    %mul3A_2884 = arith.mulf %get3A_2868, %get3A_2868 : vector<16xf32>
    %mul3A_2885 = arith.mulf %get3A_2876, %get3A_2876 : vector<16xf32>
    %mul3A_2886 = arith.mulf %get3A_2870, %get3A_2878 : vector<16xf32>
    %add3A_2887 = arith.addf %mul3A_2883, %mul3A_2886 : vector<16xf32>
    %mul3A_2888 = arith.mulf %get3A_2870, %get3A_2870 : vector<16xf32>
    %add3A_2889 = arith.addf %mul3A_2884, %mul3A_2888 : vector<16xf32>
    %mul3A_2890 = arith.mulf %get3A_2878, %get3A_2878 : vector<16xf32>
    %add3A_2891 = arith.addf %mul3A_2885, %mul3A_2890 : vector<16xf32>
    %mul3A_2892 = arith.mulf %get3A_2872, %get3A_2880 : vector<16xf32>
    %add3A_2893 = arith.addf %add3A_2887, %mul3A_2892 : vector<16xf32>
    %mul3A_2894 = arith.mulf %get3A_2872, %get3A_2872 : vector<16xf32>
    %add3A_2895 = arith.addf %add3A_2889, %mul3A_2894 : vector<16xf32>
    %mul3A_2896 = arith.mulf %get3A_2880, %get3A_2880 : vector<16xf32>
    %add3A_2897 = arith.addf %add3A_2891, %mul3A_2896 : vector<16xf32>
    %mul3A_2898 = arith.mulf %get3A_2874, %get3A_2882 : vector<16xf32>
    %add3A_2899 = arith.addf %add3A_2893, %mul3A_2898 : vector<16xf32>
    %mul3A_2900 = arith.mulf %get3A_2874, %get3A_2874 : vector<16xf32>
    %add3A_2901 = arith.addf %add3A_2895, %mul3A_2900 : vector<16xf32>
    %mul3A_2902 = arith.mulf %get3A_2882, %get3A_2882 : vector<16xf32>
    %add3A_2903 = arith.addf %add3A_2897, %mul3A_2902 : vector<16xf32>
    %bitcast_convert_type3A_2904 = tpu.bitcast %add3A_2901 : vector<16xf32> -> vector<16xi32>
    %shift_right_arithmetic3A_2905 = arith.constant 1 : i32
    %shift_right_arithmetic3A_2906 = vector.broadcast %shift_right_arithmetic3A_2905 : i32 to vector<16xi32>
    %shift_right_arithmetic3A_2907 = arith.shrsi %bitcast_convert_type3A_2904, %shift_right_arithmetic3A_2906 : vector<16xi32>
    %sub3A_2908 = arith.constant 1597463007 : i32
    %sub3A_2909 = vector.broadcast %sub3A_2908 : i32 to vector<16xi32>
    %sub3A_2910 = arith.subi %sub3A_2909, %shift_right_arithmetic3A_2907 : vector<16xi32>
    %bitcast_convert_type3A_2911 = tpu.bitcast %sub3A_2910 : vector<16xi32> -> vector<16xf32>
    %mul3A_2912 = arith.constant 5.000000e-01 : f32
    %mul3A_2913 = vector.broadcast %mul3A_2912 : f32 to vector<16xf32>
    %mul3A_2914 = arith.mulf %mul3A_2913, %add3A_2901 : vector<16xf32>
    %mul3A_2915 = arith.mulf %mul3A_2914, %bitcast_convert_type3A_2911 : vector<16xf32>
    %mul3A_2916 = arith.mulf %mul3A_2915, %bitcast_convert_type3A_2911 : vector<16xf32>
    %sub3A_2917 = arith.constant 1.500000e+00 : f32
    %sub3A_2918 = vector.broadcast %sub3A_2917 : f32 to vector<16xf32>
    %sub3A_2919 = arith.subf %sub3A_2918, %mul3A_2916 : vector<16xf32>
    %mul3A_2920 = arith.mulf %bitcast_convert_type3A_2911, %sub3A_2919 : vector<16xf32>
    %mul3A_2921 = arith.constant 5.000000e-01 : f32
    %mul3A_2922 = vector.broadcast %mul3A_2921 : f32 to vector<16xf32>
    %mul3A_2923 = arith.mulf %mul3A_2922, %add3A_2901 : vector<16xf32>
    %mul3A_2924 = arith.mulf %mul3A_2923, %mul3A_2920 : vector<16xf32>
    %mul3A_2925 = arith.mulf %mul3A_2924, %mul3A_2920 : vector<16xf32>
    %sub3A_2926 = arith.constant 1.500000e+00 : f32
    %sub3A_2927 = vector.broadcast %sub3A_2926 : f32 to vector<16xf32>
    %sub3A_2928 = arith.subf %sub3A_2927, %mul3A_2925 : vector<16xf32>
    %mul3A_2929 = arith.mulf %mul3A_2920, %sub3A_2928 : vector<16xf32>
    %mul3A_2930 = arith.constant 5.000000e-01 : f32
    %mul3A_2931 = vector.broadcast %mul3A_2930 : f32 to vector<16xf32>
    %mul3A_2932 = arith.mulf %mul3A_2931, %add3A_2901 : vector<16xf32>
    %mul3A_2933 = arith.mulf %mul3A_2932, %mul3A_2929 : vector<16xf32>
    %mul3A_2934 = arith.mulf %mul3A_2933, %mul3A_2929 : vector<16xf32>
    %sub3A_2935 = arith.constant 1.500000e+00 : f32
    %sub3A_2936 = vector.broadcast %sub3A_2935 : f32 to vector<16xf32>
    %sub3A_2937 = arith.subf %sub3A_2936, %mul3A_2934 : vector<16xf32>
    %mul3A_2938 = arith.mulf %mul3A_2929, %sub3A_2937 : vector<16xf32>
    %mul3A_2939 = arith.mulf %add3A_2899, %mul3A_2938 : vector<16xf32>
    %bitcast_convert_type3A_2940 = tpu.bitcast %add3A_2903 : vector<16xf32> -> vector<16xi32>
    %shift_right_arithmetic3A_2941 = arith.constant 1 : i32
    %shift_right_arithmetic3A_2942 = vector.broadcast %shift_right_arithmetic3A_2941 : i32 to vector<16xi32>
    %shift_right_arithmetic3A_2943 = arith.shrsi %bitcast_convert_type3A_2940, %shift_right_arithmetic3A_2942 : vector<16xi32>
    %sub3A_2944 = arith.constant 1597463007 : i32
    %sub3A_2945 = vector.broadcast %sub3A_2944 : i32 to vector<16xi32>
    %sub3A_2946 = arith.subi %sub3A_2945, %shift_right_arithmetic3A_2943 : vector<16xi32>
    %bitcast_convert_type3A_2947 = tpu.bitcast %sub3A_2946 : vector<16xi32> -> vector<16xf32>
    %mul3A_2948 = arith.constant 5.000000e-01 : f32
    %mul3A_2949 = vector.broadcast %mul3A_2948 : f32 to vector<16xf32>
    %mul3A_2950 = arith.mulf %mul3A_2949, %add3A_2903 : vector<16xf32>
    %mul3A_2951 = arith.mulf %mul3A_2950, %bitcast_convert_type3A_2947 : vector<16xf32>
    %mul3A_2952 = arith.mulf %mul3A_2951, %bitcast_convert_type3A_2947 : vector<16xf32>
    %sub3A_2953 = arith.constant 1.500000e+00 : f32
    %sub3A_2954 = vector.broadcast %sub3A_2953 : f32 to vector<16xf32>
    %sub3A_2955 = arith.subf %sub3A_2954, %mul3A_2952 : vector<16xf32>
    %mul3A_2956 = arith.mulf %bitcast_convert_type3A_2947, %sub3A_2955 : vector<16xf32>
    %mul3A_2957 = arith.constant 5.000000e-01 : f32
    %mul3A_2958 = vector.broadcast %mul3A_2957 : f32 to vector<16xf32>
    %mul3A_2959 = arith.mulf %mul3A_2958, %add3A_2903 : vector<16xf32>
    %mul3A_2960 = arith.mulf %mul3A_2959, %mul3A_2956 : vector<16xf32>
    %mul3A_2961 = arith.mulf %mul3A_2960, %mul3A_2956 : vector<16xf32>
    %sub3A_2962 = arith.constant 1.500000e+00 : f32
    %sub3A_2963 = vector.broadcast %sub3A_2962 : f32 to vector<16xf32>
    %sub3A_2964 = arith.subf %sub3A_2963, %mul3A_2961 : vector<16xf32>
    %mul3A_2965 = arith.mulf %mul3A_2956, %sub3A_2964 : vector<16xf32>
    %mul3A_2966 = arith.constant 5.000000e-01 : f32
    %mul3A_2967 = vector.broadcast %mul3A_2966 : f32 to vector<16xf32>
    %mul3A_2968 = arith.mulf %mul3A_2967, %add3A_2903 : vector<16xf32>
    %mul3A_2969 = arith.mulf %mul3A_2968, %mul3A_2965 : vector<16xf32>
    %mul3A_2970 = arith.mulf %mul3A_2969, %mul3A_2965 : vector<16xf32>
    %sub3A_2971 = arith.constant 1.500000e+00 : f32
    %sub3A_2972 = vector.broadcast %sub3A_2971 : f32 to vector<16xf32>
    %sub3A_2973 = arith.subf %sub3A_2972, %mul3A_2970 : vector<16xf32>
    %mul3A_2974 = arith.mulf %mul3A_2965, %sub3A_2973 : vector<16xf32>
    %mul3A_2975 = arith.mulf %mul3A_2939, %mul3A_2974 : vector<16xf32>
    %swap3A_2976 = arith.constant 400 : index
    %swap3A_2977 = tpu.vector_load %arg11[%swap3A_2976] {strides = array<i32>} : memref<512xf32, #tpu.memory_space<vmem>>, vector<16xf32>,
    tpu.vector_store %arg11[%swap3A_2976], %mul3A_2975 {strides = array<i32>} : memref<512xf32, #tpu.memory_space<vmem>>, vector<16xf32>,
    %get3A_2978 = arith.constant 416 : index
    %get3A_2979 = tpu.vector_load %arg9[%get3A_2978] {strides = array<i32>} : memref<2048xf32, #tpu.memory_space<vmem>>, vector<16xf32>,
    %get3A_2980 = arith.constant 928 : index
    %get3A_2981 = tpu.vector_load %arg9[%get3A_2980] {strides = array<i32>} : memref<2048xf32, #tpu.memory_space<vmem>>, vector<16xf32>,
    %get3A_2982 = arith.constant 1440 : index
    %get3A_2983 = tpu.vector_load %arg9[%get3A_2982] {strides = array<i32>} : memref<2048xf32, #tpu.memory_space<vmem>>, vector<16xf32>,
    %get3A_2984 = arith.constant 1952 : index
    %get3A_2985 = tpu.vector_load %arg9[%get3A_2984] {strides = array<i32>} : memref<2048xf32, #tpu.memory_space<vmem>>, vector<16xf32>,
    %get3A_2986 = arith.constant 416 : index
    %get3A_2987 = tpu.vector_load %arg10[%get3A_2986] {strides = array<i32>} : memref<2048xf32, #tpu.memory_space<vmem>>, vector<16xf32>,
    %get3A_2988 = arith.constant 928 : index
    %get3A_2989 = tpu.vector_load %arg10[%get3A_2988] {strides = array<i32>} : memref<2048xf32, #tpu.memory_space<vmem>>, vector<16xf32>,
    %get3A_2990 = arith.constant 1440 : index
    %get3A_2991 = tpu.vector_load %arg10[%get3A_2990] {strides = array<i32>} : memref<2048xf32, #tpu.memory_space<vmem>>, vector<16xf32>,
    %get3A_2992 = arith.constant 1952 : index
    %get3A_2993 = tpu.vector_load %arg10[%get3A_2992] {strides = array<i32>} : memref<2048xf32, #tpu.memory_space<vmem>>, vector<16xf32>,
    %mul3A_2994 = arith.mulf %get3A_2979, %get3A_2987 : vector<16xf32>
    %mul3A_2995 = arith.mulf %get3A_2979, %get3A_2979 : vector<16xf32>
    %mul3A_2996 = arith.mulf %get3A_2987, %get3A_2987 : vector<16xf32>
    %mul3A_2997 = arith.mulf %get3A_2981, %get3A_2989 : vector<16xf32>
    %add3A_2998 = arith.addf %mul3A_2994, %mul3A_2997 : vector<16xf32>
    %mul3A_2999 = arith.mulf %get3A_2981, %get3A_2981 : vector<16xf32>
    %add3A_3000 = arith.addf %mul3A_2995, %mul3A_2999 : vector<16xf32>
    %mul3A_3001 = arith.mulf %get3A_2989, %get3A_2989 : vector<16xf32>
    %add3A_3002 = arith.addf %mul3A_2996, %mul3A_3001 : vector<16xf32>
    %mul3A_3003 = arith.mulf %get3A_2983, %get3A_2991 : vector<16xf32>
    %add3A_3004 = arith.addf %add3A_2998, %mul3A_3003 : vector<16xf32>
    %mul3A_3005 = arith.mulf %get3A_2983, %get3A_2983 : vector<16xf32>
    %add3A_3006 = arith.addf %add3A_3000, %mul3A_3005 : vector<16xf32>
    %mul3A_3007 = arith.mulf %get3A_2991, %get3A_2991 : vector<16xf32>
    %add3A_3008 = arith.addf %add3A_3002, %mul3A_3007 : vector<16xf32>
    %mul3A_3009 = arith.mulf %get3A_2985, %get3A_2993 : vector<16xf32>
    %add3A_3010 = arith.addf %add3A_3004, %mul3A_3009 : vector<16xf32>
    %mul3A_3011 = arith.mulf %get3A_2985, %get3A_2985 : vector<16xf32>
    %add3A_3012 = arith.addf %add3A_3006, %mul3A_3011 : vector<16xf32>
    %mul3A_3013 = arith.mulf %get3A_2993, %get3A_2993 : vector<16xf32>
    %add3A_3014 = arith.addf %add3A_3008, %mul3A_3013 : vector<16xf32>
    %bitcast_convert_type3A_3015 = tpu.bitcast %add3A_3012 : vector<16xf32> -> vector<16xi32>
    %shift_right_arithmetic3A_3016 = arith.constant 1 : i32
    %shift_right_arithmetic3A_3017 = vector.broadcast %shift_right_arithmetic3A_3016 : i32 to vector<16xi32>
    %shift_right_arithmetic3A_3018 = arith.shrsi %bitcast_convert_type3A_3015, %shift_right_arithmetic3A_3017 : vector<16xi32>
    %sub3A_3019 = arith.constant 1597463007 : i32
    %sub3A_3020 = vector.broadcast %sub3A_3019 : i32 to vector<16xi32>
    %sub3A_3021 = arith.subi %sub3A_3020, %shift_right_arithmetic3A_3018 : vector<16xi32>
    %bitcast_convert_type3A_3022 = tpu.bitcast %sub3A_3021 : vector<16xi32> -> vector<16xf32>
    %mul3A_3023 = arith.constant 5.000000e-01 : f32
    %mul3A_3024 = vector.broadcast %mul3A_3023 : f32 to vector<16xf32>
    %mul3A_3025 = arith.mulf %mul3A_3024, %add3A_3012 : vector<16xf32>
    %mul3A_3026 = arith.mulf %mul3A_3025, %bitcast_convert_type3A_3022 : vector<16xf32>
    %mul3A_3027 = arith.mulf %mul3A_3026, %bitcast_convert_type3A_3022 : vector<16xf32>
    %sub3A_3028 = arith.constant 1.500000e+00 : f32
    %sub3A_3029 = vector.broadcast %sub3A_3028 : f32 to vector<16xf32>
    %sub3A_3030 = arith.subf %sub3A_3029, %mul3A_3027 : vector<16xf32>
    %mul3A_3031 = arith.mulf %bitcast_convert_type3A_3022, %sub3A_3030 : vector<16xf32>
    %mul3A_3032 = arith.constant 5.000000e-01 : f32
    %mul3A_3033 = vector.broadcast %mul3A_3032 : f32 to vector<16xf32>
    %mul3A_3034 = arith.mulf %mul3A_3033, %add3A_3012 : vector<16xf32>
    %mul3A_3035 = arith.mulf %mul3A_3034, %mul3A_3031 : vector<16xf32>
    %mul3A_3036 = arith.mulf %mul3A_3035, %mul3A_3031 : vector<16xf32>
    %sub3A_3037 = arith.constant 1.500000e+00 : f32
    %sub3A_3038 = vector.broadcast %sub3A_3037 : f32 to vector<16xf32>
    %sub3A_3039 = arith.subf %sub3A_3038, %mul3A_3036 : vector<16xf32>
    %mul3A_3040 = arith.mulf %mul3A_3031, %sub3A_3039 : vector<16xf32>
    %mul3A_3041 = arith.constant 5.000000e-01 : f32
    %mul3A_3042 = vector.broadcast %mul3A_3041 : f32 to vector<16xf32>
    %mul3A_3043 = arith.mulf %mul3A_3042, %add3A_3012 : vector<16xf32>
    %mul3A_3044 = arith.mulf %mul3A_3043, %mul3A_3040 : vector<16xf32>
    %mul3A_3045 = arith.mulf %mul3A_3044, %mul3A_3040 : vector<16xf32>
    %sub3A_3046 = arith.constant 1.500000e+00 : f32
    %sub3A_3047 = vector.broadcast %sub3A_3046 : f32 to vector<16xf32>
    %sub3A_3048 = arith.subf %sub3A_3047, %mul3A_3045 : vector<16xf32>
    %mul3A_3049 = arith.mulf %mul3A_3040, %sub3A_3048 : vector<16xf32>
    %mul3A_3050 = arith.mulf %add3A_3010, %mul3A_3049 : vector<16xf32>
    %bitcast_convert_type3A_3051 = tpu.bitcast %add3A_3014 : vector<16xf32> -> vector<16xi32>
    %shift_right_arithmetic3A_3052 = arith.constant 1 : i32
    %shift_right_arithmetic3A_3053 = vector.broadcast %shift_right_arithmetic3A_3052 : i32 to vector<16xi32>
    %shift_right_arithmetic3A_3054 = arith.shrsi %bitcast_convert_type3A_3051, %shift_right_arithmetic3A_3053 : vector<16xi32>
    %sub3A_3055 = arith.constant 1597463007 : i32
    %sub3A_3056 = vector.broadcast %sub3A_3055 : i32 to vector<16xi32>
    %sub3A_3057 = arith.subi %sub3A_3056, %shift_right_arithmetic3A_3054 : vector<16xi32>
    %bitcast_convert_type3A_3058 = tpu.bitcast %sub3A_3057 : vector<16xi32> -> vector<16xf32>
    %mul3A_3059 = arith.constant 5.000000e-01 : f32
    %mul3A_3060 = vector.broadcast %mul3A_3059 : f32 to vector<16xf32>
    %mul3A_3061 = arith.mulf %mul3A_3060, %add3A_3014 : vector<16xf32>
    %mul3A_3062 = arith.mulf %mul3A_3061, %bitcast_convert_type3A_3058 : vector<16xf32>
    %mul3A_3063 = arith.mulf %mul3A_3062, %bitcast_convert_type3A_3058 : vector<16xf32>
    %sub3A_3064 = arith.constant 1.500000e+00 : f32
    %sub3A_3065 = vector.broadcast %sub3A_3064 : f32 to vector<16xf32>
    %sub3A_3066 = arith.subf %sub3A_3065, %mul3A_3063 : vector<16xf32>
    %mul3A_3067 = arith.mulf %bitcast_convert_type3A_3058, %sub3A_3066 : vector<16xf32>
    %mul3A_3068 = arith.constant 5.000000e-01 : f32
    %mul3A_3069 = vector.broadcast %mul3A_3068 : f32 to vector<16xf32>
    %mul3A_3070 = arith.mulf %mul3A_3069, %add3A_3014 : vector<16xf32>
    %mul3A_3071 = arith.mulf %mul3A_3070, %mul3A_3067 : vector<16xf32>
    %mul3A_3072 = arith.mulf %mul3A_3071, %mul3A_3067 : vector<16xf32>
    %sub3A_3073 = arith.constant 1.500000e+00 : f32
    %sub3A_3074 = vector.broadcast %sub3A_3073 : f32 to vector<16xf32>
    %sub3A_3075 = arith.subf %sub3A_3074, %mul3A_3072 : vector<16xf32>
    %mul3A_3076 = arith.mulf %mul3A_3067, %sub3A_3075 : vector<16xf32>
    %mul3A_3077 = arith.constant 5.000000e-01 : f32
    %mul3A_3078 = vector.broadcast %mul3A_3077 : f32 to vector<16xf32>
    %mul3A_3079 = arith.mulf %mul3A_3078, %add3A_3014 : vector<16xf32>
    %mul3A_3080 = arith.mulf %mul3A_3079, %mul3A_3076 : vector<16xf32>
    %mul3A_3081 = arith.mulf %mul3A_3080, %mul3A_3076 : vector<16xf32>
    %sub3A_3082 = arith.constant 1.500000e+00 : f32
    %sub3A_3083 = vector.broadcast %sub3A_3082 : f32 to vector<16xf32>
    %sub3A_3084 = arith.subf %sub3A_3083, %mul3A_3081 : vector<16xf32>
    %mul3A_3085 = arith.mulf %mul3A_3076, %sub3A_3084 : vector<16xf32>
    %mul3A_3086 = arith.mulf %mul3A_3050, %mul3A_3085 : vector<16xf32>
    %swap3A_3087 = arith.constant 416 : index
    %swap3A_3088 = tpu.vector_load %arg11[%swap3A_3087] {strides = array<i32>} : memref<512xf32, #tpu.memory_space<vmem>>, vector<16xf32>,
    tpu.vector_store %arg11[%swap3A_3087], %mul3A_3086 {strides = array<i32>} : memref<512xf32, #tpu.memory_space<vmem>>, vector<16xf32>,
    %get3A_3089 = arith.constant 432 : index
    %get3A_3090 = tpu.vector_load %arg9[%get3A_3089] {strides = array<i32>} : memref<2048xf32, #tpu.memory_space<vmem>>, vector<16xf32>,
    %get3A_3091 = arith.constant 944 : index
    %get3A_3092 = tpu.vector_load %arg9[%get3A_3091] {strides = array<i32>} : memref<2048xf32, #tpu.memory_space<vmem>>, vector<16xf32>,
    %get3A_3093 = arith.constant 1456 : index
    %get3A_3094 = tpu.vector_load %arg9[%get3A_3093] {strides = array<i32>} : memref<2048xf32, #tpu.memory_space<vmem>>, vector<16xf32>,
    %get3A_3095 = arith.constant 1968 : index
    %get3A_3096 = tpu.vector_load %arg9[%get3A_3095] {strides = array<i32>} : memref<2048xf32, #tpu.memory_space<vmem>>, vector<16xf32>,
    %get3A_3097 = arith.constant 432 : index
    %get3A_3098 = tpu.vector_load %arg10[%get3A_3097] {strides = array<i32>} : memref<2048xf32, #tpu.memory_space<vmem>>, vector<16xf32>,
    %get3A_3099 = arith.constant 944 : index
    %get3A_3100 = tpu.vector_load %arg10[%get3A_3099] {strides = array<i32>} : memref<2048xf32, #tpu.memory_space<vmem>>, vector<16xf32>,
    %get3A_3101 = arith.constant 1456 : index
    %get3A_3102 = tpu.vector_load %arg10[%get3A_3101] {strides = array<i32>} : memref<2048xf32, #tpu.memory_space<vmem>>, vector<16xf32>,
    %get3A_3103 = arith.constant 1968 : index
    %get3A_3104 = tpu.vector_load %arg10[%get3A_3103] {strides = array<i32>} : memref<2048xf32, #tpu.memory_space<vmem>>, vector<16xf32>,
    %mul3A_3105 = arith.mulf %get3A_3090, %get3A_3098 : vector<16xf32>
    %mul3A_3106 = arith.mulf %get3A_3090, %get3A_3090 : vector<16xf32>
    %mul3A_3107 = arith.mulf %get3A_3098, %get3A_3098 : vector<16xf32>
    %mul3A_3108 = arith.mulf %get3A_3092, %get3A_3100 : vector<16xf32>
    %add3A_3109 = arith.addf %mul3A_3105, %mul3A_3108 : vector<16xf32>
    %mul3A_3110 = arith.mulf %get3A_3092, %get3A_3092 : vector<16xf32>
    %add3A_3111 = arith.addf %mul3A_3106, %mul3A_3110 : vector<16xf32>
    %mul3A_3112 = arith.mulf %get3A_3100, %get3A_3100 : vector<16xf32>
    %add3A_3113 = arith.addf %mul3A_3107, %mul3A_3112 : vector<16xf32>
    %mul3A_3114 = arith.mulf %get3A_3094, %get3A_3102 : vector<16xf32>
    %add3A_3115 = arith.addf %add3A_3109, %mul3A_3114 : vector<16xf32>
    %mul3A_3116 = arith.mulf %get3A_3094, %get3A_3094 : vector<16xf32>
    %add3A_3117 = arith.addf %add3A_3111, %mul3A_3116 : vector<16xf32>
    %mul3A_3118 = arith.mulf %get3A_3102, %get3A_3102 : vector<16xf32>
    %add3A_3119 = arith.addf %add3A_3113, %mul3A_3118 : vector<16xf32>
    %mul3A_3120 = arith.mulf %get3A_3096, %get3A_3104 : vector<16xf32>
    %add3A_3121 = arith.addf %add3A_3115, %mul3A_3120 : vector<16xf32>
    %mul3A_3122 = arith.mulf %get3A_3096, %get3A_3096 : vector<16xf32>
    %add3A_3123 = arith.addf %add3A_3117, %mul3A_3122 : vector<16xf32>
    %mul3A_3124 = arith.mulf %get3A_3104, %get3A_3104 : vector<16xf32>
    %add3A_3125 = arith.addf %add3A_3119, %mul3A_3124 : vector<16xf32>
    %bitcast_convert_type3A_3126 = tpu.bitcast %add3A_3123 : vector<16xf32> -> vector<16xi32>
    %shift_right_arithmetic3A_3127 = arith.constant 1 : i32
    %shift_right_arithmetic3A_3128 = vector.broadcast %shift_right_arithmetic3A_3127 : i32 to vector<16xi32>
    %shift_right_arithmetic3A_3129 = arith.shrsi %bitcast_convert_type3A_3126, %shift_right_arithmetic3A_3128 : vector<16xi32>
    %sub3A_3130 = arith.constant 1597463007 : i32
    %sub3A_3131 = vector.broadcast %sub3A_3130 : i32 to vector<16xi32>
    %sub3A_3132 = arith.subi %sub3A_3131, %shift_right_arithmetic3A_3129 : vector<16xi32>
    %bitcast_convert_type3A_3133 = tpu.bitcast %sub3A_3132 : vector<16xi32> -> vector<16xf32>
    %mul3A_3134 = arith.constant 5.000000e-01 : f32
    %mul3A_3135 = vector.broadcast %mul3A_3134 : f32 to vector<16xf32>
    %mul3A_3136 = arith.mulf %mul3A_3135, %add3A_3123 : vector<16xf32>
    %mul3A_3137 = arith.mulf %mul3A_3136, %bitcast_convert_type3A_3133 : vector<16xf32>
    %mul3A_3138 = arith.mulf %mul3A_3137, %bitcast_convert_type3A_3133 : vector<16xf32>
    %sub3A_3139 = arith.constant 1.500000e+00 : f32
    %sub3A_3140 = vector.broadcast %sub3A_3139 : f32 to vector<16xf32>
    %sub3A_3141 = arith.subf %sub3A_3140, %mul3A_3138 : vector<16xf32>
    %mul3A_3142 = arith.mulf %bitcast_convert_type3A_3133, %sub3A_3141 : vector<16xf32>
    %mul3A_3143 = arith.constant 5.000000e-01 : f32
    %mul3A_3144 = vector.broadcast %mul3A_3143 : f32 to vector<16xf32>
    %mul3A_3145 = arith.mulf %mul3A_3144, %add3A_3123 : vector<16xf32>
    %mul3A_3146 = arith.mulf %mul3A_3145, %mul3A_3142 : vector<16xf32>
    %mul3A_3147 = arith.mulf %mul3A_3146, %mul3A_3142 : vector<16xf32>
    %sub3A_3148 = arith.constant 1.500000e+00 : f32
    %sub3A_3149 = vector.broadcast %sub3A_3148 : f32 to vector<16xf32>
    %sub3A_3150 = arith.subf %sub3A_3149, %mul3A_3147 : vector<16xf32>
    %mul3A_3151 = arith.mulf %mul3A_3142, %sub3A_3150 : vector<16xf32>
    %mul3A_3152 = arith.constant 5.000000e-01 : f32
    %mul3A_3153 = vector.broadcast %mul3A_3152 : f32 to vector<16xf32>
    %mul3A_3154 = arith.mulf %mul3A_3153, %add3A_3123 : vector<16xf32>
    %mul3A_3155 = arith.mulf %mul3A_3154, %mul3A_3151 : vector<16xf32>
    %mul3A_3156 = arith.mulf %mul3A_3155, %mul3A_3151 : vector<16xf32>
    %sub3A_3157 = arith.constant 1.500000e+00 : f32
    %sub3A_3158 = vector.broadcast %sub3A_3157 : f32 to vector<16xf32>
    %sub3A_3159 = arith.subf %sub3A_3158, %mul3A_3156 : vector<16xf32>
    %mul3A_3160 = arith.mulf %mul3A_3151, %sub3A_3159 : vector<16xf32>
    %mul3A_3161 = arith.mulf %add3A_3121, %mul3A_3160 : vector<16xf32>
    %bitcast_convert_type3A_3162 = tpu.bitcast %add3A_3125 : vector<16xf32> -> vector<16xi32>
    %shift_right_arithmetic3A_3163 = arith.constant 1 : i32
    %shift_right_arithmetic3A_3164 = vector.broadcast %shift_right_arithmetic3A_3163 : i32 to vector<16xi32>
    %shift_right_arithmetic3A_3165 = arith.shrsi %bitcast_convert_type3A_3162, %shift_right_arithmetic3A_3164 : vector<16xi32>
    %sub3A_3166 = arith.constant 1597463007 : i32
    %sub3A_3167 = vector.broadcast %sub3A_3166 : i32 to vector<16xi32>
    %sub3A_3168 = arith.subi %sub3A_3167, %shift_right_arithmetic3A_3165 : vector<16xi32>
    %bitcast_convert_type3A_3169 = tpu.bitcast %sub3A_3168 : vector<16xi32> -> vector<16xf32>
    %mul3A_3170 = arith.constant 5.000000e-01 : f32
    %mul3A_3171 = vector.broadcast %mul3A_3170 : f32 to vector<16xf32>
    %mul3A_3172 = arith.mulf %mul3A_3171, %add3A_3125 : vector<16xf32>
    %mul3A_3173 = arith.mulf %mul3A_3172, %bitcast_convert_type3A_3169 : vector<16xf32>
    %mul3A_3174 = arith.mulf %mul3A_3173, %bitcast_convert_type3A_3169 : vector<16xf32>
    %sub3A_3175 = arith.constant 1.500000e+00 : f32
    %sub3A_3176 = vector.broadcast %sub3A_3175 : f32 to vector<16xf32>
    %sub3A_3177 = arith.subf %sub3A_3176, %mul3A_3174 : vector<16xf32>
    %mul3A_3178 = arith.mulf %bitcast_convert_type3A_3169, %sub3A_3177 : vector<16xf32>
    %mul3A_3179 = arith.constant 5.000000e-01 : f32
    %mul3A_3180 = vector.broadcast %mul3A_3179 : f32 to vector<16xf32>
    %mul3A_3181 = arith.mulf %mul3A_3180, %add3A_3125 : vector<16xf32>
    %mul3A_3182 = arith.mulf %mul3A_3181, %mul3A_3178 : vector<16xf32>
    %mul3A_3183 = arith.mulf %mul3A_3182, %mul3A_3178 : vector<16xf32>
    %sub3A_3184 = arith.constant 1.500000e+00 : f32
    %sub3A_3185 = vector.broadcast %sub3A_3184 : f32 to vector<16xf32>
    %sub3A_3186 = arith.subf %sub3A_3185, %mul3A_3183 : vector<16xf32>
    %mul3A_3187 = arith.mulf %mul3A_3178, %sub3A_3186 : vector<16xf32>
    %mul3A_3188 = arith.constant 5.000000e-01 : f32
    %mul3A_3189 = vector.broadcast %mul3A_3188 : f32 to vector<16xf32>
    %mul3A_3190 = arith.mulf %mul3A_3189, %add3A_3125 : vector<16xf32>
    %mul3A_3191 = arith.mulf %mul3A_3190, %mul3A_3187 : vector<16xf32>
    %mul3A_3192 = arith.mulf %mul3A_3191, %mul3A_3187 : vector<16xf32>
    %sub3A_3193 = arith.constant 1.500000e+00 : f32
    %sub3A_3194 = vector.broadcast %sub3A_3193 : f32 to vector<16xf32>
    %sub3A_3195 = arith.subf %sub3A_3194, %mul3A_3192 : vector<16xf32>
    %mul3A_3196 = arith.mulf %mul3A_3187, %sub3A_3195 : vector<16xf32>
    %mul3A_3197 = arith.mulf %mul3A_3161, %mul3A_3196 : vector<16xf32>
    %swap3A_3198 = arith.constant 432 : index
    %swap3A_3199 = tpu.vector_load %arg11[%swap3A_3198] {strides = array<i32>} : memref<512xf32, #tpu.memory_space<vmem>>, vector<16xf32>,
    tpu.vector_store %arg11[%swap3A_3198], %mul3A_3197 {strides = array<i32>} : memref<512xf32, #tpu.memory_space<vmem>>, vector<16xf32>,
    %get3A_3200 = arith.constant 448 : index
    %get3A_3201 = tpu.vector_load %arg9[%get3A_3200] {strides = array<i32>} : memref<2048xf32, #tpu.memory_space<vmem>>, vector<16xf32>,
    %get3A_3202 = arith.constant 960 : index
    %get3A_3203 = tpu.vector_load %arg9[%get3A_3202] {strides = array<i32>} : memref<2048xf32, #tpu.memory_space<vmem>>, vector<16xf32>,
    %get3A_3204 = arith.constant 1472 : index
    %get3A_3205 = tpu.vector_load %arg9[%get3A_3204] {strides = array<i32>} : memref<2048xf32, #tpu.memory_space<vmem>>, vector<16xf32>,
    %get3A_3206 = arith.constant 1984 : index
    %get3A_3207 = tpu.vector_load %arg9[%get3A_3206] {strides = array<i32>} : memref<2048xf32, #tpu.memory_space<vmem>>, vector<16xf32>,
    %get3A_3208 = arith.constant 448 : index
    %get3A_3209 = tpu.vector_load %arg10[%get3A_3208] {strides = array<i32>} : memref<2048xf32, #tpu.memory_space<vmem>>, vector<16xf32>,
    %get3A_3210 = arith.constant 960 : index
    %get3A_3211 = tpu.vector_load %arg10[%get3A_3210] {strides = array<i32>} : memref<2048xf32, #tpu.memory_space<vmem>>, vector<16xf32>,
    %get3A_3212 = arith.constant 1472 : index
    %get3A_3213 = tpu.vector_load %arg10[%get3A_3212] {strides = array<i32>} : memref<2048xf32, #tpu.memory_space<vmem>>, vector<16xf32>,
    %get3A_3214 = arith.constant 1984 : index
    %get3A_3215 = tpu.vector_load %arg10[%get3A_3214] {strides = array<i32>} : memref<2048xf32, #tpu.memory_space<vmem>>, vector<16xf32>,
    %mul3A_3216 = arith.mulf %get3A_3201, %get3A_3209 : vector<16xf32>
    %mul3A_3217 = arith.mulf %get3A_3201, %get3A_3201 : vector<16xf32>
    %mul3A_3218 = arith.mulf %get3A_3209, %get3A_3209 : vector<16xf32>
    %mul3A_3219 = arith.mulf %get3A_3203, %get3A_3211 : vector<16xf32>
    %add3A_3220 = arith.addf %mul3A_3216, %mul3A_3219 : vector<16xf32>
    %mul3A_3221 = arith.mulf %get3A_3203, %get3A_3203 : vector<16xf32>
    %add3A_3222 = arith.addf %mul3A_3217, %mul3A_3221 : vector<16xf32>
    %mul3A_3223 = arith.mulf %get3A_3211, %get3A_3211 : vector<16xf32>
    %add3A_3224 = arith.addf %mul3A_3218, %mul3A_3223 : vector<16xf32>
    %mul3A_3225 = arith.mulf %get3A_3205, %get3A_3213 : vector<16xf32>
    %add3A_3226 = arith.addf %add3A_3220, %mul3A_3225 : vector<16xf32>
    %mul3A_3227 = arith.mulf %get3A_3205, %get3A_3205 : vector<16xf32>
    %add3A_3228 = arith.addf %add3A_3222, %mul3A_3227 : vector<16xf32>
    %mul3A_3229 = arith.mulf %get3A_3213, %get3A_3213 : vector<16xf32>
    %add3A_3230 = arith.addf %add3A_3224, %mul3A_3229 : vector<16xf32>
    %mul3A_3231 = arith.mulf %get3A_3207, %get3A_3215 : vector<16xf32>
    %add3A_3232 = arith.addf %add3A_3226, %mul3A_3231 : vector<16xf32>
    %mul3A_3233 = arith.mulf %get3A_3207, %get3A_3207 : vector<16xf32>
    %add3A_3234 = arith.addf %add3A_3228, %mul3A_3233 : vector<16xf32>
    %mul3A_3235 = arith.mulf %get3A_3215, %get3A_3215 : vector<16xf32>
    %add3A_3236 = arith.addf %add3A_3230, %mul3A_3235 : vector<16xf32>
    %bitcast_convert_type3A_3237 = tpu.bitcast %add3A_3234 : vector<16xf32> -> vector<16xi32>
    %shift_right_arithmetic3A_3238 = arith.constant 1 : i32
    %shift_right_arithmetic3A_3239 = vector.broadcast %shift_right_arithmetic3A_3238 : i32 to vector<16xi32>
    %shift_right_arithmetic3A_3240 = arith.shrsi %bitcast_convert_type3A_3237, %shift_right_arithmetic3A_3239 : vector<16xi32>
    %sub3A_3241 = arith.constant 1597463007 : i32
    %sub3A_3242 = vector.broadcast %sub3A_3241 : i32 to vector<16xi32>
    %sub3A_3243 = arith.subi %sub3A_3242, %shift_right_arithmetic3A_3240 : vector<16xi32>
    %bitcast_convert_type3A_3244 = tpu.bitcast %sub3A_3243 : vector<16xi32> -> vector<16xf32>
    %mul3A_3245 = arith.constant 5.000000e-01 : f32
    %mul3A_3246 = vector.broadcast %mul3A_3245 : f32 to vector<16xf32>
    %mul3A_3247 = arith.mulf %mul3A_3246, %add3A_3234 : vector<16xf32>
    %mul3A_3248 = arith.mulf %mul3A_3247, %bitcast_convert_type3A_3244 : vector<16xf32>
    %mul3A_3249 = arith.mulf %mul3A_3248, %bitcast_convert_type3A_3244 : vector<16xf32>
    %sub3A_3250 = arith.constant 1.500000e+00 : f32
    %sub3A_3251 = vector.broadcast %sub3A_3250 : f32 to vector<16xf32>
    %sub3A_3252 = arith.subf %sub3A_3251, %mul3A_3249 : vector<16xf32>
    %mul3A_3253 = arith.mulf %bitcast_convert_type3A_3244, %sub3A_3252 : vector<16xf32>
    %mul3A_3254 = arith.constant 5.000000e-01 : f32
    %mul3A_3255 = vector.broadcast %mul3A_3254 : f32 to vector<16xf32>
    %mul3A_3256 = arith.mulf %mul3A_3255, %add3A_3234 : vector<16xf32>
    %mul3A_3257 = arith.mulf %mul3A_3256, %mul3A_3253 : vector<16xf32>
    %mul3A_3258 = arith.mulf %mul3A_3257, %mul3A_3253 : vector<16xf32>
    %sub3A_3259 = arith.constant 1.500000e+00 : f32
    %sub3A_3260 = vector.broadcast %sub3A_3259 : f32 to vector<16xf32>
    %sub3A_3261 = arith.subf %sub3A_3260, %mul3A_3258 : vector<16xf32>
    %mul3A_3262 = arith.mulf %mul3A_3253, %sub3A_3261 : vector<16xf32>
    %mul3A_3263 = arith.constant 5.000000e-01 : f32
    %mul3A_3264 = vector.broadcast %mul3A_3263 : f32 to vector<16xf32>
    %mul3A_3265 = arith.mulf %mul3A_3264, %add3A_3234 : vector<16xf32>
    %mul3A_3266 = arith.mulf %mul3A_3265, %mul3A_3262 : vector<16xf32>
    %mul3A_3267 = arith.mulf %mul3A_3266, %mul3A_3262 : vector<16xf32>
    %sub3A_3268 = arith.constant 1.500000e+00 : f32
    %sub3A_3269 = vector.broadcast %sub3A_3268 : f32 to vector<16xf32>
    %sub3A_3270 = arith.subf %sub3A_3269, %mul3A_3267 : vector<16xf32>
    %mul3A_3271 = arith.mulf %mul3A_3262, %sub3A_3270 : vector<16xf32>
    %mul3A_3272 = arith.mulf %add3A_3232, %mul3A_3271 : vector<16xf32>
    %bitcast_convert_type3A_3273 = tpu.bitcast %add3A_3236 : vector<16xf32> -> vector<16xi32>
    %shift_right_arithmetic3A_3274 = arith.constant 1 : i32
    %shift_right_arithmetic3A_3275 = vector.broadcast %shift_right_arithmetic3A_3274 : i32 to vector<16xi32>
    %shift_right_arithmetic3A_3276 = arith.shrsi %bitcast_convert_type3A_3273, %shift_right_arithmetic3A_3275 : vector<16xi32>
    %sub3A_3277 = arith.constant 1597463007 : i32
    %sub3A_3278 = vector.broadcast %sub3A_3277 : i32 to vector<16xi32>
    %sub3A_3279 = arith.subi %sub3A_3278, %shift_right_arithmetic3A_3276 : vector<16xi32>
    %bitcast_convert_type3A_3280 = tpu.bitcast %sub3A_3279 : vector<16xi32> -> vector<16xf32>
    %mul3A_3281 = arith.constant 5.000000e-01 : f32
    %mul3A_3282 = vector.broadcast %mul3A_3281 : f32 to vector<16xf32>
    %mul3A_3283 = arith.mulf %mul3A_3282, %add3A_3236 : vector<16xf32>
    %mul3A_3284 = arith.mulf %mul3A_3283, %bitcast_convert_type3A_3280 : vector<16xf32>
    %mul3A_3285 = arith.mulf %mul3A_3284, %bitcast_convert_type3A_3280 : vector<16xf32>
    %sub3A_3286 = arith.constant 1.500000e+00 : f32
    %sub3A_3287 = vector.broadcast %sub3A_3286 : f32 to vector<16xf32>
    %sub3A_3288 = arith.subf %sub3A_3287, %mul3A_3285 : vector<16xf32>
    %mul3A_3289 = arith.mulf %bitcast_convert_type3A_3280, %sub3A_3288 : vector<16xf32>
    %mul3A_3290 = arith.constant 5.000000e-01 : f32
    %mul3A_3291 = vector.broadcast %mul3A_3290 : f32 to vector<16xf32>
    %mul3A_3292 = arith.mulf %mul3A_3291, %add3A_3236 : vector<16xf32>
    %mul3A_3293 = arith.mulf %mul3A_3292, %mul3A_3289 : vector<16xf32>
    %mul3A_3294 = arith.mulf %mul3A_3293, %mul3A_3289 : vector<16xf32>
    %sub3A_3295 = arith.constant 1.500000e+00 : f32
    %sub3A_3296 = vector.broadcast %sub3A_3295 : f32 to vector<16xf32>
    %sub3A_3297 = arith.subf %sub3A_3296, %mul3A_3294 : vector<16xf32>
    %mul3A_3298 = arith.mulf %mul3A_3289, %sub3A_3297 : vector<16xf32>
    %mul3A_3299 = arith.constant 5.000000e-01 : f32
    %mul3A_3300 = vector.broadcast %mul3A_3299 : f32 to vector<16xf32>
    %mul3A_3301 = arith.mulf %mul3A_3300, %add3A_3236 : vector<16xf32>
    %mul3A_3302 = arith.mulf %mul3A_3301, %mul3A_3298 : vector<16xf32>
    %mul3A_3303 = arith.mulf %mul3A_3302, %mul3A_3298 : vector<16xf32>
    %sub3A_3304 = arith.constant 1.500000e+00 : f32
    %sub3A_3305 = vector.broadcast %sub3A_3304 : f32 to vector<16xf32>
    %sub3A_3306 = arith.subf %sub3A_3305, %mul3A_3303 : vector<16xf32>
    %mul3A_3307 = arith.mulf %mul3A_3298, %sub3A_3306 : vector<16xf32>
    %mul3A_3308 = arith.mulf %mul3A_3272, %mul3A_3307 : vector<16xf32>
    %swap3A_3309 = arith.constant 448 : index
    %swap3A_3310 = tpu.vector_load %arg11[%swap3A_3309] {strides = array<i32>} : memref<512xf32, #tpu.memory_space<vmem>>, vector<16xf32>,
    tpu.vector_store %arg11[%swap3A_3309], %mul3A_3308 {strides = array<i32>} : memref<512xf32, #tpu.memory_space<vmem>>, vector<16xf32>,
    %get3A_3311 = arith.constant 464 : index
    %get3A_3312 = tpu.vector_load %arg9[%get3A_3311] {strides = array<i32>} : memref<2048xf32, #tpu.memory_space<vmem>>, vector<16xf32>,
    %get3A_3313 = arith.constant 976 : index
    %get3A_3314 = tpu.vector_load %arg9[%get3A_3313] {strides = array<i32>} : memref<2048xf32, #tpu.memory_space<vmem>>, vector<16xf32>,
    %get3A_3315 = arith.constant 1488 : index
    %get3A_3316 = tpu.vector_load %arg9[%get3A_3315] {strides = array<i32>} : memref<2048xf32, #tpu.memory_space<vmem>>, vector<16xf32>,
    %get3A_3317 = arith.constant 2000 : index
    %get3A_3318 = tpu.vector_load %arg9[%get3A_3317] {strides = array<i32>} : memref<2048xf32, #tpu.memory_space<vmem>>, vector<16xf32>,
    %get3A_3319 = arith.constant 464 : index
    %get3A_3320 = tpu.vector_load %arg10[%get3A_3319] {strides = array<i32>} : memref<2048xf32, #tpu.memory_space<vmem>>, vector<16xf32>,
    %get3A_3321 = arith.constant 976 : index
    %get3A_3322 = tpu.vector_load %arg10[%get3A_3321] {strides = array<i32>} : memref<2048xf32, #tpu.memory_space<vmem>>, vector<16xf32>,
    %get3A_3323 = arith.constant 1488 : index
    %get3A_3324 = tpu.vector_load %arg10[%get3A_3323] {strides = array<i32>} : memref<2048xf32, #tpu.memory_space<vmem>>, vector<16xf32>,
    %get3A_3325 = arith.constant 2000 : index
    %get3A_3326 = tpu.vector_load %arg10[%get3A_3325] {strides = array<i32>} : memref<2048xf32, #tpu.memory_space<vmem>>, vector<16xf32>,
    %mul3A_3327 = arith.mulf %get3A_3312, %get3A_3320 : vector<16xf32>
    %mul3A_3328 = arith.mulf %get3A_3312, %get3A_3312 : vector<16xf32>
    %mul3A_3329 = arith.mulf %get3A_3320, %get3A_3320 : vector<16xf32>
    %mul3A_3330 = arith.mulf %get3A_3314, %get3A_3322 : vector<16xf32>
    %add3A_3331 = arith.addf %mul3A_3327, %mul3A_3330 : vector<16xf32>
    %mul3A_3332 = arith.mulf %get3A_3314, %get3A_3314 : vector<16xf32>
    %add3A_3333 = arith.addf %mul3A_3328, %mul3A_3332 : vector<16xf32>
    %mul3A_3334 = arith.mulf %get3A_3322, %get3A_3322 : vector<16xf32>
    %add3A_3335 = arith.addf %mul3A_3329, %mul3A_3334 : vector<16xf32>
    %mul3A_3336 = arith.mulf %get3A_3316, %get3A_3324 : vector<16xf32>
    %add3A_3337 = arith.addf %add3A_3331, %mul3A_3336 : vector<16xf32>
    %mul3A_3338 = arith.mulf %get3A_3316, %get3A_3316 : vector<16xf32>
    %add3A_3339 = arith.addf %add3A_3333, %mul3A_3338 : vector<16xf32>
    %mul3A_3340 = arith.mulf %get3A_3324, %get3A_3324 : vector<16xf32>
    %add3A_3341 = arith.addf %add3A_3335, %mul3A_3340 : vector<16xf32>
    %mul3A_3342 = arith.mulf %get3A_3318, %get3A_3326 : vector<16xf32>
    %add3A_3343 = arith.addf %add3A_3337, %mul3A_3342 : vector<16xf32>
    %mul3A_3344 = arith.mulf %get3A_3318, %get3A_3318 : vector<16xf32>
    %add3A_3345 = arith.addf %add3A_3339, %mul3A_3344 : vector<16xf32>
    %mul3A_3346 = arith.mulf %get3A_3326, %get3A_3326 : vector<16xf32>
    %add3A_3347 = arith.addf %add3A_3341, %mul3A_3346 : vector<16xf32>
    %bitcast_convert_type3A_3348 = tpu.bitcast %add3A_3345 : vector<16xf32> -> vector<16xi32>
    %shift_right_arithmetic3A_3349 = arith.constant 1 : i32
    %shift_right_arithmetic3A_3350 = vector.broadcast %shift_right_arithmetic3A_3349 : i32 to vector<16xi32>
    %shift_right_arithmetic3A_3351 = arith.shrsi %bitcast_convert_type3A_3348, %shift_right_arithmetic3A_3350 : vector<16xi32>
    %sub3A_3352 = arith.constant 1597463007 : i32
    %sub3A_3353 = vector.broadcast %sub3A_3352 : i32 to vector<16xi32>
    %sub3A_3354 = arith.subi %sub3A_3353, %shift_right_arithmetic3A_3351 : vector<16xi32>
    %bitcast_convert_type3A_3355 = tpu.bitcast %sub3A_3354 : vector<16xi32> -> vector<16xf32>
    %mul3A_3356 = arith.constant 5.000000e-01 : f32
    %mul3A_3357 = vector.broadcast %mul3A_3356 : f32 to vector<16xf32>
    %mul3A_3358 = arith.mulf %mul3A_3357, %add3A_3345 : vector<16xf32>
    %mul3A_3359 = arith.mulf %mul3A_3358, %bitcast_convert_type3A_3355 : vector<16xf32>
    %mul3A_3360 = arith.mulf %mul3A_3359, %bitcast_convert_type3A_3355 : vector<16xf32>
    %sub3A_3361 = arith.constant 1.500000e+00 : f32
    %sub3A_3362 = vector.broadcast %sub3A_3361 : f32 to vector<16xf32>
    %sub3A_3363 = arith.subf %sub3A_3362, %mul3A_3360 : vector<16xf32>
    %mul3A_3364 = arith.mulf %bitcast_convert_type3A_3355, %sub3A_3363 : vector<16xf32>
    %mul3A_3365 = arith.constant 5.000000e-01 : f32
    %mul3A_3366 = vector.broadcast %mul3A_3365 : f32 to vector<16xf32>
    %mul3A_3367 = arith.mulf %mul3A_3366, %add3A_3345 : vector<16xf32>
    %mul3A_3368 = arith.mulf %mul3A_3367, %mul3A_3364 : vector<16xf32>
    %mul3A_3369 = arith.mulf %mul3A_3368, %mul3A_3364 : vector<16xf32>
    %sub3A_3370 = arith.constant 1.500000e+00 : f32
    %sub3A_3371 = vector.broadcast %sub3A_3370 : f32 to vector<16xf32>
    %sub3A_3372 = arith.subf %sub3A_3371, %mul3A_3369 : vector<16xf32>
    %mul3A_3373 = arith.mulf %mul3A_3364, %sub3A_3372 : vector<16xf32>
    %mul3A_3374 = arith.constant 5.000000e-01 : f32
    %mul3A_3375 = vector.broadcast %mul3A_3374 : f32 to vector<16xf32>
    %mul3A_3376 = arith.mulf %mul3A_3375, %add3A_3345 : vector<16xf32>
    %mul3A_3377 = arith.mulf %mul3A_3376, %mul3A_3373 : vector<16xf32>
    %mul3A_3378 = arith.mulf %mul3A_3377, %mul3A_3373 : vector<16xf32>
    %sub3A_3379 = arith.constant 1.500000e+00 : f32
    %sub3A_3380 = vector.broadcast %sub3A_3379 : f32 to vector<16xf32>
    %sub3A_3381 = arith.subf %sub3A_3380, %mul3A_3378 : vector<16xf32>
    %mul3A_3382 = arith.mulf %mul3A_3373, %sub3A_3381 : vector<16xf32>
    %mul3A_3383 = arith.mulf %add3A_3343, %mul3A_3382 : vector<16xf32>
    %bitcast_convert_type3A_3384 = tpu.bitcast %add3A_3347 : vector<16xf32> -> vector<16xi32>
    %shift_right_arithmetic3A_3385 = arith.constant 1 : i32
    %shift_right_arithmetic3A_3386 = vector.broadcast %shift_right_arithmetic3A_3385 : i32 to vector<16xi32>
    %shift_right_arithmetic3A_3387 = arith.shrsi %bitcast_convert_type3A_3384, %shift_right_arithmetic3A_3386 : vector<16xi32>
    %sub3A_3388 = arith.constant 1597463007 : i32
    %sub3A_3389 = vector.broadcast %sub3A_3388 : i32 to vector<16xi32>
    %sub3A_3390 = arith.subi %sub3A_3389, %shift_right_arithmetic3A_3387 : vector<16xi32>
    %bitcast_convert_type3A_3391 = tpu.bitcast %sub3A_3390 : vector<16xi32> -> vector<16xf32>
    %mul3A_3392 = arith.constant 5.000000e-01 : f32
    %mul3A_3393 = vector.broadcast %mul3A_3392 : f32 to vector<16xf32>
    %mul3A_3394 = arith.mulf %mul3A_3393, %add3A_3347 : vector<16xf32>
    %mul3A_3395 = arith.mulf %mul3A_3394, %bitcast_convert_type3A_3391 : vector<16xf32>
    %mul3A_3396 = arith.mulf %mul3A_3395, %bitcast_convert_type3A_3391 : vector<16xf32>
    %sub3A_3397 = arith.constant 1.500000e+00 : f32
    %sub3A_3398 = vector.broadcast %sub3A_3397 : f32 to vector<16xf32>
    %sub3A_3399 = arith.subf %sub3A_3398, %mul3A_3396 : vector<16xf32>
    %mul3A_3400 = arith.mulf %bitcast_convert_type3A_3391, %sub3A_3399 : vector<16xf32>
    %mul3A_3401 = arith.constant 5.000000e-01 : f32
    %mul3A_3402 = vector.broadcast %mul3A_3401 : f32 to vector<16xf32>
    %mul3A_3403 = arith.mulf %mul3A_3402, %add3A_3347 : vector<16xf32>
    %mul3A_3404 = arith.mulf %mul3A_3403, %mul3A_3400 : vector<16xf32>
    %mul3A_3405 = arith.mulf %mul3A_3404, %mul3A_3400 : vector<16xf32>
    %sub3A_3406 = arith.constant 1.500000e+00 : f32
    %sub3A_3407 = vector.broadcast %sub3A_3406 : f32 to vector<16xf32>
    %sub3A_3408 = arith.subf %sub3A_3407, %mul3A_3405 : vector<16xf32>
    %mul3A_3409 = arith.mulf %mul3A_3400, %sub3A_3408 : vector<16xf32>
    %mul3A_3410 = arith.constant 5.000000e-01 : f32
    %mul3A_3411 = vector.broadcast %mul3A_3410 : f32 to vector<16xf32>
    %mul3A_3412 = arith.mulf %mul3A_3411, %add3A_3347 : vector<16xf32>
    %mul3A_3413 = arith.mulf %mul3A_3412, %mul3A_3409 : vector<16xf32>
    %mul3A_3414 = arith.mulf %mul3A_3413, %mul3A_3409 : vector<16xf32>
    %sub3A_3415 = arith.constant 1.500000e+00 : f32
    %sub3A_3416 = vector.broadcast %sub3A_3415 : f32 to vector<16xf32>
    %sub3A_3417 = arith.subf %sub3A_3416, %mul3A_3414 : vector<16xf32>
    %mul3A_3418 = arith.mulf %mul3A_3409, %sub3A_3417 : vector<16xf32>
    %mul3A_3419 = arith.mulf %mul3A_3383, %mul3A_3418 : vector<16xf32>
    %swap3A_3420 = arith.constant 464 : index
    %swap3A_3421 = tpu.vector_load %arg11[%swap3A_3420] {strides = array<i32>} : memref<512xf32, #tpu.memory_space<vmem>>, vector<16xf32>,
    tpu.vector_store %arg11[%swap3A_3420], %mul3A_3419 {strides = array<i32>} : memref<512xf32, #tpu.memory_space<vmem>>, vector<16xf32>,
    %get3A_3422 = arith.constant 480 : index
    %get3A_3423 = tpu.vector_load %arg9[%get3A_3422] {strides = array<i32>} : memref<2048xf32, #tpu.memory_space<vmem>>, vector<16xf32>,
    %get3A_3424 = arith.constant 992 : index
    %get3A_3425 = tpu.vector_load %arg9[%get3A_3424] {strides = array<i32>} : memref<2048xf32, #tpu.memory_space<vmem>>, vector<16xf32>,
    %get3A_3426 = arith.constant 1504 : index
    %get3A_3427 = tpu.vector_load %arg9[%get3A_3426] {strides = array<i32>} : memref<2048xf32, #tpu.memory_space<vmem>>, vector<16xf32>,
    %get3A_3428 = arith.constant 2016 : index
    %get3A_3429 = tpu.vector_load %arg9[%get3A_3428] {strides = array<i32>} : memref<2048xf32, #tpu.memory_space<vmem>>, vector<16xf32>,
    %get3A_3430 = arith.constant 480 : index
    %get3A_3431 = tpu.vector_load %arg10[%get3A_3430] {strides = array<i32>} : memref<2048xf32, #tpu.memory_space<vmem>>, vector<16xf32>,
    %get3A_3432 = arith.constant 992 : index
    %get3A_3433 = tpu.vector_load %arg10[%get3A_3432] {strides = array<i32>} : memref<2048xf32, #tpu.memory_space<vmem>>, vector<16xf32>,
    %get3A_3434 = arith.constant 1504 : index
    %get3A_3435 = tpu.vector_load %arg10[%get3A_3434] {strides = array<i32>} : memref<2048xf32, #tpu.memory_space<vmem>>, vector<16xf32>,
    %get3A_3436 = arith.constant 2016 : index
    %get3A_3437 = tpu.vector_load %arg10[%get3A_3436] {strides = array<i32>} : memref<2048xf32, #tpu.memory_space<vmem>>, vector<16xf32>,
    %mul3A_3438 = arith.mulf %get3A_3423, %get3A_3431 : vector<16xf32>
    %mul3A_3439 = arith.mulf %get3A_3423, %get3A_3423 : vector<16xf32>
    %mul3A_3440 = arith.mulf %get3A_3431, %get3A_3431 : vector<16xf32>
    %mul3A_3441 = arith.mulf %get3A_3425, %get3A_3433 : vector<16xf32>
    %add3A_3442 = arith.addf %mul3A_3438, %mul3A_3441 : vector<16xf32>
    %mul3A_3443 = arith.mulf %get3A_3425, %get3A_3425 : vector<16xf32>
    %add3A_3444 = arith.addf %mul3A_3439, %mul3A_3443 : vector<16xf32>
    %mul3A_3445 = arith.mulf %get3A_3433, %get3A_3433 : vector<16xf32>
    %add3A_3446 = arith.addf %mul3A_3440, %mul3A_3445 : vector<16xf32>
    %mul3A_3447 = arith.mulf %get3A_3427, %get3A_3435 : vector<16xf32>
    %add3A_3448 = arith.addf %add3A_3442, %mul3A_3447 : vector<16xf32>
    %mul3A_3449 = arith.mulf %get3A_3427, %get3A_3427 : vector<16xf32>
    %add3A_3450 = arith.addf %add3A_3444, %mul3A_3449 : vector<16xf32>
    %mul3A_3451 = arith.mulf %get3A_3435, %get3A_3435 : vector<16xf32>
    %add3A_3452 = arith.addf %add3A_3446, %mul3A_3451 : vector<16xf32>
    %mul3A_3453 = arith.mulf %get3A_3429, %get3A_3437 : vector<16xf32>
    %add3A_3454 = arith.addf %add3A_3448, %mul3A_3453 : vector<16xf32>
    %mul3A_3455 = arith.mulf %get3A_3429, %get3A_3429 : vector<16xf32>
    %add3A_3456 = arith.addf %add3A_3450, %mul3A_3455 : vector<16xf32>
    %mul3A_3457 = arith.mulf %get3A_3437, %get3A_3437 : vector<16xf32>
    %add3A_3458 = arith.addf %add3A_3452, %mul3A_3457 : vector<16xf32>
    %bitcast_convert_type3A_3459 = tpu.bitcast %add3A_3456 : vector<16xf32> -> vector<16xi32>
    %shift_right_arithmetic3A_3460 = arith.constant 1 : i32
    %shift_right_arithmetic3A_3461 = vector.broadcast %shift_right_arithmetic3A_3460 : i32 to vector<16xi32>
    %shift_right_arithmetic3A_3462 = arith.shrsi %bitcast_convert_type3A_3459, %shift_right_arithmetic3A_3461 : vector<16xi32>
    %sub3A_3463 = arith.constant 1597463007 : i32
    %sub3A_3464 = vector.broadcast %sub3A_3463 : i32 to vector<16xi32>
    %sub3A_3465 = arith.subi %sub3A_3464, %shift_right_arithmetic3A_3462 : vector<16xi32>
    %bitcast_convert_type3A_3466 = tpu.bitcast %sub3A_3465 : vector<16xi32> -> vector<16xf32>
    %mul3A_3467 = arith.constant 5.000000e-01 : f32
    %mul3A_3468 = vector.broadcast %mul3A_3467 : f32 to vector<16xf32>
    %mul3A_3469 = arith.mulf %mul3A_3468, %add3A_3456 : vector<16xf32>
    %mul3A_3470 = arith.mulf %mul3A_3469, %bitcast_convert_type3A_3466 : vector<16xf32>
    %mul3A_3471 = arith.mulf %mul3A_3470, %bitcast_convert_type3A_3466 : vector<16xf32>
    %sub3A_3472 = arith.constant 1.500000e+00 : f32
    %sub3A_3473 = vector.broadcast %sub3A_3472 : f32 to vector<16xf32>
    %sub3A_3474 = arith.subf %sub3A_3473, %mul3A_3471 : vector<16xf32>
    %mul3A_3475 = arith.mulf %bitcast_convert_type3A_3466, %sub3A_3474 : vector<16xf32>
    %mul3A_3476 = arith.constant 5.000000e-01 : f32
    %mul3A_3477 = vector.broadcast %mul3A_3476 : f32 to vector<16xf32>
    %mul3A_3478 = arith.mulf %mul3A_3477, %add3A_3456 : vector<16xf32>
    %mul3A_3479 = arith.mulf %mul3A_3478, %mul3A_3475 : vector<16xf32>
    %mul3A_3480 = arith.mulf %mul3A_3479, %mul3A_3475 : vector<16xf32>
    %sub3A_3481 = arith.constant 1.500000e+00 : f32
    %sub3A_3482 = vector.broadcast %sub3A_3481 : f32 to vector<16xf32>
    %sub3A_3483 = arith.subf %sub3A_3482, %mul3A_3480 : vector<16xf32>
    %mul3A_3484 = arith.mulf %mul3A_3475, %sub3A_3483 : vector<16xf32>
    %mul3A_3485 = arith.constant 5.000000e-01 : f32
    %mul3A_3486 = vector.broadcast %mul3A_3485 : f32 to vector<16xf32>
    %mul3A_3487 = arith.mulf %mul3A_3486, %add3A_3456 : vector<16xf32>
    %mul3A_3488 = arith.mulf %mul3A_3487, %mul3A_3484 : vector<16xf32>
    %mul3A_3489 = arith.mulf %mul3A_3488, %mul3A_3484 : vector<16xf32>
    %sub3A_3490 = arith.constant 1.500000e+00 : f32
    %sub3A_3491 = vector.broadcast %sub3A_3490 : f32 to vector<16xf32>
    %sub3A_3492 = arith.subf %sub3A_3491, %mul3A_3489 : vector<16xf32>
    %mul3A_3493 = arith.mulf %mul3A_3484, %sub3A_3492 : vector<16xf32>
    %mul3A_3494 = arith.mulf %add3A_3454, %mul3A_3493 : vector<16xf32>
    %bitcast_convert_type3A_3495 = tpu.bitcast %add3A_3458 : vector<16xf32> -> vector<16xi32>
    %shift_right_arithmetic3A_3496 = arith.constant 1 : i32
    %shift_right_arithmetic3A_3497 = vector.broadcast %shift_right_arithmetic3A_3496 : i32 to vector<16xi32>
    %shift_right_arithmetic3A_3498 = arith.shrsi %bitcast_convert_type3A_3495, %shift_right_arithmetic3A_3497 : vector<16xi32>
    %sub3A_3499 = arith.constant 1597463007 : i32
    %sub3A_3500 = vector.broadcast %sub3A_3499 : i32 to vector<16xi32>
    %sub3A_3501 = arith.subi %sub3A_3500, %shift_right_arithmetic3A_3498 : vector<16xi32>
    %bitcast_convert_type3A_3502 = tpu.bitcast %sub3A_3501 : vector<16xi32> -> vector<16xf32>
    %mul3A_3503 = arith.constant 5.000000e-01 : f32
    %mul3A_3504 = vector.broadcast %mul3A_3503 : f32 to vector<16xf32>
    %mul3A_3505 = arith.mulf %mul3A_3504, %add3A_3458 : vector<16xf32>
    %mul3A_3506 = arith.mulf %mul3A_3505, %bitcast_convert_type3A_3502 : vector<16xf32>
    %mul3A_3507 = arith.mulf %mul3A_3506, %bitcast_convert_type3A_3502 : vector<16xf32>
    %sub3A_3508 = arith.constant 1.500000e+00 : f32
    %sub3A_3509 = vector.broadcast %sub3A_3508 : f32 to vector<16xf32>
    %sub3A_3510 = arith.subf %sub3A_3509, %mul3A_3507 : vector<16xf32>
    %mul3A_3511 = arith.mulf %bitcast_convert_type3A_3502, %sub3A_3510 : vector<16xf32>
    %mul3A_3512 = arith.constant 5.000000e-01 : f32
    %mul3A_3513 = vector.broadcast %mul3A_3512 : f32 to vector<16xf32>
    %mul3A_3514 = arith.mulf %mul3A_3513, %add3A_3458 : vector<16xf32>
    %mul3A_3515 = arith.mulf %mul3A_3514, %mul3A_3511 : vector<16xf32>
    %mul3A_3516 = arith.mulf %mul3A_3515, %mul3A_3511 : vector<16xf32>
    %sub3A_3517 = arith.constant 1.500000e+00 : f32
    %sub3A_3518 = vector.broadcast %sub3A_3517 : f32 to vector<16xf32>
    %sub3A_3519 = arith.subf %sub3A_3518, %mul3A_3516 : vector<16xf32>
    %mul3A_3520 = arith.mulf %mul3A_3511, %sub3A_3519 : vector<16xf32>
    %mul3A_3521 = arith.constant 5.000000e-01 : f32
    %mul3A_3522 = vector.broadcast %mul3A_3521 : f32 to vector<16xf32>
    %mul3A_3523 = arith.mulf %mul3A_3522, %add3A_3458 : vector<16xf32>
    %mul3A_3524 = arith.mulf %mul3A_3523, %mul3A_3520 : vector<16xf32>
    %mul3A_3525 = arith.mulf %mul3A_3524, %mul3A_3520 : vector<16xf32>
    %sub3A_3526 = arith.constant 1.500000e+00 : f32
    %sub3A_3527 = vector.broadcast %sub3A_3526 : f32 to vector<16xf32>
    %sub3A_3528 = arith.subf %sub3A_3527, %mul3A_3525 : vector<16xf32>
    %mul3A_3529 = arith.mulf %mul3A_3520, %sub3A_3528 : vector<16xf32>
    %mul3A_3530 = arith.mulf %mul3A_3494, %mul3A_3529 : vector<16xf32>
    %swap3A_3531 = arith.constant 480 : index
    %swap3A_3532 = tpu.vector_load %arg11[%swap3A_3531] {strides = array<i32>} : memref<512xf32, #tpu.memory_space<vmem>>, vector<16xf32>,
    tpu.vector_store %arg11[%swap3A_3531], %mul3A_3530 {strides = array<i32>} : memref<512xf32, #tpu.memory_space<vmem>>, vector<16xf32>,
    %get3A_3533 = arith.constant 496 : index
    %get3A_3534 = tpu.vector_load %arg9[%get3A_3533] {strides = array<i32>} : memref<2048xf32, #tpu.memory_space<vmem>>, vector<16xf32>,
    %get3A_3535 = arith.constant 1008 : index
    %get3A_3536 = tpu.vector_load %arg9[%get3A_3535] {strides = array<i32>} : memref<2048xf32, #tpu.memory_space<vmem>>, vector<16xf32>,
    %get3A_3537 = arith.constant 1520 : index
    %get3A_3538 = tpu.vector_load %arg9[%get3A_3537] {strides = array<i32>} : memref<2048xf32, #tpu.memory_space<vmem>>, vector<16xf32>,
    %get3A_3539 = arith.constant 2032 : index
    %get3A_3540 = tpu.vector_load %arg9[%get3A_3539] {strides = array<i32>} : memref<2048xf32, #tpu.memory_space<vmem>>, vector<16xf32>,
    %get3A_3541 = arith.constant 496 : index
    %get3A_3542 = tpu.vector_load %arg10[%get3A_3541] {strides = array<i32>} : memref<2048xf32, #tpu.memory_space<vmem>>, vector<16xf32>,
    %get3A_3543 = arith.constant 1008 : index
    %get3A_3544 = tpu.vector_load %arg10[%get3A_3543] {strides = array<i32>} : memref<2048xf32, #tpu.memory_space<vmem>>, vector<16xf32>,
    %get3A_3545 = arith.constant 1520 : index
    %get3A_3546 = tpu.vector_load %arg10[%get3A_3545] {strides = array<i32>} : memref<2048xf32, #tpu.memory_space<vmem>>, vector<16xf32>,
    %get3A_3547 = arith.constant 2032 : index
    %get3A_3548 = tpu.vector_load %arg10[%get3A_3547] {strides = array<i32>} : memref<2048xf32, #tpu.memory_space<vmem>>, vector<16xf32>,
    %mul3A_3549 = arith.mulf %get3A_3534, %get3A_3542 : vector<16xf32>
    %mul3A_3550 = arith.mulf %get3A_3534, %get3A_3534 : vector<16xf32>
    %mul3A_3551 = arith.mulf %get3A_3542, %get3A_3542 : vector<16xf32>
    %mul3A_3552 = arith.mulf %get3A_3536, %get3A_3544 : vector<16xf32>
    %add3A_3553 = arith.addf %mul3A_3549, %mul3A_3552 : vector<16xf32>
    %mul3A_3554 = arith.mulf %get3A_3536, %get3A_3536 : vector<16xf32>
    %add3A_3555 = arith.addf %mul3A_3550, %mul3A_3554 : vector<16xf32>
    %mul3A_3556 = arith.mulf %get3A_3544, %get3A_3544 : vector<16xf32>
    %add3A_3557 = arith.addf %mul3A_3551, %mul3A_3556 : vector<16xf32>
    %mul3A_3558 = arith.mulf %get3A_3538, %get3A_3546 : vector<16xf32>
    %add3A_3559 = arith.addf %add3A_3553, %mul3A_3558 : vector<16xf32>
    %mul3A_3560 = arith.mulf %get3A_3538, %get3A_3538 : vector<16xf32>
    %add3A_3561 = arith.addf %add3A_3555, %mul3A_3560 : vector<16xf32>
    %mul3A_3562 = arith.mulf %get3A_3546, %get3A_3546 : vector<16xf32>
    %add3A_3563 = arith.addf %add3A_3557, %mul3A_3562 : vector<16xf32>
    %mul3A_3564 = arith.mulf %get3A_3540, %get3A_3548 : vector<16xf32>
    %add3A_3565 = arith.addf %add3A_3559, %mul3A_3564 : vector<16xf32>
    %mul3A_3566 = arith.mulf %get3A_3540, %get3A_3540 : vector<16xf32>
    %add3A_3567 = arith.addf %add3A_3561, %mul3A_3566 : vector<16xf32>
    %mul3A_3568 = arith.mulf %get3A_3548, %get3A_3548 : vector<16xf32>
    %add3A_3569 = arith.addf %add3A_3563, %mul3A_3568 : vector<16xf32>
    %bitcast_convert_type3A_3570 = tpu.bitcast %add3A_3567 : vector<16xf32> -> vector<16xi32>
    %shift_right_arithmetic3A_3571 = arith.constant 1 : i32
    %shift_right_arithmetic3A_3572 = vector.broadcast %shift_right_arithmetic3A_3571 : i32 to vector<16xi32>
    %shift_right_arithmetic3A_3573 = arith.shrsi %bitcast_convert_type3A_3570, %shift_right_arithmetic3A_3572 : vector<16xi32>
    %sub3A_3574 = arith.constant 1597463007 : i32
    %sub3A_3575 = vector.broadcast %sub3A_3574 : i32 to vector<16xi32>
    %sub3A_3576 = arith.subi %sub3A_3575, %shift_right_arithmetic3A_3573 : vector<16xi32>
    %bitcast_convert_type3A_3577 = tpu.bitcast %sub3A_3576 : vector<16xi32> -> vector<16xf32>
    %mul3A_3578 = arith.constant 5.000000e-01 : f32
    %mul3A_3579 = vector.broadcast %mul3A_3578 : f32 to vector<16xf32>
    %mul3A_3580 = arith.mulf %mul3A_3579, %add3A_3567 : vector<16xf32>
    %mul3A_3581 = arith.mulf %mul3A_3580, %bitcast_convert_type3A_3577 : vector<16xf32>
    %mul3A_3582 = arith.mulf %mul3A_3581, %bitcast_convert_type3A_3577 : vector<16xf32>
    %sub3A_3583 = arith.constant 1.500000e+00 : f32
    %sub3A_3584 = vector.broadcast %sub3A_3583 : f32 to vector<16xf32>
    %sub3A_3585 = arith.subf %sub3A_3584, %mul3A_3582 : vector<16xf32>
    %mul3A_3586 = arith.mulf %bitcast_convert_type3A_3577, %sub3A_3585 : vector<16xf32>
    %mul3A_3587 = arith.constant 5.000000e-01 : f32
    %mul3A_3588 = vector.broadcast %mul3A_3587 : f32 to vector<16xf32>
    %mul3A_3589 = arith.mulf %mul3A_3588, %add3A_3567 : vector<16xf32>
    %mul3A_3590 = arith.mulf %mul3A_3589, %mul3A_3586 : vector<16xf32>
    %mul3A_3591 = arith.mulf %mul3A_3590, %mul3A_3586 : vector<16xf32>
    %sub3A_3592 = arith.constant 1.500000e+00 : f32
    %sub3A_3593 = vector.broadcast %sub3A_3592 : f32 to vector<16xf32>
    %sub3A_3594 = arith.subf %sub3A_3593, %mul3A_3591 : vector<16xf32>
    %mul3A_3595 = arith.mulf %mul3A_3586, %sub3A_3594 : vector<16xf32>
    %mul3A_3596 = arith.constant 5.000000e-01 : f32
    %mul3A_3597 = vector.broadcast %mul3A_3596 : f32 to vector<16xf32>
    %mul3A_3598 = arith.mulf %mul3A_3597, %add3A_3567 : vector<16xf32>
    %mul3A_3599 = arith.mulf %mul3A_3598, %mul3A_3595 : vector<16xf32>
    %mul3A_3600 = arith.mulf %mul3A_3599, %mul3A_3595 : vector<16xf32>
    %sub3A_3601 = arith.constant 1.500000e+00 : f32
    %sub3A_3602 = vector.broadcast %sub3A_3601 : f32 to vector<16xf32>
    %sub3A_3603 = arith.subf %sub3A_3602, %mul3A_3600 : vector<16xf32>
    %mul3A_3604 = arith.mulf %mul3A_3595, %sub3A_3603 : vector<16xf32>
    %mul3A_3605 = arith.mulf %add3A_3565, %mul3A_3604 : vector<16xf32>
    %bitcast_convert_type3A_3606 = tpu.bitcast %add3A_3569 : vector<16xf32> -> vector<16xi32>
    %shift_right_arithmetic3A_3607 = arith.constant 1 : i32
    %shift_right_arithmetic3A_3608 = vector.broadcast %shift_right_arithmetic3A_3607 : i32 to vector<16xi32>
    %shift_right_arithmetic3A_3609 = arith.shrsi %bitcast_convert_type3A_3606, %shift_right_arithmetic3A_3608 : vector<16xi32>
    %sub3A_3610 = arith.constant 1597463007 : i32
    %sub3A_3611 = vector.broadcast %sub3A_3610 : i32 to vector<16xi32>
    %sub3A_3612 = arith.subi %sub3A_3611, %shift_right_arithmetic3A_3609 : vector<16xi32>
    %bitcast_convert_type3A_3613 = tpu.bitcast %sub3A_3612 : vector<16xi32> -> vector<16xf32>
    %mul3A_3614 = arith.constant 5.000000e-01 : f32
    %mul3A_3615 = vector.broadcast %mul3A_3614 : f32 to vector<16xf32>
    %mul3A_3616 = arith.mulf %mul3A_3615, %add3A_3569 : vector<16xf32>
    %mul3A_3617 = arith.mulf %mul3A_3616, %bitcast_convert_type3A_3613 : vector<16xf32>
    %mul3A_3618 = arith.mulf %mul3A_3617, %bitcast_convert_type3A_3613 : vector<16xf32>
    %sub3A_3619 = arith.constant 1.500000e+00 : f32
    %sub3A_3620 = vector.broadcast %sub3A_3619 : f32 to vector<16xf32>
    %sub3A_3621 = arith.subf %sub3A_3620, %mul3A_3618 : vector<16xf32>
    %mul3A_3622 = arith.mulf %bitcast_convert_type3A_3613, %sub3A_3621 : vector<16xf32>
    %mul3A_3623 = arith.constant 5.000000e-01 : f32
    %mul3A_3624 = vector.broadcast %mul3A_3623 : f32 to vector<16xf32>
    %mul3A_3625 = arith.mulf %mul3A_3624, %add3A_3569 : vector<16xf32>
    %mul3A_3626 = arith.mulf %mul3A_3625, %mul3A_3622 : vector<16xf32>
    %mul3A_3627 = arith.mulf %mul3A_3626, %mul3A_3622 : vector<16xf32>
    %sub3A_3628 = arith.constant 1.500000e+00 : f32
    %sub3A_3629 = vector.broadcast %sub3A_3628 : f32 to vector<16xf32>
    %sub3A_3630 = arith.subf %sub3A_3629, %mul3A_3627 : vector<16xf32>
    %mul3A_3631 = arith.mulf %mul3A_3622, %sub3A_3630 : vector<16xf32>
    %mul3A_3632 = arith.constant 5.000000e-01 : f32
    %mul3A_3633 = vector.broadcast %mul3A_3632 : f32 to vector<16xf32>
    %mul3A_3634 = arith.mulf %mul3A_3633, %add3A_3569 : vector<16xf32>
    %mul3A_3635 = arith.mulf %mul3A_3634, %mul3A_3631 : vector<16xf32>
    %mul3A_3636 = arith.mulf %mul3A_3635, %mul3A_3631 : vector<16xf32>
    %sub3A_3637 = arith.constant 1.500000e+00 : f32
    %sub3A_3638 = vector.broadcast %sub3A_3637 : f32 to vector<16xf32>
    %sub3A_3639 = arith.subf %sub3A_3638, %mul3A_3636 : vector<16xf32>
    %mul3A_3640 = arith.mulf %mul3A_3631, %sub3A_3639 : vector<16xf32>
    %mul3A_3641 = arith.mulf %mul3A_3605, %mul3A_3640 : vector<16xf32>
    %swap3A_3642 = arith.constant 496 : index
    %swap3A_3643 = tpu.vector_load %arg11[%swap3A_3642] {strides = array<i32>} : memref<512xf32, #tpu.memory_space<vmem>>, vector<16xf32>,
    tpu.vector_store %arg11[%swap3A_3642], %mul3A_3641 {strides = array<i32>} : memref<512xf32, #tpu.memory_space<vmem>>, vector<16xf32>,
    "tpu.region"() ({
      %run_scoped3A = tpu.sem_alloc : memref<!tpu.dma_semaphore, #tpu.memory_space<semaphore_mem>>
      %dma_start3A_3644 = tpu.memref_slice %arg6[%mul3A_2] : memref<16384xf32, #tpu.memory_space<hbm>> -> memref<512xf32, #tpu.memory_space<hbm>>
      %dma_start3A_3645 = tpu.memref_slice %arg6[%mul3A_2] : memref<16384xf32, #tpu.memory_space<hbm>> -> memref<512xf32, #tpu.memory_space<hbm>>
      tpu.enqueue_dma source(%arg11 : memref<512xf32, #tpu.memory_space<vmem>>) target(%dma_start3A_3645 : memref<512xf32, #tpu.memory_space<hbm>>) target_semaphore(%run_scoped3A : memref<!tpu.dma_semaphore, #tpu.memory_space<semaphore_mem>>)
      %dma_wait3A_3646 = tpu.memref_slice %arg6[%mul3A_2] : memref<16384xf32, #tpu.memory_space<hbm>> -> memref<512xf32, #tpu.memory_space<hbm>>
      %dma_wait3A_3647 = tpu.memref_slice %arg6[%mul3A_2] : memref<16384xf32, #tpu.memory_space<hbm>> -> memref<512xf32, #tpu.memory_space<hbm>>
      tpu.wait_dma2 semaphore(%run_scoped3A : memref<!tpu.dma_semaphore, #tpu.memory_space<semaphore_mem>>) src(%arg11 : memref<512xf32, #tpu.memory_space<vmem>>) dst(%dma_wait3A_3647 : memref<512xf32, #tpu.memory_space<hbm>>)
      tpu.yield
    }) : () -> ()
    return
  }
}

</mosaic_0001>

<sc_bundles>
// kernel: kernel.3.cloned.1.call-start
scs
__scs_entry_jumppad:
0x0: {  	(pc) =	sbr.rel $0x88, $3  }
0x1: {  	(tag) =	ssettag $0x0;
	lr =	simm.s32 $0x1  }
0x2: {  	[smem:$0x3F9D] =	sst lr;
	_ =	strace $0xD0000000  }
0x3: {  	_ = 	snop  }
0x4: {  	_ = 	snop  }
0x5: {  	_ = 	snop  }
0x6: {  	_ = 	snop  }
0x7: {  	_ = 	snop  }
__scs_overlays_trampoline_lowered:
0x8: {  	[smem:$0x3FAC] =	sst s0  }
0x9: {  	[smem:$0x3FAD] =	sst s1  }
0xa: {  	[smem:$0x3FAE] =	sst s2  }
0xb: {  	[smem:$0x3FAF] =	sst s3  }
0xc: {  	[smem:$0x3FB0] =	sst s4  }
0xd: {  	[smem:$0x3FB1] =	sst s5  }
0xe: {  	[smem:$0x3FB2] =	sst s6  }
0xf: {  	[smem:$0x3FB3] =	sst s7  }
0x10: {  	[smem:$0x3FB4] =	sst s8  }
0x11: {  	[smem:$0x3FB5] =	sst s9;
	s0 =	simm.s32 @!p0 $0x0  }
0x12: {  	s1 =	sld [smem:$0x3F9B];
	s0 =	simm.s32 @p0 $0x1  }
0x13: {  	[smem:$0x3FB6] =	sst s0;
	s0 =	simm.s32 @!p1 $0x0  }
0x14: {  	s2 =	sld [smem:$0x3F9A];
	s0 =	simm.s32 @p1 $0x1  }
0x15: {  	[smem:$0x3FB7] =	sst s0;
	s0 =	simm.s32 @!p2 $0x0  }
0x16: {  	s3 =	sld [smem:$0x3FDB];
	s0 =	simm.s32 @p2 $0x1  }
0x17: {  	s4 =	simm.s32 $0x1BF5;
	[smem:$0x3FB9] =	sst s0  }
0x18: {  	s0 =	sld [smem:$0x3F9C];
	_ =	swait.ge [sflag:s4], $0x0  }
0x19: {  	s7 =	sld [smem:$0x3F9D]  }
0x1a: {  	s8 =	sadd.s32 $0xFFFFE003, lr  }
0x1b: {  	s9 =	sadd.s32 $0xFFFFFEF7, lr;
	s5 =	simm.s32 $0xFFFFFFFF;
	p2 =	slt.u32 s8, $0xFFFFF086  }
0x1c: {  	p1 =	slt.u32 s9, $0xF7A;
	s5 =	simm.s32 @!p2 $0x0  }
0x1d: {  	s5 =	simm.s32 @p1 $0x1;
	p0 =	seq.s32 s7, s2  }
0x1e: {  	s7 =	smul.u32 @!p0 $0xF7A, s2;
	p2 =	seq.s32 @!p0 s5, $0x0  }
0x1f: {  	s9 =	smul.u32 $0xF7A, s1;
	s8 =	simm.s32 @!p0 $0x1BF5;
	p2 =	por !p2, p0  }
0x20: {  	[sflag:s8] =	ssyncset.s32 @!p0 $0xFFFFF086;
	s6 =	sadd.s32 @!p0 s3, s7;
	s7 =	simm.s32 @!p0 $0x108  }
0x21: {  	s3 =	sadd.s32 s3, s9;
	s6 =	sadd.s32 @!p0 $0x88, s6;
	s7 =	simm.s32 @p2 $0x1082  }
0x22: {  	[simem:s7], [sflag:s8] =	dma.local @!p0 [hbm:s6], $0xF7A  }
0x23: {  	s9 =	sor.u32 $0xD0000000, s2;
	s6 =	simm.s32 $0x108;
	_ =	swait.ge @!p0 [sflag:s8], $0x0  }
0x24: {  	s3 =	sadd.s32 $0x88, s3;
	s6 =	simm.s32 @!p1 $0x1082;
	[sflag:s4] =	ssyncset.s32 $0xFFFFF086  }
0x25: {  	[simem:s6], [sflag:s4] =	dma.local [hbm:s3], $0xF7A  }
0x26: {  	[smem:$0x3F9D] =	sst s1;
	(tag) =	ssettag s2;
	_ =	strace s9  }
0x27: {  	s1 =	sld [smem:$0x3FAD]  }
0x28: {  	s2 =	sld [smem:$0x3FAE]  }
0x29: {  	s4 =	sld [smem:$0x3FB0]  }
0x2a: {  	p0 =	seq.s32 s5, $0x0;
	s5 =	sld [smem:$0x3FB1]  }
0x2b: {  	s6 =	sld [smem:$0x3FB2]  }
0x2c: {  	s7 =	sld [smem:$0x3FB3]  }
0x2d: {  	s3 =	simm.s32 $0x108;
	s8 =	sld [smem:$0x3FB4]  }
0x2e: {  	s3 =	simm.s32 @!p0 $0x1082;
	s9 =	sld [smem:$0x3FB5]  }
0x2f: {  	lr =	sadd.s32 s0, s3;
	s0 =	sld [smem:$0x3FAC]  }
0x30: {  	s3 =	sld [smem:$0x3FAF]  }
0x31: {  	[smem:$0x3FB8] =	sst s10  }
0x32: {  	s10 =	sld [smem:$0x3FB6];
	_ =	sdelay $0x3  }
0x33: {  	p0 =	seq.s32 s10, $0x1;
	s10 =	sld [smem:$0x3FB8];
	_ =	sdelay $0x3  }
0x34: {  	[smem:$0x3FB8] =	sst s10  }
0x35: {  	s10 =	sld [smem:$0x3FB7];
	_ =	sdelay $0x3  }
0x36: {  	p1 =	seq.s32 s10, $0x1;
	s10 =	sld [smem:$0x3FB8];
	_ =	sdelay $0x3  }
0x37: {  	[smem:$0x3FB8] =	sst s10  }
0x38: {  	s10 =	sld [smem:$0x3FB9]  }
0x39: {  	_ = 	snop;
	(pc) =	sbr.ind lr, $3  }
0x3a: {  	_ = 	snop  }
0x3b: {  	_ = 	snop  }
0x3c: {  	p2 =	seq.s32 s10, $0x1;
	s10 =	sld [smem:$0x3FB8]  }
0x3d: {  	_ =	shalt  }
0x3e: {  	_ =	shalt  }
0x3f: {  	_ =	shalt  }
0x40: {  	_ =	shalt  }
0x41: {  	_ =	shalt  }
0x42: {  	_ =	shalt  }
0x43: {  	_ =	shalt  }
0x44: {  	_ =	shalt  }
0x45: {  	_ =	shalt  }
0x46: {  	_ =	shalt  }
0x47: {  	_ =	shalt  }
0x48: {  	_ =	shalt  }
0x49: {  	_ =	shalt  }
0x4a: {  	_ =	shalt  }
0x4b: {  	_ =	shalt  }
0x4c: {  	_ =	shalt  }
0x4d: {  	_ =	shalt  }
0x4e: {  	_ =	shalt  }
0x4f: {  	_ =	shalt  }
0x50: {  	_ =	shalt  }
0x51: {  	_ =	shalt  }
0x52: {  	_ =	shalt  }
0x53: {  	_ =	shalt  }
0x54: {  	_ =	shalt  }
0x55: {  	_ =	shalt  }
0x56: {  	_ =	shalt  }
0x57: {  	_ =	shalt  }
0x58: {  	_ =	shalt  }
0x59: {  	_ =	shalt  }
0x5a: {  	_ =	shalt  }
0x5b: {  	_ =	shalt  }
0x5c: {  	_ =	shalt  }
0x5d: {  	_ =	shalt  }
0x5e: {  	_ =	shalt  }
0x5f: {  	_ =	shalt  }
0x60: {  	_ =	shalt  }
0x61: {  	_ =	shalt  }
0x62: {  	_ =	shalt  }
0x63: {  	_ =	shalt  }
0x64: {  	_ =	shalt  }
0x65: {  	_ =	shalt  }
0x66: {  	_ =	shalt  }
0x67: {  	_ =	shalt  }
0x68: {  	_ =	shalt  }
0x69: {  	_ =	shalt  }
0x6a: {  	_ =	shalt  }
0x6b: {  	_ =	shalt  }
0x6c: {  	_ =	shalt  }
0x6d: {  	_ =	shalt  }
0x6e: {  	_ =	shalt  }
0x6f: {  	_ =	shalt  }
0x70: {  	_ =	shalt  }
0x71: {  	_ =	shalt  }
0x72: {  	_ =	shalt  }
0x73: {  	_ =	shalt  }
0x74: {  	_ =	shalt  }
0x75: {  	_ =	shalt  }
0x76: {  	_ =	shalt  }
0x77: {  	_ =	shalt  }
0x78: {  	_ =	shalt  }
0x79: {  	_ =	shalt  }
0x7a: {  	_ =	shalt  }
0x7b: {  	_ =	shalt  }
0x7c: {  	_ =	shalt  }
0x7d: {  	_ =	shalt  }
0x7e: {  	_ =	shalt  }
0x7f: {  	_ =	shalt  }
0x80: {  	_ =	shalt  }
0x81: {  	_ =	shalt  }
0x82: {  	_ =	shalt  }
0x83: {  	_ =	shalt  }
0x84: {  	_ =	shalt  }
0x85: {  	_ =	shalt  }
0x86: {  	_ =	shalt  }
0x87: {  	_ =	shalt  }
.Lfunc_end0:
.L_simem_size_0:
called_computation_lowered:
.L_overlay_start_0:
0x88: {  	s2 =	sld [smem:$0x3FD9]  }
0x89: {  	s3 =	sld [smem:$0x3FFE];
	_ =	sdelay $0x1  }
0x8a: {  	s1 =	srdreg.scid  }
0x8b: {  	s0 =	sand.u32 $0x1, s1  }
0x8c: {  	s17 =	sshll.u32 s0, $0xA;
	s2 =	sadd.s32 s3, s2  }
0x8d: {  	s2 =	sadd.s32 s2, s17  }
0x8e: {  	[smem:$0x3FC4] =	sst s2  }
0x8f: {  	_ = 	snop  }
0x90: {  	s2 =	sld [smem:$0x3FC9]  }
0x91: {  	s18 =	sld [smem:$0x3FC8]  }
0x92: {  	s4 =	sld [smem:$0x3FD0];
	(tm) =	ssettm $0x1  }
0x93: {  	s5 =	sld [smem:$0x3FFB];
	_ =	sdelay $0x3  }
0x94: {  	_ =	strace s5  }
0x95: {  	s5 =	sld [smem:$0x3FFC];
	_ =	sdelay $0x3  }
0x96: {  	_ =	strace s5  }
0x97: {  	s5 =	sld [smem:$0x3FFD];
	_ =	sdelay $0x3  }
0x98: {  	_ =	strace s5  }
0x99: {  	_ =	strace $0x8FFFFFFF  }
0x9a: {  	s19 =	sld [smem:$0x3FDB];
	_ =	sdelay $0x1  }
0x9b: {  	s6 =	simm.s32 $_scs_section_size  }
0x9c: {  	s7 =	simm.s32 $_size__tile_overlayer_lowered;
	s8 =	simm.s32 $_tile_overlayer_lowered  }
0x9d: {  	s22 =	simm.s32 $0x1BFF;
	s21 =	sshll.u32 s8, $0x1;
	s5 =	sadd.s32 s6, s19  }
0x9e: {  	s9 =	simm.s32 $0x0;
	s20 =	sshll.u32 s7, $0x1;
	s7 =	sadd.s32 s21, s5  }
0x9f: {  	[timem:s9], [sflag:s22] =	dma.local [hbm:s7], s20  }
0xa0: {  	_ =	swait.ge [sflag:s22], s20  }
0xa1: {  	s6 =	ssub.s32 $0x0, s20;
	[sflag:s22] =	ssyncset.done $0x0  }
0xa2: {  	[sflag:s22] =	ssyncadd.s32 s6;
	_ =	sdelay $0x1  }
0xa3: {  	s23 =	simm.s32 $0x1B8B  }
0xa4: {  	_ =	swait.ge [sflag:s23], $0x1  }
0xa5: {  	[sflag:s23] =	ssyncset.done $0x0  }
0xa6: {  	s25 =	simm.s32 $0x1B8E;
	s24 =	sld [smem:$0x3FFE];
	[sflag:s23] =	ssyncadd.s32 $0xFFFFFFFF  }
0xa7: {  	s26 =	simm.s32 $execute0_lowered;
	[smem:$0x3FD2] =	sst s25  }
0xa8: {  	s7 =	sshll.u32 s26, $0x1;
	_ =	strace $0x80000046;
	[dreg:$0x1] =	wrdreg $0xFFFFFFFF  }
0xa9: {  	s28 =	simm.s32 $_size_execute0_lowered;
	s5 =	sadd.s32 s5, s7;
	[dreg:$0x0] =	wrdreg $0x0  }
0xaa: {  	s7 =	sshll.u32 s28, $0x1;
	[dreg:$0x2] =	wrdreg s5  }
0xab: {  	[dreg:$0x3] =	wrdreg s7  }
0xac: {  	[dreg:$0x4] =	wrdreg $0xC0  }
0xad: {  	_ =	task [dreg:s9], $0x5FFFF  }
0xae: {  	[dreg:$0x1] =	wrdreg $0xFFFFFFFF  }
0xaf: {  	[dreg:$0x0] =	wrdreg $0x60  }
0xb0: {  	[dreg:$0x2] =	wrdreg s2  }
0xb1: {  	[dreg:$0x3] =	wrdreg s18  }
0xb2: {  	[dreg:$0x4] =	wrdreg s24  }
0xb3: {  	[dreg:$0x5] =	wrdreg s4  }
0xb4: {  	[dreg:$0x6] =	wrdreg $0x9  }
0xb5: {  	_ =	task.clear_ibuf [dreg:s9], $0x7FFFF;
	_ =	strace $0x90000046  }
0xb6: {  	s29 =	simm.s32 $0x9;
	_ =	strace $0x80000048  }
0xb7: {  	_ =	swait.ge [sflag:s29], $0x1  }
0xb8: {  	[sflag:s29] =	ssyncadd.s32 $0xFFFFFFFF  }
0xb9: {  	_ =	strace $0x90000048  }
0xba: {  	_ =	sfence  }
0xbb: {  	s30 =	sld [smem:$0x0];
	_ =	sdelay $0x2  }
0xbc: {  	s31 =	sshll.u32 s1, $0xD;
	s1 =	sshrl.u32 s1, $0x2  }
0xbd: {  	s3 =	sand.u32 $0x4000, s31;
	s1 =	sadd.s32 s1, s30  }
0xbe: {  	s0 =	sor.u32 s3, s0;
	s1 =	sshll.u32 s1, $0x11  }
0xbf: {  	s0 =	sor.u32 s1, s0  }
0xc0: {  	s0 =	sadd.s32 $0x8F2B, s0  }
0xc1: {  	[sflag:s0] =	ssyncadd.remote.s32 $0x1  }
0xc2: {  	_ =	sfence.sel $0xFFFF  }
0xc3: {  	[dreg:$0x0] =	wrdreg $0xFFFFFFFF;
	(pc) =	sbr.abs _section_cstart, $3  }
0xc4: {  	[dreg:$0x1] =	wrdreg $0xFFFFFFFF  }
0xc5: {  	_ =	task.clear_ibuf [dreg:s9], $0x2FFFF;
	_ =	strace $0x9FFFFFFF  }
0xc6: {  	(tm) =	ssettm $0x7FFFFFFF  }
0xc7: {  	_ =	shalt  }
tec
execute0_lowered:
.L_overlay_start_1:
0x0: {  	(tag) =	ssettag $0x1  }
0x1: {  	s5 =	rddreg [dreg:$0x0]  }
0x2: {  	s6 =	rddreg [dreg:$0x1]  }
0x3: {  	s12 =	rddreg [dreg:$0x2]  }
0x4: {  	s13 =	rddreg [dreg:$0x3]  }
0x5: {  	s0 =	rddreg [dreg:$0x4]  }
0x6: {  	s2 =	simm.s32 $0x0;
	s3 =	srdreg.scid;
	s1 =	stileid.u32  }
0x7: {  	s16 =	simm.s32 $0x200;
	s17 =	simm.s32 $0x400;
	s18 =	simm.s32 $0xC00  }
0x8: {  	s19 =	simm.s32 $0x600;
	s20 =	simm.s32 $0xE00;
	s21 =	simm.s32 $0x800  }
0x9: {  	s22 =	simm.s32 $0x1000;
	s23 =	simm.s32 $0xA00;
	s24 =	simm.s32 $0x1200  }
0xa: {  	s25 =	simm.s32 $0x1;
	s26 =	simm.s32 $0x1400;
	[smem:$0x7FF] =	sst s2  }
0xb: {  	s3 =	sand.u32 $0x1, s3;
	s4 =	sshll.u32 s1, $0x7;
	s10 =	sadd.s32 $0xB7890, s12  }
0xc: {  	s11 =	sadd.s32 $0x5BED8, s12;
	_ =	strace $0x80000047;
	s7 =	ssub.s32 $0x2, s3  }
0xd: {  	s8 =	sshll.u32 s3, $0x6;
	s3 =	sadd.s32 $0x600, s12;
	s9 =	sshrl.u32 s7, $0x1  }
0xe: {  	s14 =	sor.u32 s8, s4;
	s4 =	sadd.s32 $0x7A800, s12;
	s8 =	sadd.s32 $0x99048, s12  }
0xf: {  	s15 =	ssub.s32 s7, s9;
	s5 =	sadd.s32 s5, s14;
	s6 =	sadd.s32 s6, s14  }
0x10: {  	s7 =	sadd.s32 $0x1EE48, s12;
	s9 =	sadd.s32 $0x3D690, s12;
	s12 =	sadd.s32 $0xD60D8, s12  }
0x11: {  	s13 =	sadd.s32 s13, s14;
	s14 =	smax.u32 s15, $0x1;
	s15 =	simm.s32 $0x2  }
.LBB2_1:
0x12: {  	[tilespmem:s2], [sflag:$0x2] =	stream.linear.gather [hbm4b:s5+s2], $0x200, $0x38;
	[tilespmem:$0x1600] =	vst v63  }
0x13: {  	_ =	swait.ge [sflag:s15], $0x200  }
0x14: {  	[sflag:s15] =	ssyncset.done $0x0  }
0x15: {  	[sflag:s15] =	ssyncadd.s32 $0xFFFFFE00  }
0x16: {  	[tilespmem:s16], [sflag:$0x2] =	stream.linear.gather [hbm4b:s6+s2], $0x200, $0x38;
	[tilespmem:$0x1600] =	vst v63  }
0x17: {  	_ =	swait.ge [sflag:s15], $0x200  }
0x18: {  	[sflag:s15] =	ssyncset.done $0x0  }
0x19: {  	[sflag:s15] =	ssyncadd.s32 $0xFFFFFE00  }
0x1a: {  	[tilespmem:s17], [sflag:$0x1] =	stream.indirect.gather [hbm4b:s3+s16], $0x1, s2, s16, $0xb8;
	[tilespmem:$0x1600] =	vst v63  }
0x1b: {  	_ = 	snop  }
0x1c: {  	[tilespmem:s18], [sflag:$0x1] =	stream.indirect.gather [hbm4b:s4+s16], $0x1, s16, s16, $0xb8;
	[tilespmem:$0x1600] =	vst v63  }
0x1d: {  	_ = 	snop  }
0x1e: {  	[tilespmem:s19], [sflag:$0x1] =	stream.indirect.gather [hbm4b:s7+s16], $0x1, s2, s16, $0xb8;
	[tilespmem:$0x1600] =	vst v63  }
0x1f: {  	_ = 	snop  }
0x20: {  	[tilespmem:s20], [sflag:$0x1] =	stream.indirect.gather [hbm4b:s8+s16], $0x1, s16, s16, $0xb8;
	[tilespmem:$0x1600] =	vst v63  }
0x21: {  	_ = 	snop  }
0x22: {  	[tilespmem:s21], [sflag:$0x1] =	stream.indirect.gather [hbm4b:s9+s16], $0x1, s2, s16, $0xb8;
	[tilespmem:$0x1600] =	vst v63  }
0x23: {  	_ = 	snop  }
0x24: {  	[tilespmem:s22], [sflag:$0x1] =	stream.indirect.gather [hbm4b:s10+s16], $0x1, s16, s16, $0xb8;
	[tilespmem:$0x1600] =	vst v63  }
0x25: {  	_ = 	snop  }
0x26: {  	[tilespmem:s23], [sflag:$0x1] =	stream.indirect.gather [hbm4b:s11+s16], $0x1, s2, s16, $0xb8;
	[tilespmem:$0x1600] =	vst v63  }
0x27: {  	_ = 	snop  }
0x28: {  	[tilespmem:s24], [sflag:$0x1] =	stream.indirect.gather [hbm4b:s12+s16], $0x1, s16, s16, $0xb8;
	[tilespmem:$0x1600] =	vst v63  }
0x29: {  	_ =	swait.ge [sflag:s25], $0x200  }
0x2a: {  	[sflag:s25] =	ssyncset.done $0x0  }
0x2b: {  	[sflag:s25] =	ssyncadd.s32 $0xFFFFFE00  }
0x2c: {  	_ =	swait.ge [sflag:s25], $0x200  }
0x2d: {  	[sflag:s25] =	ssyncset.done $0x0  }
0x2e: {  	[sflag:s25] =	ssyncadd.s32 $0xFFFFFE00  }
0x2f: {  	_ =	swait.ge [sflag:s25], $0x200  }
0x30: {  	[sflag:s25] =	ssyncset.done $0x0  }
0x31: {  	[sflag:s25] =	ssyncadd.s32 $0xFFFFFE00  }
0x32: {  	_ =	swait.ge [sflag:s25], $0x200  }
0x33: {  	[sflag:s25] =	ssyncset.done $0x0  }
0x34: {  	[sflag:s25] =	ssyncadd.s32 $0xFFFFFE00  }
0x35: {  	_ =	swait.ge [sflag:s25], $0x200  }
0x36: {  	[sflag:s25] =	ssyncset.done $0x0  }
0x37: {  	[sflag:s25] =	ssyncadd.s32 $0xFFFFFE00  }
0x38: {  	_ =	swait.ge [sflag:s25], $0x200  }
0x39: {  	[sflag:s25] =	ssyncset.done $0x0  }
0x3a: {  	[sflag:s25] =	ssyncadd.s32 $0xFFFFFE00  }
0x3b: {  	_ =	swait.ge [sflag:s25], $0x200  }
0x3c: {  	[sflag:s25] =	ssyncset.done $0x0  }
0x3d: {  	[sflag:s25] =	ssyncadd.s32 $0xFFFFFE00  }
0x3e: {  	_ =	swait.ge [sflag:s25], $0x200  }
0x3f: {  	[sflag:s25] =	ssyncset.done $0x0  }
0x40: {  	[sflag:s25] =	ssyncadd.s32 $0xFFFFFE00  }
0x41: {  	v0 =	vld [tilespmem:$0x400]  }
0x42: {  	v1 =	vld [tilespmem:$0x600]  }
0x43: {  	v2 =	vld [tilespmem:$0x800]  }
0x44: {  	v3 =	vld [tilespmem:$0xA00]  }
0x45: {  	v6 =	vld [tilespmem:$0xC00]  }
0x46: {  	v7 =	vld [tilespmem:$0xE00]  }
0x47: {  	v8 =	vld [tilespmem:$0x1000]  }
0x48: {  	v48 =	vld [tilespmem:$0x1200]  }
0x49: {  	v13 =	vld [tilespmem:$0x410]  }
0x4a: {  	v14 =	vld [tilespmem:$0x610]  }
0x4b: {  	v15 =	vld [tilespmem:$0x810]  }
0x4c: {  	v52 =	vld [tilespmem:$0xC10]  }
0x4d: {  	v16 =	vld [tilespmem:$0xE10];
	v4 =	vmul.f32 v0, v0;
	v5 =	vmul.f32 v1, v1  }
0x4e: {  	v17 =	vld [tilespmem:$0xA10];
	v46 =	vmul.f32 v2, v2;
	v47 =	vmul.f32 v3, v3  }
0x4f: {  	v18 =	vld [tilespmem:$0x1010];
	v9 =	vmul.f32 v6, v6;
	v10 =	vmul.f32 v7, v7  }
0x50: {  	v23 =	vld [tilespmem:$0x1210];
	v49 =	vmul.f32 v8, v8;
	v50 =	vmul.f32 v48, v48  }
0x51: {  	v19 =	vmul.f32 v13, v13;
	v20 =	vmul.f32 v14, v14  }
0x52: {  	v54 =	vmul.f32 v15, v15;
	v24 =	vmul.f32 v52, v52;
	v4 =	vadd.f32 v5, v4  }
0x53: {  	v25 =	vmul.f32 v16, v16;
	v55 =	vmul.f32 v17, v17  }
0x54: {  	v56 =	vmul.f32 v18, v18;
	v0 =	vmul.f32 v6, v0;
	v4 =	vadd.f32 v46, v4  }
0x55: {  	v1 =	vmul.f32 v7, v1;
	v60 =	vmul.f32 v23, v23  }
0x56: {  	v2 =	vmul.f32 v8, v2;
	v3 =	vmul.f32 v48, v3;
	v4 =	vadd.f32 v47, v4  }
0x57: {  	v33 =	vmul.f32 v16, v14;
	v16 =	vld [tilespmem:$0xA20];
	v9 =	vadd.f32 v10, v9;
	v24 =	vadd.f32 v25, v24  }
0x58: {  	v32 =	vmul.f32 v52, v13;
	v11 =	vshra.s32 v4, $0x1;
	v4 =	vmul.f32 $5.000000000e-01, v4  }
0x59: {  	v9 =	vadd.f32 v49, v9;
	v59 =	vadd.f32 v56, v24;
	v11 =	vsub.s32 $0x5F3759DF, v11  }
0x5a: {  	v15 =	vmul.f32 v18, v15;
	v13 =	vld [tilespmem:$0x1220];
	v19 =	vadd.f32 v20, v19;
	v12 =	vmul.f32 v11, v4  }
0x5b: {  	v44 =	vmul.f32 v23, v17;
	v9 =	vadd.f32 v50, v9;
	v63 =	vadd.f32 v60, v59  }
0x5c: {  	v19 =	vadd.f32 v54, v19;
	v42 =	vmul.f32 v16, v16;
	v12 =	vmul.f32 v11, v12  }
0x5d: {  	v53 =	vmul.f32 $5.000000000e-01, v9;
	v9 =	vshra.s32 v9, $0x1;
	v20 =	vshra.s32 v63, $0x1  }
0x5e: {  	v8 =	vmul.f32 $5.000000000e-01, v63;
	v9 =	vsub.s32 $0x5F3759DF, v9;
	v51 =	vsub.f32 $1.500000000e+00, v12  }
0x5f: {  	v56 =	vld [tilespmem:$0x1030];
	v47 =	vmul.f32 v13, v13;
	v20 =	vsub.s32 $0x5F3759DF, v20;
	v22 =	vmul.f32 v9, v53  }
0x60: {  	v50 =	vld [tilespmem:$0x630];
	v27 =	vmul.f32 v20, v8;
	v10 =	vmul.f32 v11, v51  }
0x61: {  	v19 =	vadd.f32 v55, v19;
	v13 =	vmul.f32 v13, v16;
	v22 =	vmul.f32 v9, v22  }
0x62: {  	v55 =	vld [tilespmem:$0xE30];
	v28 =	vmul.f32 v20, v27;
	v21 =	vmul.f32 v10, v4  }
0x63: {  	v61 =	vshra.s32 v19, $0x1;
	v19 =	vmul.f32 $5.000000000e-01, v19;
	v58 =	vsub.f32 $1.500000000e+00, v22  }
0x64: {  	v63 =	vmul.f32 v56, v56;
	v5 =	vsub.f32 $1.500000000e+00, v28;
	v12 =	vld [tilespmem:$0xE20];
	v21 =	vmul.f32 v21, v10  }
0x65: {  	v62 =	vsub.s32 $0x5F3759DF, v61;
	v27 =	vmul.f32 v50, v50;
	v7 =	vmul.f32 v9, v58  }
0x66: {  	v22 =	vmul.f32 v62, v19;
	v9 =	vld [tilespmem:$0x820];
	v5 =	vmul.f32 v20, v5;
	v57 =	vsub.f32 $1.500000000e+00, v21  }
0x67: {  	v28 =	vmul.f32 v55, v55;
	v20 =	vld [tilespmem:$0x1020];
	v11 =	vadd.f32 v33, v32;
	v25 =	vmul.f32 v7, v53  }
0x68: {  	v34 =	vmul.f32 v5, v8;
	v6 =	vmul.f32 v57, v10  }
0x69: {  	v11 =	vadd.f32 v15, v11;
	v15 =	vld [tilespmem:$0x830];
	v41 =	vmul.f32 v12, v12;
	v10 =	vmul.f32 v62, v22  }
0x6a: {  	v0 =	vadd.f32 v1, v0;
	v24 =	vmul.f32 v6, v4;
	v4 =	vmul.f32 v25, v7  }
0x6b: {  	v37 =	vmul.f32 v34, v5;
	v39 =	vmul.f32 v9, v9;
	v26 =	vsub.f32 $1.500000000e+00, v10;
	v10 =	vld [tilespmem:$0xC20]  }
0x6c: {  	v43 =	vmul.f32 v20, v20;
	v1 =	vmul.f32 v24, v6;
	v4 =	vsub.f32 $1.500000000e+00, v4  }
0x6d: {  	v0 =	vadd.f32 v2, v0;
	v9 =	vmul.f32 v20, v9;
	v2 =	vmul.f32 v62, v26;
	v24 =	vld [tilespmem:$0xA30]  }
0x6e: {  	v60 =	vmul.f32 v15, v15;
	v1 =	vsub.f32 $1.500000000e+00, v1;
	v29 =	vmul.f32 v4, v7;
	v4 =	vld [tilespmem:$0x420]  }
0x6f: {  	v15 =	vmul.f32 v56, v15;
	v30 =	vmul.f32 v2, v19;
	v7 =	vld [tilespmem:$0x620]  }
0x70: {  	v0 =	vadd.f32 v3, v0;
	v40 =	vmul.f32 v10, v10;
	v1 =	vmul.f32 v1, v6  }
0x71: {  	v11 =	vadd.f32 v44, v11;
	v31 =	vmul.f32 v29, v53;
	v6 =	vmul.f32 v30, v2;
	v53 =	vld [tilespmem:$0xC30]  }
0x72: {  	v21 =	vadd.f32 v41, v40;
	v62 =	vmul.f32 v24, v24;
	v0 =	vmul.f32 v1, v0  }
0x73: {  	v1 =	vmul.f32 v31, v29;
	v6 =	vsub.f32 $1.500000000e+00, v6;
	v35 =	vmul.f32 v4, v4  }
0x74: {  	v36 =	vmul.f32 v7, v7;
	v46 =	vadd.f32 v43, v21;
	v4 =	vmul.f32 v10, v4  }
0x75: {  	v21 =	vld [tilespmem:$0x430];
	v7 =	vmul.f32 v12, v7;
	v2 =	vmul.f32 v6, v2;
	v6 =	vsub.f32 $1.500000000e+00, v37  }
0x76: {  	v1 =	vsub.f32 $1.500000000e+00, v1;
	v38 =	vadd.f32 v36, v35;
	v61 =	vmul.f32 v53, v53  }
0x77: {  	v4 =	vadd.f32 v7, v4;
	v19 =	vmul.f32 v2, v19;
	v5 =	vmul.f32 v6, v5  }
0x78: {  	v6 =	vadd.f32 v47, v46;
	v1 =	vmul.f32 v1, v29;
	v14 =	vadd.f32 v39, v38  }
0x79: {  	v46 =	vld [tilespmem:$0xC40];
	v4 =	vadd.f32 v9, v4;
	v45 =	vmul.f32 v19, v2;
	v8 =	vmul.f32 v5, v8  }
0x7a: {  	v52 =	vshra.s32 v6, $0x1;
	v6 =	vmul.f32 $5.000000000e-01, v6;
	v26 =	vmul.f32 v21, v21  }
0x7b: {  	v9 =	vld [tilespmem:$0xA40];
	v1 =	vmul.f32 v1, v0;
	v21 =	vmul.f32 v53, v21;
	v14 =	vadd.f32 v42, v14  }
0x7c: {  	v22 =	vld [tilespmem:$0x1240];
	v54 =	vsub.s32 $0x5F3759DF, v52;
	v17 =	vsub.f32 $1.500000000e+00, v45;
	v8 =	vmul.f32 v8, v5  }
0x7d: {  	v18 =	vmul.f32 v54, v6;
	v59 =	vadd.f32 v27, v26;
	v27 =	vadd.f32 v28, v61  }
0x7e: {  	v26 =	vld [tilespmem:$0x1230];
	v48 =	vshra.s32 v14, $0x1;
	v14 =	vmul.f32 $5.000000000e-01, v14;
	v53 =	vmul.f32 v46, v46  }
0x7f: {  	v19 =	vsub.s32 $0x5F3759DF, v48;
	v2 =	vmul.f32 v17, v2;
	v58 =	vmul.f32 v54, v18  }
0x80: {  	v8 =	vsub.f32 $1.500000000e+00, v8;
	v52 =	vmul.f32 v9, v9;
	v49 =	vmul.f32 v19, v14  }
0x81: {  	v25 =	vld [tilespmem:$0x650];
	v18 =	vadd.f32 v60, v59;
	v9 =	vmul.f32 v22, v9;
	v2 =	vmul.f32 v2, v11  }
0x82: {  	v34 =	vadd.f32 v63, v27;
	v5 =	vmul.f32 v8, v5;
	v51 =	vmul.f32 v19, v49  }
0x83: {  	v32 =	vadd.f32 v62, v18;
	v11 =	vmul.f32 v55, v50;
	v35 =	vmul.f32 v26, v26  }
0x84: {  	v62 =	vmul.f32 v22, v22;
	v24 =	vmul.f32 v26, v24;
	v17 =	vsub.f32 $1.500000000e+00, v51  }
0x85: {  	v0 =	vmul.f32 v5, v2;
	v2 =	vmul.f32 $5.000000000e-01, v32;
	v37 =	vadd.f32 v35, v34  }
0x86: {  	v4 =	vadd.f32 v13, v4;
	v34 =	vmul.f32 v25, v25;
	v57 =	vmul.f32 v19, v17  }
0x87: {  	v13 =	vld [tilespmem:$0xE40];
	v17 =	vsub.f32 $1.500000000e+00, v58;
	v19 =	vshra.s32 v32, $0x1;
	v18 =	vshra.s32 v37, $0x1  }
0x88: {  	v20 =	vld [tilespmem:$0x850];
	v10 =	vmul.f32 $5.000000000e-01, v37;
	v19 =	vsub.s32 $0x5F3759DF, v19;
	v29 =	vmul.f32 v57, v14  }
0x89: {  	v23 =	vld [tilespmem:$0xA50];
	v18 =	vsub.s32 $0x5F3759DF, v18;
	v3 =	vmul.f32 v54, v17;
	v38 =	vmul.f32 v19, v2  }
0x8a: {  	v11 =	vadd.f32 v11, v21;
	v21 =	vld [tilespmem:$0x450];
	v41 =	vmul.f32 v18, v10;
	v33 =	vmul.f32 v29, v57  }
0x8b: {  	v36 =	vmul.f32 v3, v6;
	v17 =	vmul.f32 v19, v38  }
0x8c: {  	v54 =	vmul.f32 v13, v13;
	v43 =	vmul.f32 v18, v41;
	v5 =	vsub.f32 $1.500000000e+00, v33  }
0x8d: {  	v38 =	vmul.f32 v20, v20;
	v39 =	vmul.f32 v36, v3;
	v40 =	vsub.f32 $1.500000000e+00, v17;
	v17 =	vld [tilespmem:$0x640]  }
0x8e: {  	v41 =	vmul.f32 v23, v23;
	v12 =	vsub.f32 $1.500000000e+00, v43;
	v5 =	vmul.f32 v5, v57  }
0x8f: {  	v33 =	vmul.f32 v21, v21;
	v8 =	vsub.f32 $1.500000000e+00, v39;
	v42 =	vmul.f32 v19, v40  }
0x90: {  	v19 =	vld [tilespmem:$0x840];
	v12 =	vmul.f32 v18, v12;
	v14 =	vmul.f32 v5, v14  }
0x91: {  	v55 =	vadd.f32 v15, v11;
	v40 =	vld [tilespmem:$0xC50];
	v3 =	vmul.f32 v8, v3;
	v44 =	vmul.f32 v42, v2  }
0x92: {  	v37 =	vadd.f32 v34, v33;
	v8 =	vld [tilespmem:$0x440];
	v49 =	vmul.f32 v12, v10;
	v48 =	vmul.f32 v17, v17  }
0x93: {  	v58 =	vadd.f32 v54, v53;
	v43 =	vld [tilespmem:$0xE50];
	v13 =	vmul.f32 v13, v17;
	v14 =	vmul.f32 v14, v5  }
0x94: {  	v15 =	vadd.f32 v38, v37;
	v6 =	vmul.f32 v3, v6;
	v51 =	vmul.f32 v49, v12  }
0x95: {  	v33 =	vld [tilespmem:$0xA60];
	v45 =	vmul.f32 v44, v42;
	v50 =	vmul.f32 v19, v19;
	v14 =	vsub.f32 $1.500000000e+00, v14  }
0x96: {  	v21 =	vmul.f32 v40, v21;
	v6 =	vmul.f32 v6, v3;
	v57 =	vsub.f32 $1.500000000e+00, v51  }
0x97: {  	v47 =	vmul.f32 v8, v8;
	v5 =	vmul.f32 v14, v5;
	v14 =	vsub.f32 $1.500000000e+00, v45  }
0x98: {  	v51 =	vmul.f32 v43, v43;
	v44 =	vmul.f32 v46, v8;
	v46 =	vadd.f32 v41, v15  }
0x99: {  	v12 =	vmul.f32 v57, v12;
	v18 =	vadd.f32 v48, v47;
	v7 =	vmul.f32 v14, v42;
	v14 =	vld [tilespmem:$0x1040]  }
0x9a: {  	v41 =	vmul.f32 v33, v33;
	v6 =	vsub.f32 $1.500000000e+00, v6;
	v4 =	vmul.f32 v5, v4  }
0x9b: {  	v47 =	vld [tilespmem:$0x1050];
	v10 =	vmul.f32 v12, v10;
	v18 =	vadd.f32 v50, v18;
	v2 =	vmul.f32 v7, v2  }
0x9c: {  	v48 =	vshra.s32 v46, $0x1;
	v3 =	vmul.f32 v6, v3;
	v50 =	vmul.f32 v40, v40  }
0x9d: {  	v37 =	vld [tilespmem:$0xC60];
	v30 =	vmul.f32 v10, v12;
	v56 =	vadd.f32 v52, v18;
	v2 =	vmul.f32 v2, v7  }
0x9e: {  	v5 =	vadd.f32 v24, v55;
	v3 =	vmul.f32 v3, v4;
	v59 =	vmul.f32 v14, v14  }
0x9f: {  	v60 =	vshra.s32 v56, $0x1;
	v11 =	vmul.f32 $5.000000000e-01, v56;
	v2 =	vsub.f32 $1.500000000e+00, v2  }
0xa0: {  	v55 =	vmul.f32 v47, v47;
	v15 =	vmul.f32 v47, v20;
	v61 =	vsub.s32 $0x5F3759DF, v60  }
0xa1: {  	v18 =	vadd.f32 v59, v58;
	v63 =	vmul.f32 v61, v11;
	v2 =	vmul.f32 v2, v7  }
0xa2: {  	v35 =	vsub.f32 $1.500000000e+00, v30;
	v47 =	vmul.f32 v37, v37;
	v14 =	vmul.f32 v14, v19  }
0xa3: {  	v28 =	vadd.f32 v62, v18;
	v29 =	vmul.f32 v61, v63;
	v2 =	vmul.f32 v2, v5  }
0xa4: {  	v16 =	vsub.s32 $0x5F3759DF, v48;
	v59 =	vld [tilespmem:$0x460];
	v5 =	vmul.f32 v35, v12;
	v12 =	vmul.f32 $5.000000000e-01, v46  }
0xa5: {  	v63 =	vld [tilespmem:$0x860];
	v31 =	vsub.f32 $1.500000000e+00, v29;
	v32 =	vshra.s32 v28, $0x1;
	v6 =	vmul.f32 $5.000000000e-01, v28  }
0xa6: {  	v18 =	vsub.s32 $0x5F3759DF, v32;
	v2 =	vmul.f32 v5, v2;
	v52 =	vmul.f32 v16, v12  }
0xa7: {  	v46 =	vld [tilespmem:$0x1260];
	v36 =	vmul.f32 v18, v6;
	v10 =	vmul.f32 v61, v31  }
0xa8: {  	v5 =	vmul.f32 v43, v25;
	v56 =	vmul.f32 v16, v52  }
0xa9: {  	v7 =	vmul.f32 v18, v36;
	v39 =	vmul.f32 v10, v11  }
0xaa: {  	v34 =	vmul.f32 v59, v59;
	v38 =	vmul.f32 v63, v63;
	v58 =	vsub.f32 $1.500000000e+00, v56  }
0xab: {  	v5 =	vadd.f32 v5, v21;
	v42 =	vsub.f32 $1.500000000e+00, v7;
	v45 =	vmul.f32 v39, v10;
	v39 =	vld [tilespmem:$0xE60]  }
0xac: {  	v54 =	vadd.f32 v51, v50;
	v28 =	vld [tilespmem:$0x1270];
	v51 =	vmul.f32 v46, v46;
	v60 =	vmul.f32 v16, v58  }
0xad: {  	v5 =	vadd.f32 v15, v5;
	v16 =	vld [tilespmem:$0x660];
	v4 =	vmul.f32 v18, v42;
	v8 =	vsub.f32 $1.500000000e+00, v45  }
0xae: {  	v15 =	vmul.f32 v46, v33;
	v7 =	vadd.f32 v13, v44;
	v18 =	vld [tilespmem:$0x1250];
	v61 =	vmul.f32 v60, v12  }
0xaf: {  	v42 =	vld [tilespmem:$0x1060];
	v49 =	vmul.f32 v4, v6;
	v8 =	vmul.f32 v8, v10  }
0xb0: {  	v7 =	vadd.f32 v14, v7;
	v31 =	vmul.f32 v61, v60;
	v48 =	vmul.f32 v39, v39  }
0xb1: {  	v25 =	vld [tilespmem:$0x1070];
	v13 =	vadd.f32 v55, v54;
	v53 =	vmul.f32 v49, v4;
	v11 =	vmul.f32 v8, v11  }
0xb2: {  	v7 =	vadd.f32 v9, v7;
	v35 =	vmul.f32 v16, v16;
	v16 =	vmul.f32 v39, v16  }
0xb3: {  	v39 =	vmul.f32 v28, v28;
	v57 =	vmul.f32 v18, v18;
	v9 =	vsub.f32 $1.500000000e+00, v31  }
0xb4: {  	v20 =	vadd.f32 v48, v47;
	v49 =	vmul.f32 v42, v42;
	v18 =	vmul.f32 v18, v23  }
0xb5: {  	v10 =	vsub.f32 $1.500000000e+00, v53;
	v11 =	vmul.f32 v11, v8;
	v24 =	vadd.f32 v35, v34  }
0xb6: {  	v35 =	vmul.f32 v25, v25;
	v13 =	vadd.f32 v57, v13;
	v9 =	vmul.f32 v9, v60  }
0xb7: {  	v20 =	vadd.f32 v49, v20;
	v5 =	vadd.f32 v18, v5;
	v4 =	vmul.f32 v10, v4  }
0xb8: {  	v11 =	vsub.f32 $1.500000000e+00, v11;
	v40 =	vadd.f32 v38, v24;
	v10 =	vmul.f32 v37, v59  }
0xb9: {  	v57 =	vld [tilespmem:$0xC70];
	v62 =	vshra.s32 v13, $0x1;
	v13 =	vmul.f32 $5.000000000e-01, v13;
	v43 =	vmul.f32 v9, v12  }
0xba: {  	v53 =	vadd.f32 v51, v20;
	v6 =	vmul.f32 v4, v6;
	v8 =	vmul.f32 v11, v8  }
0xbb: {  	v22 =	vld [tilespmem:$0xA70];
	v30 =	vsub.s32 $0x5F3759DF, v62;
	v44 =	vadd.f32 v41, v40;
	v11 =	vmul.f32 v42, v63  }
0xbc: {  	v10 =	vadd.f32 v16, v10;
	v32 =	vmul.f32 v30, v13;
	v6 =	vmul.f32 v6, v4  }
0xbd: {  	v56 =	vshra.s32 v53, $0x1;
	v7 =	vmul.f32 v8, v7;
	v12 =	vmul.f32 $5.000000000e-01, v44  }
0xbe: {  	v18 =	vld [tilespmem:$0xE70];
	v24 =	vshra.s32 v44, $0x1;
	v63 =	vmul.f32 v57, v57;
	v36 =	vmul.f32 v30, v32  }
0xbf: {  	v10 =	vadd.f32 v11, v10;
	v24 =	vsub.s32 $0x5F3759DF, v24;
	v6 =	vsub.f32 $1.500000000e+00, v6  }
0xc0: {  	v50 =	vmul.f32 v24, v12;
	v8 =	vsub.f32 $1.500000000e+00, v36;
	v36 =	vmul.f32 v22, v22  }
0xc1: {  	v58 =	vsub.s32 $0x5F3759DF, v56;
	v4 =	vmul.f32 v6, v4;
	v6 =	vmul.f32 v43, v9  }
0xc2: {  	v26 =	vld [tilespmem:$0x480];
	v48 =	vadd.f32 v15, v10;
	v22 =	vmul.f32 v28, v22;
	v52 =	vmul.f32 v24, v50  }
0xc3: {  	v8 =	vmul.f32 v30, v8;
	v30 =	vmul.f32 v18, v18;
	v6 =	vsub.f32 $1.500000000e+00, v6  }
0xc4: {  	v4 =	vmul.f32 v4, v7;
	v54 =	vsub.f32 $1.500000000e+00, v52;
	v7 =	vmul.f32 $5.000000000e-01, v53  }
0xc5: {  	v10 =	vld [tilespmem:$0xA80];
	v45 =	vmul.f32 v8, v13;
	v34 =	vadd.f32 v30, v63;
	v6 =	vmul.f32 v6, v9  }
0xc6: {  	v9 =	vmul.f32 v24, v54;
	v60 =	vmul.f32 v58, v7;
	v24 =	vld [tilespmem:$0x870]  }
0xc7: {  	v54 =	vmul.f32 v26, v26;
	v14 =	vmul.f32 v45, v8;
	v38 =	vadd.f32 v35, v34  }
0xc8: {  	v59 =	vmul.f32 v9, v12;
	v23 =	vmul.f32 v58, v60  }
0xc9: {  	v5 =	vmul.f32 v6, v5;
	v14 =	vsub.f32 $1.500000000e+00, v14;
	v42 =	vadd.f32 v39, v38  }
0xca: {  	v60 =	vmul.f32 v10, v10;
	v21 =	vmul.f32 v59, v9;
	v23 =	vsub.f32 $1.500000000e+00, v23  }
0xcb: {  	v29 =	vld [tilespmem:$0x680];
	v8 =	vmul.f32 v14, v8;
	v33 =	vmul.f32 v24, v24;
	v45 =	vshra.s32 v42, $0x1  }
0xcc: {  	v14 =	vld [tilespmem:$0x470];
	v16 =	vmul.f32 $5.000000000e-01, v42;
	v63 =	vmul.f32 v25, v24;
	v21 =	vsub.f32 $1.500000000e+00, v21  }
0xcd: {  	v17 =	vmul.f32 v58, v23;
	v46 =	vsub.s32 $0x5F3759DF, v45;
	v55 =	vmul.f32 v8, v13;
	v13 =	vld [tilespmem:$0x670]  }
0xce: {  	v47 =	vmul.f32 v46, v16;
	v9 =	vmul.f32 v21, v9  }
0xcf: {  	v15 =	vld [tilespmem:$0x880];
	v37 =	vmul.f32 v17, v7;
	v6 =	vmul.f32 v55, v8  }
0xd0: {  	v50 =	vmul.f32 v46, v47;
	v55 =	vmul.f32 v29, v29  }
0xd1: {  	v61 =	vmul.f32 v14, v14;
	v40 =	vmul.f32 v9, v12  }
0xd2: {  	v41 =	vmul.f32 v37, v17;
	v62 =	vmul.f32 v13, v13  }
0xd3: {  	v27 =	vld [tilespmem:$0xE80];
	v14 =	vmul.f32 v57, v14;
	v6 =	vsub.f32 $1.500000000e+00, v6;
	v11 =	vmul.f32 v40, v9  }
0xd4: {  	v57 =	vmul.f32 v15, v15;
	v12 =	vsub.f32 $1.500000000e+00, v41;
	v32 =	vadd.f32 v62, v61  }
0xd5: {  	v13 =	vmul.f32 v18, v13;
	v18 =	vld [tilespmem:$0x1280];
	v6 =	vmul.f32 v6, v8;
	v11 =	vsub.f32 $1.500000000e+00, v11  }
0xd6: {  	v53 =	vsub.f32 $1.500000000e+00, v50;
	v12 =	vmul.f32 v12, v17;
	v19 =	vadd.f32 v33, v32  }
0xd7: {  	v5 =	vmul.f32 v6, v5;
	v9 =	vmul.f32 v11, v9;
	v11 =	vadd.f32 v55, v54  }
0xd8: {  	v7 =	vmul.f32 v12, v7;
	v32 =	vmul.f32 v27, v27;
	v19 =	vadd.f32 v36, v19  }
0xd9: {  	v51 =	vmul.f32 v9, v48;
	v9 =	vmul.f32 v46, v53;
	v11 =	vadd.f32 v57, v11  }
0xda: {  	v17 =	vld [tilespmem:$0xC80];
	v38 =	vmul.f32 v18, v18;
	v43 =	vshra.s32 v19, $0x1;
	v19 =	vmul.f32 $5.000000000e-01, v19  }
0xdb: {  	v59 =	vmul.f32 v9, v16;
	v11 =	vadd.f32 v60, v11;
	v21 =	vsub.s32 $0x5F3759DF, v43  }
0xdc: {  	v10 =	vmul.f32 v18, v10;
	v44 =	vmul.f32 v21, v19  }
0xdd: {  	v42 =	vld [tilespmem:$0x690];
	v62 =	vmul.f32 v59, v9;
	v33 =	vshra.s32 v11, $0x1;
	v11 =	vmul.f32 $5.000000000e-01, v11  }
0xde: {  	v7 =	vmul.f32 v7, v12;
	v34 =	vsub.s32 $0x5F3759DF, v33;
	v23 =	vmul.f32 v21, v44  }
0xdf: {  	v46 =	vld [tilespmem:$0xC90];
	v31 =	vmul.f32 v17, v17;
	v30 =	vsub.f32 $1.500000000e+00, v62;
	v24 =	vmul.f32 v34, v11  }
0xe0: {  	v50 =	vld [tilespmem:$0xE90];
	v17 =	vmul.f32 v17, v26;
	v60 =	vmul.f32 v27, v29;
	v49 =	vsub.f32 $1.500000000e+00, v23  }
0xe1: {  	v7 =	vsub.f32 $1.500000000e+00, v7;
	v9 =	vmul.f32 v30, v9;
	v39 =	vmul.f32 v34, v24;
	v24 =	vld [tilespmem:$0x490]  }
0xe2: {  	v20 =	vadd.f32 v32, v31;
	v31 =	vmul.f32 v42, v42;
	v52 =	vmul.f32 v21, v49;
	v21 =	vld [tilespmem:$0x1080]  }
0xe3: {  	v7 =	vmul.f32 v7, v12;
	v16 =	vmul.f32 v9, v16  }
0xe4: {  	v32 =	vmul.f32 v46, v46;
	v41 =	vsub.f32 $1.500000000e+00, v39;
	v56 =	vmul.f32 v52, v19  }
0xe5: {  	v33 =	vmul.f32 v50, v50;
	v16 =	vmul.f32 v16, v9  }
0xe6: {  	v12 =	vmul.f32 v34, v41;
	v58 =	vmul.f32 v56, v52  }
0xe7: {  	v25 =	vld [tilespmem:$0xA90];
	v53 =	vmul.f32 v24, v24;
	v35 =	vmul.f32 v21, v21  }
0xe8: {  	v6 =	vmul.f32 v7, v51;
	v43 =	vsub.f32 $1.500000000e+00, v16;
	v16 =	vld [tilespmem:$0x890];
	v61 =	vsub.f32 $1.500000000e+00, v58  }
0xe9: {  	v51 =	vmul.f32 v12, v11;
	v56 =	vadd.f32 v31, v53;
	v31 =	vld [tilespmem:$0x1290];
	v37 =	vadd.f32 v35, v20  }
0xea: {  	v13 =	vadd.f32 v13, v14;
	v15 =	vmul.f32 v21, v15;
	v8 =	vmul.f32 v61, v52  }
0xeb: {  	v48 =	vmul.f32 v43, v9;
	v54 =	vmul.f32 v51, v12;
	v20 =	vld [tilespmem:$0xCA0];
	v40 =	vadd.f32 v38, v37  }
0xec: {  	v13 =	vadd.f32 v63, v13;
	v58 =	vmul.f32 v25, v25;
	v52 =	vld [tilespmem:$0x1090];
	v19 =	vmul.f32 v8, v19  }
0xed: {  	v30 =	vld [tilespmem:$0x4A0];
	v57 =	vmul.f32 v16, v16;
	v44 =	vshra.s32 v40, $0x1;
	v45 =	vmul.f32 $5.000000000e-01, v40  }
0xee: {  	v62 =	vmul.f32 v31, v31;
	v36 =	vmul.f32 v19, v8;
	v49 =	vsub.s32 $0x5F3759DF, v44  }
0xef: {  	v13 =	vadd.f32 v22, v13;
	v25 =	vmul.f32 v31, v25;
	v19 =	vmul.f32 v49, v45  }
0xf0: {  	v40 =	vmul.f32 v46, v24;
	v53 =	vmul.f32 v20, v20;
	v14 =	vsub.f32 $1.500000000e+00, v36  }
0xf1: {  	v32 =	vadd.f32 v33, v32;
	v59 =	vmul.f32 v52, v52;
	v55 =	vmul.f32 v49, v19  }
0xf2: {  	v28 =	vld [tilespmem:$0x4B0];
	v20 =	vmul.f32 v20, v30;
	v19 =	vadd.f32 v57, v56;
	v8 =	vmul.f32 v14, v8  }
0xf3: {  	v22 =	vld [tilespmem:$0xAA0];
	v16 =	vmul.f32 v52, v16;
	v61 =	vadd.f32 v59, v32;
	v14 =	vsub.f32 $1.500000000e+00, v55  }
0xf4: {  	v19 =	vadd.f32 v58, v19;
	v47 =	vmul.f32 v8, v13;
	v13 =	vmul.f32 v50, v42  }
0xf5: {  	v8 =	vsub.f32 $1.500000000e+00, v54;
	v42 =	vmul.f32 v30, v30;
	v9 =	vmul.f32 v49, v14  }
0xf6: {  	v63 =	vshra.s32 v19, $0x1;
	v19 =	vmul.f32 $5.000000000e-01, v19;
	v7 =	vmul.f32 v48, v47  }
0xf7: {  	v8 =	vmul.f32 v8, v12;
	v27 =	vsub.s32 $0x5F3759DF, v63;
	v12 =	vadd.f32 v62, v61  }
0xf8: {  	v24 =	vld [tilespmem:$0xCB0];
	v13 =	vadd.f32 v13, v40;
	v48 =	vmul.f32 v22, v22;
	v40 =	vmul.f32 v28, v28  }
0xf9: {  	v32 =	vmul.f32 v9, v45;
	v33 =	vmul.f32 v27, v19  }
0xfa: {  	v11 =	vmul.f32 v8, v11;
	v35 =	vshra.s32 v12, $0x1;
	v12 =	vmul.f32 $5.000000000e-01, v12  }
0xfb: {  	v34 =	vmul.f32 v32, v9;
	v14 =	vmul.f32 v27, v33;
	v29 =	vsub.s32 $0x5F3759DF, v35;
	v32 =	vld [tilespmem:$0x6A0]  }
0xfc: {  	v17 =	vadd.f32 v60, v17;
	v47 =	vld [tilespmem:$0xEA0];
	v11 =	vmul.f32 v11, v8;
	v36 =	vmul.f32 v29, v12  }
0xfd: {  	v35 =	vmul.f32 v24, v24;
	v21 =	vsub.f32 $1.500000000e+00, v34;
	v14 =	vsub.f32 $1.500000000e+00, v14  }
0xfe: {  	v18 =	vld [tilespmem:$0x8A0];
	v24 =	vmul.f32 v24, v28;
	v11 =	vsub.f32 $1.500000000e+00, v11;
	v38 =	vmul.f32 v29, v36  }
0xff: {  	v15 =	vadd.f32 v15, v17;
	v9 =	vmul.f32 v21, v9;
	v37 =	vmul.f32 v27, v14  }
0x100: {  	v8 =	vmul.f32 v11, v8;
	v14 =	vsub.f32 $1.500000000e+00, v38;
	v43 =	vmul.f32 v32, v32  }
0x101: {  	v10 =	vadd.f32 v10, v15;
	v26 =	vmul.f32 v47, v32;
	v41 =	vmul.f32 v37, v19  }
0x102: {  	v50 =	vadd.f32 v16, v13;
	v21 =	vld [tilespmem:$0x10A0];
	v39 =	vmul.f32 v9, v45;
	v14 =	vmul.f32 v29, v14  }
0x103: {  	v45 =	vmul.f32 v18, v18;
	v23 =	vadd.f32 v43, v42;
	v44 =	vmul.f32 v41, v37  }
0x104: {  	v8 =	vmul.f32 v8, v10;
	v10 =	vadd.f32 v25, v50;
	v46 =	vmul.f32 v14, v12  }
0x105: {  	v54 =	vmul.f32 v47, v47;
	v23 =	vadd.f32 v45, v23;
	v15 =	vsub.f32 $1.500000000e+00, v44  }
0x106: {  	v29 =	vld [tilespmem:$0x6B0];
	v20 =	vadd.f32 v26, v20;
	v17 =	vmul.f32 v39, v9;
	v49 =	vmul.f32 v46, v14  }
0x107: {  	v25 =	vld [tilespmem:$0x10B0];
	v57 =	vmul.f32 v21, v21;
	v51 =	vadd.f32 v48, v23;
	v11 =	vmul.f32 v15, v37  }
0x108: {  	v18 =	vmul.f32 v21, v18;
	v17 =	vsub.f32 $1.500000000e+00, v17;
	v15 =	vsub.f32 $1.500000000e+00, v49  }
0x109: {  	v55 =	vshra.s32 v51, $0x1;
	v13 =	vmul.f32 $5.000000000e-01, v51;
	v52 =	vmul.f32 v11, v19;
	v19 =	vld [tilespmem:$0x12A0]  }
0x10a: {  	v9 =	vmul.f32 v17, v9;
	v56 =	vsub.s32 $0x5F3759DF, v55;
	v14 =	vmul.f32 v15, v14  }
0x10b: {  	v34 =	vld [tilespmem:$0x12B0];
	v23 =	vadd.f32 v54, v53;
	v27 =	vmul.f32 v56, v13;
	v16 =	vmul.f32 v52, v11  }
0x10c: {  	v18 =	vadd.f32 v18, v20;
	v41 =	vmul.f32 v29, v29;
	v46 =	vmul.f32 v25, v25  }
0x10d: {  	v20 =	vld [tilespmem:$0x6C0];
	v12 =	vmul.f32 v14, v12;
	v27 =	vmul.f32 v56, v27;
	v16 =	vsub.f32 $1.500000000e+00, v16  }
0x10e: {  	v23 =	vadd.f32 v57, v23;
	v58 =	vmul.f32 v19, v19;
	v19 =	vmul.f32 v19, v22;
	v22 =	vld [tilespmem:$0xCC0]  }
0x10f: {  	v12 =	vmul.f32 v12, v14;
	v60 =	vsub.f32 $1.500000000e+00, v27;
	v11 =	vmul.f32 v16, v11;
	v16 =	vld [tilespmem:$0x8B0]  }
0x110: {  	v49 =	vmul.f32 v34, v34;
	v8 =	vmul.f32 v9, v8;
	v59 =	vadd.f32 v58, v23;
	v23 =	vld [tilespmem:$0xAB0]  }
0x111: {  	v61 =	vsub.f32 $1.500000000e+00, v12;
	v62 =	vmul.f32 v56, v60;
	v9 =	vmul.f32 v11, v10;
	v10 =	vld [tilespmem:$0xEB0]  }
0x112: {  	v37 =	vmul.f32 v20, v20;
	v27 =	vadd.f32 v41, v40;
	v63 =	vmul.f32 $5.000000000e-01, v59  }
0x113: {  	v17 =	vshra.s32 v59, $0x1;
	v11 =	vmul.f32 v61, v14;
	v42 =	vmul.f32 v62, v13  }
0x114: {  	v17 =	vsub.s32 $0x5F3759DF, v17;
	v41 =	vmul.f32 v22, v22;
	v44 =	vmul.f32 v16, v16  }
0x115: {  	v43 =	vmul.f32 v17, v63;
	v14 =	vmul.f32 v42, v62  }
0x116: {  	v45 =	vmul.f32 v23, v23;
	v36 =	vmul.f32 v10, v10;
	v27 =	vadd.f32 v44, v27  }
0x117: {  	v33 =	vmul.f32 v17, v43;
	v14 =	vsub.f32 $1.500000000e+00, v14;
	v10 =	vmul.f32 v10, v29;
	v29 =	vld [tilespmem:$0xAC0]  }
0x118: {  	v9 =	vmul.f32 v11, v9;
	v16 =	vmul.f32 v25, v16  }
0x119: {  	v27 =	vadd.f32 v45, v27;
	v47 =	vsub.f32 $1.500000000e+00, v33;
	v12 =	vmul.f32 v14, v62;
	v14 =	vld [tilespmem:$0x4C0]  }
0x11a: {  	v35 =	vadd.f32 v36, v35;
	v10 =	vadd.f32 v10, v24;
	v24 =	vld [tilespmem:$0x12C0];
	v45 =	vmul.f32 v34, v23  }
0x11b: {  	v50 =	vshra.s32 v27, $0x1;
	v27 =	vmul.f32 $5.000000000e-01, v27;
	v51 =	vmul.f32 v17, v47  }
0x11c: {  	v13 =	vmul.f32 v12, v13;
	v52 =	vsub.s32 $0x5F3759DF, v50;
	v43 =	vmul.f32 v29, v29  }
0x11d: {  	v48 =	vadd.f32 v46, v35;
	v54 =	vmul.f32 v52, v27;
	v55 =	vmul.f32 v51, v63  }
0x11e: {  	v32 =	vld [tilespmem:$0x6D0];
	v13 =	vmul.f32 v13, v12;
	v36 =	vmul.f32 v14, v14  }
0x11f: {  	v53 =	vadd.f32 v49, v48;
	v49 =	vmul.f32 v24, v24;
	v14 =	vmul.f32 v22, v14  }
0x120: {  	v24 =	vmul.f32 v24, v29;
	v26 =	vmul.f32 v55, v51  }
0x121: {  	v30 =	vmul.f32 v52, v54;
	v31 =	vshra.s32 v53, $0x1;
	v21 =	vmul.f32 $5.000000000e-01, v53  }
0x122: {  	v13 =	vsub.f32 $1.500000000e+00, v13;
	v31 =	vsub.s32 $0x5F3759DF, v31;
	v58 =	vsub.f32 $1.500000000e+00, v26;
	v26 =	vld [tilespmem:$0xEC0]  }
0x123: {  	v39 =	vadd.f32 v37, v36;
	v37 =	vmul.f32 v32, v32;
	v56 =	vsub.f32 $1.500000000e+00, v30;
	v30 =	vld [tilespmem:$0x10C0]  }
0x124: {  	v18 =	vadd.f32 v19, v18;
	v57 =	vmul.f32 v31, v21;
	v12 =	vmul.f32 v13, v12  }
0x125: {  	v33 =	vld [tilespmem:$0xCD0];
	v17 =	vmul.f32 v52, v56;
	v60 =	vmul.f32 v58, v51  }
0x126: {  	v59 =	vmul.f32 v31, v57;
	v12 =	vmul.f32 v12, v18;
	v18 =	vld [tilespmem:$0x8C0]  }
0x127: {  	v10 =	vadd.f32 v16, v10;
	v61 =	vmul.f32 v17, v27;
	v15 =	vmul.f32 v60, v63  }
0x128: {  	v35 =	vld [tilespmem:$0x10D0];
	v62 =	vsub.f32 $1.500000000e+00, v59;
	v42 =	vmul.f32 v26, v26;
	v44 =	vmul.f32 v30, v30  }
0x129: {  	v20 =	vmul.f32 v26, v20;
	v11 =	vmul.f32 v61, v17  }
0x12a: {  	v10 =	vadd.f32 v45, v10;
	v19 =	vmul.f32 v31, v62;
	v15 =	vmul.f32 v15, v60  }
0x12b: {  	v34 =	vld [tilespmem:$0xAD0];
	v62 =	vmul.f32 v33, v33;
	v40 =	vmul.f32 v18, v18;
	v31 =	vadd.f32 v42, v41  }
0x12c: {  	v36 =	vld [tilespmem:$0x12D0];
	v14 =	vadd.f32 v20, v14;
	v11 =	vsub.f32 $1.500000000e+00, v11;
	v63 =	vmul.f32 v19, v21  }
0x12d: {  	v42 =	vmul.f32 v35, v35;
	v15 =	vsub.f32 $1.500000000e+00, v15;
	v25 =	vadd.f32 v40, v39  }
0x12e: {  	v48 =	vadd.f32 v44, v31;
	v31 =	vld [tilespmem:$0x4D0];
	v11 =	vmul.f32 v11, v17;
	v38 =	vmul.f32 v63, v19  }
0x12f: {  	v18 =	vmul.f32 v30, v18;
	v13 =	vmul.f32 v15, v60;
	v46 =	vadd.f32 v43, v25  }
0x130: {  	v63 =	vmul.f32 v34, v34;
	v27 =	vmul.f32 v11, v27;
	v17 =	vsub.f32 $1.500000000e+00, v38  }
0x131: {  	v29 =	vld [tilespmem:$0x8E0];
	v28 =	vshra.s32 v46, $0x1;
	v23 =	vmul.f32 $5.000000000e-01, v46;
	v46 =	vmul.f32 v36, v36  }
0x132: {  	v47 =	vmul.f32 v27, v11;
	v17 =	vmul.f32 v17, v19;
	v28 =	vsub.s32 $0x5F3759DF, v28  }
0x133: {  	v19 =	vadd.f32 v49, v48;
	v27 =	vld [tilespmem:$0xED0];
	v58 =	vmul.f32 v31, v31;
	v31 =	vmul.f32 v33, v31  }
0x134: {  	v14 =	vadd.f32 v18, v14;
	v50 =	vmul.f32 v28, v23;
	v21 =	vmul.f32 v17, v21  }
0x135: {  	v25 =	vsub.f32 $1.500000000e+00, v47;
	v53 =	vshra.s32 v19, $0x1;
	v19 =	vmul.f32 $5.000000000e-01, v19  }
0x136: {  	v60 =	vadd.f32 v37, v58;
	v58 =	vmul.f32 v29, v29;
	v51 =	vmul.f32 v21, v17;
	v21 =	vld [tilespmem:$0x8D0]  }
0x137: {  	v26 =	vld [tilespmem:$0x6E0];
	v52 =	vmul.f32 v28, v50;
	v54 =	vsub.s32 $0x5F3759DF, v53;
	v11 =	vmul.f32 v25, v11  }
0x138: {  	v14 =	vadd.f32 v24, v14;
	v24 =	vld [tilespmem:$0xEE0];
	v57 =	vmul.f32 v54, v19;
	v38 =	vmul.f32 v27, v27  }
0x139: {  	v56 =	vsub.f32 $1.500000000e+00, v52;
	v27 =	vmul.f32 v27, v32;
	v10 =	vmul.f32 v11, v10  }
0x13a: {  	v59 =	vmul.f32 v54, v57;
	v11 =	vmul.f32 v13, v12  }
0x13b: {  	v55 =	vsub.f32 $1.500000000e+00, v51;
	v16 =	vmul.f32 v28, v56;
	v61 =	vmul.f32 v21, v21  }
0x13c: {  	v37 =	vadd.f32 v38, v62;
	v56 =	vmul.f32 v26, v26;
	v40 =	vsub.f32 $1.500000000e+00, v59  }
0x13d: {  	v62 =	vmul.f32 v24, v24;
	v39 =	vmul.f32 v16, v23;
	v25 =	vadd.f32 v61, v60  }
0x13e: {  	v17 =	vmul.f32 v55, v17;
	v15 =	vmul.f32 v54, v40  }
0x13f: {  	v24 =	vmul.f32 v24, v26;
	v44 =	vmul.f32 v39, v16;
	v43 =	vadd.f32 v63, v25  }
0x140: {  	v45 =	vadd.f32 v42, v37;
	v10 =	vmul.f32 v17, v10;
	v47 =	vmul.f32 v15, v19  }
0x141: {  	v13 =	vsub.f32 $1.500000000e+00, v44;
	v28 =	vshra.s32 v43, $0x1;
	v12 =	vmul.f32 $5.000000000e-01, v43  }
0x142: {  	v17 =	vadd.f32 v46, v45;
	v49 =	vmul.f32 v47, v15;
	v28 =	vsub.s32 $0x5F3759DF, v28  }
0x143: {  	v13 =	vmul.f32 v13, v16;
	v48 =	vmul.f32 v28, v12  }
0x144: {  	v25 =	vshra.s32 v17, $0x1;
	v17 =	vmul.f32 $5.000000000e-01, v17;
	v16 =	vsub.f32 $1.500000000e+00, v49  }
0x145: {  	v32 =	vld [tilespmem:$0x12E0];
	v23 =	vmul.f32 v13, v23;
	v22 =	vmul.f32 v28, v48  }
0x146: {  	v44 =	vmul.f32 v36, v34;
	v34 =	vld [tilespmem:$0x4F0];
	v25 =	vsub.s32 $0x5F3759DF, v25;
	v15 =	vmul.f32 v16, v15  }
0x147: {  	v50 =	vmul.f32 v25, v17;
	v16 =	vld [tilespmem:$0x4E0];
	v23 =	vmul.f32 v23, v13;
	v22 =	vsub.f32 $1.500000000e+00, v22  }
0x148: {  	v21 =	vmul.f32 v35, v21;
	v19 =	vmul.f32 v15, v19  }
0x149: {  	v30 =	vld [tilespmem:$0x6F0];
	v52 =	vmul.f32 v25, v50;
	v23 =	vsub.f32 $1.500000000e+00, v23;
	v51 =	vmul.f32 v28, v22  }
0x14a: {  	v43 =	vmul.f32 v32, v32;
	v53 =	vmul.f32 v19, v15  }
0x14b: {  	v19 =	vld [tilespmem:$0xAE0];
	v22 =	vsub.f32 $1.500000000e+00, v52;
	v13 =	vmul.f32 v23, v13;
	v28 =	vmul.f32 v51, v12  }
0x14c: {  	v55 =	vmul.f32 v16, v16;
	v52 =	vmul.f32 v34, v34  }
0x14d: {  	v27 =	vadd.f32 v27, v31;
	v35 =	vld [tilespmem:$0xCF0];
	v22 =	vmul.f32 v25, v22;
	v54 =	vmul.f32 v28, v51  }
0x14e: {  	v18 =	vsub.f32 $1.500000000e+00, v53;
	v53 =	vmul.f32 v30, v30;
	v25 =	vld [tilespmem:$0xCE0];
	v28 =	vadd.f32 v56, v55  }
0x14f: {  	v13 =	vmul.f32 v13, v14;
	v57 =	vmul.f32 v22, v17;
	v23 =	vsub.f32 $1.500000000e+00, v54  }
0x150: {  	v15 =	vmul.f32 v18, v15;
	v60 =	vmul.f32 v19, v19;
	v28 =	vadd.f32 v58, v28  }
0x151: {  	v63 =	vadd.f32 v21, v27;
	v59 =	vmul.f32 v57, v22;
	v20 =	vmul.f32 v23, v51;
	v23 =	vld [tilespmem:$0x10E0]  }
0x152: {  	v33 =	vld [tilespmem:$0x10F0];
	v56 =	vmul.f32 v35, v35;
	v19 =	vmul.f32 v32, v19;
	v37 =	vadd.f32 v60, v28  }
0x153: {  	v61 =	vmul.f32 v25, v25;
	v38 =	vsub.f32 $1.500000000e+00, v59;
	v12 =	vmul.f32 v20, v12  }
0x154: {  	v16 =	vmul.f32 v25, v16;
	v41 =	vshra.s32 v37, $0x1;
	v21 =	vmul.f32 $5.000000000e-01, v37  }
0x155: {  	v22 =	vmul.f32 v38, v22;
	v42 =	vsub.s32 $0x5F3759DF, v41;
	v12 =	vmul.f32 v12, v20  }
0x156: {  	v39 =	vadd.f32 v62, v61;
	v38 =	vld [tilespmem:$0x12F0];
	v31 =	vmul.f32 v42, v21;
	v40 =	vmul.f32 v23, v23  }
0x157: {  	v59 =	vmul.f32 v33, v33;
	v17 =	vmul.f32 v22, v17;
	v12 =	vsub.f32 $1.500000000e+00, v12  }
0x158: {  	v23 =	vmul.f32 v23, v29;
	v46 =	vmul.f32 v42, v31;
	v31 =	vld [tilespmem:$0x8F0];
	v28 =	vadd.f32 v40, v39  }
0x159: {  	v14 =	vadd.f32 v44, v63;
	v17 =	vmul.f32 v17, v22;
	v20 =	vmul.f32 v12, v20  }
0x15a: {  	v12 =	vmul.f32 v15, v13;
	v15 =	vld [tilespmem:$0xEF0];
	v45 =	vadd.f32 v43, v28;
	v28 =	vsub.f32 $1.500000000e+00, v46  }
0x15b: {  	v62 =	vmul.f32 v38, v38;
	v17 =	vsub.f32 $1.500000000e+00, v17;
	v48 =	vmul.f32 v20, v14  }
0x15c: {  	v47 =	vshra.s32 v45, $0x1;
	v18 =	vmul.f32 $5.000000000e-01, v45;
	v50 =	vmul.f32 v42, v28;
	v28 =	vld [tilespmem:$0xAF0]  }
0x15d: {  	v17 =	vmul.f32 v17, v22;
	v55 =	vmul.f32 v31, v31;
	v49 =	vsub.s32 $0x5F3759DF, v47  }
0x15e: {  	v36 =	vadd.f32 v53, v52;
	v51 =	vmul.f32 v49, v18;
	v54 =	vmul.f32 v50, v21  }
0x15f: {  	v13 =	vmul.f32 v17, v48;
	v57 =	vmul.f32 v15, v15  }
0x160: {  	v29 =	vld [tilespmem:$0x700];
	v36 =	vadd.f32 v55, v36;
	v27 =	vmul.f32 v49, v51;
	v22 =	vmul.f32 v54, v50  }
0x161: {  	v52 =	vld [tilespmem:$0xD00];
	v15 =	vmul.f32 v15, v30;
	v39 =	vadd.f32 v57, v56;
	v58 =	vmul.f32 v28, v28  }
0x162: {  	v28 =	vmul.f32 v38, v28;
	v27 =	vsub.f32 $1.500000000e+00, v27;
	v22 =	vsub.f32 $1.500000000e+00, v22  }
0x163: {  	v61 =	vadd.f32 v59, v39;
	v60 =	vadd.f32 v58, v36;
	v58 =	vmul.f32 v33, v31  }
0x164: {  	v14 =	vmul.f32 v49, v27;
	v20 =	vmul.f32 v22, v50  }
0x165: {  	v26 =	vadd.f32 v62, v61;
	v49 =	vmul.f32 v29, v29;
	v50 =	vmul.f32 v35, v34  }
0x166: {  	v55 =	vld [tilespmem:$0xF00];
	v61 =	vmul.f32 v52, v52;
	v36 =	vshra.s32 v60, $0x1;
	v25 =	vmul.f32 $5.000000000e-01, v60  }
0x167: {  	v63 =	vmul.f32 v14, v18;
	v36 =	vsub.s32 $0x5F3759DF, v36;
	v21 =	vmul.f32 v20, v21  }
0x168: {  	v60 =	vld [tilespmem:$0x1300];
	v41 =	vshra.s32 v26, $0x1;
	v26 =	vmul.f32 $5.000000000e-01, v26;
	v39 =	vmul.f32 v36, v25  }
0x169: {  	v27 =	vsub.s32 $0x5F3759DF, v41;
	v22 =	vmul.f32 v63, v14;
	v21 =	vmul.f32 v21, v20  }
0x16a: {  	v16 =	vadd.f32 v24, v16;
	v59 =	vld [tilespmem:$0x1100];
	v43 =	vmul.f32 v27, v26;
	v40 =	vmul.f32 v36, v39  }
0x16b: {  	v62 =	vmul.f32 v55, v55;
	v29 =	vmul.f32 v55, v29;
	v22 =	vsub.f32 $1.500000000e+00, v22  }
0x16c: {  	v21 =	vsub.f32 $1.500000000e+00, v21;
	v24 =	vmul.f32 v27, v43;
	v42 =	vsub.f32 $1.500000000e+00, v40  }
0x16d: {  	v16 =	vadd.f32 v23, v16;
	v38 =	vmul.f32 v60, v60;
	v14 =	vmul.f32 v22, v14;
	v22 =	vld [tilespmem:$0x500]  }
0x16e: {  	v44 =	vmul.f32 v21, v20;
	v46 =	vsub.f32 $1.500000000e+00, v24;
	v21 =	vld [tilespmem:$0x900];
	v23 =	vmul.f32 v36, v42  }
0x16f: {  	v16 =	vadd.f32 v19, v16;
	v20 =	vld [tilespmem:$0xB00];
	v36 =	vmul.f32 v59, v59;
	v18 =	vmul.f32 v14, v18  }
0x170: {  	v15 =	vadd.f32 v15, v50;
	v47 =	vmul.f32 v27, v46;
	v45 =	vmul.f32 v23, v25  }
0x171: {  	v16 =	vmul.f32 v44, v16;
	v27 =	vadd.f32 v62, v61;
	v18 =	vmul.f32 v18, v14  }
0x172: {  	v15 =	vadd.f32 v58, v15;
	v51 =	vmul.f32 v47, v26;
	v17 =	vmul.f32 v45, v23  }
0x173: {  	v27 =	vadd.f32 v36, v27;
	v48 =	vmul.f32 v22, v22;
	v53 =	vmul.f32 v21, v21  }
0x174: {  	v57 =	vmul.f32 v20, v20;
	v54 =	vmul.f32 v51, v47;
	v17 =	vsub.f32 $1.500000000e+00, v17  }
0x175: {  	v22 =	vmul.f32 v52, v22;
	v18 =	vsub.f32 $1.500000000e+00, v18;
	v24 =	vadd.f32 v49, v48  }
0x176: {  	v21 =	vmul.f32 v59, v21;
	v30 =	vsub.f32 $1.500000000e+00, v54;
	v17 =	vmul.f32 v17, v23  }
0x177: {  	v40 =	vadd.f32 v38, v27;
	v14 =	vmul.f32 v18, v14;
	v56 =	vadd.f32 v53, v24  }
0x178: {  	v34 =	vld [tilespmem:$0x1110];
	v15 =	vadd.f32 v28, v15;
	v19 =	vmul.f32 v30, v47;
	v25 =	vmul.f32 v17, v25  }
0x179: {  	v42 =	vshra.s32 v40, $0x1;
	v18 =	vmul.f32 $5.000000000e-01, v40;
	v23 =	vadd.f32 v57, v56  }
0x17a: {  	v43 =	vsub.s32 $0x5F3759DF, v42;
	v26 =	vmul.f32 v19, v26;
	v25 =	vmul.f32 v25, v17  }
0x17b: {  	v35 =	vld [tilespmem:$0x520];
	v28 =	vmul.f32 v43, v18;
	v63 =	vshra.s32 v23, $0x1;
	v23 =	vmul.f32 $5.000000000e-01, v23  }
0x17c: {  	v27 =	vld [tilespmem:$0x510];
	v32 =	vsub.s32 $0x5F3759DF, v63;
	v26 =	vmul.f32 v26, v19;
	v25 =	vsub.f32 $1.500000000e+00, v25  }
0x17d: {  	v52 =	vmul.f32 v34, v34;
	v30 =	vld [tilespmem:$0xD10];
	v37 =	vmul.f32 v32, v23  }
0x17e: {  	v28 =	vmul.f32 v43, v28;
	v39 =	vsub.f32 $1.500000000e+00, v26;
	v17 =	vmul.f32 v25, v17;
	v25 =	vld [tilespmem:$0x710]  }
0x17f: {  	v20 =	vmul.f32 v60, v20;
	v33 =	vmul.f32 v32, v37;
	v37 =	vld [tilespmem:$0x1310]  }
0x180: {  	v28 =	vsub.f32 $1.500000000e+00, v28;
	v19 =	vmul.f32 v39, v19;
	v39 =	vld [tilespmem:$0x720];
	v17 =	vmul.f32 v17, v15  }
0x181: {  	v45 =	vmul.f32 v27, v27;
	v41 =	vsub.f32 $1.500000000e+00, v33;
	v15 =	vmul.f32 v14, v16;
	v33 =	vld [tilespmem:$0xB10]  }
0x182: {  	v22 =	vadd.f32 v29, v22;
	v16 =	vmul.f32 v43, v28;
	v14 =	vmul.f32 v19, v17;
	v17 =	vld [tilespmem:$0xF10]  }
0x183: {  	v47 =	vmul.f32 v30, v30;
	v26 =	vmul.f32 v32, v41;
	v32 =	vld [tilespmem:$0x910]  }
0x184: {  	v40 =	vld [tilespmem:$0x920];
	v21 =	vadd.f32 v21, v22;
	v54 =	vmul.f32 v16, v18;
	v41 =	vmul.f32 v35, v35  }
0x185: {  	v22 =	vld [tilespmem:$0xB20];
	v46 =	vmul.f32 v25, v25;
	v44 =	vmul.f32 v26, v23  }
0x186: {  	v20 =	vadd.f32 v20, v21;
	v55 =	vmul.f32 v37, v37;
	v42 =	vmul.f32 v39, v39  }
0x187: {  	v49 =	vadd.f32 v46, v45;
	v53 =	vmul.f32 v33, v33;
	v19 =	vmul.f32 v44, v26  }
0x188: {  	v44 =	vadd.f32 v42, v41;
	v41 =	vld [tilespmem:$0x1120];
	v48 =	vmul.f32 v17, v17;
	v50 =	vmul.f32 v32, v32  }
0x189: {  	v45 =	vmul.f32 v40, v40;
	v17 =	vmul.f32 v17, v25;
	v19 =	vsub.f32 $1.500000000e+00, v19  }
0x18a: {  	v51 =	vadd.f32 v48, v47;
	v31 =	vadd.f32 v50, v49;
	v47 =	vmul.f32 v22, v22  }
0x18b: {  	v24 =	vadd.f32 v45, v44;
	v19 =	vmul.f32 v19, v26;
	v26 =	vmul.f32 v54, v16  }
0x18c: {  	v49 =	vmul.f32 v30, v27;
	v28 =	vadd.f32 v52, v51;
	v31 =	vadd.f32 v53, v31  }
0x18d: {  	v24 =	vadd.f32 v47, v24;
	v52 =	vmul.f32 v41, v41;
	v26 =	vsub.f32 $1.500000000e+00, v26  }
0x18e: {  	v28 =	vadd.f32 v55, v28;
	v56 =	vshra.s32 v31, $0x1;
	v31 =	vmul.f32 $5.000000000e-01, v31  }
0x18f: {  	v23 =	vmul.f32 v19, v23;
	v29 =	vsub.s32 $0x5F3759DF, v56;
	v16 =	vmul.f32 v26, v16  }
0x190: {  	v57 =	vmul.f32 v29, v31;
	v58 =	vshra.s32 v28, $0x1;
	v28 =	vmul.f32 $5.000000000e-01, v28  }
0x191: {  	v23 =	vmul.f32 v23, v19;
	v59 =	vsub.s32 $0x5F3759DF, v58;
	v18 =	vmul.f32 v16, v18  }
0x192: {  	v53 =	vshra.s32 v24, $0x1;
	v36 =	vmul.f32 v29, v57;
	v38 =	vmul.f32 v59, v28  }
0x193: {  	v24 =	vmul.f32 $5.000000000e-01, v24;
	v23 =	vsub.f32 $1.500000000e+00, v23;
	v18 =	vmul.f32 v18, v16  }
0x194: {  	v42 =	vsub.s32 $0x5F3759DF, v53;
	v60 =	vsub.f32 $1.500000000e+00, v36;
	v61 =	vmul.f32 v59, v38;
	v36 =	vld [tilespmem:$0xD20]  }
0x195: {  	v53 =	vmul.f32 v41, v40;
	v19 =	vmul.f32 v23, v19;
	v38 =	vld [tilespmem:$0xF20];
	v18 =	vsub.f32 $1.500000000e+00, v18  }
0x196: {  	v55 =	vmul.f32 v42, v24;
	v62 =	vmul.f32 v29, v60;
	v63 =	vsub.f32 $1.500000000e+00, v61  }
0x197: {  	v19 =	vmul.f32 v19, v20;
	v16 =	vmul.f32 v18, v16  }
0x198: {  	v46 =	vmul.f32 v62, v31;
	v23 =	vmul.f32 v59, v63  }
0x199: {  	v29 =	vld [tilespmem:$0x1320];
	v59 =	vmul.f32 v42, v55;
	v48 =	vmul.f32 v36, v36  }
0x19a: {  	v43 =	vmul.f32 v38, v38;
	v20 =	vmul.f32 v46, v62  }
0x19b: {  	v47 =	vmul.f32 v36, v35;
	v36 =	vld [tilespmem:$0x1130];
	v50 =	vmul.f32 v23, v28  }
0x19c: {  	v57 =	vmul.f32 v34, v32;
	v51 =	vadd.f32 v43, v48;
	v20 =	vsub.f32 $1.500000000e+00, v20  }
0x19d: {  	v16 =	vmul.f32 v16, v19;
	v61 =	vsub.f32 $1.500000000e+00, v59;
	v26 =	vmul.f32 v50, v23  }
0x19e: {  	v54 =	vmul.f32 v29, v29;
	v27 =	vadd.f32 v52, v51;
	v20 =	vmul.f32 v20, v62  }
0x19f: {  	v22 =	vmul.f32 v29, v22;
	v50 =	vmul.f32 v38, v39;
	v56 =	vsub.f32 $1.500000000e+00, v26  }
0x1a0: {  	v30 =	vld [tilespmem:$0xF30];
	v59 =	vmul.f32 v36, v36;
	v58 =	vadd.f32 v54, v27;
	v60 =	vmul.f32 v20, v31  }
0x1a1: {  	v17 =	vadd.f32 v17, v49;
	v21 =	vmul.f32 v56, v23;
	v23 =	vmul.f32 v42, v61;
	v31 =	vld [tilespmem:$0x530]  }
0x1a2: {  	v42 =	vmul.f32 v37, v33;
	v33 =	vld [tilespmem:$0x730];
	v62 =	vshra.s32 v58, $0x1;
	v26 =	vmul.f32 $5.000000000e-01, v58  }
0x1a3: {  	v37 =	vld [tilespmem:$0x1330];
	v18 =	vmul.f32 v60, v20;
	v28 =	vmul.f32 v21, v28;
	v27 =	vsub.s32 $0x5F3759DF, v62  }
0x1a4: {  	v43 =	vmul.f32 v23, v24;
	v63 =	vmul.f32 v27, v26  }
0x1a5: {  	v17 =	vadd.f32 v57, v17;
	v35 =	vld [tilespmem:$0x540];
	v56 =	vmul.f32 v30, v30;
	v28 =	vmul.f32 v28, v21  }
0x1a6: {  	v18 =	vsub.f32 $1.500000000e+00, v18;
	v45 =	vmul.f32 v43, v23;
	v25 =	vmul.f32 v27, v63  }
0x1a7: {  	v39 =	vld [tilespmem:$0x740];
	v17 =	vadd.f32 v42, v17;
	v48 =	vmul.f32 v31, v31;
	v49 =	vmul.f32 v33, v33  }
0x1a8: {  	v34 =	vld [tilespmem:$0xB40];
	v62 =	vmul.f32 v37, v37;
	v18 =	vmul.f32 v18, v20;
	v44 =	vsub.f32 $1.500000000e+00, v28  }
0x1a9: {  	v30 =	vmul.f32 v30, v33;
	v28 =	vld [tilespmem:$0x930];
	v19 =	vsub.f32 $1.500000000e+00, v45;
	v25 =	vsub.f32 $1.500000000e+00, v25  }
0x1aa: {  	v20 =	vld [tilespmem:$0xB30];
	v32 =	vadd.f32 v49, v48;
	v48 =	vmul.f32 v35, v35;
	v17 =	vmul.f32 v18, v17  }
0x1ab: {  	v46 =	vmul.f32 v44, v21;
	v19 =	vmul.f32 v19, v23  }
0x1ac: {  	v49 =	vmul.f32 v39, v39;
	v25 =	vmul.f32 v27, v25;
	v27 =	vld [tilespmem:$0xD30]  }
0x1ad: {  	v21 =	vadd.f32 v50, v47;
	v24 =	vmul.f32 v19, v24;
	v17 =	vmul.f32 v46, v17  }
0x1ae: {  	v51 =	vmul.f32 v25, v26;
	v52 =	vmul.f32 v28, v28  }
0x1af: {  	v21 =	vadd.f32 v53, v21;
	v53 =	vmul.f32 v34, v34;
	v54 =	vmul.f32 v20, v20  }
0x1b0: {  	v28 =	vmul.f32 v36, v28;
	v23 =	vmul.f32 v51, v25;
	v32 =	vadd.f32 v52, v32  }
0x1b1: {  	v24 =	vmul.f32 v24, v19;
	v21 =	vadd.f32 v22, v21;
	v55 =	vmul.f32 v27, v27  }
0x1b2: {  	v38 =	vld [tilespmem:$0x1140];
	v20 =	vmul.f32 v37, v20;
	v57 =	vadd.f32 v54, v32;
	v23 =	vsub.f32 $1.500000000e+00, v23  }
0x1b3: {  	v24 =	vsub.f32 $1.500000000e+00, v24;
	v27 =	vmul.f32 v27, v31;
	v31 =	vld [tilespmem:$0xD40];
	v58 =	vadd.f32 v56, v55  }
0x1b4: {  	v60 =	vshra.s32 v57, $0x1;
	v29 =	vmul.f32 $5.000000000e-01, v57;
	v23 =	vmul.f32 v23, v25  }
0x1b5: {  	v19 =	vmul.f32 v24, v19;
	v61 =	vsub.s32 $0x5F3759DF, v60;
	v32 =	vadd.f32 v59, v58  }
0x1b6: {  	v27 =	vadd.f32 v30, v27;
	v63 =	vmul.f32 v61, v29;
	v41 =	vmul.f32 v23, v26;
	v26 =	vld [tilespmem:$0x940]  }
0x1b7: {  	v30 =	vld [tilespmem:$0x1340];
	v19 =	vmul.f32 v19, v21;
	v59 =	vmul.f32 v38, v38;
	v42 =	vadd.f32 v62, v32  }
0x1b8: {  	v55 =	vmul.f32 v31, v31;
	v43 =	vmul.f32 v61, v63  }
0x1b9: {  	v44 =	vmul.f32 v41, v23;
	v41 =	vld [tilespmem:$0xF40];
	v46 =	vshra.s32 v42, $0x1;
	v32 =	vmul.f32 $5.000000000e-01, v42  }
0x1ba: {  	v31 =	vmul.f32 v31, v35;
	v45 =	vsub.f32 $1.500000000e+00, v43;
	v47 =	vsub.s32 $0x5F3759DF, v46  }
0x1bb: {  	v24 =	vadd.f32 v49, v48;
	v50 =	vmul.f32 v47, v32;
	v51 =	vmul.f32 v26, v26  }
0x1bc: {  	v63 =	vmul.f32 v30, v30;
	v22 =	vmul.f32 v61, v45  }
0x1bd: {  	v30 =	vmul.f32 v30, v34;
	v25 =	vmul.f32 v47, v50;
	v24 =	vadd.f32 v51, v24  }
0x1be: {  	v21 =	vsub.f32 $1.500000000e+00, v44;
	v56 =	vmul.f32 v41, v41;
	v52 =	vmul.f32 v22, v29  }
0x1bf: {  	v26 =	vmul.f32 v38, v26;
	v25 =	vsub.f32 $1.500000000e+00, v25;
	v24 =	vadd.f32 v53, v24  }
0x1c0: {  	v21 =	vmul.f32 v21, v23;
	v18 =	vadd.f32 v56, v55;
	v54 =	vmul.f32 v52, v22  }
0x1c1: {  	v33 =	vld [tilespmem:$0x750];
	v25 =	vmul.f32 v47, v25;
	v57 =	vshra.s32 v24, $0x1;
	v24 =	vmul.f32 $5.000000000e-01, v24  }
0x1c2: {  	v37 =	vld [tilespmem:$0xD50];
	v55 =	vmul.f32 v41, v39;
	v23 =	vsub.f32 $1.500000000e+00, v54;
	v36 =	vsub.s32 $0x5F3759DF, v57  }
0x1c3: {  	v58 =	vmul.f32 v25, v32;
	v60 =	vmul.f32 v36, v24  }
0x1c4: {  	v62 =	vadd.f32 v59, v18;
	v18 =	vmul.f32 v21, v19;
	v22 =	vmul.f32 v23, v22  }
0x1c5: {  	v27 =	vadd.f32 v28, v27;
	v38 =	vld [tilespmem:$0x1350];
	v23 =	vmul.f32 v58, v25;
	v40 =	vmul.f32 v36, v60  }
0x1c6: {  	v54 =	vmul.f32 v33, v33;
	v43 =	vadd.f32 v63, v62;
	v61 =	vmul.f32 v22, v29  }
0x1c7: {  	v60 =	vmul.f32 v37, v37;
	v23 =	vsub.f32 $1.500000000e+00, v23;
	v44 =	vsub.f32 $1.500000000e+00, v40  }
0x1c8: {  	v46 =	vshra.s32 v43, $0x1;
	v29 =	vmul.f32 $5.000000000e-01, v43;
	v40 =	vld [tilespmem:$0xF50];
	v28 =	vmul.f32 v61, v22  }
0x1c9: {  	v49 =	vsub.s32 $0x5F3759DF, v46;
	v23 =	vmul.f32 v23, v25;
	v21 =	vmul.f32 v36, v44  }
0x1ca: {  	v46 =	vmul.f32 v38, v38;
	v51 =	vmul.f32 v49, v29;
	v25 =	vld [tilespmem:$0x550];
	v45 =	vsub.f32 $1.500000000e+00, v28  }
0x1cb: {  	v36 =	vld [tilespmem:$0x950];
	v48 =	vmul.f32 v23, v32;
	v50 =	vmul.f32 v21, v24  }
0x1cc: {  	v32 =	vmul.f32 v49, v51;
	v47 =	vmul.f32 v45, v22  }
0x1cd: {  	v20 =	vadd.f32 v20, v27;
	v22 =	vld [tilespmem:$0xB50];
	v61 =	vmul.f32 v40, v40;
	v28 =	vmul.f32 v50, v21  }
0x1ce: {  	v33 =	vmul.f32 v40, v33;
	v52 =	vmul.f32 v48, v23;
	v32 =	vsub.f32 $1.500000000e+00, v32  }
0x1cf: {  	v34 =	vld [tilespmem:$0x560];
	v19 =	vmul.f32 v47, v20;
	v53 =	vmul.f32 v25, v25;
	v28 =	vsub.f32 $1.500000000e+00, v28  }
0x1d0: {  	v57 =	vmul.f32 v36, v36;
	v25 =	vmul.f32 v37, v25;
	v20 =	vsub.f32 $1.500000000e+00, v52  }
0x1d1: {  	v37 =	vld [tilespmem:$0xB60];
	v27 =	vmul.f32 v49, v32;
	v56 =	vadd.f32 v54, v53;
	v21 =	vmul.f32 v28, v21  }
0x1d2: {  	v31 =	vadd.f32 v55, v31;
	v28 =	vld [tilespmem:$0x1150];
	v59 =	vmul.f32 v22, v22;
	v20 =	vmul.f32 v20, v23  }
0x1d3: {  	v42 =	vmul.f32 v27, v29;
	v22 =	vmul.f32 v38, v22;
	v58 =	vadd.f32 v57, v56  }
0x1d4: {  	v62 =	vadd.f32 v26, v31;
	v56 =	vmul.f32 v34, v34;
	v24 =	vmul.f32 v21, v24  }
0x1d5: {  	v31 =	vmul.f32 v42, v27;
	v19 =	vmul.f32 v20, v19;
	v63 =	vadd.f32 v59, v58  }
0x1d6: {  	v43 =	vadd.f32 v61, v60;
	v42 =	vld [tilespmem:$0x1160];
	v61 =	vmul.f32 v37, v37;
	v24 =	vmul.f32 v24, v21  }
0x1d7: {  	v44 =	vmul.f32 v28, v28;
	v45 =	vshra.s32 v63, $0x1;
	v26 =	vmul.f32 $5.000000000e-01, v63  }
0x1d8: {  	v31 =	vsub.f32 $1.500000000e+00, v31;
	v39 =	vsub.s32 $0x5F3759DF, v45;
	v24 =	vsub.f32 $1.500000000e+00, v24  }
0x1d9: {  	v28 =	vmul.f32 v28, v36;
	v45 =	vld [tilespmem:$0x1360];
	v32 =	vadd.f32 v44, v43;
	v47 =	vmul.f32 v39, v26  }
0x1da: {  	v23 =	vadd.f32 v30, v62;
	v21 =	vmul.f32 v24, v21;
	v24 =	vmul.f32 v31, v27;
	v27 =	vld [tilespmem:$0x760]  }
0x1db: {  	v60 =	vmul.f32 v42, v42;
	v31 =	vld [tilespmem:$0xF60];
	v48 =	vadd.f32 v46, v32;
	v49 =	vmul.f32 v39, v47  }
0x1dc: {  	v32 =	vld [tilespmem:$0xD60];
	v21 =	vmul.f32 v21, v23;
	v52 =	vmul.f32 v24, v29  }
0x1dd: {  	v50 =	vsub.f32 $1.500000000e+00, v49;
	v51 =	vshra.s32 v48, $0x1;
	v20 =	vmul.f32 $5.000000000e-01, v48  }
0x1de: {  	v37 =	vmul.f32 v45, v37;
	v53 =	vsub.s32 $0x5F3759DF, v51;
	v23 =	vmul.f32 v52, v24  }
0x1df: {  	v30 =	vmul.f32 v39, v50;
	v54 =	vmul.f32 v53, v20  }
0x1e0: {  	v39 =	vld [tilespmem:$0x960];
	v44 =	vmul.f32 v27, v27;
	v47 =	vmul.f32 v31, v31  }
0x1e1: {  	v27 =	vmul.f32 v31, v27;
	v46 =	vmul.f32 v32, v32  }
0x1e2: {  	v25 =	vadd.f32 v33, v25;
	v55 =	vmul.f32 v30, v26;
	v35 =	vmul.f32 v53, v54  }
0x1e3: {  	v23 =	vsub.f32 $1.500000000e+00, v23;
	v32 =	vmul.f32 v32, v34;
	v59 =	vadd.f32 v47, v46  }
0x1e4: {  	v57 =	vadd.f32 v44, v56;
	v41 =	vmul.f32 v55, v30;
	v35 =	vsub.f32 $1.500000000e+00, v35  }
0x1e5: {  	v44 =	vmul.f32 v45, v45;
	v58 =	vmul.f32 v39, v39;
	v63 =	vadd.f32 v60, v59  }
0x1e6: {  	v23 =	vmul.f32 v23, v24;
	v62 =	vsub.f32 $1.500000000e+00, v41;
	v29 =	vmul.f32 v53, v35  }
0x1e7: {  	v39 =	vmul.f32 v42, v39;
	v40 =	vadd.f32 v58, v57;
	v35 =	vadd.f32 v44, v63  }
0x1e8: {  	v25 =	vadd.f32 v28, v25;
	v30 =	vmul.f32 v62, v30;
	v46 =	vmul.f32 v29, v20  }
0x1e9: {  	v24 =	vld [tilespmem:$0xD70];
	v40 =	vadd.f32 v61, v40;
	v49 =	vshra.s32 v35, $0x1;
	v35 =	vmul.f32 $5.000000000e-01, v35  }
0x1ea: {  	v38 =	vld [tilespmem:$0x1170];
	v26 =	vmul.f32 v30, v26;
	v33 =	vmul.f32 v46, v29;
	v43 =	vsub.s32 $0x5F3759DF, v49  }
0x1eb: {  	v47 =	vshra.s32 v40, $0x1;
	v40 =	vmul.f32 $5.000000000e-01, v40;
	v51 =	vmul.f32 v43, v35  }
0x1ec: {  	v36 =	vsub.s32 $0x5F3759DF, v47;
	v26 =	vmul.f32 v26, v30;
	v33 =	vsub.f32 $1.500000000e+00, v33  }
0x1ed: {  	v27 =	vadd.f32 v27, v32;
	v48 =	vmul.f32 v36, v40;
	v53 =	vmul.f32 v43, v51  }
0x1ee: {  	v32 =	vld [tilespmem:$0x1370];
	v63 =	vmul.f32 v24, v24;
	v26 =	vsub.f32 $1.500000000e+00, v26;
	v29 =	vmul.f32 v33, v29  }
0x1ef: {  	v51 =	vmul.f32 v38, v38;
	v33 =	vld [tilespmem:$0x570];
	v50 =	vmul.f32 v36, v48;
	v57 =	vsub.f32 $1.500000000e+00, v53  }
0x1f0: {  	v22 =	vadd.f32 v22, v25;
	v31 =	vld [tilespmem:$0xB70];
	v54 =	vmul.f32 v26, v30;
	v55 =	vmul.f32 v29, v20  }
0x1f1: {  	v20 =	vmul.f32 v23, v21;
	v52 =	vsub.f32 $1.500000000e+00, v50;
	v23 =	vmul.f32 v43, v57  }
0x1f2: {  	v26 =	vld [tilespmem:$0xF70];
	v22 =	vmul.f32 v54, v22;
	v58 =	vmul.f32 v55, v29  }
0x1f3: {  	v30 =	vld [tilespmem:$0x770];
	v55 =	vmul.f32 v32, v32;
	v56 =	vmul.f32 v36, v52  }
0x1f4: {  	v60 =	vmul.f32 v23, v35;
	v61 =	vmul.f32 v33, v33  }
0x1f5: {  	v27 =	vadd.f32 v39, v27;
	v36 =	vld [tilespmem:$0x970];
	v52 =	vmul.f32 v31, v31;
	v24 =	vmul.f32 v24, v33  }
0x1f6: {  	v31 =	vmul.f32 v32, v31;
	v59 =	vmul.f32 v56, v40  }
0x1f7: {  	v27 =	vadd.f32 v37, v27;
	v37 =	vld [tilespmem:$0x580];
	v48 =	vmul.f32 v26, v26;
	v34 =	vmul.f32 v60, v23  }
0x1f8: {  	v25 =	vsub.f32 $1.500000000e+00, v58;
	v62 =	vmul.f32 v30, v30;
	v28 =	vmul.f32 v59, v56  }
0x1f9: {  	v26 =	vmul.f32 v26, v30;
	v50 =	vadd.f32 v48, v63;
	v53 =	vsub.f32 $1.500000000e+00, v34  }
0x1fa: {  	v41 =	vadd.f32 v62, v61;
	v49 =	vmul.f32 v36, v36;
	v28 =	vsub.f32 $1.500000000e+00, v28  }
0x1fb: {  	v25 =	vmul.f32 v25, v29;
	v54 =	vadd.f32 v51, v50;
	v23 =	vmul.f32 v53, v23  }
0x1fc: {  	v48 =	vmul.f32 v37, v37;
	v41 =	vadd.f32 v49, v41;
	v21 =	vmul.f32 v28, v56  }
0x1fd: {  	v43 =	vld [tilespmem:$0x780];
	v24 =	vadd.f32 v26, v24;
	v57 =	vadd.f32 v55, v54;
	v35 =	vmul.f32 v23, v35  }
0x1fe: {  	v30 =	vld [tilespmem:$0xF80];
	v50 =	vmul.f32 v38, v36;
	v41 =	vadd.f32 v52, v41;
	v56 =	vmul.f32 v21, v40  }
0x1ff: {  	v42 =	vshra.s32 v57, $0x1;
	v28 =	vmul.f32 $5.000000000e-01, v57;
	v35 =	vmul.f32 v35, v23  }
0x200: {  	v58 =	vshra.s32 v41, $0x1;
	v40 =	vmul.f32 $5.000000000e-01, v41;
	v42 =	vsub.s32 $0x5F3759DF, v42  }
0x201: {  	v44 =	vld [tilespmem:$0x790];
	v39 =	vmul.f32 v56, v21;
	v34 =	vsub.s32 $0x5F3759DF, v58;
	v59 =	vmul.f32 v42, v28  }
0x202: {  	v49 =	vmul.f32 v43, v43;
	v35 =	vsub.f32 $1.500000000e+00, v35;
	v41 =	vmul.f32 v34, v40  }
0x203: {  	v38 =	vld [tilespmem:$0x1380];
	v54 =	vmul.f32 v30, v30;
	v39 =	vsub.f32 $1.500000000e+00, v39;
	v62 =	vmul.f32 v42, v59  }
0x204: {  	v24 =	vadd.f32 v50, v24;
	v23 =	vmul.f32 v35, v23;
	v35 =	vld [tilespmem:$0xB80];
	v41 =	vmul.f32 v34, v41  }
0x205: {  	v60 =	vmul.f32 v39, v21;
	v21 =	vmul.f32 v25, v22;
	v25 =	vld [tilespmem:$0x980];
	v46 =	vsub.f32 $1.500000000e+00, v62  }
0x206: {  	v50 =	vmul.f32 v44, v44;
	v30 =	vmul.f32 v30, v43;
	v61 =	vsub.f32 $1.500000000e+00, v41  }
0x207: {  	v39 =	vld [tilespmem:$0x1180];
	v22 =	vmul.f32 v60, v27;
	v29 =	vmul.f32 v42, v46  }
0x208: {  	v60 =	vmul.f32 v38, v38;
	v63 =	vmul.f32 v34, v61;
	v34 =	vld [tilespmem:$0xD80]  }
0x209: {  	v42 =	vld [tilespmem:$0x590];
	v55 =	vmul.f32 v35, v35;
	v51 =	vmul.f32 v29, v28  }
0x20a: {  	v41 =	vadd.f32 v49, v48;
	v47 =	vmul.f32 v63, v40;
	v52 =	vmul.f32 v25, v25  }
0x20b: {  	v24 =	vadd.f32 v31, v24;
	v22 =	vmul.f32 v23, v22;
	v36 =	vmul.f32 v51, v29  }
0x20c: {  	v57 =	vmul.f32 v39, v39;
	v33 =	vmul.f32 v47, v63;
	v41 =	vadd.f32 v52, v41  }
0x20d: {  	v25 =	vmul.f32 v39, v25;
	v53 =	vmul.f32 v34, v34;
	v58 =	vsub.f32 $1.500000000e+00, v36  }
0x20e: {  	v31 =	vld [tilespmem:$0xB90];
	v49 =	vmul.f32 v42, v42;
	v33 =	vsub.f32 $1.500000000e+00, v33;
	v59 =	vadd.f32 v55, v41  }
0x20f: {  	v34 =	vmul.f32 v34, v37;
	v56 =	vadd.f32 v54, v53;
	v29 =	vmul.f32 v58, v29  }
0x210: {  	v27 =	vmul.f32 v33, v63;
	v61 =	vshra.s32 v59, $0x1;
	v36 =	vmul.f32 $5.000000000e-01, v59  }
0x211: {  	v33 =	vadd.f32 v57, v56;
	v32 =	vsub.s32 $0x5F3759DF, v61;
	v62 =	vmul.f32 v29, v28  }
0x212: {  	v40 =	vmul.f32 v27, v40;
	v63 =	vmul.f32 v32, v36  }
0x213: {  	v54 =	vmul.f32 v31, v31;
	v33 =	vadd.f32 v60, v33;
	v26 =	vmul.f32 v62, v29  }
0x214: {  	v37 =	vld [tilespmem:$0x1190];
	v40 =	vmul.f32 v40, v27;
	v28 =	vmul.f32 v32, v63  }
0x215: {  	v41 =	vshra.s32 v33, $0x1;
	v33 =	vmul.f32 $5.000000000e-01, v33;
	v46 =	vsub.f32 $1.500000000e+00, v26  }
0x216: {  	v40 =	vsub.f32 $1.500000000e+00, v40;
	v41 =	vsub.s32 $0x5F3759DF, v41;
	v47 =	vsub.f32 $1.500000000e+00, v28;
	v28 =	vld [tilespmem:$0x990]  }
0x217: {  	v45 =	vmul.f32 v41, v33;
	v23 =	vmul.f32 v46, v29;
	v29 =	vld [tilespmem:$0xD90]  }
0x218: {  	v46 =	vld [tilespmem:$0x1390];
	v27 =	vmul.f32 v40, v27;
	v26 =	vmul.f32 v32, v47  }
0x219: {  	v30 =	vadd.f32 v30, v34;
	v59 =	vmul.f32 v37, v37;
	v32 =	vld [tilespmem:$0xF90];
	v48 =	vmul.f32 v41, v45  }
0x21a: {  	v40 =	vadd.f32 v50, v49;
	v24 =	vmul.f32 v27, v24;
	v51 =	vmul.f32 v26, v36  }
0x21b: {  	v27 =	vsub.f32 $1.500000000e+00, v48;
	v52 =	vmul.f32 v28, v28;
	v28 =	vmul.f32 v37, v28  }
0x21c: {  	v25 =	vadd.f32 v25, v30;
	v23 =	vmul.f32 v23, v24;
	v24 =	vmul.f32 v51, v26  }
0x21d: {  	v55 =	vmul.f32 v29, v29;
	v27 =	vmul.f32 v41, v27;
	v40 =	vadd.f32 v52, v40  }
0x21e: {  	v63 =	vmul.f32 v46, v46;
	v48 =	vmul.f32 v32, v32;
	v24 =	vsub.f32 $1.500000000e+00, v24  }
0x21f: {  	v32 =	vmul.f32 v32, v44;
	v53 =	vmul.f32 v27, v33;
	v56 =	vadd.f32 v54, v40  }
0x220: {  	v58 =	vadd.f32 v48, v55;
	v48 =	vmul.f32 v38, v35;
	v24 =	vmul.f32 v24, v26  }
0x221: {  	v57 =	vmul.f32 v53, v27;
	v60 =	vshra.s32 v56, $0x1;
	v39 =	vmul.f32 $5.000000000e-01, v56  }
0x222: {  	v40 =	vld [tilespmem:$0x9A0];
	v41 =	vadd.f32 v59, v58;
	v25 =	vadd.f32 v48, v25;
	v59 =	vmul.f32 v29, v42  }
0x223: {  	v62 =	vsub.s32 $0x5F3759DF, v60;
	v47 =	vmul.f32 v24, v36;
	v61 =	vsub.f32 $1.500000000e+00, v57  }
0x224: {  	v48 =	vmul.f32 v46, v31;
	v45 =	vmul.f32 v62, v39;
	v49 =	vadd.f32 v63, v41;
	v41 =	vld [tilespmem:$0x7A0]  }
0x225: {  	v51 =	vmul.f32 v47, v24;
	v26 =	vmul.f32 v61, v27  }
0x226: {  	v38 =	vld [tilespmem:$0x5A0];
	v50 =	vmul.f32 v62, v45;
	v53 =	vshra.s32 v49, $0x1;
	v35 =	vmul.f32 $5.000000000e-01, v49  }
0x227: {  	v43 =	vmul.f32 v40, v40;
	v30 =	vsub.f32 $1.500000000e+00, v51;
	v36 =	vsub.s32 $0x5F3759DF, v53  }
0x228: {  	v31 =	vld [tilespmem:$0x13A0];
	v33 =	vmul.f32 v26, v33;
	v52 =	vsub.f32 $1.500000000e+00, v50;
	v54 =	vmul.f32 v36, v35  }
0x229: {  	v24 =	vmul.f32 v30, v24;
	v63 =	vmul.f32 v41, v41  }
0x22a: {  	v33 =	vmul.f32 v33, v26;
	v34 =	vmul.f32 v62, v52  }
0x22b: {  	v30 =	vld [tilespmem:$0xBA0];
	v57 =	vmul.f32 v36, v54;
	v62 =	vmul.f32 v38, v38  }
0x22c: {  	v24 =	vmul.f32 v24, v25;
	v55 =	vsub.f32 $1.500000000e+00, v33;
	v56 =	vmul.f32 v34, v39  }
0x22d: {  	v61 =	vsub.f32 $1.500000000e+00, v57;
	v42 =	vadd.f32 v63, v62;
	v57 =	vmul.f32 v31, v31  }
0x22e: {  	v33 =	vld [tilespmem:$0x9B0];
	v58 =	vmul.f32 v55, v26;
	v60 =	vmul.f32 v56, v34  }
0x22f: {  	v29 =	vmul.f32 v36, v61;
	v26 =	vadd.f32 v32, v59;
	v25 =	vadd.f32 v43, v42  }
0x230: {  	v36 =	vld [tilespmem:$0xDA0];
	v45 =	vmul.f32 v30, v30;
	v30 =	vmul.f32 v31, v30;
	v27 =	vsub.f32 $1.500000000e+00, v60  }
0x231: {  	v46 =	vld [tilespmem:$0x7B0];
	v24 =	vmul.f32 v58, v24;
	v44 =	vmul.f32 v29, v35  }
0x232: {  	v26 =	vadd.f32 v28, v26;
	v25 =	vadd.f32 v45, v25;
	v28 =	vld [tilespmem:$0xFB0];
	v27 =	vmul.f32 v27, v34  }
0x233: {  	v63 =	vmul.f32 v33, v33;
	v34 =	vld [tilespmem:$0xFA0];
	v32 =	vmul.f32 v44, v29  }
0x234: {  	v42 =	vld [tilespmem:$0x5B0];
	v45 =	vmul.f32 $5.000000000e-01, v25;
	v47 =	vmul.f32 v27, v39  }
0x235: {  	v26 =	vadd.f32 v48, v26;
	v48 =	vld [tilespmem:$0x11B0];
	v50 =	vmul.f32 v36, v36;
	v32 =	vsub.f32 $1.500000000e+00, v32  }
0x236: {  	v52 =	vshra.s32 v25, $0x1;
	v36 =	vmul.f32 v36, v38;
	v39 =	vld [tilespmem:$0x11A0];
	v49 =	vmul.f32 v47, v27  }
0x237: {  	v29 =	vmul.f32 v32, v29;
	v32 =	vsub.s32 $0x5F3759DF, v52;
	v52 =	vmul.f32 v28, v28  }
0x238: {  	v28 =	vmul.f32 v28, v46;
	v51 =	vmul.f32 v34, v34  }
0x239: {  	v44 =	vmul.f32 v32, v45;
	v34 =	vmul.f32 v34, v41  }
0x23a: {  	v47 =	vld [tilespmem:$0xDB0];
	v33 =	vmul.f32 v48, v33;
	v53 =	vsub.f32 $1.500000000e+00, v49;
	v55 =	vmul.f32 v29, v35  }
0x23b: {  	v49 =	vmul.f32 v42, v42;
	v37 =	vadd.f32 v51, v50;
	v54 =	vmul.f32 v39, v39  }
0x23c: {  	v58 =	vmul.f32 v32, v44;
	v44 =	vld [tilespmem:$0xBB0];
	v50 =	vmul.f32 v46, v46  }
0x23d: {  	v25 =	vmul.f32 v53, v27;
	v59 =	vmul.f32 v55, v29;
	v56 =	vadd.f32 v54, v37  }
0x23e: {  	v39 =	vmul.f32 v39, v40;
	v61 =	vsub.f32 $1.500000000e+00, v58;
	v62 =	vadd.f32 v50, v49  }
0x23f: {  	v37 =	vld [tilespmem:$0x13B0];
	v51 =	vmul.f32 v47, v47;
	v25 =	vmul.f32 v25, v26;
	v26 =	vsub.f32 $1.500000000e+00, v59  }
0x240: {  	v58 =	vmul.f32 v48, v48;
	v60 =	vadd.f32 v57, v56;
	v43 =	vadd.f32 v63, v62  }
0x241: {  	v51 =	vadd.f32 v52, v51;
	v32 =	vmul.f32 v32, v61;
	v57 =	vmul.f32 v44, v44  }
0x242: {  	v26 =	vmul.f32 v26, v29;
	v56 =	vshra.s32 v60, $0x1;
	v27 =	vmul.f32 $5.000000000e-01, v60  }
0x243: {  	v59 =	vadd.f32 v58, v51;
	v63 =	vmul.f32 v32, v45;
	v50 =	vsub.s32 $0x5F3759DF, v56  }
0x244: {  	v43 =	vadd.f32 v57, v43;
	v60 =	vmul.f32 v37, v37;
	v25 =	vmul.f32 v26, v25  }
0x245: {  	v34 =	vadd.f32 v34, v36;
	v53 =	vmul.f32 v50, v27;
	v58 =	vmul.f32 v63, v32  }
0x246: {  	v62 =	vshra.s32 v43, $0x1;
	v43 =	vmul.f32 $5.000000000e-01, v43;
	v35 =	vadd.f32 v60, v59  }
0x247: {  	v61 =	vmul.f32 v50, v53;
	v49 =	vsub.s32 $0x5F3759DF, v62;
	v62 =	vsub.f32 $1.500000000e+00, v58  }
0x248: {  	v57 =	vmul.f32 v49, v43;
	v59 =	vshra.s32 v35, $0x1;
	v35 =	vmul.f32 $5.000000000e-01, v35  }
0x249: {  	v40 =	vld [tilespmem:$0x5C0];
	v56 =	vsub.f32 $1.500000000e+00, v61;
	v61 =	vsub.s32 $0x5F3759DF, v59;
	v26 =	vmul.f32 v62, v32  }
0x24a: {  	v34 =	vadd.f32 v39, v34;
	v39 =	vld [tilespmem:$0x9C0];
	v60 =	vmul.f32 v49, v57;
	v63 =	vmul.f32 v61, v35  }
0x24b: {  	v29 =	vmul.f32 v50, v56;
	v57 =	vmul.f32 v26, v45  }
0x24c: {  	v45 =	vmul.f32 v47, v42;
	v42 =	vld [tilespmem:$0xDC0];
	v50 =	vsub.f32 $1.500000000e+00, v60;
	v56 =	vmul.f32 v61, v63  }
0x24d: {  	v55 =	vmul.f32 v29, v27;
	v59 =	vmul.f32 v57, v26  }
0x24e: {  	v49 =	vmul.f32 v49, v50;
	v32 =	vsub.f32 $1.500000000e+00, v56;
	v50 =	vmul.f32 v40, v40  }
0x24f: {  	v38 =	vmul.f32 v55, v29;
	v36 =	vsub.f32 $1.500000000e+00, v59;
	v55 =	vmul.f32 v39, v39  }
0x250: {  	v30 =	vadd.f32 v30, v34;
	v34 =	vld [tilespmem:$0xBC0];
	v58 =	vmul.f32 v49, v43;
	v32 =	vmul.f32 v61, v32  }
0x251: {  	v52 =	vmul.f32 v42, v42;
	v38 =	vsub.f32 $1.500000000e+00, v38;
	v26 =	vmul.f32 v36, v26  }
0x252: {  	v28 =	vadd.f32 v28, v45;
	v45 =	vld [tilespmem:$0x7D0];
	v60 =	vmul.f32 v58, v49;
	v61 =	vmul.f32 v32, v35  }
0x253: {  	v40 =	vmul.f32 v42, v40;
	v29 =	vmul.f32 v38, v29;
	v38 =	vld [tilespmem:$0x7C0]  }
0x254: {  	v26 =	vmul.f32 v26, v30;
	v30 =	vld [tilespmem:$0x13C0];
	v62 =	vsub.f32 $1.500000000e+00, v60;
	v63 =	vmul.f32 v61, v32  }
0x255: {  	v58 =	vmul.f32 v34, v34;
	v27 =	vmul.f32 v29, v27  }
0x256: {  	v31 =	vmul.f32 v62, v49;
	v36 =	vsub.f32 $1.500000000e+00, v63;
	v49 =	vmul.f32 v37, v44;
	v37 =	vld [tilespmem:$0x5D0]  }
0x257: {  	v61 =	vmul.f32 v45, v45;
	v44 =	vld [tilespmem:$0xFD0];
	v27 =	vmul.f32 v27, v29  }
0x258: {  	v28 =	vadd.f32 v33, v28;
	v47 =	vmul.f32 v31, v43;
	v43 =	vld [tilespmem:$0xFC0];
	v32 =	vmul.f32 v36, v32  }
0x259: {  	v36 =	vld [tilespmem:$0x11C0];
	v51 =	vmul.f32 v38, v38;
	v59 =	vmul.f32 v30, v30;
	v27 =	vsub.f32 $1.500000000e+00, v27  }
0x25a: {  	v28 =	vadd.f32 v49, v28;
	v49 =	vld [tilespmem:$0x11D0];
	v48 =	vmul.f32 v47, v31;
	v35 =	vmul.f32 v32, v35  }
0x25b: {  	v30 =	vmul.f32 v30, v34;
	v47 =	vld [tilespmem:$0xDD0];
	v54 =	vadd.f32 v51, v50;
	v27 =	vmul.f32 v27, v29  }
0x25c: {  	v60 =	vmul.f32 v37, v37;
	v29 =	vsub.f32 $1.500000000e+00, v48;
	v35 =	vmul.f32 v35, v32;
	v48 =	vld [tilespmem:$0x9D0]  }
0x25d: {  	v63 =	vmul.f32 v44, v44;
	v57 =	vadd.f32 v55, v54;
	v53 =	vmul.f32 v43, v43  }
0x25e: {  	v41 =	vld [tilespmem:$0xBD0];
	v56 =	vmul.f32 v36, v36;
	v29 =	vmul.f32 v29, v31;
	v35 =	vsub.f32 $1.500000000e+00, v35  }
0x25f: {  	v46 =	vld [tilespmem:$0x13D0];
	v26 =	vmul.f32 v27, v26;
	v31 =	vadd.f32 v61, v60;
	v33 =	vadd.f32 v53, v52  }
0x260: {  	v62 =	vmul.f32 v47, v47;
	v28 =	vmul.f32 v29, v28;
	v29 =	vadd.f32 v58, v57  }
0x261: {  	v58 =	vmul.f32 v49, v49;
	v33 =	vadd.f32 v56, v33;
	v57 =	vmul.f32 v48, v48  }
0x262: {  	v51 =	vadd.f32 v63, v62;
	v56 =	vshra.s32 v29, $0x1;
	v29 =	vmul.f32 $5.000000000e-01, v29  }
0x263: {  	v33 =	vadd.f32 v59, v33;
	v31 =	vadd.f32 v57, v31;
	v59 =	vmul.f32 v41, v41  }
0x264: {  	v61 =	vmul.f32 v46, v46;
	v53 =	vsub.s32 $0x5F3759DF, v56;
	v50 =	vadd.f32 v58, v51  }
0x265: {  	v32 =	vmul.f32 v35, v32;
	v60 =	vmul.f32 v53, v29;
	v31 =	vadd.f32 v59, v31  }
0x266: {  	v54 =	vshra.s32 v33, $0x1;
	v33 =	vmul.f32 $5.000000000e-01, v33;
	v50 =	vadd.f32 v61, v50  }
0x267: {  	v35 =	vmul.f32 v53, v60;
	v52 =	vsub.s32 $0x5F3759DF, v54;
	v62 =	vshra.s32 v31, $0x1  }
0x268: {  	v31 =	vmul.f32 $5.000000000e-01, v31;
	v54 =	vmul.f32 v52, v33;
	v56 =	vshra.s32 v50, $0x1  }
0x269: {  	v50 =	vmul.f32 $5.000000000e-01, v50;
	v35 =	vsub.f32 $1.500000000e+00, v35;
	v51 =	vsub.s32 $0x5F3759DF, v62  }
0x26a: {  	v55 =	vmul.f32 v51, v31;
	v63 =	vmul.f32 v52, v54;
	v54 =	vsub.s32 $0x5F3759DF, v56  }
0x26b: {  	v38 =	vmul.f32 v43, v38;
	v56 =	vmul.f32 v54, v50  }
0x26c: {  	v35 =	vmul.f32 v53, v35;
	v55 =	vmul.f32 v51, v55  }
0x26d: {  	v36 =	vmul.f32 v36, v39;
	v53 =	vsub.f32 $1.500000000e+00, v63;
	v60 =	vmul.f32 v54, v56  }
0x26e: {  	v37 =	vmul.f32 v47, v37;
	v57 =	vmul.f32 v35, v29;
	v59 =	vsub.f32 $1.500000000e+00, v55  }
0x26f: {  	v27 =	vmul.f32 v32, v28;
	v52 =	vmul.f32 v52, v53;
	v32 =	vsub.f32 $1.500000000e+00, v60  }
0x270: {  	v61 =	vmul.f32 v57, v35;
	v28 =	vmul.f32 v51, v59  }
0x271: {  	v63 =	vmul.f32 v52, v33;
	v32 =	vmul.f32 v54, v32  }
0x272: {  	v42 =	vld [tilespmem:$0x5E0];
	v49 =	vmul.f32 v49, v48;
	v62 =	vsub.f32 $1.500000000e+00, v61;
	v51 =	vmul.f32 v28, v31  }
0x273: {  	v55 =	vmul.f32 v63, v52;
	v57 =	vmul.f32 v32, v50  }
0x274: {  	v38 =	vadd.f32 v38, v40;
	v35 =	vmul.f32 v62, v35;
	v56 =	vmul.f32 v51, v28  }
0x275: {  	v39 =	vld [tilespmem:$0x9E0];
	v41 =	vmul.f32 v46, v41;
	v58 =	vsub.f32 $1.500000000e+00, v55;
	v60 =	vmul.f32 v57, v32  }
0x276: {  	v43 =	vld [tilespmem:$0xBE0];
	v63 =	vmul.f32 v44, v45;
	v29 =	vmul.f32 v35, v29;
	v59 =	vsub.f32 $1.500000000e+00, v56  }
0x277: {  	v40 =	vld [tilespmem:$0xFE0];
	v53 =	vmul.f32 v42, v42;
	v61 =	vmul.f32 v58, v52;
	v62 =	vsub.f32 $1.500000000e+00, v60  }
0x278: {  	v48 =	vld [tilespmem:$0x9F0];
	v37 =	vadd.f32 v63, v37;
	v29 =	vmul.f32 v29, v35;
	v28 =	vmul.f32 v59, v28  }
0x279: {  	v36 =	vadd.f32 v36, v38;
	v45 =	vld [tilespmem:$0xDE0];
	v33 =	vmul.f32 v61, v33;
	v32 =	vmul.f32 v62, v32  }
0x27a: {  	v46 =	vld [tilespmem:$0x11E0];
	v37 =	vadd.f32 v49, v37;
	v29 =	vsub.f32 $1.500000000e+00, v29;
	v31 =	vmul.f32 v28, v31  }
0x27b: {  	v30 =	vadd.f32 v30, v36;
	v44 =	vld [tilespmem:$0x7E0];
	v33 =	vmul.f32 v33, v61;
	v50 =	vmul.f32 v32, v50  }
0x27c: {  	v56 =	vmul.f32 v40, v40;
	v49 =	vld [tilespmem:$0x13F0];
	v51 =	vadd.f32 v41, v37;
	v29 =	vmul.f32 v29, v35  }
0x27d: {  	v37 =	vld [tilespmem:$0x5F0];
	v31 =	vmul.f32 v31, v28;
	v33 =	vsub.f32 $1.500000000e+00, v33;
	v38 =	vmul.f32 v50, v32  }
0x27e: {  	v55 =	vmul.f32 v45, v45;
	v35 =	vld [tilespmem:$0x13E0];
	v29 =	vmul.f32 v29, v30  }
0x27f: {  	v31 =	vsub.f32 $1.500000000e+00, v31;
	v30 =	vmul.f32 v33, v61;
	v33 =	vld [tilespmem:$0x7F0];
	v52 =	vsub.f32 $1.500000000e+00, v38  }
0x280: {  	v58 =	vmul.f32 v46, v46;
	v54 =	vmul.f32 v44, v44;
	v38 =	vld [tilespmem:$0xFF0]  }
0x281: {  	v41 =	vadd.f32 v56, v55;
	v28 =	vmul.f32 v31, v28;
	v31 =	vmul.f32 v52, v32;
	v32 =	vld [tilespmem:$0xDF0]  }
0x282: {  	v57 =	vmul.f32 v39, v39;
	v59 =	vmul.f32 v43, v43;
	v50 =	vld [tilespmem:$0x11F0]  }
0x283: {  	v34 =	vadd.f32 v54, v53;
	v41 =	vadd.f32 v58, v41;
	v58 =	vmul.f32 v48, v48;
	v52 =	vld [tilespmem:$0xBF0]  }
0x284: {  	v61 =	vmul.f32 v37, v37;
	v62 =	vmul.f32 v33, v33  }
0x285: {  	v34 =	vadd.f32 v57, v34;
	v56 =	vmul.f32 v49, v49;
	v60 =	vmul.f32 v35, v35  }
0x286: {  	v57 =	vmul.f32 v38, v38;
	v36 =	vadd.f32 v62, v61;
	v63 =	vmul.f32 v32, v32  }
0x287: {  	v34 =	vadd.f32 v59, v34;
	v41 =	vadd.f32 v60, v41;
	v60 =	vmul.f32 v50, v50  }
0x288: {  	v62 =	vmul.f32 v52, v52;
	v36 =	vadd.f32 v58, v36;
	v59 =	vadd.f32 v57, v63  }
0x289: {  	v28 =	vmul.f32 v28, v51;
	v61 =	vshra.s32 v34, $0x1;
	v34 =	vmul.f32 $5.000000000e-01, v34  }
0x28a: {  	v54 =	vsub.s32 $0x5F3759DF, v61;
	v36 =	vadd.f32 v62, v36;
	v51 =	vadd.f32 v60, v59  }
0x28b: {  	[tilespmem:$0x1400] =	vst v1;
	v40 =	vmul.f32 v40, v44;
	v63 =	vshra.s32 v41, $0x1;
	v57 =	vmul.f32 v54, v34  }
0x28c: {  	[tilespmem:$0x1410] =	vst v0;
	v59 =	vshra.s32 v36, $0x1;
	v36 =	vmul.f32 $5.000000000e-01, v36;
	v58 =	vadd.f32 v56, v51  }
0x28d: {  	[tilespmem:$0x1420] =	vst v3;
	v41 =	vmul.f32 $5.000000000e-01, v41;
	v53 =	vsub.s32 $0x5F3759DF, v63;
	v47 =	vsub.s32 $0x5F3759DF, v59  }
0x28e: {  	[tilespmem:$0x1430] =	vst v2;
	v61 =	vmul.f32 v47, v36;
	v51 =	vshra.s32 v58, $0x1;
	v0 =	vmul.f32 $5.000000000e-01, v58  }
0x28f: {  	[tilespmem:$0x1440] =	vst v4;
	v1 =	vmul.f32 v54, v57;
	v60 =	vmul.f32 v53, v41;
	v62 =	vsub.s32 $0x5F3759DF, v51  }
0x290: {  	[tilespmem:$0x1450] =	vst v5;
	v2 =	vmul.f32 v47, v61;
	v63 =	vmul.f32 v62, v0  }
0x291: {  	[tilespmem:$0x1460] =	vst v6;
	v44 =	vmul.f32 v46, v39;
	v1 =	vsub.f32 $1.500000000e+00, v1;
	v3 =	vmul.f32 v53, v60  }
0x292: {  	[tilespmem:$0x1470] =	vst v7;
	v6 =	vmul.f32 v30, v29;
	v2 =	vsub.f32 $1.500000000e+00, v2;
	v5 =	vmul.f32 v62, v63  }
0x293: {  	[tilespmem:$0x1480] =	vst v8;
	v29 =	vmul.f32 v45, v42;
	v1 =	vmul.f32 v54, v1;
	v3 =	vsub.f32 $1.500000000e+00, v3  }
0x294: {  	[tilespmem:$0x1490] =	vst v9;
	v7 =	vmul.f32 v31, v28;
	v2 =	vmul.f32 v47, v2;
	v5 =	vsub.f32 $1.500000000e+00, v5  }
0x295: {  	[tilespmem:$0x14A0] =	vst v11;
	v3 =	vmul.f32 v53, v3;
	v28 =	vmul.f32 v1, v34  }
0x296: {  	[tilespmem:$0x14B0] =	vst v10;
	v31 =	vmul.f32 v2, v36;
	v4 =	vmul.f32 v62, v5  }
0x297: {  	[tilespmem:$0x14C0] =	vst v12;
	v8 =	vmul.f32 v28, v1;
	v30 =	vmul.f32 v3, v41  }
0x298: {  	[tilespmem:$0x14D0] =	vst v13;
	v5 =	vmul.f32 v31, v2;
	v42 =	vmul.f32 v4, v0  }
0x299: {  	[tilespmem:$0x14E0] =	vst v15;
	v45 =	vmul.f32 v35, v43;
	v11 =	vmul.f32 v30, v3;
	v8 =	vsub.f32 $1.500000000e+00, v8  }
0x29a: {  	[tilespmem:$0x14F0] =	vst v14;
	v54 =	vmul.f32 v50, v48;
	v5 =	vsub.f32 $1.500000000e+00, v5;
	v46 =	vmul.f32 v42, v4  }
0x29b: {  	[tilespmem:$0x1500] =	vst v16;
	v51 =	vmul.f32 v38, v33;
	v11 =	vsub.f32 $1.500000000e+00, v11;
	v1 =	vmul.f32 v8, v1  }
0x29c: {  	[tilespmem:$0x1510] =	vst v17;
	v47 =	vmul.f32 v32, v37;
	v2 =	vmul.f32 v5, v2;
	v53 =	vsub.f32 $1.500000000e+00, v46  }
0x29d: {  	[tilespmem:$0x1520] =	vst v18;
	v9 =	vadd.f32 v40, v29;
	v3 =	vmul.f32 v11, v3;
	v55 =	vmul.f32 v1, v34  }
0x29e: {  	[tilespmem:$0x1530] =	vst v19;
	v56 =	vmul.f32 v2, v36;
	v4 =	vmul.f32 v53, v4  }
0x29f: {  	[tilespmem:$0x1540] =	vst v20;
	v9 =	vadd.f32 v44, v9;
	v58 =	vmul.f32 v55, v1;
	v59 =	vmul.f32 v3, v41  }
0x2a0: {  	[tilespmem:$0x1550] =	vst v21;
	v57 =	vadd.f32 v51, v47;
	v5 =	vmul.f32 v56, v2;
	v0 =	vmul.f32 v4, v0  }
0x2a1: {  	[tilespmem:$0x1560] =	vst v22;
	v62 =	vmul.f32 v49, v52;
	v60 =	vsub.f32 $1.500000000e+00, v58;
	v61 =	vmul.f32 v59, v3  }
0x2a2: {  	[tilespmem:$0x1570] =	vst v23;
	v8 =	vadd.f32 v54, v57;
	v5 =	vsub.f32 $1.500000000e+00, v5;
	v0 =	vmul.f32 v0, v4  }
0x2a3: {  	[tilespmem:$0x1580] =	vst v24;
	v9 =	vadd.f32 v45, v9;
	v1 =	vmul.f32 v60, v1;
	v63 =	vsub.f32 $1.500000000e+00, v61  }
0x2a4: {  	[tilespmem:$0x1590] =	vst v25;
	v8 =	vadd.f32 v62, v8;
	v2 =	vmul.f32 v5, v2;
	v0 =	vsub.f32 $1.500000000e+00, v0  }
0x2a5: {  	[tilespmem:$0x15A0] =	vst v26;
	v1 =	vmul.f32 v1, v9;
	v3 =	vmul.f32 v63, v3  }
0x2a6: {  	[tilespmem:$0x15B0] =	vst v27;
	v2 =	vmul.f32 v2, v8;
	v0 =	vmul.f32 v0, v4  }
0x2a7: {  	[tilespmem:$0x15C0] =	vst v6;
	v1 =	vmul.f32 v3, v1  }
0x2a8: {  	[tilespmem:$0x15D0] =	vst v7;
	v0 =	vmul.f32 v0, v2  }
0x2a9: {  	p0 =	sne.s32 s14, $0x1;
	[tilespmem:$0x15E0] =	vst v1  }
.Ltmp0:
0x2aa: {  	[tilespmem:$0x15F0] =	vst v0;
	(pc) =	sbr.rel @p0 .LBB2_1-.Ltmp0, $4  }
0x2ab: {  	[hbm4b:s13+s2] =	stream.linear.scatter [tilespmem:s26], [sflag:$0x2], $0x200, $0x38;
	[tilespmem:$0x1600] =	vst v63  }
0x2ac: {  	_ =	swait.ge [sflag:s15], $0x200  }
0x2ad: {  	[sflag:s15] =	ssyncset.done $0x0  }
0x2ae: {  	s14 =	sadd.s32 $0xFFFFFFFF, s14;
	[sflag:s15] =	ssyncadd.s32 $0xFFFFFE00  }
0x2af: {  	_ =	sfence.sel $0x180000  }
0x2b0: {  	[bflag:$0x0] =	sbarrier.arrive $0xFFFF  }
0x2b1: {  	p0 =	sne.s32 s1, $0x0;
	_ =	strace $0x90000047  }
0x2b2: {  	s0 =	sadd.s32 @!p0 $0x100000, s0;
	[bflag:$0x2] =	sbarrier.arrive $0xFFFF  }
0x2b3: {  	[sflag:s0] =	ssyncadd.tile.s32 @!p0 $0x1;
	_ =	shalt  }
.Lfunc_end2:
_tile_overlayer_lowered:
.L_overlay_start_2:
0x2b4: {  	(tag) =	ssettag $0x2  }
0x2b5: {  	s0 =	rddreg [dreg:$0x0];
	s2 =	stileid.u32  }
0x2b6: {  	s1 =	rddreg [dreg:$0x1];
	p0 =	sne.s32 s2, $0x0  }
0x2b7: {  	s3 =	rddreg [dreg:$0x2];
	[bflag:$0x3] =	sbarrier.arrive $0xFFFF;
	s2 =	simm.s32 @!p0 $0x1C02  }
0x2b8: {  	[timem:s3], [sflag:s2] =	dma.local @!p0 [hbm:s0], s1  }
0x2b9: {  	s0 =	simm.s32 @!p0 $0x2  }
0x2ba: {  	_ =	swait.ge @!p0 [sflag:s0], s1  }
0x2bb: {  	s1 =	ssub.s32 @!p0 $0x0, s1;
	[sflag:s0] =	ssyncset.done @!p0 $0x0  }
0x2bc: {  	[sflag:s0] =	ssyncadd.s32 @!p0 s1  }
0x2bd: {  	[bflag:$0x3] =	sbarrier.arrive $0xFFFF  }
0x2be: {  	_ =	shalt  }

</sc_bundles>
